<compile_context>
chip_gen: v7x
topology: tpu7x:2x2x1
jax: 0.10.2.dev20260603
libtpu: 0.0.44.dev20260713+nightly
codegen_flags: <defaults>
</compile_context>

<pallas_src>
import functools

import jax
import jax.numpy as jnp
from jax import lax
from jax.experimental import pallas as pl
from jax.experimental.pallas import tpu as pltpu
from jax.experimental.pallas import tpu_sc as plsc

N = 10000
D = 128
E = 320000

NC = 2
NS = 16
NW = NC * NS
CH = 80
IB = 25
NBUF = 3
GDEP = 2
NCHUNK = E // CH
CBASE = NCHUNK // NW
CEXTRA = NCHUNK - CBASE * NW
CMAX = CBASE + 1
NCPAD = ((NCHUNK + 7) // 8 + 1) * 8
WB_TILES = 10
WB_ROWS = N // WB_TILES
ACC_ROWS = N

_mesh = plsc.VectorSubcoreMesh(core_axis_name="c", subcore_axis_name="s")


@functools.partial(
    pl.kernel,
    out_type=jax.ShapeDtypeStruct((NC, N, D), jnp.float32),
    mesh=_mesh,
    scratch_types=[
        pltpu.VMEM_SHARED((ACC_ROWS, D), jnp.float32),
        pltpu.VMEM((CMAX, 1, CH), jnp.int32),
        pltpu.VMEM((CH, D), jnp.float32),
        pltpu.SemaphoreType.DMA,
    ],
)
def _deg_call(dst_hbm, ones_hbm, zeros_hbm, out_hbm, acc, didx, ones_v, sem):
    c = lax.axis_index("c")
    s = lax.axis_index("s")
    wid = s * NC + c
    base = CBASE * wid + jnp.minimum(wid, CEXTRA)
    myw = CBASE + jnp.where(wid < CEXTRA, 1, 0)

    @pl.when(s < WB_TILES)
    def _():
        pltpu.sync_copy(zeros_hbm, acc.at[pl.ds(s * WB_ROWS, WB_ROWS)])

    pltpu.sync_copy(ones_hbm, ones_v)
    pltpu.sync_copy(dst_hbm.at[pl.ds(base, CMAX)], didx)
    plsc.subcore_barrier()

    def fire(j, carry):
        pltpu.async_copy(ones_v, acc.at[didx.at[j, 0]], sem, add=True)
        return carry

    lax.fori_loop(0, myw, fire, 0)

    def drain(j, carry):
        pltpu.make_async_copy(ones_v, acc.at[didx.at[0, 0]], sem).wait()
        return carry

    lax.fori_loop(0, myw, drain, 0)
    plsc.subcore_barrier()

    @pl.when(s < WB_TILES)
    def _():
        pltpu.sync_copy(
            acc.at[pl.ds(s * WB_ROWS, WB_ROWS)],
            out_hbm.at[c, pl.ds(s * WB_ROWS, WB_ROWS)],
        )


@functools.partial(
    pl.kernel,
    out_type=jax.ShapeDtypeStruct((NC, N, D), jnp.float32),
    mesh=_mesh,
    scratch_types=[
        pltpu.VMEM_SHARED((ACC_ROWS, D), jnp.float32),
        pltpu.VMEM((2, IB, 1, CH), jnp.int32),
        pltpu.VMEM((2, IB, 1, CH), jnp.int32),
        pltpu.VMEM((NBUF, CH, D), jnp.float32),
        [pltpu.SemaphoreType.DMA] * NBUF,
        [pltpu.SemaphoreType.DMA] * NBUF,
    ],
)
def _agg_call(g_hbm, src_hbm, dst_hbm, zeros_hbm, out_hbm,
              acc, sidx, didx, rows, semg, sems):
    c = lax.axis_index("c")
    s = lax.axis_index("s")
    wid = s * NC + c
    base = CBASE * wid + jnp.minimum(wid, CEXTRA)
    myw = CBASE + jnp.where(wid < CEXTRA, 1, 0)

    @pl.when(s < WB_TILES)
    def _():
        pltpu.sync_copy(zeros_hbm, acc.at[pl.ds(s * WB_ROWS, WB_ROWS)])

    pltpu.sync_copy(src_hbm.at[pl.ds(base, IB)], sidx.at[0])
    pltpu.sync_copy(dst_hbm.at[pl.ds(base, IB)], didx.at[0])
    plsc.subcore_barrier()

    @pl.when(myw > 0)
    def _():
        for t0 in range(GDEP):
            pltpu.async_copy(
                g_hbm.at[sidx.at[0, t0, 0]], rows.at[t0], semg[t0])

    def body(t, carry):
        k = lax.div(t, IB)
        slot = lax.rem(t, IB)
        kp = lax.rem(k, 2)
        for b in range(NBUF):
            @pl.when(lax.rem(t, NBUF) == b)
            def _():
                pltpu.make_async_copy(
                    g_hbm.at[sidx.at[0, 0, 0]], rows.at[b], semg[b]).wait()
                pltpu.async_copy(
                    rows.at[b], acc.at[didx.at[kp, slot, 0]], sems[b],
                    add=True)

                @pl.when(slot == IB - NBUF)
                def _():
                    @pl.when((k + 1) * IB < myw)
                    def _():
                        nk = lax.rem(k + 1, 2)
                        pltpu.sync_copy(
                            src_hbm.at[pl.ds(base + (k + 1) * IB, IB)],
                            sidx.at[nk])
                        pltpu.sync_copy(
                            dst_hbm.at[pl.ds(base + (k + 1) * IB, IB)],
                            didx.at[nk])

                @pl.when(t + GDEP < myw)
                def _():
                    nb = (b + GDEP) % NBUF

                    @pl.when(t + GDEP - NBUF >= 0)
                    def _():
                        pltpu.make_async_copy(
                            rows.at[nb], acc.at[didx.at[0, 0, 0]],
                            sems[nb]).wait()
                    nt = t + GDEP
                    nkp = lax.rem(lax.div(nt, IB), 2)
                    nslot = lax.rem(nt, IB)
                    pltpu.async_copy(
                        g_hbm.at[sidx.at[nkp, nslot, 0]], rows.at[nb],
                        semg[nb])
        return carry

    lax.fori_loop(0, myw, body, 0)

    @pl.when(myw > 0)
    def _():
        for b in range(NBUF):
            pltpu.make_async_copy(
                rows.at[b], acc.at[didx.at[0, 0, 0]], sems[b]).wait()
    plsc.subcore_barrier()

    @pl.when(s < WB_TILES)
    def _():
        pltpu.sync_copy(
            acc.at[pl.ds(s * WB_ROWS, WB_ROWS)],
            out_hbm.at[c, pl.ds(s * WB_ROWS, WB_ROWS)],
        )


_RB = 1000


def _dinv_from(deg_blk):
    deg = jnp.sum(deg_blk[...], axis=(0, 2)) + 1.0
    return lax.rsqrt(deg)[:, None]


def _tc_first_body(x_ref, w_ref, deg_ref, g_ref, dinv_ref):
    dinv = _dinv_from(deg_ref)
    dinv_ref[...] = jnp.broadcast_to(dinv, (_RB, 8))
    g_ref[...] = jnp.dot(x_ref[...], w_ref[...],
                         preferred_element_type=jnp.float32) * dinv


def _tc_mid_body(agg_ref, gp_ref, dinv_ref, b_ref, w_ref, g_ref):
    dinv = dinv_ref[:, :1]
    t = (jnp.sum(agg_ref[...], axis=0) + gp_ref[...]) * dinv + b_ref[...]
    t = jnp.maximum(t, 0.0)
    g_ref[...] = jnp.dot(t, w_ref[...],
                         preferred_element_type=jnp.float32) * dinv


def _tc_last_body(agg_ref, gp_ref, dinv_ref, b_ref, out_ref):
    dinv = dinv_ref[:, :1]
    out_ref[...] = (jnp.sum(agg_ref[...], axis=0) + gp_ref[...]) * dinv \
        + b_ref[...]


_spec_x = pl.BlockSpec((_RB, D), lambda i: (i, 0))
_spec_w = pl.BlockSpec((D, D), lambda i: (0, 0))
_spec_deg = pl.BlockSpec((NC, _RB, D), lambda i: (0, i, 0))
_spec_agg = pl.BlockSpec((NC, _RB, D), lambda i: (0, i, 0))
_spec_b = pl.BlockSpec((1, D), lambda i: (0, 0))
_spec_dinv = pl.BlockSpec((_RB, 8), lambda i: (i, 0))

_tc_first = pl.pallas_call(
    _tc_first_body,
    grid=(N // _RB,),
    in_specs=[_spec_x, _spec_w, _spec_deg],
    out_specs=[_spec_x, _spec_dinv],
    out_shape=[jax.ShapeDtypeStruct((N, D), jnp.float32),
               jax.ShapeDtypeStruct((N, 8), jnp.float32)],
)

_tc_mid = pl.pallas_call(
    _tc_mid_body,
    grid=(N // _RB,),
    in_specs=[_spec_agg, _spec_x, _spec_dinv, _spec_b, _spec_w],
    out_specs=_spec_x,
    out_shape=jax.ShapeDtypeStruct((N, D), jnp.float32),
)

_tc_last = pl.pallas_call(
    _tc_last_body,
    grid=(N // _RB,),
    in_specs=[_spec_agg, _spec_x, _spec_dinv, _spec_b],
    out_specs=_spec_x,
    out_shape=jax.ShapeDtypeStruct((N, D), jnp.float32),
)


def kernel(x, edge_index, W1, b1, W2, b2, W3, b3):
    src = edge_index[0].astype(jnp.int32)
    dst = edge_index[1].astype(jnp.int32)
    npad = NCPAD * CH - E
    src_p = jnp.concatenate(
        [src, jnp.zeros((npad,), jnp.int32)]).reshape(NCPAD, 1, CH)
    dst_p = jnp.concatenate(
        [dst, jnp.zeros((npad,), jnp.int32)]).reshape(NCPAD, 1, CH)

    ones1 = jnp.zeros((CH, D), jnp.float32).at[:, 0].set(1.0)
    zeros128 = jnp.zeros((WB_ROWS, D), jnp.float32)

    deg_parts = _deg_call(dst_p, ones1, zeros128)

    g1, dinv8 = _tc_first(x, W1, deg_parts)
    agg1 = _agg_call(g1, src_p, dst_p, zeros128)
    g2 = _tc_mid(agg1, g1, dinv8, b1.reshape(1, D), W2)
    agg2 = _agg_call(g2, src_p, dst_p, zeros128)
    g3 = _tc_mid(agg2, g2, dinv8, b2.reshape(1, D), W3)
    agg3 = _agg_call(g3, src_p, dst_p, zeros128)
    out = _tc_last(agg3, g3, dinv8, b3.reshape(1, D))
    return out

# --- scband reference (transcript-rebuilt; emitter-appended) ---
"""Pipeline reference for scband-byzantine-resilient-gnn-82703890251958 (READ-ONLY COPY).

The authoritative reference and input builder live on the scoring server;
editing this copy changes nothing except your own understanding.
"""

import jax, jax.numpy as jnp
import numpy as np

N = 10000
E = 320000
D = 128


def setup_inputs(seed: int = 0) -> dict:
    key = jax.random.key(seed)
    ks = jax.random.split(key, 8)
    x = jax.random.normal(ks[0], (N, D), dtype=jnp.float32)
    edge_index = jax.random.randint(ks[1], (2, E), 0, N)
    # GCNConv weights (PyG: lin without bias, plus separate bias added after aggregation, init zeros)
    s = float(np.sqrt(6.0 / (D + D)))  # glorot
    W1 = jax.random.uniform(ks[2], (D, D), minval=-s, maxval=s, dtype=jnp.float32)
    b1 = jnp.zeros((D,), jnp.float32)
    W2 = jax.random.uniform(ks[3], (D, D), minval=-s, maxval=s, dtype=jnp.float32)
    b2 = jnp.zeros((D,), jnp.float32)
    W3 = jax.random.uniform(ks[4], (D, D), minval=-s, maxval=s, dtype=jnp.float32)
    b3 = jnp.zeros((D,), jnp.float32)
    return {"x": x, "edge_index": edge_index, "W1": W1, "b1": b1, "W2": W2, "b2": b2, "W3": W3, "b3": b3}


def _gcn_layer(x, src, dst, W, b):
    # GCNConv with add_self_loops=True and symmetric normalization
    h = x @ W
    loop = jnp.arange(N, dtype=src.dtype)
    s = jnp.concatenate([src, loop])
    d = jnp.concatenate([dst, loop])
    deg = jax.ops.segment_sum(jnp.ones(s.shape[0], jnp.float32), d, num_segments=N)
    dinv = jnp.where(deg > 0, jax.lax.rsqrt(jnp.maximum(deg, 1e-12)), 0.0)
    norm = dinv[s] * dinv[d]
    msgs = h[s] * norm[:, None]
    out = jax.ops.segment_sum(msgs, d, num_segments=N)
    return out + b


def reference(x, edge_index, W1, b1, W2, b2, W3, b3):
    # ByzantineResilientGNN(base_model='gcn') -> DistributedGCN forward (eval mode:
    # dropout is a no-op, use_batch_norm=False so no norms). activation=relu.
    src, dst = edge_index[0], edge_index[1]
    h = jax.nn.relu(_gcn_layer(x, src, dst, W1, b1))
    h = jax.nn.relu(_gcn_layer(h, src, dst, W2, b2))
    out = _gcn_layer(h, src, dst, W3, b3)
    return out

if __name__ == "__main__":
    import jax
    _d = setup_inputs()
    print(jax.jit(kernel)(*tuple(_d.values())))

</pallas_src>

<mosaic_0001>
#map = affine_map<(d0, d1) -> (0, 0)>
#map1 = affine_map<(d0, d1) -> (0, 0, 0)>
module attributes {stable_mosaic.version = 14 : i64} {
  func.func @_agg_call(%arg0: i32, %arg1: i32, %arg2: memref<10000x128xf32, #tpu.memory_space<hbm>>, %arg3: memref<4008x1x80xi32, #tpu.memory_space<hbm>>, %arg4: memref<4008x1x80xi32, #tpu.memory_space<hbm>>, %arg5: memref<1000x128xf32, #tpu.memory_space<hbm>>, %arg6: memref<2x10000x128xf32, #tpu.memory_space<hbm>>, %arg7: memref<10000x128xf32, #tpu.memory_space<vmem_shared>>, %arg8: memref<2x25x1x80xi32, #tpu.memory_space<vmem>>, %arg9: memref<2x25x1x80xi32, #tpu.memory_space<vmem>>, %arg10: memref<3x80x128xf32, #tpu.memory_space<vmem>>, %arg11: memref<!tpu.dma_semaphore, #tpu.memory_space<semaphore_mem>>, %arg12: memref<!tpu.dma_semaphore, #tpu.memory_space<semaphore_mem>>, %arg13: memref<!tpu.dma_semaphore, #tpu.memory_space<semaphore_mem>>, %arg14: memref<!tpu.dma_semaphore, #tpu.memory_space<semaphore_mem>>, %arg15: memref<!tpu.dma_semaphore, #tpu.memory_space<semaphore_mem>>, %arg16: memref<!tpu.dma_semaphore, #tpu.memory_space<semaphore_mem>>) attributes {dimension_semantics = [#tpu.dimension_semantics<core_parallel>, #tpu.dimension_semantics<subcore_parallel>], iteration_bounds = array<i64: 2, 16>, scalar_prefetch = 0 : i64, scratch_operands = 10 : i64, tpu.core_type = #tpu.core_type<sc_vector_subcore>, window_params = [{transform_indices = #map}, {transform_indices = #map1}, {transform_indices = #map1}, {transform_indices = #map}, {transform_indices = #map1}]} {
    %mul3A = arith.constant 2 : i32
    %mul3A_0 = arith.muli %arg1, %mul3A : i32
    %add3A = arith.addi %mul3A_0, %arg0 : i32
    %mul3A_1 = arith.constant 125 : i32
    %mul3A_2 = arith.muli %mul3A_1, %add3A : i32
    %min3A = arith.constant 0 : i32
    %min3A_3 = arith.minsi %add3A, %min3A : i32
    %add3A_4 = arith.addi %mul3A_2, %min3A_3 : i32
    %lt3A = arith.constant 0 : i32
    %lt3A_5 = arith.cmpi slt, %add3A, %lt3A : i32
    %jit3A = arith.constant 1 : i32
    %jit3A_6 = arith.constant 0 : i32
    %select_n3A = arith.select %lt3A_5, %jit3A, %jit3A_6 : i32
    %add3A_7 = arith.constant 125 : i32
    %add3A_8 = arith.addi %add3A_7, %select_n3A : i32
    %lt3A_9 = arith.constant 10 : i32
    %lt3A_10 = arith.cmpi slt, %arg1, %lt3A_9 : i32
    %convert_element_type3A = arith.extui %lt3A_10 : i1 to i32
    %cond3A = arith.constant 0 : i32
    %cond3A_11 = arith.cmpi ne, %convert_element_type3A, %cond3A : i32
    scf.if %cond3A_11 {
      %mul3A_37 = arith.constant 1000 : i32
      %mul3A_38 = arith.muli %arg1, %mul3A_37 : i32
      "tpu.region"() ({
        %run_scoped3A_39 = tpu.sem_alloc : memref<!tpu.dma_semaphore, #tpu.memory_space<semaphore_mem>>
        %dma_start3A = arith.constant 0 : i32
        %dma_start3A_40 = tpu.memref_slice %arg7[%mul3A_38, %dma_start3A] : memref<10000x128xf32, #tpu.memory_space<vmem_shared>> -> memref<1000x128xf32, #tpu.memory_space<vmem_shared>>
        tpu.enqueue_dma source(%arg5 : memref<1000x128xf32, #tpu.memory_space<hbm>>) target(%dma_start3A_40 : memref<1000x128xf32, #tpu.memory_space<vmem_shared>>) target_semaphore(%run_scoped3A_39 : memref<!tpu.dma_semaphore, #tpu.memory_space<semaphore_mem>>)
        %dma_wait3A = arith.constant 0 : i32
        %dma_wait3A_41 = tpu.memref_slice %arg7[%mul3A_38, %dma_wait3A] : memref<10000x128xf32, #tpu.memory_space<vmem_shared>> -> memref<1000x128xf32, #tpu.memory_space<vmem_shared>>
        tpu.wait_dma2 semaphore(%run_scoped3A_39 : memref<!tpu.dma_semaphore, #tpu.memory_space<semaphore_mem>>) src(%arg5 : memref<1000x128xf32, #tpu.memory_space<hbm>>) dst(%dma_wait3A_41 : memref<1000x128xf32, #tpu.memory_space<vmem_shared>>)
        tpu.yield
      }) : () -> ()
    } else {
    }
    %run_scoped3A = arith.constant 0 : i32
    "tpu.region"() ({
      %run_scoped3A_37 = tpu.sem_alloc : memref<!tpu.dma_semaphore, #tpu.memory_space<semaphore_mem>>
      %dma_start3A = arith.constant 0 : i32
      %dma_start3A_38 = arith.constant 0 : i32
      %dma_start3A_39 = arith.constant 0 : i32
      %dma_start3A_40 = tpu.memref_slice %arg8[%run_scoped3A, %dma_start3A, %dma_start3A_38, %dma_start3A_39] : memref<2x25x1x80xi32, #tpu.memory_space<vmem>> -> memref<1x25x1x80xi32, #tpu.memory_space<vmem>>
      %dma_start3A_41 = tpu.memref_squeeze %dma_start3A_40 : memref<1x25x1x80xi32, #tpu.memory_space<vmem>> -> memref<25x1x80xi32, #tpu.memory_space<vmem>>
      %dma_start3A_42 = arith.constant 0 : i32
      %dma_start3A_43 = arith.constant 0 : i32
      %dma_start3A_44 = tpu.memref_slice %arg3[%add3A_4, %dma_start3A_42, %dma_start3A_43] : memref<4008x1x80xi32, #tpu.memory_space<hbm>> -> memref<25x1x80xi32, #tpu.memory_space<hbm>>
      %dma_start3A_45 = arith.constant 0 : i32
      %dma_start3A_46 = arith.constant 0 : i32
      %dma_start3A_47 = arith.constant 0 : i32
      %dma_start3A_48 = tpu.memref_slice %arg8[%run_scoped3A, %dma_start3A_45, %dma_start3A_46, %dma_start3A_47] : memref<2x25x1x80xi32, #tpu.memory_space<vmem>> -> memref<1x25x1x80xi32, #tpu.memory_space<vmem>>
      %dma_start3A_49 = tpu.memref_squeeze %dma_start3A_48 : memref<1x25x1x80xi32, #tpu.memory_space<vmem>> -> memref<25x1x80xi32, #tpu.memory_space<vmem>>
      %dma_start3A_50 = arith.constant 0 : i32
      %dma_start3A_51 = arith.constant 0 : i32
      %dma_start3A_52 = tpu.memref_slice %arg3[%add3A_4, %dma_start3A_50, %dma_start3A_51] : memref<4008x1x80xi32, #tpu.memory_space<hbm>> -> memref<25x1x80xi32, #tpu.memory_space<hbm>>
      tpu.enqueue_dma source(%dma_start3A_52 : memref<25x1x80xi32, #tpu.memory_space<hbm>>) target(%dma_start3A_49 : memref<25x1x80xi32, #tpu.memory_space<vmem>>) target_semaphore(%run_scoped3A_37 : memref<!tpu.dma_semaphore, #tpu.memory_space<semaphore_mem>>)
      %dma_wait3A = arith.constant 0 : i32
      %dma_wait3A_53 = arith.constant 0 : i32
      %dma_wait3A_54 = arith.constant 0 : i32
      %dma_wait3A_55 = tpu.memref_slice %arg8[%run_scoped3A, %dma_wait3A, %dma_wait3A_53, %dma_wait3A_54] : memref<2x25x1x80xi32, #tpu.memory_space<vmem>> -> memref<1x25x1x80xi32, #tpu.memory_space<vmem>>
      %dma_wait3A_56 = tpu.memref_squeeze %dma_wait3A_55 : memref<1x25x1x80xi32, #tpu.memory_space<vmem>> -> memref<25x1x80xi32, #tpu.memory_space<vmem>>
      %dma_wait3A_57 = arith.constant 0 : i32
      %dma_wait3A_58 = arith.constant 0 : i32
      %dma_wait3A_59 = tpu.memref_slice %arg3[%add3A_4, %dma_wait3A_57, %dma_wait3A_58] : memref<4008x1x80xi32, #tpu.memory_space<hbm>> -> memref<25x1x80xi32, #tpu.memory_space<hbm>>
      %dma_wait3A_60 = arith.constant 0 : i32
      %dma_wait3A_61 = arith.constant 0 : i32
      %dma_wait3A_62 = arith.constant 0 : i32
      %dma_wait3A_63 = tpu.memref_slice %arg8[%run_scoped3A, %dma_wait3A_60, %dma_wait3A_61, %dma_wait3A_62] : memref<2x25x1x80xi32, #tpu.memory_space<vmem>> -> memref<1x25x1x80xi32, #tpu.memory_space<vmem>>
      %dma_wait3A_64 = tpu.memref_squeeze %dma_wait3A_63 : memref<1x25x1x80xi32, #tpu.memory_space<vmem>> -> memref<25x1x80xi32, #tpu.memory_space<vmem>>
      %dma_wait3A_65 = arith.constant 0 : i32
      %dma_wait3A_66 = arith.constant 0 : i32
      %dma_wait3A_67 = tpu.memref_slice %arg3[%add3A_4, %dma_wait3A_65, %dma_wait3A_66] : memref<4008x1x80xi32, #tpu.memory_space<hbm>> -> memref<25x1x80xi32, #tpu.memory_space<hbm>>
      tpu.wait_dma2 semaphore(%run_scoped3A_37 : memref<!tpu.dma_semaphore, #tpu.memory_space<semaphore_mem>>) src(%dma_wait3A_67 : memref<25x1x80xi32, #tpu.memory_space<hbm>>) dst(%dma_wait3A_64 : memref<25x1x80xi32, #tpu.memory_space<vmem>>)
      tpu.yield
    }) : () -> ()
    %run_scoped3A_12 = arith.constant 0 : i32
    "tpu.region"() ({
      %run_scoped3A_37 = tpu.sem_alloc : memref<!tpu.dma_semaphore, #tpu.memory_space<semaphore_mem>>
      %dma_start3A = arith.constant 0 : i32
      %dma_start3A_38 = arith.constant 0 : i32
      %dma_start3A_39 = arith.constant 0 : i32
      %dma_start3A_40 = tpu.memref_slice %arg9[%run_scoped3A_12, %dma_start3A, %dma_start3A_38, %dma_start3A_39] : memref<2x25x1x80xi32, #tpu.memory_space<vmem>> -> memref<1x25x1x80xi32, #tpu.memory_space<vmem>>
      %dma_start3A_41 = tpu.memref_squeeze %dma_start3A_40 : memref<1x25x1x80xi32, #tpu.memory_space<vmem>> -> memref<25x1x80xi32, #tpu.memory_space<vmem>>
      %dma_start3A_42 = arith.constant 0 : i32
      %dma_start3A_43 = arith.constant 0 : i32
      %dma_start3A_44 = tpu.memref_slice %arg4[%add3A_4, %dma_start3A_42, %dma_start3A_43] : memref<4008x1x80xi32, #tpu.memory_space<hbm>> -> memref<25x1x80xi32, #tpu.memory_space<hbm>>
      %dma_start3A_45 = arith.constant 0 : i32
      %dma_start3A_46 = arith.constant 0 : i32
      %dma_start3A_47 = arith.constant 0 : i32
      %dma_start3A_48 = tpu.memref_slice %arg9[%run_scoped3A_12, %dma_start3A_45, %dma_start3A_46, %dma_start3A_47] : memref<2x25x1x80xi32, #tpu.memory_space<vmem>> -> memref<1x25x1x80xi32, #tpu.memory_space<vmem>>
      %dma_start3A_49 = tpu.memref_squeeze %dma_start3A_48 : memref<1x25x1x80xi32, #tpu.memory_space<vmem>> -> memref<25x1x80xi32, #tpu.memory_space<vmem>>
      %dma_start3A_50 = arith.constant 0 : i32
      %dma_start3A_51 = arith.constant 0 : i32
      %dma_start3A_52 = tpu.memref_slice %arg4[%add3A_4, %dma_start3A_50, %dma_start3A_51] : memref<4008x1x80xi32, #tpu.memory_space<hbm>> -> memref<25x1x80xi32, #tpu.memory_space<hbm>>
      tpu.enqueue_dma source(%dma_start3A_52 : memref<25x1x80xi32, #tpu.memory_space<hbm>>) target(%dma_start3A_49 : memref<25x1x80xi32, #tpu.memory_space<vmem>>) target_semaphore(%run_scoped3A_37 : memref<!tpu.dma_semaphore, #tpu.memory_space<semaphore_mem>>)
      %dma_wait3A = arith.constant 0 : i32
      %dma_wait3A_53 = arith.constant 0 : i32
      %dma_wait3A_54 = arith.constant 0 : i32
      %dma_wait3A_55 = tpu.memref_slice %arg9[%run_scoped3A_12, %dma_wait3A, %dma_wait3A_53, %dma_wait3A_54] : memref<2x25x1x80xi32, #tpu.memory_space<vmem>> -> memref<1x25x1x80xi32, #tpu.memory_space<vmem>>
      %dma_wait3A_56 = tpu.memref_squeeze %dma_wait3A_55 : memref<1x25x1x80xi32, #tpu.memory_space<vmem>> -> memref<25x1x80xi32, #tpu.memory_space<vmem>>
      %dma_wait3A_57 = arith.constant 0 : i32
      %dma_wait3A_58 = arith.constant 0 : i32
      %dma_wait3A_59 = tpu.memref_slice %arg4[%add3A_4, %dma_wait3A_57, %dma_wait3A_58] : memref<4008x1x80xi32, #tpu.memory_space<hbm>> -> memref<25x1x80xi32, #tpu.memory_space<hbm>>
      %dma_wait3A_60 = arith.constant 0 : i32
      %dma_wait3A_61 = arith.constant 0 : i32
      %dma_wait3A_62 = arith.constant 0 : i32
      %dma_wait3A_63 = tpu.memref_slice %arg9[%run_scoped3A_12, %dma_wait3A_60, %dma_wait3A_61, %dma_wait3A_62] : memref<2x25x1x80xi32, #tpu.memory_space<vmem>> -> memref<1x25x1x80xi32, #tpu.memory_space<vmem>>
      %dma_wait3A_64 = tpu.memref_squeeze %dma_wait3A_63 : memref<1x25x1x80xi32, #tpu.memory_space<vmem>> -> memref<25x1x80xi32, #tpu.memory_space<vmem>>
      %dma_wait3A_65 = arith.constant 0 : i32
      %dma_wait3A_66 = arith.constant 0 : i32
      %dma_wait3A_67 = tpu.memref_slice %arg4[%add3A_4, %dma_wait3A_65, %dma_wait3A_66] : memref<4008x1x80xi32, #tpu.memory_space<hbm>> -> memref<25x1x80xi32, #tpu.memory_space<hbm>>
      tpu.wait_dma2 semaphore(%run_scoped3A_37 : memref<!tpu.dma_semaphore, #tpu.memory_space<semaphore_mem>>) src(%dma_wait3A_67 : memref<25x1x80xi32, #tpu.memory_space<hbm>>) dst(%dma_wait3A_64 : memref<25x1x80xi32, #tpu.memory_space<vmem>>)
      tpu.yield
    }) : () -> ()
    %barrier3A = arith.constant 0 : index
    tpu.barrier barrier_id(%barrier3A)
    %gt3A = arith.constant 0 : i32
    %gt3A_13 = arith.cmpi sgt, %add3A_8, %gt3A : i32
    %convert_element_type3A_14 = arith.extui %gt3A_13 : i1 to i32
    %cond3A_15 = arith.constant 0 : i32
    %cond3A_16 = arith.cmpi ne, %convert_element_type3A_14, %cond3A_15 : i32
    scf.if %cond3A_16 {
      %dma_start3A = arith.constant 0 : i32
      %dma_start3A_37 = arith.constant 0 : i32
      %dma_start3A_38 = arith.constant 0 : i32
      %dma_start3A_39 = arith.constant 0 : i32
      %dma_start3A_40 = arith.constant 0 : i32
      %dma_start3A_41 = arith.constant 0 : i32
      %dma_start3A_42 = tpu.memref_slice %arg10[%dma_start3A_39, %dma_start3A_40, %dma_start3A_41] : memref<3x80x128xf32, #tpu.memory_space<vmem>> -> memref<1x80x128xf32, #tpu.memory_space<vmem>>
      %dma_start3A_43 = tpu.memref_squeeze %dma_start3A_42 : memref<1x80x128xf32, #tpu.memory_space<vmem>> -> memref<80x128xf32, #tpu.memory_space<vmem>>
      %dma_start3A_44 = arith.constant 0 : i32
      %dma_start3A_45 = tpu.memref_slice %arg8[%dma_start3A, %dma_start3A_37, %dma_start3A_38, %dma_start3A_44] : memref<2x25x1x80xi32, #tpu.memory_space<vmem>> -> memref<1x1x1x80xi32, #tpu.memory_space<vmem>>
      %dma_start3A_46 = tpu.memref_squeeze %dma_start3A_45 : memref<1x1x1x80xi32, #tpu.memory_space<vmem>> -> memref<80xi32, #tpu.memory_space<vmem>>
      %dma_start3A_47 = arith.constant 0 : i32
      %dma_start3A_48 = arith.constant 0 : i32
      %dma_start3A_49 = tpu.memref_slice %arg2[%dma_start3A_47, %dma_start3A_48] : memref<10000x128xf32, #tpu.memory_space<hbm>> -> memref<10000x128xf32, #tpu.memory_space<hbm>>
      tpu.enqueue_indirect_dma source(%dma_start3A_49 : memref<10000x128xf32, #tpu.memory_space<hbm>>) target(%dma_start3A_43 : memref<80x128xf32, #tpu.memory_space<vmem>>) offsets(%dma_start3A_46 : memref<80xi32, #tpu.memory_space<vmem>>) semaphore(%arg11 : memref<!tpu.dma_semaphore, #tpu.memory_space<semaphore_mem>>)
      %dma_start3A_50 = arith.constant 0 : i32
      %dma_start3A_51 = arith.constant 1 : i32
      %dma_start3A_52 = arith.constant 0 : i32
      %dma_start3A_53 = arith.constant 1 : i32
      %dma_start3A_54 = arith.constant 0 : i32
      %dma_start3A_55 = arith.constant 0 : i32
      %dma_start3A_56 = tpu.memref_slice %arg10[%dma_start3A_53, %dma_start3A_54, %dma_start3A_55] : memref<3x80x128xf32, #tpu.memory_space<vmem>> -> memref<1x80x128xf32, #tpu.memory_space<vmem>>
      %dma_start3A_57 = tpu.memref_squeeze %dma_start3A_56 : memref<1x80x128xf32, #tpu.memory_space<vmem>> -> memref<80x128xf32, #tpu.memory_space<vmem>>
      %dma_start3A_58 = arith.constant 0 : i32
      %dma_start3A_59 = tpu.memref_slice %arg8[%dma_start3A_50, %dma_start3A_51, %dma_start3A_52, %dma_start3A_58] : memref<2x25x1x80xi32, #tpu.memory_space<vmem>> -> memref<1x1x1x80xi32, #tpu.memory_space<vmem>>
      %dma_start3A_60 = tpu.memref_squeeze %dma_start3A_59 : memref<1x1x1x80xi32, #tpu.memory_space<vmem>> -> memref<80xi32, #tpu.memory_space<vmem>>
      %dma_start3A_61 = arith.constant 0 : i32
      %dma_start3A_62 = arith.constant 0 : i32
      %dma_start3A_63 = tpu.memref_slice %arg2[%dma_start3A_61, %dma_start3A_62] : memref<10000x128xf32, #tpu.memory_space<hbm>> -> memref<10000x128xf32, #tpu.memory_space<hbm>>
      tpu.enqueue_indirect_dma source(%dma_start3A_63 : memref<10000x128xf32, #tpu.memory_space<hbm>>) target(%dma_start3A_57 : memref<80x128xf32, #tpu.memory_space<vmem>>) offsets(%dma_start3A_60 : memref<80xi32, #tpu.memory_space<vmem>>) semaphore(%arg12 : memref<!tpu.dma_semaphore, #tpu.memory_space<semaphore_mem>>)
    } else {
    }
    %while3A = arith.constant 0 : i32
    %while3A_17 = arith.constant 0 : i32
    %while3A_18 = arith.subi %add3A_8, %while3A_17 : i32
    %while3A_19 = arith.addi %while3A_17, %while3A_18 : i32
    %while3A_20 = arith.constant 1 : i32
    %while3A_21 = arith.divsi %while3A_18, %while3A_20 : i32
    %while3A_22 = arith.muli %while3A_21, %while3A_20 : i32
    %while3A_23 = arith.addi %while3A_17, %while3A_22 : i32
    %while3A_24 = arith.constant 1 : i32
    scf.for %while3A_37 = %while3A_17 to %while3A_23 step %while3A_24  : i32 {
      %div3A = arith.constant 25 : i32
      %div3A_38 = arith.divsi %while3A_37, %div3A : i32
      %rem3A = arith.constant 25 : i32
      %rem3A_39 = arith.remsi %while3A_37, %rem3A : i32
      %rem3A_40 = arith.constant 2 : i32
      %rem3A_41 = arith.remsi %div3A_38, %rem3A_40 : i32
      %rem3A_42 = arith.constant 3 : i32
      %rem3A_43 = arith.remsi %while3A_37, %rem3A_42 : i32
      %eq3A = arith.constant 0 : i32
      %eq3A_44 = arith.cmpi eq, %rem3A_43, %eq3A : i32
      %convert_element_type3A_45 = arith.extui %eq3A_44 : i1 to i32
      %cond3A_46 = arith.constant 0 : i32
      %cond3A_47 = arith.cmpi ne, %convert_element_type3A_45, %cond3A_46 : i32
      scf.if %cond3A_47 {
        %dma_wait3A = arith.constant 0 : i32
        %dma_wait3A_62 = arith.constant 0 : i32
        %dma_wait3A_63 = arith.constant 0 : i32
        %dma_wait3A_64 = arith.constant 0 : i32
        %dma_wait3A_65 = arith.constant 0 : i32
        %dma_wait3A_66 = arith.constant 0 : i32
        %dma_wait3A_67 = tpu.memref_slice %arg10[%dma_wait3A_64, %dma_wait3A_65, %dma_wait3A_66] : memref<3x80x128xf32, #tpu.memory_space<vmem>> -> memref<1x80x128xf32, #tpu.memory_space<vmem>>
        %dma_wait3A_68 = tpu.memref_squeeze %dma_wait3A_67 : memref<1x80x128xf32, #tpu.memory_space<vmem>> -> memref<80x128xf32, #tpu.memory_space<vmem>>
        %dma_wait3A_69 = arith.constant 0 : i32
        %dma_wait3A_70 = tpu.memref_slice %arg8[%dma_wait3A, %dma_wait3A_62, %dma_wait3A_63, %dma_wait3A_69] : memref<2x25x1x80xi32, #tpu.memory_space<vmem>> -> memref<1x1x1x80xi32, #tpu.memory_space<vmem>>
        %dma_wait3A_71 = tpu.memref_squeeze %dma_wait3A_70 : memref<1x1x1x80xi32, #tpu.memory_space<vmem>> -> memref<80xi32, #tpu.memory_space<vmem>>
        %dma_wait3A_72 = arith.constant 0 : i32
        %dma_wait3A_73 = arith.constant 0 : i32
        %dma_wait3A_74 = tpu.memref_slice %arg2[%dma_wait3A_72, %dma_wait3A_73] : memref<10000x128xf32, #tpu.memory_space<hbm>> -> memref<10000x128xf32, #tpu.memory_space<hbm>>
        tpu.wait_indirect_dma semaphore(%arg11 : memref<!tpu.dma_semaphore, #tpu.memory_space<semaphore_mem>>) src(%dma_wait3A_74 : memref<10000x128xf32, #tpu.memory_space<hbm>>) dst(%dma_wait3A_68 : memref<80x128xf32, #tpu.memory_space<vmem>>)
        %dma_start3A = arith.constant 0 : i32
        %dma_start3A_75 = arith.constant 0 : i32
        %dma_start3A_76 = arith.constant 0 : i32
        %dma_start3A_77 = arith.constant 0 : i32
        %dma_start3A_78 = tpu.memref_slice %arg10[%dma_start3A, %dma_start3A_76, %dma_start3A_77] : memref<3x80x128xf32, #tpu.memory_space<vmem>> -> memref<1x80x128xf32, #tpu.memory_space<vmem>>
        %dma_start3A_79 = tpu.memref_squeeze %dma_start3A_78 : memref<1x80x128xf32, #tpu.memory_space<vmem>> -> memref<80x128xf32, #tpu.memory_space<vmem>>
        %dma_start3A_80 = arith.constant 0 : i32
        %dma_start3A_81 = tpu.memref_slice %arg9[%rem3A_41, %rem3A_39, %dma_start3A_75, %dma_start3A_80] : memref<2x25x1x80xi32, #tpu.memory_space<vmem>> -> memref<1x1x1x80xi32, #tpu.memory_space<vmem>>
        %dma_start3A_82 = tpu.memref_squeeze %dma_start3A_81 : memref<1x1x1x80xi32, #tpu.memory_space<vmem>> -> memref<80xi32, #tpu.memory_space<vmem>>
        %dma_start3A_83 = arith.constant 0 : i32
        %dma_start3A_84 = arith.constant 0 : i32
        %dma_start3A_85 = tpu.memref_slice %arg7[%dma_start3A_83, %dma_start3A_84] : memref<10000x128xf32, #tpu.memory_space<vmem_shared>> -> memref<10000x128xf32, #tpu.memory_space<vmem_shared>>
        tpu.enqueue_indirect_dma source(%dma_start3A_79 : memref<80x128xf32, #tpu.memory_space<vmem>>) target(%dma_start3A_85 : memref<10000x128xf32, #tpu.memory_space<vmem_shared>>) offsets(%dma_start3A_82 : memref<80xi32, #tpu.memory_space<vmem>>) semaphore(%arg14 : memref<!tpu.dma_semaphore, #tpu.memory_space<semaphore_mem>>) {add = true}
        %eq3A_86 = arith.constant 22 : i32
        %eq3A_87 = arith.cmpi eq, %rem3A_39, %eq3A_86 : i32
        %convert_element_type3A_88 = arith.extui %eq3A_87 : i1 to i32
        %cond3A_89 = arith.constant 0 : i32
        %cond3A_90 = arith.cmpi ne, %convert_element_type3A_88, %cond3A_89 : i32
        scf.if %cond3A_90 {
          %add3A_97 = arith.constant 1 : i32
          %add3A_98 = arith.addi %div3A_38, %add3A_97 : i32
          %mul3A_99 = arith.constant 25 : i32
          %mul3A_100 = arith.muli %add3A_98, %mul3A_99 : i32
          %lt3A_101 = arith.cmpi slt, %mul3A_100, %add3A_8 : i32
          %convert_element_type3A_102 = arith.extui %lt3A_101 : i1 to i32
          %cond3A_103 = arith.constant 0 : i32
          %cond3A_104 = arith.cmpi ne, %convert_element_type3A_102, %cond3A_103 : i32
          scf.if %cond3A_104 {
            %add3A_105 = arith.constant 1 : i32
            %add3A_106 = arith.addi %div3A_38, %add3A_105 : i32
            %rem3A_107 = arith.constant 2 : i32
            %rem3A_108 = arith.remsi %add3A_106, %rem3A_107 : i32
            %add3A_109 = arith.constant 1 : i32
            %add3A_110 = arith.addi %div3A_38, %add3A_109 : i32
            %mul3A_111 = arith.constant 25 : i32
            %mul3A_112 = arith.muli %add3A_110, %mul3A_111 : i32
            %add3A_113 = arith.addi %add3A_4, %mul3A_112 : i32
            "tpu.region"() ({
              %run_scoped3A_119 = tpu.sem_alloc : memref<!tpu.dma_semaphore, #tpu.memory_space<semaphore_mem>>
              %dma_start3A_120 = arith.constant 0 : i32
              %dma_start3A_121 = arith.constant 0 : i32
              %dma_start3A_122 = arith.constant 0 : i32
              %dma_start3A_123 = tpu.memref_slice %arg8[%rem3A_108, %dma_start3A_120, %dma_start3A_121, %dma_start3A_122] : memref<2x25x1x80xi32, #tpu.memory_space<vmem>> -> memref<1x25x1x80xi32, #tpu.memory_space<vmem>>
              %dma_start3A_124 = tpu.memref_squeeze %dma_start3A_123 : memref<1x25x1x80xi32, #tpu.memory_space<vmem>> -> memref<25x1x80xi32, #tpu.memory_space<vmem>>
              %dma_start3A_125 = arith.constant 0 : i32
              %dma_start3A_126 = arith.constant 0 : i32
              %dma_start3A_127 = tpu.memref_slice %arg3[%add3A_113, %dma_start3A_125, %dma_start3A_126] : memref<4008x1x80xi32, #tpu.memory_space<hbm>> -> memref<25x1x80xi32, #tpu.memory_space<hbm>>
              %dma_start3A_128 = arith.constant 0 : i32
              %dma_start3A_129 = arith.constant 0 : i32
              %dma_start3A_130 = arith.constant 0 : i32
              %dma_start3A_131 = tpu.memref_slice %arg8[%rem3A_108, %dma_start3A_128, %dma_start3A_129, %dma_start3A_130] : memref<2x25x1x80xi32, #tpu.memory_space<vmem>> -> memref<1x25x1x80xi32, #tpu.memory_space<vmem>>
              %dma_start3A_132 = tpu.memref_squeeze %dma_start3A_131 : memref<1x25x1x80xi32, #tpu.memory_space<vmem>> -> memref<25x1x80xi32, #tpu.memory_space<vmem>>
              %dma_start3A_133 = arith.constant 0 : i32
              %dma_start3A_134 = arith.constant 0 : i32
              %dma_start3A_135 = tpu.memref_slice %arg3[%add3A_113, %dma_start3A_133, %dma_start3A_134] : memref<4008x1x80xi32, #tpu.memory_space<hbm>> -> memref<25x1x80xi32, #tpu.memory_space<hbm>>
              tpu.enqueue_dma source(%dma_start3A_135 : memref<25x1x80xi32, #tpu.memory_space<hbm>>) target(%dma_start3A_132 : memref<25x1x80xi32, #tpu.memory_space<vmem>>) target_semaphore(%run_scoped3A_119 : memref<!tpu.dma_semaphore, #tpu.memory_space<semaphore_mem>>)
              %dma_wait3A_136 = arith.constant 0 : i32
              %dma_wait3A_137 = arith.constant 0 : i32
              %dma_wait3A_138 = arith.constant 0 : i32
              %dma_wait3A_139 = tpu.memref_slice %arg8[%rem3A_108, %dma_wait3A_136, %dma_wait3A_137, %dma_wait3A_138] : memref<2x25x1x80xi32, #tpu.memory_space<vmem>> -> memref<1x25x1x80xi32, #tpu.memory_space<vmem>>
              %dma_wait3A_140 = tpu.memref_squeeze %dma_wait3A_139 : memref<1x25x1x80xi32, #tpu.memory_space<vmem>> -> memref<25x1x80xi32, #tpu.memory_space<vmem>>
              %dma_wait3A_141 = arith.constant 0 : i32
              %dma_wait3A_142 = arith.constant 0 : i32
              %dma_wait3A_143 = tpu.memref_slice %arg3[%add3A_113, %dma_wait3A_141, %dma_wait3A_142] : memref<4008x1x80xi32, #tpu.memory_space<hbm>> -> memref<25x1x80xi32, #tpu.memory_space<hbm>>
              %dma_wait3A_144 = arith.constant 0 : i32
              %dma_wait3A_145 = arith.constant 0 : i32
              %dma_wait3A_146 = arith.constant 0 : i32
              %dma_wait3A_147 = tpu.memref_slice %arg8[%rem3A_108, %dma_wait3A_144, %dma_wait3A_145, %dma_wait3A_146] : memref<2x25x1x80xi32, #tpu.memory_space<vmem>> -> memref<1x25x1x80xi32, #tpu.memory_space<vmem>>
              %dma_wait3A_148 = tpu.memref_squeeze %dma_wait3A_147 : memref<1x25x1x80xi32, #tpu.memory_space<vmem>> -> memref<25x1x80xi32, #tpu.memory_space<vmem>>
              %dma_wait3A_149 = arith.constant 0 : i32
              %dma_wait3A_150 = arith.constant 0 : i32
              %dma_wait3A_151 = tpu.memref_slice %arg3[%add3A_113, %dma_wait3A_149, %dma_wait3A_150] : memref<4008x1x80xi32, #tpu.memory_space<hbm>> -> memref<25x1x80xi32, #tpu.memory_space<hbm>>
              tpu.wait_dma2 semaphore(%run_scoped3A_119 : memref<!tpu.dma_semaphore, #tpu.memory_space<semaphore_mem>>) src(%dma_wait3A_151 : memref<25x1x80xi32, #tpu.memory_space<hbm>>) dst(%dma_wait3A_148 : memref<25x1x80xi32, #tpu.memory_space<vmem>>)
              tpu.yield
            }) : () -> ()
            %add3A_114 = arith.constant 1 : i32
            %add3A_115 = arith.addi %div3A_38, %add3A_114 : i32
            %mul3A_116 = arith.constant 25 : i32
            %mul3A_117 = arith.muli %add3A_115, %mul3A_116 : i32
            %add3A_118 = arith.addi %add3A_4, %mul3A_117 : i32
            "tpu.region"() ({
              %run_scoped3A_119 = tpu.sem_alloc : memref<!tpu.dma_semaphore, #tpu.memory_space<semaphore_mem>>
              %dma_start3A_120 = arith.constant 0 : i32
              %dma_start3A_121 = arith.constant 0 : i32
              %dma_start3A_122 = arith.constant 0 : i32
              %dma_start3A_123 = tpu.memref_slice %arg9[%rem3A_108, %dma_start3A_120, %dma_start3A_121, %dma_start3A_122] : memref<2x25x1x80xi32, #tpu.memory_space<vmem>> -> memref<1x25x1x80xi32, #tpu.memory_space<vmem>>
              %dma_start3A_124 = tpu.memref_squeeze %dma_start3A_123 : memref<1x25x1x80xi32, #tpu.memory_space<vmem>> -> memref<25x1x80xi32, #tpu.memory_space<vmem>>
              %dma_start3A_125 = arith.constant 0 : i32
              %dma_start3A_126 = arith.constant 0 : i32
              %dma_start3A_127 = tpu.memref_slice %arg4[%add3A_118, %dma_start3A_125, %dma_start3A_126] : memref<4008x1x80xi32, #tpu.memory_space<hbm>> -> memref<25x1x80xi32, #tpu.memory_space<hbm>>
              %dma_start3A_128 = arith.constant 0 : i32
              %dma_start3A_129 = arith.constant 0 : i32
              %dma_start3A_130 = arith.constant 0 : i32
              %dma_start3A_131 = tpu.memref_slice %arg9[%rem3A_108, %dma_start3A_128, %dma_start3A_129, %dma_start3A_130] : memref<2x25x1x80xi32, #tpu.memory_space<vmem>> -> memref<1x25x1x80xi32, #tpu.memory_space<vmem>>
              %dma_start3A_132 = tpu.memref_squeeze %dma_start3A_131 : memref<1x25x1x80xi32, #tpu.memory_space<vmem>> -> memref<25x1x80xi32, #tpu.memory_space<vmem>>
              %dma_start3A_133 = arith.constant 0 : i32
              %dma_start3A_134 = arith.constant 0 : i32
              %dma_start3A_135 = tpu.memref_slice %arg4[%add3A_118, %dma_start3A_133, %dma_start3A_134] : memref<4008x1x80xi32, #tpu.memory_space<hbm>> -> memref<25x1x80xi32, #tpu.memory_space<hbm>>
              tpu.enqueue_dma source(%dma_start3A_135 : memref<25x1x80xi32, #tpu.memory_space<hbm>>) target(%dma_start3A_132 : memref<25x1x80xi32, #tpu.memory_space<vmem>>) target_semaphore(%run_scoped3A_119 : memref<!tpu.dma_semaphore, #tpu.memory_space<semaphore_mem>>)
              %dma_wait3A_136 = arith.constant 0 : i32
              %dma_wait3A_137 = arith.constant 0 : i32
              %dma_wait3A_138 = arith.constant 0 : i32
              %dma_wait3A_139 = tpu.memref_slice %arg9[%rem3A_108, %dma_wait3A_136, %dma_wait3A_137, %dma_wait3A_138] : memref<2x25x1x80xi32, #tpu.memory_space<vmem>> -> memref<1x25x1x80xi32, #tpu.memory_space<vmem>>
              %dma_wait3A_140 = tpu.memref_squeeze %dma_wait3A_139 : memref<1x25x1x80xi32, #tpu.memory_space<vmem>> -> memref<25x1x80xi32, #tpu.memory_space<vmem>>
              %dma_wait3A_141 = arith.constant 0 : i32
              %dma_wait3A_142 = arith.constant 0 : i32
              %dma_wait3A_143 = tpu.memref_slice %arg4[%add3A_118, %dma_wait3A_141, %dma_wait3A_142] : memref<4008x1x80xi32, #tpu.memory_space<hbm>> -> memref<25x1x80xi32, #tpu.memory_space<hbm>>
              %dma_wait3A_144 = arith.constant 0 : i32
              %dma_wait3A_145 = arith.constant 0 : i32
              %dma_wait3A_146 = arith.constant 0 : i32
              %dma_wait3A_147 = tpu.memref_slice %arg9[%rem3A_108, %dma_wait3A_144, %dma_wait3A_145, %dma_wait3A_146] : memref<2x25x1x80xi32, #tpu.memory_space<vmem>> -> memref<1x25x1x80xi32, #tpu.memory_space<vmem>>
              %dma_wait3A_148 = tpu.memref_squeeze %dma_wait3A_147 : memref<1x25x1x80xi32, #tpu.memory_space<vmem>> -> memref<25x1x80xi32, #tpu.memory_space<vmem>>
              %dma_wait3A_149 = arith.constant 0 : i32
              %dma_wait3A_150 = arith.constant 0 : i32
              %dma_wait3A_151 = tpu.memref_slice %arg4[%add3A_118, %dma_wait3A_149, %dma_wait3A_150] : memref<4008x1x80xi32, #tpu.memory_space<hbm>> -> memref<25x1x80xi32, #tpu.memory_space<hbm>>
              tpu.wait_dma2 semaphore(%run_scoped3A_119 : memref<!tpu.dma_semaphore, #tpu.memory_space<semaphore_mem>>) src(%dma_wait3A_151 : memref<25x1x80xi32, #tpu.memory_space<hbm>>) dst(%dma_wait3A_148 : memref<25x1x80xi32, #tpu.memory_space<vmem>>)
              tpu.yield
            }) : () -> ()
          } else {
          }
        } else {
        }
        %add3A_91 = arith.constant 2 : i32
        %add3A_92 = arith.addi %while3A_37, %add3A_91 : i32
        %lt3A_93 = arith.cmpi slt, %add3A_92, %add3A_8 : i32
        %convert_element_type3A_94 = arith.extui %lt3A_93 : i1 to i32
        %cond3A_95 = arith.constant 0 : i32
        %cond3A_96 = arith.cmpi ne, %convert_element_type3A_94, %cond3A_95 : i32
        scf.if %cond3A_96 {
          %add3A_97 = arith.constant 2 : i32
          %add3A_98 = arith.addi %while3A_37, %add3A_97 : i32
          %sub3A = arith.constant 3 : i32
          %sub3A_99 = arith.subi %add3A_98, %sub3A : i32
          %ge3A = arith.constant 0 : i32
          %ge3A_100 = arith.cmpi sge, %sub3A_99, %ge3A : i32
          %convert_element_type3A_101 = arith.extui %ge3A_100 : i1 to i32
          %cond3A_102 = arith.constant 0 : i32
          %cond3A_103 = arith.cmpi ne, %convert_element_type3A_101, %cond3A_102 : i32
          scf.if %cond3A_103 {
            %dma_wait3A_124 = arith.constant 2 : i32
            %dma_wait3A_125 = arith.constant 0 : i32
            %dma_wait3A_126 = arith.constant 0 : i32
            %dma_wait3A_127 = arith.constant 0 : i32
            %dma_wait3A_128 = arith.constant 0 : i32
            %dma_wait3A_129 = arith.constant 0 : i32
            %dma_wait3A_130 = tpu.memref_slice %arg10[%dma_wait3A_124, %dma_wait3A_128, %dma_wait3A_129] : memref<3x80x128xf32, #tpu.memory_space<vmem>> -> memref<1x80x128xf32, #tpu.memory_space<vmem>>
            %dma_wait3A_131 = tpu.memref_squeeze %dma_wait3A_130 : memref<1x80x128xf32, #tpu.memory_space<vmem>> -> memref<80x128xf32, #tpu.memory_space<vmem>>
            %dma_wait3A_132 = arith.constant 0 : i32
            %dma_wait3A_133 = tpu.memref_slice %arg9[%dma_wait3A_125, %dma_wait3A_126, %dma_wait3A_127, %dma_wait3A_132] : memref<2x25x1x80xi32, #tpu.memory_space<vmem>> -> memref<1x1x1x80xi32, #tpu.memory_space<vmem>>
            %dma_wait3A_134 = tpu.memref_squeeze %dma_wait3A_133 : memref<1x1x1x80xi32, #tpu.memory_space<vmem>> -> memref<80xi32, #tpu.memory_space<vmem>>
            %dma_wait3A_135 = arith.constant 0 : i32
            %dma_wait3A_136 = arith.constant 0 : i32
            %dma_wait3A_137 = tpu.memref_slice %arg7[%dma_wait3A_135, %dma_wait3A_136] : memref<10000x128xf32, #tpu.memory_space<vmem_shared>> -> memref<10000x128xf32, #tpu.memory_space<vmem_shared>>
            tpu.wait_indirect_dma semaphore(%arg16 : memref<!tpu.dma_semaphore, #tpu.memory_space<semaphore_mem>>) src(%dma_wait3A_131 : memref<80x128xf32, #tpu.memory_space<vmem>>) dst(%dma_wait3A_137 : memref<10000x128xf32, #tpu.memory_space<vmem_shared>>)
          } else {
          }
          %add3A_104 = arith.constant 2 : i32
          %add3A_105 = arith.addi %while3A_37, %add3A_104 : i32
          %div3A_106 = arith.constant 25 : i32
          %div3A_107 = arith.divsi %add3A_105, %div3A_106 : i32
          %rem3A_108 = arith.constant 2 : i32
          %rem3A_109 = arith.remsi %div3A_107, %rem3A_108 : i32
          %rem3A_110 = arith.constant 25 : i32
          %rem3A_111 = arith.remsi %add3A_105, %rem3A_110 : i32
          %dma_start3A_112 = arith.constant 0 : i32
          %dma_start3A_113 = arith.constant 2 : i32
          %dma_start3A_114 = arith.constant 0 : i32
          %dma_start3A_115 = arith.constant 0 : i32
          %dma_start3A_116 = tpu.memref_slice %arg10[%dma_start3A_113, %dma_start3A_114, %dma_start3A_115] : memref<3x80x128xf32, #tpu.memory_space<vmem>> -> memref<1x80x128xf32, #tpu.memory_space<vmem>>
          %dma_start3A_117 = tpu.memref_squeeze %dma_start3A_116 : memref<1x80x128xf32, #tpu.memory_space<vmem>> -> memref<80x128xf32, #tpu.memory_space<vmem>>
          %dma_start3A_118 = arith.constant 0 : i32
          %dma_start3A_119 = tpu.memref_slice %arg8[%rem3A_109, %rem3A_111, %dma_start3A_112, %dma_start3A_118] : memref<2x25x1x80xi32, #tpu.memory_space<vmem>> -> memref<1x1x1x80xi32, #tpu.memory_space<vmem>>
          %dma_start3A_120 = tpu.memref_squeeze %dma_start3A_119 : memref<1x1x1x80xi32, #tpu.memory_space<vmem>> -> memref<80xi32, #tpu.memory_space<vmem>>
          %dma_start3A_121 = arith.constant 0 : i32
          %dma_start3A_122 = arith.constant 0 : i32
          %dma_start3A_123 = tpu.memref_slice %arg2[%dma_start3A_121, %dma_start3A_122] : memref<10000x128xf32, #tpu.memory_space<hbm>> -> memref<10000x128xf32, #tpu.memory_space<hbm>>
          tpu.enqueue_indirect_dma source(%dma_start3A_123 : memref<10000x128xf32, #tpu.memory_space<hbm>>) target(%dma_start3A_117 : memref<80x128xf32, #tpu.memory_space<vmem>>) offsets(%dma_start3A_120 : memref<80xi32, #tpu.memory_space<vmem>>) semaphore(%arg13 : memref<!tpu.dma_semaphore, #tpu.memory_space<semaphore_mem>>)
        } else {
        }
      } else {
      }
      %rem3A_48 = arith.constant 3 : i32
      %rem3A_49 = arith.remsi %while3A_37, %rem3A_48 : i32
      %eq3A_50 = arith.constant 1 : i32
      %eq3A_51 = arith.cmpi eq, %rem3A_49, %eq3A_50 : i32
      %convert_element_type3A_52 = arith.extui %eq3A_51 : i1 to i32
      %cond3A_53 = arith.constant 0 : i32
      %cond3A_54 = arith.cmpi ne, %convert_element_type3A_52, %cond3A_53 : i32
      scf.if %cond3A_54 {
        %dma_wait3A = arith.constant 0 : i32
        %dma_wait3A_62 = arith.constant 0 : i32
        %dma_wait3A_63 = arith.constant 0 : i32
        %dma_wait3A_64 = arith.constant 1 : i32
        %dma_wait3A_65 = arith.constant 0 : i32
        %dma_wait3A_66 = arith.constant 0 : i32
        %dma_wait3A_67 = tpu.memref_slice %arg10[%dma_wait3A_64, %dma_wait3A_65, %dma_wait3A_66] : memref<3x80x128xf32, #tpu.memory_space<vmem>> -> memref<1x80x128xf32, #tpu.memory_space<vmem>>
        %dma_wait3A_68 = tpu.memref_squeeze %dma_wait3A_67 : memref<1x80x128xf32, #tpu.memory_space<vmem>> -> memref<80x128xf32, #tpu.memory_space<vmem>>
        %dma_wait3A_69 = arith.constant 0 : i32
        %dma_wait3A_70 = tpu.memref_slice %arg8[%dma_wait3A, %dma_wait3A_62, %dma_wait3A_63, %dma_wait3A_69] : memref<2x25x1x80xi32, #tpu.memory_space<vmem>> -> memref<1x1x1x80xi32, #tpu.memory_space<vmem>>
        %dma_wait3A_71 = tpu.memref_squeeze %dma_wait3A_70 : memref<1x1x1x80xi32, #tpu.memory_space<vmem>> -> memref<80xi32, #tpu.memory_space<vmem>>
        %dma_wait3A_72 = arith.constant 0 : i32
        %dma_wait3A_73 = arith.constant 0 : i32
        %dma_wait3A_74 = tpu.memref_slice %arg2[%dma_wait3A_72, %dma_wait3A_73] : memref<10000x128xf32, #tpu.memory_space<hbm>> -> memref<10000x128xf32, #tpu.memory_space<hbm>>
        tpu.wait_indirect_dma semaphore(%arg12 : memref<!tpu.dma_semaphore, #tpu.memory_space<semaphore_mem>>) src(%dma_wait3A_74 : memref<10000x128xf32, #tpu.memory_space<hbm>>) dst(%dma_wait3A_68 : memref<80x128xf32, #tpu.memory_space<vmem>>)
        %dma_start3A = arith.constant 1 : i32
        %dma_start3A_75 = arith.constant 0 : i32
        %dma_start3A_76 = arith.constant 0 : i32
        %dma_start3A_77 = arith.constant 0 : i32
        %dma_start3A_78 = tpu.memref_slice %arg10[%dma_start3A, %dma_start3A_76, %dma_start3A_77] : memref<3x80x128xf32, #tpu.memory_space<vmem>> -> memref<1x80x128xf32, #tpu.memory_space<vmem>>
        %dma_start3A_79 = tpu.memref_squeeze %dma_start3A_78 : memref<1x80x128xf32, #tpu.memory_space<vmem>> -> memref<80x128xf32, #tpu.memory_space<vmem>>
        %dma_start3A_80 = arith.constant 0 : i32
        %dma_start3A_81 = tpu.memref_slice %arg9[%rem3A_41, %rem3A_39, %dma_start3A_75, %dma_start3A_80] : memref<2x25x1x80xi32, #tpu.memory_space<vmem>> -> memref<1x1x1x80xi32, #tpu.memory_space<vmem>>
        %dma_start3A_82 = tpu.memref_squeeze %dma_start3A_81 : memref<1x1x1x80xi32, #tpu.memory_space<vmem>> -> memref<80xi32, #tpu.memory_space<vmem>>
        %dma_start3A_83 = arith.constant 0 : i32
        %dma_start3A_84 = arith.constant 0 : i32
        %dma_start3A_85 = tpu.memref_slice %arg7[%dma_start3A_83, %dma_start3A_84] : memref<10000x128xf32, #tpu.memory_space<vmem_shared>> -> memref<10000x128xf32, #tpu.memory_space<vmem_shared>>
        tpu.enqueue_indirect_dma source(%dma_start3A_79 : memref<80x128xf32, #tpu.memory_space<vmem>>) target(%dma_start3A_85 : memref<10000x128xf32, #tpu.memory_space<vmem_shared>>) offsets(%dma_start3A_82 : memref<80xi32, #tpu.memory_space<vmem>>) semaphore(%arg15 : memref<!tpu.dma_semaphore, #tpu.memory_space<semaphore_mem>>) {add = true}
        %eq3A_86 = arith.constant 22 : i32
        %eq3A_87 = arith.cmpi eq, %rem3A_39, %eq3A_86 : i32
        %convert_element_type3A_88 = arith.extui %eq3A_87 : i1 to i32
        %cond3A_89 = arith.constant 0 : i32
        %cond3A_90 = arith.cmpi ne, %convert_element_type3A_88, %cond3A_89 : i32
        scf.if %cond3A_90 {
          %add3A_97 = arith.constant 1 : i32
          %add3A_98 = arith.addi %div3A_38, %add3A_97 : i32
          %mul3A_99 = arith.constant 25 : i32
          %mul3A_100 = arith.muli %add3A_98, %mul3A_99 : i32
          %lt3A_101 = arith.cmpi slt, %mul3A_100, %add3A_8 : i32
          %convert_element_type3A_102 = arith.extui %lt3A_101 : i1 to i32
          %cond3A_103 = arith.constant 0 : i32
          %cond3A_104 = arith.cmpi ne, %convert_element_type3A_102, %cond3A_103 : i32
          scf.if %cond3A_104 {
            %add3A_105 = arith.constant 1 : i32
            %add3A_106 = arith.addi %div3A_38, %add3A_105 : i32
            %rem3A_107 = arith.constant 2 : i32
            %rem3A_108 = arith.remsi %add3A_106, %rem3A_107 : i32
            %add3A_109 = arith.constant 1 : i32
            %add3A_110 = arith.addi %div3A_38, %add3A_109 : i32
            %mul3A_111 = arith.constant 25 : i32
            %mul3A_112 = arith.muli %add3A_110, %mul3A_111 : i32
            %add3A_113 = arith.addi %add3A_4, %mul3A_112 : i32
            "tpu.region"() ({
              %run_scoped3A_119 = tpu.sem_alloc : memref<!tpu.dma_semaphore, #tpu.memory_space<semaphore_mem>>
              %dma_start3A_120 = arith.constant 0 : i32
              %dma_start3A_121 = arith.constant 0 : i32
              %dma_start3A_122 = arith.constant 0 : i32
              %dma_start3A_123 = tpu.memref_slice %arg8[%rem3A_108, %dma_start3A_120, %dma_start3A_121, %dma_start3A_122] : memref<2x25x1x80xi32, #tpu.memory_space<vmem>> -> memref<1x25x1x80xi32, #tpu.memory_space<vmem>>
              %dma_start3A_124 = tpu.memref_squeeze %dma_start3A_123 : memref<1x25x1x80xi32, #tpu.memory_space<vmem>> -> memref<25x1x80xi32, #tpu.memory_space<vmem>>
              %dma_start3A_125 = arith.constant 0 : i32
              %dma_start3A_126 = arith.constant 0 : i32
              %dma_start3A_127 = tpu.memref_slice %arg3[%add3A_113, %dma_start3A_125, %dma_start3A_126] : memref<4008x1x80xi32, #tpu.memory_space<hbm>> -> memref<25x1x80xi32, #tpu.memory_space<hbm>>
              %dma_start3A_128 = arith.constant 0 : i32
              %dma_start3A_129 = arith.constant 0 : i32
              %dma_start3A_130 = arith.constant 0 : i32
              %dma_start3A_131 = tpu.memref_slice %arg8[%rem3A_108, %dma_start3A_128, %dma_start3A_129, %dma_start3A_130] : memref<2x25x1x80xi32, #tpu.memory_space<vmem>> -> memref<1x25x1x80xi32, #tpu.memory_space<vmem>>
              %dma_start3A_132 = tpu.memref_squeeze %dma_start3A_131 : memref<1x25x1x80xi32, #tpu.memory_space<vmem>> -> memref<25x1x80xi32, #tpu.memory_space<vmem>>
              %dma_start3A_133 = arith.constant 0 : i32
              %dma_start3A_134 = arith.constant 0 : i32
              %dma_start3A_135 = tpu.memref_slice %arg3[%add3A_113, %dma_start3A_133, %dma_start3A_134] : memref<4008x1x80xi32, #tpu.memory_space<hbm>> -> memref<25x1x80xi32, #tpu.memory_space<hbm>>
              tpu.enqueue_dma source(%dma_start3A_135 : memref<25x1x80xi32, #tpu.memory_space<hbm>>) target(%dma_start3A_132 : memref<25x1x80xi32, #tpu.memory_space<vmem>>) target_semaphore(%run_scoped3A_119 : memref<!tpu.dma_semaphore, #tpu.memory_space<semaphore_mem>>)
              %dma_wait3A_136 = arith.constant 0 : i32
              %dma_wait3A_137 = arith.constant 0 : i32
              %dma_wait3A_138 = arith.constant 0 : i32
              %dma_wait3A_139 = tpu.memref_slice %arg8[%rem3A_108, %dma_wait3A_136, %dma_wait3A_137, %dma_wait3A_138] : memref<2x25x1x80xi32, #tpu.memory_space<vmem>> -> memref<1x25x1x80xi32, #tpu.memory_space<vmem>>
              %dma_wait3A_140 = tpu.memref_squeeze %dma_wait3A_139 : memref<1x25x1x80xi32, #tpu.memory_space<vmem>> -> memref<25x1x80xi32, #tpu.memory_space<vmem>>
              %dma_wait3A_141 = arith.constant 0 : i32
              %dma_wait3A_142 = arith.constant 0 : i32
              %dma_wait3A_143 = tpu.memref_slice %arg3[%add3A_113, %dma_wait3A_141, %dma_wait3A_142] : memref<4008x1x80xi32, #tpu.memory_space<hbm>> -> memref<25x1x80xi32, #tpu.memory_space<hbm>>
              %dma_wait3A_144 = arith.constant 0 : i32
              %dma_wait3A_145 = arith.constant 0 : i32
              %dma_wait3A_146 = arith.constant 0 : i32
              %dma_wait3A_147 = tpu.memref_slice %arg8[%rem3A_108, %dma_wait3A_144, %dma_wait3A_145, %dma_wait3A_146] : memref<2x25x1x80xi32, #tpu.memory_space<vmem>> -> memref<1x25x1x80xi32, #tpu.memory_space<vmem>>
              %dma_wait3A_148 = tpu.memref_squeeze %dma_wait3A_147 : memref<1x25x1x80xi32, #tpu.memory_space<vmem>> -> memref<25x1x80xi32, #tpu.memory_space<vmem>>
              %dma_wait3A_149 = arith.constant 0 : i32
              %dma_wait3A_150 = arith.constant 0 : i32
              %dma_wait3A_151 = tpu.memref_slice %arg3[%add3A_113, %dma_wait3A_149, %dma_wait3A_150] : memref<4008x1x80xi32, #tpu.memory_space<hbm>> -> memref<25x1x80xi32, #tpu.memory_space<hbm>>
              tpu.wait_dma2 semaphore(%run_scoped3A_119 : memref<!tpu.dma_semaphore, #tpu.memory_space<semaphore_mem>>) src(%dma_wait3A_151 : memref<25x1x80xi32, #tpu.memory_space<hbm>>) dst(%dma_wait3A_148 : memref<25x1x80xi32, #tpu.memory_space<vmem>>)
              tpu.yield
            }) : () -> ()
            %add3A_114 = arith.constant 1 : i32
            %add3A_115 = arith.addi %div3A_38, %add3A_114 : i32
            %mul3A_116 = arith.constant 25 : i32
            %mul3A_117 = arith.muli %add3A_115, %mul3A_116 : i32
            %add3A_118 = arith.addi %add3A_4, %mul3A_117 : i32
            "tpu.region"() ({
              %run_scoped3A_119 = tpu.sem_alloc : memref<!tpu.dma_semaphore, #tpu.memory_space<semaphore_mem>>
              %dma_start3A_120 = arith.constant 0 : i32
              %dma_start3A_121 = arith.constant 0 : i32
              %dma_start3A_122 = arith.constant 0 : i32
              %dma_start3A_123 = tpu.memref_slice %arg9[%rem3A_108, %dma_start3A_120, %dma_start3A_121, %dma_start3A_122] : memref<2x25x1x80xi32, #tpu.memory_space<vmem>> -> memref<1x25x1x80xi32, #tpu.memory_space<vmem>>
              %dma_start3A_124 = tpu.memref_squeeze %dma_start3A_123 : memref<1x25x1x80xi32, #tpu.memory_space<vmem>> -> memref<25x1x80xi32, #tpu.memory_space<vmem>>
              %dma_start3A_125 = arith.constant 0 : i32
              %dma_start3A_126 = arith.constant 0 : i32
              %dma_start3A_127 = tpu.memref_slice %arg4[%add3A_118, %dma_start3A_125, %dma_start3A_126] : memref<4008x1x80xi32, #tpu.memory_space<hbm>> -> memref<25x1x80xi32, #tpu.memory_space<hbm>>
              %dma_start3A_128 = arith.constant 0 : i32
              %dma_start3A_129 = arith.constant 0 : i32
              %dma_start3A_130 = arith.constant 0 : i32
              %dma_start3A_131 = tpu.memref_slice %arg9[%rem3A_108, %dma_start3A_128, %dma_start3A_129, %dma_start3A_130] : memref<2x25x1x80xi32, #tpu.memory_space<vmem>> -> memref<1x25x1x80xi32, #tpu.memory_space<vmem>>
              %dma_start3A_132 = tpu.memref_squeeze %dma_start3A_131 : memref<1x25x1x80xi32, #tpu.memory_space<vmem>> -> memref<25x1x80xi32, #tpu.memory_space<vmem>>
              %dma_start3A_133 = arith.constant 0 : i32
              %dma_start3A_134 = arith.constant 0 : i32
              %dma_start3A_135 = tpu.memref_slice %arg4[%add3A_118, %dma_start3A_133, %dma_start3A_134] : memref<4008x1x80xi32, #tpu.memory_space<hbm>> -> memref<25x1x80xi32, #tpu.memory_space<hbm>>
              tpu.enqueue_dma source(%dma_start3A_135 : memref<25x1x80xi32, #tpu.memory_space<hbm>>) target(%dma_start3A_132 : memref<25x1x80xi32, #tpu.memory_space<vmem>>) target_semaphore(%run_scoped3A_119 : memref<!tpu.dma_semaphore, #tpu.memory_space<semaphore_mem>>)
              %dma_wait3A_136 = arith.constant 0 : i32
              %dma_wait3A_137 = arith.constant 0 : i32
              %dma_wait3A_138 = arith.constant 0 : i32
              %dma_wait3A_139 = tpu.memref_slice %arg9[%rem3A_108, %dma_wait3A_136, %dma_wait3A_137, %dma_wait3A_138] : memref<2x25x1x80xi32, #tpu.memory_space<vmem>> -> memref<1x25x1x80xi32, #tpu.memory_space<vmem>>
              %dma_wait3A_140 = tpu.memref_squeeze %dma_wait3A_139 : memref<1x25x1x80xi32, #tpu.memory_space<vmem>> -> memref<25x1x80xi32, #tpu.memory_space<vmem>>
              %dma_wait3A_141 = arith.constant 0 : i32
              %dma_wait3A_142 = arith.constant 0 : i32
              %dma_wait3A_143 = tpu.memref_slice %arg4[%add3A_118, %dma_wait3A_141, %dma_wait3A_142] : memref<4008x1x80xi32, #tpu.memory_space<hbm>> -> memref<25x1x80xi32, #tpu.memory_space<hbm>>
              %dma_wait3A_144 = arith.constant 0 : i32
              %dma_wait3A_145 = arith.constant 0 : i32
              %dma_wait3A_146 = arith.constant 0 : i32
              %dma_wait3A_147 = tpu.memref_slice %arg9[%rem3A_108, %dma_wait3A_144, %dma_wait3A_145, %dma_wait3A_146] : memref<2x25x1x80xi32, #tpu.memory_space<vmem>> -> memref<1x25x1x80xi32, #tpu.memory_space<vmem>>
              %dma_wait3A_148 = tpu.memref_squeeze %dma_wait3A_147 : memref<1x25x1x80xi32, #tpu.memory_space<vmem>> -> memref<25x1x80xi32, #tpu.memory_space<vmem>>
              %dma_wait3A_149 = arith.constant 0 : i32
              %dma_wait3A_150 = arith.constant 0 : i32
              %dma_wait3A_151 = tpu.memref_slice %arg4[%add3A_118, %dma_wait3A_149, %dma_wait3A_150] : memref<4008x1x80xi32, #tpu.memory_space<hbm>> -> memref<25x1x80xi32, #tpu.memory_space<hbm>>
              tpu.wait_dma2 semaphore(%run_scoped3A_119 : memref<!tpu.dma_semaphore, #tpu.memory_space<semaphore_mem>>) src(%dma_wait3A_151 : memref<25x1x80xi32, #tpu.memory_space<hbm>>) dst(%dma_wait3A_148 : memref<25x1x80xi32, #tpu.memory_space<vmem>>)
              tpu.yield
            }) : () -> ()
          } else {
          }
        } else {
        }
        %add3A_91 = arith.constant 2 : i32
        %add3A_92 = arith.addi %while3A_37, %add3A_91 : i32
        %lt3A_93 = arith.cmpi slt, %add3A_92, %add3A_8 : i32
        %convert_element_type3A_94 = arith.extui %lt3A_93 : i1 to i32
        %cond3A_95 = arith.constant 0 : i32
        %cond3A_96 = arith.cmpi ne, %convert_element_type3A_94, %cond3A_95 : i32
        scf.if %cond3A_96 {
          %add3A_97 = arith.constant 2 : i32
          %add3A_98 = arith.addi %while3A_37, %add3A_97 : i32
          %sub3A = arith.constant 3 : i32
          %sub3A_99 = arith.subi %add3A_98, %sub3A : i32
          %ge3A = arith.constant 0 : i32
          %ge3A_100 = arith.cmpi sge, %sub3A_99, %ge3A : i32
          %convert_element_type3A_101 = arith.extui %ge3A_100 : i1 to i32
          %cond3A_102 = arith.constant 0 : i32
          %cond3A_103 = arith.cmpi ne, %convert_element_type3A_101, %cond3A_102 : i32
          scf.if %cond3A_103 {
            %dma_wait3A_124 = arith.constant 0 : i32
            %dma_wait3A_125 = arith.constant 0 : i32
            %dma_wait3A_126 = arith.constant 0 : i32
            %dma_wait3A_127 = arith.constant 0 : i32
            %dma_wait3A_128 = arith.constant 0 : i32
            %dma_wait3A_129 = arith.constant 0 : i32
            %dma_wait3A_130 = tpu.memref_slice %arg10[%dma_wait3A_124, %dma_wait3A_128, %dma_wait3A_129] : memref<3x80x128xf32, #tpu.memory_space<vmem>> -> memref<1x80x128xf32, #tpu.memory_space<vmem>>
            %dma_wait3A_131 = tpu.memref_squeeze %dma_wait3A_130 : memref<1x80x128xf32, #tpu.memory_space<vmem>> -> memref<80x128xf32, #tpu.memory_space<vmem>>
            %dma_wait3A_132 = arith.constant 0 : i32
            %dma_wait3A_133 = tpu.memref_slice %arg9[%dma_wait3A_125, %dma_wait3A_126, %dma_wait3A_127, %dma_wait3A_132] : memref<2x25x1x80xi32, #tpu.memory_space<vmem>> -> memref<1x1x1x80xi32, #tpu.memory_space<vmem>>
            %dma_wait3A_134 = tpu.memref_squeeze %dma_wait3A_133 : memref<1x1x1x80xi32, #tpu.memory_space<vmem>> -> memref<80xi32, #tpu.memory_space<vmem>>
            %dma_wait3A_135 = arith.constant 0 : i32
            %dma_wait3A_136 = arith.constant 0 : i32
            %dma_wait3A_137 = tpu.memref_slice %arg7[%dma_wait3A_135, %dma_wait3A_136] : memref<10000x128xf32, #tpu.memory_space<vmem_shared>> -> memref<10000x128xf32, #tpu.memory_space<vmem_shared>>
            tpu.wait_indirect_dma semaphore(%arg14 : memref<!tpu.dma_semaphore, #tpu.memory_space<semaphore_mem>>) src(%dma_wait3A_131 : memref<80x128xf32, #tpu.memory_space<vmem>>) dst(%dma_wait3A_137 : memref<10000x128xf32, #tpu.memory_space<vmem_shared>>)
          } else {
          }
          %add3A_104 = arith.constant 2 : i32
          %add3A_105 = arith.addi %while3A_37, %add3A_104 : i32
          %div3A_106 = arith.constant 25 : i32
          %div3A_107 = arith.divsi %add3A_105, %div3A_106 : i32
          %rem3A_108 = arith.constant 2 : i32
          %rem3A_109 = arith.remsi %div3A_107, %rem3A_108 : i32
          %rem3A_110 = arith.constant 25 : i32
          %rem3A_111 = arith.remsi %add3A_105, %rem3A_110 : i32
          %dma_start3A_112 = arith.constant 0 : i32
          %dma_start3A_113 = arith.constant 0 : i32
          %dma_start3A_114 = arith.constant 0 : i32
          %dma_start3A_115 = arith.constant 0 : i32
          %dma_start3A_116 = tpu.memref_slice %arg10[%dma_start3A_113, %dma_start3A_114, %dma_start3A_115] : memref<3x80x128xf32, #tpu.memory_space<vmem>> -> memref<1x80x128xf32, #tpu.memory_space<vmem>>
          %dma_start3A_117 = tpu.memref_squeeze %dma_start3A_116 : memref<1x80x128xf32, #tpu.memory_space<vmem>> -> memref<80x128xf32, #tpu.memory_space<vmem>>
          %dma_start3A_118 = arith.constant 0 : i32
          %dma_start3A_119 = tpu.memref_slice %arg8[%rem3A_109, %rem3A_111, %dma_start3A_112, %dma_start3A_118] : memref<2x25x1x80xi32, #tpu.memory_space<vmem>> -> memref<1x1x1x80xi32, #tpu.memory_space<vmem>>
          %dma_start3A_120 = tpu.memref_squeeze %dma_start3A_119 : memref<1x1x1x80xi32, #tpu.memory_space<vmem>> -> memref<80xi32, #tpu.memory_space<vmem>>
          %dma_start3A_121 = arith.constant 0 : i32
          %dma_start3A_122 = arith.constant 0 : i32
          %dma_start3A_123 = tpu.memref_slice %arg2[%dma_start3A_121, %dma_start3A_122] : memref<10000x128xf32, #tpu.memory_space<hbm>> -> memref<10000x128xf32, #tpu.memory_space<hbm>>
          tpu.enqueue_indirect_dma source(%dma_start3A_123 : memref<10000x128xf32, #tpu.memory_space<hbm>>) target(%dma_start3A_117 : memref<80x128xf32, #tpu.memory_space<vmem>>) offsets(%dma_start3A_120 : memref<80xi32, #tpu.memory_space<vmem>>) semaphore(%arg11 : memref<!tpu.dma_semaphore, #tpu.memory_space<semaphore_mem>>)
        } else {
        }
      } else {
      }
      %rem3A_55 = arith.constant 3 : i32
      %rem3A_56 = arith.remsi %while3A_37, %rem3A_55 : i32
      %eq3A_57 = arith.constant 2 : i32
      %eq3A_58 = arith.cmpi eq, %rem3A_56, %eq3A_57 : i32
      %convert_element_type3A_59 = arith.extui %eq3A_58 : i1 to i32
      %cond3A_60 = arith.constant 0 : i32
      %cond3A_61 = arith.cmpi ne, %convert_element_type3A_59, %cond3A_60 : i32
      scf.if %cond3A_61 {
        %dma_wait3A = arith.constant 0 : i32
        %dma_wait3A_62 = arith.constant 0 : i32
        %dma_wait3A_63 = arith.constant 0 : i32
        %dma_wait3A_64 = arith.constant 2 : i32
        %dma_wait3A_65 = arith.constant 0 : i32
        %dma_wait3A_66 = arith.constant 0 : i32
        %dma_wait3A_67 = tpu.memref_slice %arg10[%dma_wait3A_64, %dma_wait3A_65, %dma_wait3A_66] : memref<3x80x128xf32, #tpu.memory_space<vmem>> -> memref<1x80x128xf32, #tpu.memory_space<vmem>>
        %dma_wait3A_68 = tpu.memref_squeeze %dma_wait3A_67 : memref<1x80x128xf32, #tpu.memory_space<vmem>> -> memref<80x128xf32, #tpu.memory_space<vmem>>
        %dma_wait3A_69 = arith.constant 0 : i32
        %dma_wait3A_70 = tpu.memref_slice %arg8[%dma_wait3A, %dma_wait3A_62, %dma_wait3A_63, %dma_wait3A_69] : memref<2x25x1x80xi32, #tpu.memory_space<vmem>> -> memref<1x1x1x80xi32, #tpu.memory_space<vmem>>
        %dma_wait3A_71 = tpu.memref_squeeze %dma_wait3A_70 : memref<1x1x1x80xi32, #tpu.memory_space<vmem>> -> memref<80xi32, #tpu.memory_space<vmem>>
        %dma_wait3A_72 = arith.constant 0 : i32
        %dma_wait3A_73 = arith.constant 0 : i32
        %dma_wait3A_74 = tpu.memref_slice %arg2[%dma_wait3A_72, %dma_wait3A_73] : memref<10000x128xf32, #tpu.memory_space<hbm>> -> memref<10000x128xf32, #tpu.memory_space<hbm>>
        tpu.wait_indirect_dma semaphore(%arg13 : memref<!tpu.dma_semaphore, #tpu.memory_space<semaphore_mem>>) src(%dma_wait3A_74 : memref<10000x128xf32, #tpu.memory_space<hbm>>) dst(%dma_wait3A_68 : memref<80x128xf32, #tpu.memory_space<vmem>>)
        %dma_start3A = arith.constant 2 : i32
        %dma_start3A_75 = arith.constant 0 : i32
        %dma_start3A_76 = arith.constant 0 : i32
        %dma_start3A_77 = arith.constant 0 : i32
        %dma_start3A_78 = tpu.memref_slice %arg10[%dma_start3A, %dma_start3A_76, %dma_start3A_77] : memref<3x80x128xf32, #tpu.memory_space<vmem>> -> memref<1x80x128xf32, #tpu.memory_space<vmem>>
        %dma_start3A_79 = tpu.memref_squeeze %dma_start3A_78 : memref<1x80x128xf32, #tpu.memory_space<vmem>> -> memref<80x128xf32, #tpu.memory_space<vmem>>
        %dma_start3A_80 = arith.constant 0 : i32
        %dma_start3A_81 = tpu.memref_slice %arg9[%rem3A_41, %rem3A_39, %dma_start3A_75, %dma_start3A_80] : memref<2x25x1x80xi32, #tpu.memory_space<vmem>> -> memref<1x1x1x80xi32, #tpu.memory_space<vmem>>
        %dma_start3A_82 = tpu.memref_squeeze %dma_start3A_81 : memref<1x1x1x80xi32, #tpu.memory_space<vmem>> -> memref<80xi32, #tpu.memory_space<vmem>>
        %dma_start3A_83 = arith.constant 0 : i32
        %dma_start3A_84 = arith.constant 0 : i32
        %dma_start3A_85 = tpu.memref_slice %arg7[%dma_start3A_83, %dma_start3A_84] : memref<10000x128xf32, #tpu.memory_space<vmem_shared>> -> memref<10000x128xf32, #tpu.memory_space<vmem_shared>>
        tpu.enqueue_indirect_dma source(%dma_start3A_79 : memref<80x128xf32, #tpu.memory_space<vmem>>) target(%dma_start3A_85 : memref<10000x128xf32, #tpu.memory_space<vmem_shared>>) offsets(%dma_start3A_82 : memref<80xi32, #tpu.memory_space<vmem>>) semaphore(%arg16 : memref<!tpu.dma_semaphore, #tpu.memory_space<semaphore_mem>>) {add = true}
        %eq3A_86 = arith.constant 22 : i32
        %eq3A_87 = arith.cmpi eq, %rem3A_39, %eq3A_86 : i32
        %convert_element_type3A_88 = arith.extui %eq3A_87 : i1 to i32
        %cond3A_89 = arith.constant 0 : i32
        %cond3A_90 = arith.cmpi ne, %convert_element_type3A_88, %cond3A_89 : i32
        scf.if %cond3A_90 {
          %add3A_97 = arith.constant 1 : i32
          %add3A_98 = arith.addi %div3A_38, %add3A_97 : i32
          %mul3A_99 = arith.constant 25 : i32
          %mul3A_100 = arith.muli %add3A_98, %mul3A_99 : i32
          %lt3A_101 = arith.cmpi slt, %mul3A_100, %add3A_8 : i32
          %convert_element_type3A_102 = arith.extui %lt3A_101 : i1 to i32
          %cond3A_103 = arith.constant 0 : i32
          %cond3A_104 = arith.cmpi ne, %convert_element_type3A_102, %cond3A_103 : i32
          scf.if %cond3A_104 {
            %add3A_105 = arith.constant 1 : i32
            %add3A_106 = arith.addi %div3A_38, %add3A_105 : i32
            %rem3A_107 = arith.constant 2 : i32
            %rem3A_108 = arith.remsi %add3A_106, %rem3A_107 : i32
            %add3A_109 = arith.constant 1 : i32
            %add3A_110 = arith.addi %div3A_38, %add3A_109 : i32
            %mul3A_111 = arith.constant 25 : i32
            %mul3A_112 = arith.muli %add3A_110, %mul3A_111 : i32
            %add3A_113 = arith.addi %add3A_4, %mul3A_112 : i32
            "tpu.region"() ({
              %run_scoped3A_119 = tpu.sem_alloc : memref<!tpu.dma_semaphore, #tpu.memory_space<semaphore_mem>>
              %dma_start3A_120 = arith.constant 0 : i32
              %dma_start3A_121 = arith.constant 0 : i32
              %dma_start3A_122 = arith.constant 0 : i32
              %dma_start3A_123 = tpu.memref_slice %arg8[%rem3A_108, %dma_start3A_120, %dma_start3A_121, %dma_start3A_122] : memref<2x25x1x80xi32, #tpu.memory_space<vmem>> -> memref<1x25x1x80xi32, #tpu.memory_space<vmem>>
              %dma_start3A_124 = tpu.memref_squeeze %dma_start3A_123 : memref<1x25x1x80xi32, #tpu.memory_space<vmem>> -> memref<25x1x80xi32, #tpu.memory_space<vmem>>
              %dma_start3A_125 = arith.constant 0 : i32
              %dma_start3A_126 = arith.constant 0 : i32
              %dma_start3A_127 = tpu.memref_slice %arg3[%add3A_113, %dma_start3A_125, %dma_start3A_126] : memref<4008x1x80xi32, #tpu.memory_space<hbm>> -> memref<25x1x80xi32, #tpu.memory_space<hbm>>
              %dma_start3A_128 = arith.constant 0 : i32
              %dma_start3A_129 = arith.constant 0 : i32
              %dma_start3A_130 = arith.constant 0 : i32
              %dma_start3A_131 = tpu.memref_slice %arg8[%rem3A_108, %dma_start3A_128, %dma_start3A_129, %dma_start3A_130] : memref<2x25x1x80xi32, #tpu.memory_space<vmem>> -> memref<1x25x1x80xi32, #tpu.memory_space<vmem>>
              %dma_start3A_132 = tpu.memref_squeeze %dma_start3A_131 : memref<1x25x1x80xi32, #tpu.memory_space<vmem>> -> memref<25x1x80xi32, #tpu.memory_space<vmem>>
              %dma_start3A_133 = arith.constant 0 : i32
              %dma_start3A_134 = arith.constant 0 : i32
              %dma_start3A_135 = tpu.memref_slice %arg3[%add3A_113, %dma_start3A_133, %dma_start3A_134] : memref<4008x1x80xi32, #tpu.memory_space<hbm>> -> memref<25x1x80xi32, #tpu.memory_space<hbm>>
              tpu.enqueue_dma source(%dma_start3A_135 : memref<25x1x80xi32, #tpu.memory_space<hbm>>) target(%dma_start3A_132 : memref<25x1x80xi32, #tpu.memory_space<vmem>>) target_semaphore(%run_scoped3A_119 : memref<!tpu.dma_semaphore, #tpu.memory_space<semaphore_mem>>)
              %dma_wait3A_136 = arith.constant 0 : i32
              %dma_wait3A_137 = arith.constant 0 : i32
              %dma_wait3A_138 = arith.constant 0 : i32
              %dma_wait3A_139 = tpu.memref_slice %arg8[%rem3A_108, %dma_wait3A_136, %dma_wait3A_137, %dma_wait3A_138] : memref<2x25x1x80xi32, #tpu.memory_space<vmem>> -> memref<1x25x1x80xi32, #tpu.memory_space<vmem>>
              %dma_wait3A_140 = tpu.memref_squeeze %dma_wait3A_139 : memref<1x25x1x80xi32, #tpu.memory_space<vmem>> -> memref<25x1x80xi32, #tpu.memory_space<vmem>>
              %dma_wait3A_141 = arith.constant 0 : i32
              %dma_wait3A_142 = arith.constant 0 : i32
              %dma_wait3A_143 = tpu.memref_slice %arg3[%add3A_113, %dma_wait3A_141, %dma_wait3A_142] : memref<4008x1x80xi32, #tpu.memory_space<hbm>> -> memref<25x1x80xi32, #tpu.memory_space<hbm>>
              %dma_wait3A_144 = arith.constant 0 : i32
              %dma_wait3A_145 = arith.constant 0 : i32
              %dma_wait3A_146 = arith.constant 0 : i32
              %dma_wait3A_147 = tpu.memref_slice %arg8[%rem3A_108, %dma_wait3A_144, %dma_wait3A_145, %dma_wait3A_146] : memref<2x25x1x80xi32, #tpu.memory_space<vmem>> -> memref<1x25x1x80xi32, #tpu.memory_space<vmem>>
              %dma_wait3A_148 = tpu.memref_squeeze %dma_wait3A_147 : memref<1x25x1x80xi32, #tpu.memory_space<vmem>> -> memref<25x1x80xi32, #tpu.memory_space<vmem>>
              %dma_wait3A_149 = arith.constant 0 : i32
              %dma_wait3A_150 = arith.constant 0 : i32
              %dma_wait3A_151 = tpu.memref_slice %arg3[%add3A_113, %dma_wait3A_149, %dma_wait3A_150] : memref<4008x1x80xi32, #tpu.memory_space<hbm>> -> memref<25x1x80xi32, #tpu.memory_space<hbm>>
              tpu.wait_dma2 semaphore(%run_scoped3A_119 : memref<!tpu.dma_semaphore, #tpu.memory_space<semaphore_mem>>) src(%dma_wait3A_151 : memref<25x1x80xi32, #tpu.memory_space<hbm>>) dst(%dma_wait3A_148 : memref<25x1x80xi32, #tpu.memory_space<vmem>>)
              tpu.yield
            }) : () -> ()
            %add3A_114 = arith.constant 1 : i32
            %add3A_115 = arith.addi %div3A_38, %add3A_114 : i32
            %mul3A_116 = arith.constant 25 : i32
            %mul3A_117 = arith.muli %add3A_115, %mul3A_116 : i32
            %add3A_118 = arith.addi %add3A_4, %mul3A_117 : i32
            "tpu.region"() ({
              %run_scoped3A_119 = tpu.sem_alloc : memref<!tpu.dma_semaphore, #tpu.memory_space<semaphore_mem>>
              %dma_start3A_120 = arith.constant 0 : i32
              %dma_start3A_121 = arith.constant 0 : i32
              %dma_start3A_122 = arith.constant 0 : i32
              %dma_start3A_123 = tpu.memref_slice %arg9[%rem3A_108, %dma_start3A_120, %dma_start3A_121, %dma_start3A_122] : memref<2x25x1x80xi32, #tpu.memory_space<vmem>> -> memref<1x25x1x80xi32, #tpu.memory_space<vmem>>
              %dma_start3A_124 = tpu.memref_squeeze %dma_start3A_123 : memref<1x25x1x80xi32, #tpu.memory_space<vmem>> -> memref<25x1x80xi32, #tpu.memory_space<vmem>>
              %dma_start3A_125 = arith.constant 0 : i32
              %dma_start3A_126 = arith.constant 0 : i32
              %dma_start3A_127 = tpu.memref_slice %arg4[%add3A_118, %dma_start3A_125, %dma_start3A_126] : memref<4008x1x80xi32, #tpu.memory_space<hbm>> -> memref<25x1x80xi32, #tpu.memory_space<hbm>>
              %dma_start3A_128 = arith.constant 0 : i32
              %dma_start3A_129 = arith.constant 0 : i32
              %dma_start3A_130 = arith.constant 0 : i32
              %dma_start3A_131 = tpu.memref_slice %arg9[%rem3A_108, %dma_start3A_128, %dma_start3A_129, %dma_start3A_130] : memref<2x25x1x80xi32, #tpu.memory_space<vmem>> -> memref<1x25x1x80xi32, #tpu.memory_space<vmem>>
              %dma_start3A_132 = tpu.memref_squeeze %dma_start3A_131 : memref<1x25x1x80xi32, #tpu.memory_space<vmem>> -> memref<25x1x80xi32, #tpu.memory_space<vmem>>
              %dma_start3A_133 = arith.constant 0 : i32
              %dma_start3A_134 = arith.constant 0 : i32
              %dma_start3A_135 = tpu.memref_slice %arg4[%add3A_118, %dma_start3A_133, %dma_start3A_134] : memref<4008x1x80xi32, #tpu.memory_space<hbm>> -> memref<25x1x80xi32, #tpu.memory_space<hbm>>
              tpu.enqueue_dma source(%dma_start3A_135 : memref<25x1x80xi32, #tpu.memory_space<hbm>>) target(%dma_start3A_132 : memref<25x1x80xi32, #tpu.memory_space<vmem>>) target_semaphore(%run_scoped3A_119 : memref<!tpu.dma_semaphore, #tpu.memory_space<semaphore_mem>>)
              %dma_wait3A_136 = arith.constant 0 : i32
              %dma_wait3A_137 = arith.constant 0 : i32
              %dma_wait3A_138 = arith.constant 0 : i32
              %dma_wait3A_139 = tpu.memref_slice %arg9[%rem3A_108, %dma_wait3A_136, %dma_wait3A_137, %dma_wait3A_138] : memref<2x25x1x80xi32, #tpu.memory_space<vmem>> -> memref<1x25x1x80xi32, #tpu.memory_space<vmem>>
              %dma_wait3A_140 = tpu.memref_squeeze %dma_wait3A_139 : memref<1x25x1x80xi32, #tpu.memory_space<vmem>> -> memref<25x1x80xi32, #tpu.memory_space<vmem>>
              %dma_wait3A_141 = arith.constant 0 : i32
              %dma_wait3A_142 = arith.constant 0 : i32
              %dma_wait3A_143 = tpu.memref_slice %arg4[%add3A_118, %dma_wait3A_141, %dma_wait3A_142] : memref<4008x1x80xi32, #tpu.memory_space<hbm>> -> memref<25x1x80xi32, #tpu.memory_space<hbm>>
              %dma_wait3A_144 = arith.constant 0 : i32
              %dma_wait3A_145 = arith.constant 0 : i32
              %dma_wait3A_146 = arith.constant 0 : i32
              %dma_wait3A_147 = tpu.memref_slice %arg9[%rem3A_108, %dma_wait3A_144, %dma_wait3A_145, %dma_wait3A_146] : memref<2x25x1x80xi32, #tpu.memory_space<vmem>> -> memref<1x25x1x80xi32, #tpu.memory_space<vmem>>
              %dma_wait3A_148 = tpu.memref_squeeze %dma_wait3A_147 : memref<1x25x1x80xi32, #tpu.memory_space<vmem>> -> memref<25x1x80xi32, #tpu.memory_space<vmem>>
              %dma_wait3A_149 = arith.constant 0 : i32
              %dma_wait3A_150 = arith.constant 0 : i32
              %dma_wait3A_151 = tpu.memref_slice %arg4[%add3A_118, %dma_wait3A_149, %dma_wait3A_150] : memref<4008x1x80xi32, #tpu.memory_space<hbm>> -> memref<25x1x80xi32, #tpu.memory_space<hbm>>
              tpu.wait_dma2 semaphore(%run_scoped3A_119 : memref<!tpu.dma_semaphore, #tpu.memory_space<semaphore_mem>>) src(%dma_wait3A_151 : memref<25x1x80xi32, #tpu.memory_space<hbm>>) dst(%dma_wait3A_148 : memref<25x1x80xi32, #tpu.memory_space<vmem>>)
              tpu.yield
            }) : () -> ()
          } else {
          }
        } else {
        }
        %add3A_91 = arith.constant 2 : i32
        %add3A_92 = arith.addi %while3A_37, %add3A_91 : i32
        %lt3A_93 = arith.cmpi slt, %add3A_92, %add3A_8 : i32
        %convert_element_type3A_94 = arith.extui %lt3A_93 : i1 to i32
        %cond3A_95 = arith.constant 0 : i32
        %cond3A_96 = arith.cmpi ne, %convert_element_type3A_94, %cond3A_95 : i32
        scf.if %cond3A_96 {
          %add3A_97 = arith.constant 2 : i32
          %add3A_98 = arith.addi %while3A_37, %add3A_97 : i32
          %sub3A = arith.constant 3 : i32
          %sub3A_99 = arith.subi %add3A_98, %sub3A : i32
          %ge3A = arith.constant 0 : i32
          %ge3A_100 = arith.cmpi sge, %sub3A_99, %ge3A : i32
          %convert_element_type3A_101 = arith.extui %ge3A_100 : i1 to i32
          %cond3A_102 = arith.constant 0 : i32
          %cond3A_103 = arith.cmpi ne, %convert_element_type3A_101, %cond3A_102 : i32
          scf.if %cond3A_103 {
            %dma_wait3A_124 = arith.constant 1 : i32
            %dma_wait3A_125 = arith.constant 0 : i32
            %dma_wait3A_126 = arith.constant 0 : i32
            %dma_wait3A_127 = arith.constant 0 : i32
            %dma_wait3A_128 = arith.constant 0 : i32
            %dma_wait3A_129 = arith.constant 0 : i32
            %dma_wait3A_130 = tpu.memref_slice %arg10[%dma_wait3A_124, %dma_wait3A_128, %dma_wait3A_129] : memref<3x80x128xf32, #tpu.memory_space<vmem>> -> memref<1x80x128xf32, #tpu.memory_space<vmem>>
            %dma_wait3A_131 = tpu.memref_squeeze %dma_wait3A_130 : memref<1x80x128xf32, #tpu.memory_space<vmem>> -> memref<80x128xf32, #tpu.memory_space<vmem>>
            %dma_wait3A_132 = arith.constant 0 : i32
            %dma_wait3A_133 = tpu.memref_slice %arg9[%dma_wait3A_125, %dma_wait3A_126, %dma_wait3A_127, %dma_wait3A_132] : memref<2x25x1x80xi32, #tpu.memory_space<vmem>> -> memref<1x1x1x80xi32, #tpu.memory_space<vmem>>
            %dma_wait3A_134 = tpu.memref_squeeze %dma_wait3A_133 : memref<1x1x1x80xi32, #tpu.memory_space<vmem>> -> memref<80xi32, #tpu.memory_space<vmem>>
            %dma_wait3A_135 = arith.constant 0 : i32
            %dma_wait3A_136 = arith.constant 0 : i32
            %dma_wait3A_137 = tpu.memref_slice %arg7[%dma_wait3A_135, %dma_wait3A_136] : memref<10000x128xf32, #tpu.memory_space<vmem_shared>> -> memref<10000x128xf32, #tpu.memory_space<vmem_shared>>
            tpu.wait_indirect_dma semaphore(%arg15 : memref<!tpu.dma_semaphore, #tpu.memory_space<semaphore_mem>>) src(%dma_wait3A_131 : memref<80x128xf32, #tpu.memory_space<vmem>>) dst(%dma_wait3A_137 : memref<10000x128xf32, #tpu.memory_space<vmem_shared>>)
          } else {
          }
          %add3A_104 = arith.constant 2 : i32
          %add3A_105 = arith.addi %while3A_37, %add3A_104 : i32
          %div3A_106 = arith.constant 25 : i32
          %div3A_107 = arith.divsi %add3A_105, %div3A_106 : i32
          %rem3A_108 = arith.constant 2 : i32
          %rem3A_109 = arith.remsi %div3A_107, %rem3A_108 : i32
          %rem3A_110 = arith.constant 25 : i32
          %rem3A_111 = arith.remsi %add3A_105, %rem3A_110 : i32
          %dma_start3A_112 = arith.constant 0 : i32
          %dma_start3A_113 = arith.constant 1 : i32
          %dma_start3A_114 = arith.constant 0 : i32
          %dma_start3A_115 = arith.constant 0 : i32
          %dma_start3A_116 = tpu.memref_slice %arg10[%dma_start3A_113, %dma_start3A_114, %dma_start3A_115] : memref<3x80x128xf32, #tpu.memory_space<vmem>> -> memref<1x80x128xf32, #tpu.memory_space<vmem>>
          %dma_start3A_117 = tpu.memref_squeeze %dma_start3A_116 : memref<1x80x128xf32, #tpu.memory_space<vmem>> -> memref<80x128xf32, #tpu.memory_space<vmem>>
          %dma_start3A_118 = arith.constant 0 : i32
          %dma_start3A_119 = tpu.memref_slice %arg8[%rem3A_109, %rem3A_111, %dma_start3A_112, %dma_start3A_118] : memref<2x25x1x80xi32, #tpu.memory_space<vmem>> -> memref<1x1x1x80xi32, #tpu.memory_space<vmem>>
          %dma_start3A_120 = tpu.memref_squeeze %dma_start3A_119 : memref<1x1x1x80xi32, #tpu.memory_space<vmem>> -> memref<80xi32, #tpu.memory_space<vmem>>
          %dma_start3A_121 = arith.constant 0 : i32
          %dma_start3A_122 = arith.constant 0 : i32
          %dma_start3A_123 = tpu.memref_slice %arg2[%dma_start3A_121, %dma_start3A_122] : memref<10000x128xf32, #tpu.memory_space<hbm>> -> memref<10000x128xf32, #tpu.memory_space<hbm>>
          tpu.enqueue_indirect_dma source(%dma_start3A_123 : memref<10000x128xf32, #tpu.memory_space<hbm>>) target(%dma_start3A_117 : memref<80x128xf32, #tpu.memory_space<vmem>>) offsets(%dma_start3A_120 : memref<80xi32, #tpu.memory_space<vmem>>) semaphore(%arg12 : memref<!tpu.dma_semaphore, #tpu.memory_space<semaphore_mem>>)
        } else {
        }
      } else {
      }
    }
    %while3A_25 = arith.constant 1 : i32
    scf.for %while3A_37 = %while3A_23 to %while3A_19 step %while3A_25  : i32 {
      %div3A = arith.constant 25 : i32
      %div3A_38 = arith.divsi %while3A_37, %div3A : i32
      %rem3A = arith.constant 25 : i32
      %rem3A_39 = arith.remsi %while3A_37, %rem3A : i32
      %rem3A_40 = arith.constant 2 : i32
      %rem3A_41 = arith.remsi %div3A_38, %rem3A_40 : i32
      %rem3A_42 = arith.constant 3 : i32
      %rem3A_43 = arith.remsi %while3A_37, %rem3A_42 : i32
      %eq3A = arith.constant 0 : i32
      %eq3A_44 = arith.cmpi eq, %rem3A_43, %eq3A : i32
      %convert_element_type3A_45 = arith.extui %eq3A_44 : i1 to i32
      %cond3A_46 = arith.constant 0 : i32
      %cond3A_47 = arith.cmpi ne, %convert_element_type3A_45, %cond3A_46 : i32
      scf.if %cond3A_47 {
        %dma_wait3A = arith.constant 0 : i32
        %dma_wait3A_62 = arith.constant 0 : i32
        %dma_wait3A_63 = arith.constant 0 : i32
        %dma_wait3A_64 = arith.constant 0 : i32
        %dma_wait3A_65 = arith.constant 0 : i32
        %dma_wait3A_66 = arith.constant 0 : i32
        %dma_wait3A_67 = tpu.memref_slice %arg10[%dma_wait3A_64, %dma_wait3A_65, %dma_wait3A_66] : memref<3x80x128xf32, #tpu.memory_space<vmem>> -> memref<1x80x128xf32, #tpu.memory_space<vmem>>
        %dma_wait3A_68 = tpu.memref_squeeze %dma_wait3A_67 : memref<1x80x128xf32, #tpu.memory_space<vmem>> -> memref<80x128xf32, #tpu.memory_space<vmem>>
        %dma_wait3A_69 = arith.constant 0 : i32
        %dma_wait3A_70 = tpu.memref_slice %arg8[%dma_wait3A, %dma_wait3A_62, %dma_wait3A_63, %dma_wait3A_69] : memref<2x25x1x80xi32, #tpu.memory_space<vmem>> -> memref<1x1x1x80xi32, #tpu.memory_space<vmem>>
        %dma_wait3A_71 = tpu.memref_squeeze %dma_wait3A_70 : memref<1x1x1x80xi32, #tpu.memory_space<vmem>> -> memref<80xi32, #tpu.memory_space<vmem>>
        %dma_wait3A_72 = arith.constant 0 : i32
        %dma_wait3A_73 = arith.constant 0 : i32
        %dma_wait3A_74 = tpu.memref_slice %arg2[%dma_wait3A_72, %dma_wait3A_73] : memref<10000x128xf32, #tpu.memory_space<hbm>> -> memref<10000x128xf32, #tpu.memory_space<hbm>>
        tpu.wait_indirect_dma semaphore(%arg11 : memref<!tpu.dma_semaphore, #tpu.memory_space<semaphore_mem>>) src(%dma_wait3A_74 : memref<10000x128xf32, #tpu.memory_space<hbm>>) dst(%dma_wait3A_68 : memref<80x128xf32, #tpu.memory_space<vmem>>)
        %dma_start3A = arith.constant 0 : i32
        %dma_start3A_75 = arith.constant 0 : i32
        %dma_start3A_76 = arith.constant 0 : i32
        %dma_start3A_77 = arith.constant 0 : i32
        %dma_start3A_78 = tpu.memref_slice %arg10[%dma_start3A, %dma_start3A_76, %dma_start3A_77] : memref<3x80x128xf32, #tpu.memory_space<vmem>> -> memref<1x80x128xf32, #tpu.memory_space<vmem>>
        %dma_start3A_79 = tpu.memref_squeeze %dma_start3A_78 : memref<1x80x128xf32, #tpu.memory_space<vmem>> -> memref<80x128xf32, #tpu.memory_space<vmem>>
        %dma_start3A_80 = arith.constant 0 : i32
        %dma_start3A_81 = tpu.memref_slice %arg9[%rem3A_41, %rem3A_39, %dma_start3A_75, %dma_start3A_80] : memref<2x25x1x80xi32, #tpu.memory_space<vmem>> -> memref<1x1x1x80xi32, #tpu.memory_space<vmem>>
        %dma_start3A_82 = tpu.memref_squeeze %dma_start3A_81 : memref<1x1x1x80xi32, #tpu.memory_space<vmem>> -> memref<80xi32, #tpu.memory_space<vmem>>
        %dma_start3A_83 = arith.constant 0 : i32
        %dma_start3A_84 = arith.constant 0 : i32
        %dma_start3A_85 = tpu.memref_slice %arg7[%dma_start3A_83, %dma_start3A_84] : memref<10000x128xf32, #tpu.memory_space<vmem_shared>> -> memref<10000x128xf32, #tpu.memory_space<vmem_shared>>
        tpu.enqueue_indirect_dma source(%dma_start3A_79 : memref<80x128xf32, #tpu.memory_space<vmem>>) target(%dma_start3A_85 : memref<10000x128xf32, #tpu.memory_space<vmem_shared>>) offsets(%dma_start3A_82 : memref<80xi32, #tpu.memory_space<vmem>>) semaphore(%arg14 : memref<!tpu.dma_semaphore, #tpu.memory_space<semaphore_mem>>) {add = true}
        %eq3A_86 = arith.constant 22 : i32
        %eq3A_87 = arith.cmpi eq, %rem3A_39, %eq3A_86 : i32
        %convert_element_type3A_88 = arith.extui %eq3A_87 : i1 to i32
        %cond3A_89 = arith.constant 0 : i32
        %cond3A_90 = arith.cmpi ne, %convert_element_type3A_88, %cond3A_89 : i32
        scf.if %cond3A_90 {
          %add3A_97 = arith.constant 1 : i32
          %add3A_98 = arith.addi %div3A_38, %add3A_97 : i32
          %mul3A_99 = arith.constant 25 : i32
          %mul3A_100 = arith.muli %add3A_98, %mul3A_99 : i32
          %lt3A_101 = arith.cmpi slt, %mul3A_100, %add3A_8 : i32
          %convert_element_type3A_102 = arith.extui %lt3A_101 : i1 to i32
          %cond3A_103 = arith.constant 0 : i32
          %cond3A_104 = arith.cmpi ne, %convert_element_type3A_102, %cond3A_103 : i32
          scf.if %cond3A_104 {
            %add3A_105 = arith.constant 1 : i32
            %add3A_106 = arith.addi %div3A_38, %add3A_105 : i32
            %rem3A_107 = arith.constant 2 : i32
            %rem3A_108 = arith.remsi %add3A_106, %rem3A_107 : i32
            %add3A_109 = arith.constant 1 : i32
            %add3A_110 = arith.addi %div3A_38, %add3A_109 : i32
            %mul3A_111 = arith.constant 25 : i32
            %mul3A_112 = arith.muli %add3A_110, %mul3A_111 : i32
            %add3A_113 = arith.addi %add3A_4, %mul3A_112 : i32
            "tpu.region"() ({
              %run_scoped3A_119 = tpu.sem_alloc : memref<!tpu.dma_semaphore, #tpu.memory_space<semaphore_mem>>
              %dma_start3A_120 = arith.constant 0 : i32
              %dma_start3A_121 = arith.constant 0 : i32
              %dma_start3A_122 = arith.constant 0 : i32
              %dma_start3A_123 = tpu.memref_slice %arg8[%rem3A_108, %dma_start3A_120, %dma_start3A_121, %dma_start3A_122] : memref<2x25x1x80xi32, #tpu.memory_space<vmem>> -> memref<1x25x1x80xi32, #tpu.memory_space<vmem>>
              %dma_start3A_124 = tpu.memref_squeeze %dma_start3A_123 : memref<1x25x1x80xi32, #tpu.memory_space<vmem>> -> memref<25x1x80xi32, #tpu.memory_space<vmem>>
              %dma_start3A_125 = arith.constant 0 : i32
              %dma_start3A_126 = arith.constant 0 : i32
              %dma_start3A_127 = tpu.memref_slice %arg3[%add3A_113, %dma_start3A_125, %dma_start3A_126] : memref<4008x1x80xi32, #tpu.memory_space<hbm>> -> memref<25x1x80xi32, #tpu.memory_space<hbm>>
              %dma_start3A_128 = arith.constant 0 : i32
              %dma_start3A_129 = arith.constant 0 : i32
              %dma_start3A_130 = arith.constant 0 : i32
              %dma_start3A_131 = tpu.memref_slice %arg8[%rem3A_108, %dma_start3A_128, %dma_start3A_129, %dma_start3A_130] : memref<2x25x1x80xi32, #tpu.memory_space<vmem>> -> memref<1x25x1x80xi32, #tpu.memory_space<vmem>>
              %dma_start3A_132 = tpu.memref_squeeze %dma_start3A_131 : memref<1x25x1x80xi32, #tpu.memory_space<vmem>> -> memref<25x1x80xi32, #tpu.memory_space<vmem>>
              %dma_start3A_133 = arith.constant 0 : i32
              %dma_start3A_134 = arith.constant 0 : i32
              %dma_start3A_135 = tpu.memref_slice %arg3[%add3A_113, %dma_start3A_133, %dma_start3A_134] : memref<4008x1x80xi32, #tpu.memory_space<hbm>> -> memref<25x1x80xi32, #tpu.memory_space<hbm>>
              tpu.enqueue_dma source(%dma_start3A_135 : memref<25x1x80xi32, #tpu.memory_space<hbm>>) target(%dma_start3A_132 : memref<25x1x80xi32, #tpu.memory_space<vmem>>) target_semaphore(%run_scoped3A_119 : memref<!tpu.dma_semaphore, #tpu.memory_space<semaphore_mem>>)
              %dma_wait3A_136 = arith.constant 0 : i32
              %dma_wait3A_137 = arith.constant 0 : i32
              %dma_wait3A_138 = arith.constant 0 : i32
              %dma_wait3A_139 = tpu.memref_slice %arg8[%rem3A_108, %dma_wait3A_136, %dma_wait3A_137, %dma_wait3A_138] : memref<2x25x1x80xi32, #tpu.memory_space<vmem>> -> memref<1x25x1x80xi32, #tpu.memory_space<vmem>>
              %dma_wait3A_140 = tpu.memref_squeeze %dma_wait3A_139 : memref<1x25x1x80xi32, #tpu.memory_space<vmem>> -> memref<25x1x80xi32, #tpu.memory_space<vmem>>
              %dma_wait3A_141 = arith.constant 0 : i32
              %dma_wait3A_142 = arith.constant 0 : i32
              %dma_wait3A_143 = tpu.memref_slice %arg3[%add3A_113, %dma_wait3A_141, %dma_wait3A_142] : memref<4008x1x80xi32, #tpu.memory_space<hbm>> -> memref<25x1x80xi32, #tpu.memory_space<hbm>>
              %dma_wait3A_144 = arith.constant 0 : i32
              %dma_wait3A_145 = arith.constant 0 : i32
              %dma_wait3A_146 = arith.constant 0 : i32
              %dma_wait3A_147 = tpu.memref_slice %arg8[%rem3A_108, %dma_wait3A_144, %dma_wait3A_145, %dma_wait3A_146] : memref<2x25x1x80xi32, #tpu.memory_space<vmem>> -> memref<1x25x1x80xi32, #tpu.memory_space<vmem>>
              %dma_wait3A_148 = tpu.memref_squeeze %dma_wait3A_147 : memref<1x25x1x80xi32, #tpu.memory_space<vmem>> -> memref<25x1x80xi32, #tpu.memory_space<vmem>>
              %dma_wait3A_149 = arith.constant 0 : i32
              %dma_wait3A_150 = arith.constant 0 : i32
              %dma_wait3A_151 = tpu.memref_slice %arg3[%add3A_113, %dma_wait3A_149, %dma_wait3A_150] : memref<4008x1x80xi32, #tpu.memory_space<hbm>> -> memref<25x1x80xi32, #tpu.memory_space<hbm>>
              tpu.wait_dma2 semaphore(%run_scoped3A_119 : memref<!tpu.dma_semaphore, #tpu.memory_space<semaphore_mem>>) src(%dma_wait3A_151 : memref<25x1x80xi32, #tpu.memory_space<hbm>>) dst(%dma_wait3A_148 : memref<25x1x80xi32, #tpu.memory_space<vmem>>)
              tpu.yield
            }) : () -> ()
            %add3A_114 = arith.constant 1 : i32
            %add3A_115 = arith.addi %div3A_38, %add3A_114 : i32
            %mul3A_116 = arith.constant 25 : i32
            %mul3A_117 = arith.muli %add3A_115, %mul3A_116 : i32
            %add3A_118 = arith.addi %add3A_4, %mul3A_117 : i32
            "tpu.region"() ({
              %run_scoped3A_119 = tpu.sem_alloc : memref<!tpu.dma_semaphore, #tpu.memory_space<semaphore_mem>>
              %dma_start3A_120 = arith.constant 0 : i32
              %dma_start3A_121 = arith.constant 0 : i32
              %dma_start3A_122 = arith.constant 0 : i32
              %dma_start3A_123 = tpu.memref_slice %arg9[%rem3A_108, %dma_start3A_120, %dma_start3A_121, %dma_start3A_122] : memref<2x25x1x80xi32, #tpu.memory_space<vmem>> -> memref<1x25x1x80xi32, #tpu.memory_space<vmem>>
              %dma_start3A_124 = tpu.memref_squeeze %dma_start3A_123 : memref<1x25x1x80xi32, #tpu.memory_space<vmem>> -> memref<25x1x80xi32, #tpu.memory_space<vmem>>
              %dma_start3A_125 = arith.constant 0 : i32
              %dma_start3A_126 = arith.constant 0 : i32
              %dma_start3A_127 = tpu.memref_slice %arg4[%add3A_118, %dma_start3A_125, %dma_start3A_126] : memref<4008x1x80xi32, #tpu.memory_space<hbm>> -> memref<25x1x80xi32, #tpu.memory_space<hbm>>
              %dma_start3A_128 = arith.constant 0 : i32
              %dma_start3A_129 = arith.constant 0 : i32
              %dma_start3A_130 = arith.constant 0 : i32
              %dma_start3A_131 = tpu.memref_slice %arg9[%rem3A_108, %dma_start3A_128, %dma_start3A_129, %dma_start3A_130] : memref<2x25x1x80xi32, #tpu.memory_space<vmem>> -> memref<1x25x1x80xi32, #tpu.memory_space<vmem>>
              %dma_start3A_132 = tpu.memref_squeeze %dma_start3A_131 : memref<1x25x1x80xi32, #tpu.memory_space<vmem>> -> memref<25x1x80xi32, #tpu.memory_space<vmem>>
              %dma_start3A_133 = arith.constant 0 : i32
              %dma_start3A_134 = arith.constant 0 : i32
              %dma_start3A_135 = tpu.memref_slice %arg4[%add3A_118, %dma_start3A_133, %dma_start3A_134] : memref<4008x1x80xi32, #tpu.memory_space<hbm>> -> memref<25x1x80xi32, #tpu.memory_space<hbm>>
              tpu.enqueue_dma source(%dma_start3A_135 : memref<25x1x80xi32, #tpu.memory_space<hbm>>) target(%dma_start3A_132 : memref<25x1x80xi32, #tpu.memory_space<vmem>>) target_semaphore(%run_scoped3A_119 : memref<!tpu.dma_semaphore, #tpu.memory_space<semaphore_mem>>)
              %dma_wait3A_136 = arith.constant 0 : i32
              %dma_wait3A_137 = arith.constant 0 : i32
              %dma_wait3A_138 = arith.constant 0 : i32
              %dma_wait3A_139 = tpu.memref_slice %arg9[%rem3A_108, %dma_wait3A_136, %dma_wait3A_137, %dma_wait3A_138] : memref<2x25x1x80xi32, #tpu.memory_space<vmem>> -> memref<1x25x1x80xi32, #tpu.memory_space<vmem>>
              %dma_wait3A_140 = tpu.memref_squeeze %dma_wait3A_139 : memref<1x25x1x80xi32, #tpu.memory_space<vmem>> -> memref<25x1x80xi32, #tpu.memory_space<vmem>>
              %dma_wait3A_141 = arith.constant 0 : i32
              %dma_wait3A_142 = arith.constant 0 : i32
              %dma_wait3A_143 = tpu.memref_slice %arg4[%add3A_118, %dma_wait3A_141, %dma_wait3A_142] : memref<4008x1x80xi32, #tpu.memory_space<hbm>> -> memref<25x1x80xi32, #tpu.memory_space<hbm>>
              %dma_wait3A_144 = arith.constant 0 : i32
              %dma_wait3A_145 = arith.constant 0 : i32
              %dma_wait3A_146 = arith.constant 0 : i32
              %dma_wait3A_147 = tpu.memref_slice %arg9[%rem3A_108, %dma_wait3A_144, %dma_wait3A_145, %dma_wait3A_146] : memref<2x25x1x80xi32, #tpu.memory_space<vmem>> -> memref<1x25x1x80xi32, #tpu.memory_space<vmem>>
              %dma_wait3A_148 = tpu.memref_squeeze %dma_wait3A_147 : memref<1x25x1x80xi32, #tpu.memory_space<vmem>> -> memref<25x1x80xi32, #tpu.memory_space<vmem>>
              %dma_wait3A_149 = arith.constant 0 : i32
              %dma_wait3A_150 = arith.constant 0 : i32
              %dma_wait3A_151 = tpu.memref_slice %arg4[%add3A_118, %dma_wait3A_149, %dma_wait3A_150] : memref<4008x1x80xi32, #tpu.memory_space<hbm>> -> memref<25x1x80xi32, #tpu.memory_space<hbm>>
              tpu.wait_dma2 semaphore(%run_scoped3A_119 : memref<!tpu.dma_semaphore, #tpu.memory_space<semaphore_mem>>) src(%dma_wait3A_151 : memref<25x1x80xi32, #tpu.memory_space<hbm>>) dst(%dma_wait3A_148 : memref<25x1x80xi32, #tpu.memory_space<vmem>>)
              tpu.yield
            }) : () -> ()
          } else {
          }
        } else {
        }
        %add3A_91 = arith.constant 2 : i32
        %add3A_92 = arith.addi %while3A_37, %add3A_91 : i32
        %lt3A_93 = arith.cmpi slt, %add3A_92, %add3A_8 : i32
        %convert_element_type3A_94 = arith.extui %lt3A_93 : i1 to i32
        %cond3A_95 = arith.constant 0 : i32
        %cond3A_96 = arith.cmpi ne, %convert_element_type3A_94, %cond3A_95 : i32
        scf.if %cond3A_96 {
          %add3A_97 = arith.constant 2 : i32
          %add3A_98 = arith.addi %while3A_37, %add3A_97 : i32
          %sub3A = arith.constant 3 : i32
          %sub3A_99 = arith.subi %add3A_98, %sub3A : i32
          %ge3A = arith.constant 0 : i32
          %ge3A_100 = arith.cmpi sge, %sub3A_99, %ge3A : i32
          %convert_element_type3A_101 = arith.extui %ge3A_100 : i1 to i32
          %cond3A_102 = arith.constant 0 : i32
          %cond3A_103 = arith.cmpi ne, %convert_element_type3A_101, %cond3A_102 : i32
          scf.if %cond3A_103 {
            %dma_wait3A_124 = arith.constant 2 : i32
            %dma_wait3A_125 = arith.constant 0 : i32
            %dma_wait3A_126 = arith.constant 0 : i32
            %dma_wait3A_127 = arith.constant 0 : i32
            %dma_wait3A_128 = arith.constant 0 : i32
            %dma_wait3A_129 = arith.constant 0 : i32
            %dma_wait3A_130 = tpu.memref_slice %arg10[%dma_wait3A_124, %dma_wait3A_128, %dma_wait3A_129] : memref<3x80x128xf32, #tpu.memory_space<vmem>> -> memref<1x80x128xf32, #tpu.memory_space<vmem>>
            %dma_wait3A_131 = tpu.memref_squeeze %dma_wait3A_130 : memref<1x80x128xf32, #tpu.memory_space<vmem>> -> memref<80x128xf32, #tpu.memory_space<vmem>>
            %dma_wait3A_132 = arith.constant 0 : i32
            %dma_wait3A_133 = tpu.memref_slice %arg9[%dma_wait3A_125, %dma_wait3A_126, %dma_wait3A_127, %dma_wait3A_132] : memref<2x25x1x80xi32, #tpu.memory_space<vmem>> -> memref<1x1x1x80xi32, #tpu.memory_space<vmem>>
            %dma_wait3A_134 = tpu.memref_squeeze %dma_wait3A_133 : memref<1x1x1x80xi32, #tpu.memory_space<vmem>> -> memref<80xi32, #tpu.memory_space<vmem>>
            %dma_wait3A_135 = arith.constant 0 : i32
            %dma_wait3A_136 = arith.constant 0 : i32
            %dma_wait3A_137 = tpu.memref_slice %arg7[%dma_wait3A_135, %dma_wait3A_136] : memref<10000x128xf32, #tpu.memory_space<vmem_shared>> -> memref<10000x128xf32, #tpu.memory_space<vmem_shared>>
            tpu.wait_indirect_dma semaphore(%arg16 : memref<!tpu.dma_semaphore, #tpu.memory_space<semaphore_mem>>) src(%dma_wait3A_131 : memref<80x128xf32, #tpu.memory_space<vmem>>) dst(%dma_wait3A_137 : memref<10000x128xf32, #tpu.memory_space<vmem_shared>>)
          } else {
          }
          %add3A_104 = arith.constant 2 : i32
          %add3A_105 = arith.addi %while3A_37, %add3A_104 : i32
          %div3A_106 = arith.constant 25 : i32
          %div3A_107 = arith.divsi %add3A_105, %div3A_106 : i32
          %rem3A_108 = arith.constant 2 : i32
          %rem3A_109 = arith.remsi %div3A_107, %rem3A_108 : i32
          %rem3A_110 = arith.constant 25 : i32
          %rem3A_111 = arith.remsi %add3A_105, %rem3A_110 : i32
          %dma_start3A_112 = arith.constant 0 : i32
          %dma_start3A_113 = arith.constant 2 : i32
          %dma_start3A_114 = arith.constant 0 : i32
          %dma_start3A_115 = arith.constant 0 : i32
          %dma_start3A_116 = tpu.memref_slice %arg10[%dma_start3A_113, %dma_start3A_114, %dma_start3A_115] : memref<3x80x128xf32, #tpu.memory_space<vmem>> -> memref<1x80x128xf32, #tpu.memory_space<vmem>>
          %dma_start3A_117 = tpu.memref_squeeze %dma_start3A_116 : memref<1x80x128xf32, #tpu.memory_space<vmem>> -> memref<80x128xf32, #tpu.memory_space<vmem>>
          %dma_start3A_118 = arith.constant 0 : i32
          %dma_start3A_119 = tpu.memref_slice %arg8[%rem3A_109, %rem3A_111, %dma_start3A_112, %dma_start3A_118] : memref<2x25x1x80xi32, #tpu.memory_space<vmem>> -> memref<1x1x1x80xi32, #tpu.memory_space<vmem>>
          %dma_start3A_120 = tpu.memref_squeeze %dma_start3A_119 : memref<1x1x1x80xi32, #tpu.memory_space<vmem>> -> memref<80xi32, #tpu.memory_space<vmem>>
          %dma_start3A_121 = arith.constant 0 : i32
          %dma_start3A_122 = arith.constant 0 : i32
          %dma_start3A_123 = tpu.memref_slice %arg2[%dma_start3A_121, %dma_start3A_122] : memref<10000x128xf32, #tpu.memory_space<hbm>> -> memref<10000x128xf32, #tpu.memory_space<hbm>>
          tpu.enqueue_indirect_dma source(%dma_start3A_123 : memref<10000x128xf32, #tpu.memory_space<hbm>>) target(%dma_start3A_117 : memref<80x128xf32, #tpu.memory_space<vmem>>) offsets(%dma_start3A_120 : memref<80xi32, #tpu.memory_space<vmem>>) semaphore(%arg13 : memref<!tpu.dma_semaphore, #tpu.memory_space<semaphore_mem>>)
        } else {
        }
      } else {
      }
      %rem3A_48 = arith.constant 3 : i32
      %rem3A_49 = arith.remsi %while3A_37, %rem3A_48 : i32
      %eq3A_50 = arith.constant 1 : i32
      %eq3A_51 = arith.cmpi eq, %rem3A_49, %eq3A_50 : i32
      %convert_element_type3A_52 = arith.extui %eq3A_51 : i1 to i32
      %cond3A_53 = arith.constant 0 : i32
      %cond3A_54 = arith.cmpi ne, %convert_element_type3A_52, %cond3A_53 : i32
      scf.if %cond3A_54 {
        %dma_wait3A = arith.constant 0 : i32
        %dma_wait3A_62 = arith.constant 0 : i32
        %dma_wait3A_63 = arith.constant 0 : i32
        %dma_wait3A_64 = arith.constant 1 : i32
        %dma_wait3A_65 = arith.constant 0 : i32
        %dma_wait3A_66 = arith.constant 0 : i32
        %dma_wait3A_67 = tpu.memref_slice %arg10[%dma_wait3A_64, %dma_wait3A_65, %dma_wait3A_66] : memref<3x80x128xf32, #tpu.memory_space<vmem>> -> memref<1x80x128xf32, #tpu.memory_space<vmem>>
        %dma_wait3A_68 = tpu.memref_squeeze %dma_wait3A_67 : memref<1x80x128xf32, #tpu.memory_space<vmem>> -> memref<80x128xf32, #tpu.memory_space<vmem>>
        %dma_wait3A_69 = arith.constant 0 : i32
        %dma_wait3A_70 = tpu.memref_slice %arg8[%dma_wait3A, %dma_wait3A_62, %dma_wait3A_63, %dma_wait3A_69] : memref<2x25x1x80xi32, #tpu.memory_space<vmem>> -> memref<1x1x1x80xi32, #tpu.memory_space<vmem>>
        %dma_wait3A_71 = tpu.memref_squeeze %dma_wait3A_70 : memref<1x1x1x80xi32, #tpu.memory_space<vmem>> -> memref<80xi32, #tpu.memory_space<vmem>>
        %dma_wait3A_72 = arith.constant 0 : i32
        %dma_wait3A_73 = arith.constant 0 : i32
        %dma_wait3A_74 = tpu.memref_slice %arg2[%dma_wait3A_72, %dma_wait3A_73] : memref<10000x128xf32, #tpu.memory_space<hbm>> -> memref<10000x128xf32, #tpu.memory_space<hbm>>
        tpu.wait_indirect_dma semaphore(%arg12 : memref<!tpu.dma_semaphore, #tpu.memory_space<semaphore_mem>>) src(%dma_wait3A_74 : memref<10000x128xf32, #tpu.memory_space<hbm>>) dst(%dma_wait3A_68 : memref<80x128xf32, #tpu.memory_space<vmem>>)
        %dma_start3A = arith.constant 1 : i32
        %dma_start3A_75 = arith.constant 0 : i32
        %dma_start3A_76 = arith.constant 0 : i32
        %dma_start3A_77 = arith.constant 0 : i32
        %dma_start3A_78 = tpu.memref_slice %arg10[%dma_start3A, %dma_start3A_76, %dma_start3A_77] : memref<3x80x128xf32, #tpu.memory_space<vmem>> -> memref<1x80x128xf32, #tpu.memory_space<vmem>>
        %dma_start3A_79 = tpu.memref_squeeze %dma_start3A_78 : memref<1x80x128xf32, #tpu.memory_space<vmem>> -> memref<80x128xf32, #tpu.memory_space<vmem>>
        %dma_start3A_80 = arith.constant 0 : i32
        %dma_start3A_81 = tpu.memref_slice %arg9[%rem3A_41, %rem3A_39, %dma_start3A_75, %dma_start3A_80] : memref<2x25x1x80xi32, #tpu.memory_space<vmem>> -> memref<1x1x1x80xi32, #tpu.memory_space<vmem>>
        %dma_start3A_82 = tpu.memref_squeeze %dma_start3A_81 : memref<1x1x1x80xi32, #tpu.memory_space<vmem>> -> memref<80xi32, #tpu.memory_space<vmem>>
        %dma_start3A_83 = arith.constant 0 : i32
        %dma_start3A_84 = arith.constant 0 : i32
        %dma_start3A_85 = tpu.memref_slice %arg7[%dma_start3A_83, %dma_start3A_84] : memref<10000x128xf32, #tpu.memory_space<vmem_shared>> -> memref<10000x128xf32, #tpu.memory_space<vmem_shared>>
        tpu.enqueue_indirect_dma source(%dma_start3A_79 : memref<80x128xf32, #tpu.memory_space<vmem>>) target(%dma_start3A_85 : memref<10000x128xf32, #tpu.memory_space<vmem_shared>>) offsets(%dma_start3A_82 : memref<80xi32, #tpu.memory_space<vmem>>) semaphore(%arg15 : memref<!tpu.dma_semaphore, #tpu.memory_space<semaphore_mem>>) {add = true}
        %eq3A_86 = arith.constant 22 : i32
        %eq3A_87 = arith.cmpi eq, %rem3A_39, %eq3A_86 : i32
        %convert_element_type3A_88 = arith.extui %eq3A_87 : i1 to i32
        %cond3A_89 = arith.constant 0 : i32
        %cond3A_90 = arith.cmpi ne, %convert_element_type3A_88, %cond3A_89 : i32
        scf.if %cond3A_90 {
          %add3A_97 = arith.constant 1 : i32
          %add3A_98 = arith.addi %div3A_38, %add3A_97 : i32
          %mul3A_99 = arith.constant 25 : i32
          %mul3A_100 = arith.muli %add3A_98, %mul3A_99 : i32
          %lt3A_101 = arith.cmpi slt, %mul3A_100, %add3A_8 : i32
          %convert_element_type3A_102 = arith.extui %lt3A_101 : i1 to i32
          %cond3A_103 = arith.constant 0 : i32
          %cond3A_104 = arith.cmpi ne, %convert_element_type3A_102, %cond3A_103 : i32
          scf.if %cond3A_104 {
            %add3A_105 = arith.constant 1 : i32
            %add3A_106 = arith.addi %div3A_38, %add3A_105 : i32
            %rem3A_107 = arith.constant 2 : i32
            %rem3A_108 = arith.remsi %add3A_106, %rem3A_107 : i32
            %add3A_109 = arith.constant 1 : i32
            %add3A_110 = arith.addi %div3A_38, %add3A_109 : i32
            %mul3A_111 = arith.constant 25 : i32
            %mul3A_112 = arith.muli %add3A_110, %mul3A_111 : i32
            %add3A_113 = arith.addi %add3A_4, %mul3A_112 : i32
            "tpu.region"() ({
              %run_scoped3A_119 = tpu.sem_alloc : memref<!tpu.dma_semaphore, #tpu.memory_space<semaphore_mem>>
              %dma_start3A_120 = arith.constant 0 : i32
              %dma_start3A_121 = arith.constant 0 : i32
              %dma_start3A_122 = arith.constant 0 : i32
              %dma_start3A_123 = tpu.memref_slice %arg8[%rem3A_108, %dma_start3A_120, %dma_start3A_121, %dma_start3A_122] : memref<2x25x1x80xi32, #tpu.memory_space<vmem>> -> memref<1x25x1x80xi32, #tpu.memory_space<vmem>>
              %dma_start3A_124 = tpu.memref_squeeze %dma_start3A_123 : memref<1x25x1x80xi32, #tpu.memory_space<vmem>> -> memref<25x1x80xi32, #tpu.memory_space<vmem>>
              %dma_start3A_125 = arith.constant 0 : i32
              %dma_start3A_126 = arith.constant 0 : i32
              %dma_start3A_127 = tpu.memref_slice %arg3[%add3A_113, %dma_start3A_125, %dma_start3A_126] : memref<4008x1x80xi32, #tpu.memory_space<hbm>> -> memref<25x1x80xi32, #tpu.memory_space<hbm>>
              %dma_start3A_128 = arith.constant 0 : i32
              %dma_start3A_129 = arith.constant 0 : i32
              %dma_start3A_130 = arith.constant 0 : i32
              %dma_start3A_131 = tpu.memref_slice %arg8[%rem3A_108, %dma_start3A_128, %dma_start3A_129, %dma_start3A_130] : memref<2x25x1x80xi32, #tpu.memory_space<vmem>> -> memref<1x25x1x80xi32, #tpu.memory_space<vmem>>
              %dma_start3A_132 = tpu.memref_squeeze %dma_start3A_131 : memref<1x25x1x80xi32, #tpu.memory_space<vmem>> -> memref<25x1x80xi32, #tpu.memory_space<vmem>>
              %dma_start3A_133 = arith.constant 0 : i32
              %dma_start3A_134 = arith.constant 0 : i32
              %dma_start3A_135 = tpu.memref_slice %arg3[%add3A_113, %dma_start3A_133, %dma_start3A_134] : memref<4008x1x80xi32, #tpu.memory_space<hbm>> -> memref<25x1x80xi32, #tpu.memory_space<hbm>>
              tpu.enqueue_dma source(%dma_start3A_135 : memref<25x1x80xi32, #tpu.memory_space<hbm>>) target(%dma_start3A_132 : memref<25x1x80xi32, #tpu.memory_space<vmem>>) target_semaphore(%run_scoped3A_119 : memref<!tpu.dma_semaphore, #tpu.memory_space<semaphore_mem>>)
              %dma_wait3A_136 = arith.constant 0 : i32
              %dma_wait3A_137 = arith.constant 0 : i32
              %dma_wait3A_138 = arith.constant 0 : i32
              %dma_wait3A_139 = tpu.memref_slice %arg8[%rem3A_108, %dma_wait3A_136, %dma_wait3A_137, %dma_wait3A_138] : memref<2x25x1x80xi32, #tpu.memory_space<vmem>> -> memref<1x25x1x80xi32, #tpu.memory_space<vmem>>
              %dma_wait3A_140 = tpu.memref_squeeze %dma_wait3A_139 : memref<1x25x1x80xi32, #tpu.memory_space<vmem>> -> memref<25x1x80xi32, #tpu.memory_space<vmem>>
              %dma_wait3A_141 = arith.constant 0 : i32
              %dma_wait3A_142 = arith.constant 0 : i32
              %dma_wait3A_143 = tpu.memref_slice %arg3[%add3A_113, %dma_wait3A_141, %dma_wait3A_142] : memref<4008x1x80xi32, #tpu.memory_space<hbm>> -> memref<25x1x80xi32, #tpu.memory_space<hbm>>
              %dma_wait3A_144 = arith.constant 0 : i32
              %dma_wait3A_145 = arith.constant 0 : i32
              %dma_wait3A_146 = arith.constant 0 : i32
              %dma_wait3A_147 = tpu.memref_slice %arg8[%rem3A_108, %dma_wait3A_144, %dma_wait3A_145, %dma_wait3A_146] : memref<2x25x1x80xi32, #tpu.memory_space<vmem>> -> memref<1x25x1x80xi32, #tpu.memory_space<vmem>>
              %dma_wait3A_148 = tpu.memref_squeeze %dma_wait3A_147 : memref<1x25x1x80xi32, #tpu.memory_space<vmem>> -> memref<25x1x80xi32, #tpu.memory_space<vmem>>
              %dma_wait3A_149 = arith.constant 0 : i32
              %dma_wait3A_150 = arith.constant 0 : i32
              %dma_wait3A_151 = tpu.memref_slice %arg3[%add3A_113, %dma_wait3A_149, %dma_wait3A_150] : memref<4008x1x80xi32, #tpu.memory_space<hbm>> -> memref<25x1x80xi32, #tpu.memory_space<hbm>>
              tpu.wait_dma2 semaphore(%run_scoped3A_119 : memref<!tpu.dma_semaphore, #tpu.memory_space<semaphore_mem>>) src(%dma_wait3A_151 : memref<25x1x80xi32, #tpu.memory_space<hbm>>) dst(%dma_wait3A_148 : memref<25x1x80xi32, #tpu.memory_space<vmem>>)
              tpu.yield
            }) : () -> ()
            %add3A_114 = arith.constant 1 : i32
            %add3A_115 = arith.addi %div3A_38, %add3A_114 : i32
            %mul3A_116 = arith.constant 25 : i32
            %mul3A_117 = arith.muli %add3A_115, %mul3A_116 : i32
            %add3A_118 = arith.addi %add3A_4, %mul3A_117 : i32
            "tpu.region"() ({
              %run_scoped3A_119 = tpu.sem_alloc : memref<!tpu.dma_semaphore, #tpu.memory_space<semaphore_mem>>
              %dma_start3A_120 = arith.constant 0 : i32
              %dma_start3A_121 = arith.constant 0 : i32
              %dma_start3A_122 = arith.constant 0 : i32
              %dma_start3A_123 = tpu.memref_slice %arg9[%rem3A_108, %dma_start3A_120, %dma_start3A_121, %dma_start3A_122] : memref<2x25x1x80xi32, #tpu.memory_space<vmem>> -> memref<1x25x1x80xi32, #tpu.memory_space<vmem>>
              %dma_start3A_124 = tpu.memref_squeeze %dma_start3A_123 : memref<1x25x1x80xi32, #tpu.memory_space<vmem>> -> memref<25x1x80xi32, #tpu.memory_space<vmem>>
              %dma_start3A_125 = arith.constant 0 : i32
              %dma_start3A_126 = arith.constant 0 : i32
              %dma_start3A_127 = tpu.memref_slice %arg4[%add3A_118, %dma_start3A_125, %dma_start3A_126] : memref<4008x1x80xi32, #tpu.memory_space<hbm>> -> memref<25x1x80xi32, #tpu.memory_space<hbm>>
              %dma_start3A_128 = arith.constant 0 : i32
              %dma_start3A_129 = arith.constant 0 : i32
              %dma_start3A_130 = arith.constant 0 : i32
              %dma_start3A_131 = tpu.memref_slice %arg9[%rem3A_108, %dma_start3A_128, %dma_start3A_129, %dma_start3A_130] : memref<2x25x1x80xi32, #tpu.memory_space<vmem>> -> memref<1x25x1x80xi32, #tpu.memory_space<vmem>>
              %dma_start3A_132 = tpu.memref_squeeze %dma_start3A_131 : memref<1x25x1x80xi32, #tpu.memory_space<vmem>> -> memref<25x1x80xi32, #tpu.memory_space<vmem>>
              %dma_start3A_133 = arith.constant 0 : i32
              %dma_start3A_134 = arith.constant 0 : i32
              %dma_start3A_135 = tpu.memref_slice %arg4[%add3A_118, %dma_start3A_133, %dma_start3A_134] : memref<4008x1x80xi32, #tpu.memory_space<hbm>> -> memref<25x1x80xi32, #tpu.memory_space<hbm>>
              tpu.enqueue_dma source(%dma_start3A_135 : memref<25x1x80xi32, #tpu.memory_space<hbm>>) target(%dma_start3A_132 : memref<25x1x80xi32, #tpu.memory_space<vmem>>) target_semaphore(%run_scoped3A_119 : memref<!tpu.dma_semaphore, #tpu.memory_space<semaphore_mem>>)
              %dma_wait3A_136 = arith.constant 0 : i32
              %dma_wait3A_137 = arith.constant 0 : i32
              %dma_wait3A_138 = arith.constant 0 : i32
              %dma_wait3A_139 = tpu.memref_slice %arg9[%rem3A_108, %dma_wait3A_136, %dma_wait3A_137, %dma_wait3A_138] : memref<2x25x1x80xi32, #tpu.memory_space<vmem>> -> memref<1x25x1x80xi32, #tpu.memory_space<vmem>>
              %dma_wait3A_140 = tpu.memref_squeeze %dma_wait3A_139 : memref<1x25x1x80xi32, #tpu.memory_space<vmem>> -> memref<25x1x80xi32, #tpu.memory_space<vmem>>
              %dma_wait3A_141 = arith.constant 0 : i32
              %dma_wait3A_142 = arith.constant 0 : i32
              %dma_wait3A_143 = tpu.memref_slice %arg4[%add3A_118, %dma_wait3A_141, %dma_wait3A_142] : memref<4008x1x80xi32, #tpu.memory_space<hbm>> -> memref<25x1x80xi32, #tpu.memory_space<hbm>>
              %dma_wait3A_144 = arith.constant 0 : i32
              %dma_wait3A_145 = arith.constant 0 : i32
              %dma_wait3A_146 = arith.constant 0 : i32
              %dma_wait3A_147 = tpu.memref_slice %arg9[%rem3A_108, %dma_wait3A_144, %dma_wait3A_145, %dma_wait3A_146] : memref<2x25x1x80xi32, #tpu.memory_space<vmem>> -> memref<1x25x1x80xi32, #tpu.memory_space<vmem>>
              %dma_wait3A_148 = tpu.memref_squeeze %dma_wait3A_147 : memref<1x25x1x80xi32, #tpu.memory_space<vmem>> -> memref<25x1x80xi32, #tpu.memory_space<vmem>>
              %dma_wait3A_149 = arith.constant 0 : i32
              %dma_wait3A_150 = arith.constant 0 : i32
              %dma_wait3A_151 = tpu.memref_slice %arg4[%add3A_118, %dma_wait3A_149, %dma_wait3A_150] : memref<4008x1x80xi32, #tpu.memory_space<hbm>> -> memref<25x1x80xi32, #tpu.memory_space<hbm>>
              tpu.wait_dma2 semaphore(%run_scoped3A_119 : memref<!tpu.dma_semaphore, #tpu.memory_space<semaphore_mem>>) src(%dma_wait3A_151 : memref<25x1x80xi32, #tpu.memory_space<hbm>>) dst(%dma_wait3A_148 : memref<25x1x80xi32, #tpu.memory_space<vmem>>)
              tpu.yield
            }) : () -> ()
          } else {
          }
        } else {
        }
        %add3A_91 = arith.constant 2 : i32
        %add3A_92 = arith.addi %while3A_37, %add3A_91 : i32
        %lt3A_93 = arith.cmpi slt, %add3A_92, %add3A_8 : i32
        %convert_element_type3A_94 = arith.extui %lt3A_93 : i1 to i32
        %cond3A_95 = arith.constant 0 : i32
        %cond3A_96 = arith.cmpi ne, %convert_element_type3A_94, %cond3A_95 : i32
        scf.if %cond3A_96 {
          %add3A_97 = arith.constant 2 : i32
          %add3A_98 = arith.addi %while3A_37, %add3A_97 : i32
          %sub3A = arith.constant 3 : i32
          %sub3A_99 = arith.subi %add3A_98, %sub3A : i32
          %ge3A = arith.constant 0 : i32
          %ge3A_100 = arith.cmpi sge, %sub3A_99, %ge3A : i32
          %convert_element_type3A_101 = arith.extui %ge3A_100 : i1 to i32
          %cond3A_102 = arith.constant 0 : i32
          %cond3A_103 = arith.cmpi ne, %convert_element_type3A_101, %cond3A_102 : i32
          scf.if %cond3A_103 {
            %dma_wait3A_124 = arith.constant 0 : i32
            %dma_wait3A_125 = arith.constant 0 : i32
            %dma_wait3A_126 = arith.constant 0 : i32
            %dma_wait3A_127 = arith.constant 0 : i32
            %dma_wait3A_128 = arith.constant 0 : i32
            %dma_wait3A_129 = arith.constant 0 : i32
            %dma_wait3A_130 = tpu.memref_slice %arg10[%dma_wait3A_124, %dma_wait3A_128, %dma_wait3A_129] : memref<3x80x128xf32, #tpu.memory_space<vmem>> -> memref<1x80x128xf32, #tpu.memory_space<vmem>>
            %dma_wait3A_131 = tpu.memref_squeeze %dma_wait3A_130 : memref<1x80x128xf32, #tpu.memory_space<vmem>> -> memref<80x128xf32, #tpu.memory_space<vmem>>
            %dma_wait3A_132 = arith.constant 0 : i32
            %dma_wait3A_133 = tpu.memref_slice %arg9[%dma_wait3A_125, %dma_wait3A_126, %dma_wait3A_127, %dma_wait3A_132] : memref<2x25x1x80xi32, #tpu.memory_space<vmem>> -> memref<1x1x1x80xi32, #tpu.memory_space<vmem>>
            %dma_wait3A_134 = tpu.memref_squeeze %dma_wait3A_133 : memref<1x1x1x80xi32, #tpu.memory_space<vmem>> -> memref<80xi32, #tpu.memory_space<vmem>>
            %dma_wait3A_135 = arith.constant 0 : i32
            %dma_wait3A_136 = arith.constant 0 : i32
            %dma_wait3A_137 = tpu.memref_slice %arg7[%dma_wait3A_135, %dma_wait3A_136] : memref<10000x128xf32, #tpu.memory_space<vmem_shared>> -> memref<10000x128xf32, #tpu.memory_space<vmem_shared>>
            tpu.wait_indirect_dma semaphore(%arg14 : memref<!tpu.dma_semaphore, #tpu.memory_space<semaphore_mem>>) src(%dma_wait3A_131 : memref<80x128xf32, #tpu.memory_space<vmem>>) dst(%dma_wait3A_137 : memref<10000x128xf32, #tpu.memory_space<vmem_shared>>)
          } else {
          }
          %add3A_104 = arith.constant 2 : i32
          %add3A_105 = arith.addi %while3A_37, %add3A_104 : i32
          %div3A_106 = arith.constant 25 : i32
          %div3A_107 = arith.divsi %add3A_105, %div3A_106 : i32
          %rem3A_108 = arith.constant 2 : i32
          %rem3A_109 = arith.remsi %div3A_107, %rem3A_108 : i32
          %rem3A_110 = arith.constant 25 : i32
          %rem3A_111 = arith.remsi %add3A_105, %rem3A_110 : i32
          %dma_start3A_112 = arith.constant 0 : i32
          %dma_start3A_113 = arith.constant 0 : i32
          %dma_start3A_114 = arith.constant 0 : i32
          %dma_start3A_115 = arith.constant 0 : i32
          %dma_start3A_116 = tpu.memref_slice %arg10[%dma_start3A_113, %dma_start3A_114, %dma_start3A_115] : memref<3x80x128xf32, #tpu.memory_space<vmem>> -> memref<1x80x128xf32, #tpu.memory_space<vmem>>
          %dma_start3A_117 = tpu.memref_squeeze %dma_start3A_116 : memref<1x80x128xf32, #tpu.memory_space<vmem>> -> memref<80x128xf32, #tpu.memory_space<vmem>>
          %dma_start3A_118 = arith.constant 0 : i32
          %dma_start3A_119 = tpu.memref_slice %arg8[%rem3A_109, %rem3A_111, %dma_start3A_112, %dma_start3A_118] : memref<2x25x1x80xi32, #tpu.memory_space<vmem>> -> memref<1x1x1x80xi32, #tpu.memory_space<vmem>>
          %dma_start3A_120 = tpu.memref_squeeze %dma_start3A_119 : memref<1x1x1x80xi32, #tpu.memory_space<vmem>> -> memref<80xi32, #tpu.memory_space<vmem>>
          %dma_start3A_121 = arith.constant 0 : i32
          %dma_start3A_122 = arith.constant 0 : i32
          %dma_start3A_123 = tpu.memref_slice %arg2[%dma_start3A_121, %dma_start3A_122] : memref<10000x128xf32, #tpu.memory_space<hbm>> -> memref<10000x128xf32, #tpu.memory_space<hbm>>
          tpu.enqueue_indirect_dma source(%dma_start3A_123 : memref<10000x128xf32, #tpu.memory_space<hbm>>) target(%dma_start3A_117 : memref<80x128xf32, #tpu.memory_space<vmem>>) offsets(%dma_start3A_120 : memref<80xi32, #tpu.memory_space<vmem>>) semaphore(%arg11 : memref<!tpu.dma_semaphore, #tpu.memory_space<semaphore_mem>>)
        } else {
        }
      } else {
      }
      %rem3A_55 = arith.constant 3 : i32
      %rem3A_56 = arith.remsi %while3A_37, %rem3A_55 : i32
      %eq3A_57 = arith.constant 2 : i32
      %eq3A_58 = arith.cmpi eq, %rem3A_56, %eq3A_57 : i32
      %convert_element_type3A_59 = arith.extui %eq3A_58 : i1 to i32
      %cond3A_60 = arith.constant 0 : i32
      %cond3A_61 = arith.cmpi ne, %convert_element_type3A_59, %cond3A_60 : i32
      scf.if %cond3A_61 {
        %dma_wait3A = arith.constant 0 : i32
        %dma_wait3A_62 = arith.constant 0 : i32
        %dma_wait3A_63 = arith.constant 0 : i32
        %dma_wait3A_64 = arith.constant 2 : i32
        %dma_wait3A_65 = arith.constant 0 : i32
        %dma_wait3A_66 = arith.constant 0 : i32
        %dma_wait3A_67 = tpu.memref_slice %arg10[%dma_wait3A_64, %dma_wait3A_65, %dma_wait3A_66] : memref<3x80x128xf32, #tpu.memory_space<vmem>> -> memref<1x80x128xf32, #tpu.memory_space<vmem>>
        %dma_wait3A_68 = tpu.memref_squeeze %dma_wait3A_67 : memref<1x80x128xf32, #tpu.memory_space<vmem>> -> memref<80x128xf32, #tpu.memory_space<vmem>>
        %dma_wait3A_69 = arith.constant 0 : i32
        %dma_wait3A_70 = tpu.memref_slice %arg8[%dma_wait3A, %dma_wait3A_62, %dma_wait3A_63, %dma_wait3A_69] : memref<2x25x1x80xi32, #tpu.memory_space<vmem>> -> memref<1x1x1x80xi32, #tpu.memory_space<vmem>>
        %dma_wait3A_71 = tpu.memref_squeeze %dma_wait3A_70 : memref<1x1x1x80xi32, #tpu.memory_space<vmem>> -> memref<80xi32, #tpu.memory_space<vmem>>
        %dma_wait3A_72 = arith.constant 0 : i32
        %dma_wait3A_73 = arith.constant 0 : i32
        %dma_wait3A_74 = tpu.memref_slice %arg2[%dma_wait3A_72, %dma_wait3A_73] : memref<10000x128xf32, #tpu.memory_space<hbm>> -> memref<10000x128xf32, #tpu.memory_space<hbm>>
        tpu.wait_indirect_dma semaphore(%arg13 : memref<!tpu.dma_semaphore, #tpu.memory_space<semaphore_mem>>) src(%dma_wait3A_74 : memref<10000x128xf32, #tpu.memory_space<hbm>>) dst(%dma_wait3A_68 : memref<80x128xf32, #tpu.memory_space<vmem>>)
        %dma_start3A = arith.constant 2 : i32
        %dma_start3A_75 = arith.constant 0 : i32
        %dma_start3A_76 = arith.constant 0 : i32
        %dma_start3A_77 = arith.constant 0 : i32
        %dma_start3A_78 = tpu.memref_slice %arg10[%dma_start3A, %dma_start3A_76, %dma_start3A_77] : memref<3x80x128xf32, #tpu.memory_space<vmem>> -> memref<1x80x128xf32, #tpu.memory_space<vmem>>
        %dma_start3A_79 = tpu.memref_squeeze %dma_start3A_78 : memref<1x80x128xf32, #tpu.memory_space<vmem>> -> memref<80x128xf32, #tpu.memory_space<vmem>>
        %dma_start3A_80 = arith.constant 0 : i32
        %dma_start3A_81 = tpu.memref_slice %arg9[%rem3A_41, %rem3A_39, %dma_start3A_75, %dma_start3A_80] : memref<2x25x1x80xi32, #tpu.memory_space<vmem>> -> memref<1x1x1x80xi32, #tpu.memory_space<vmem>>
        %dma_start3A_82 = tpu.memref_squeeze %dma_start3A_81 : memref<1x1x1x80xi32, #tpu.memory_space<vmem>> -> memref<80xi32, #tpu.memory_space<vmem>>
        %dma_start3A_83 = arith.constant 0 : i32
        %dma_start3A_84 = arith.constant 0 : i32
        %dma_start3A_85 = tpu.memref_slice %arg7[%dma_start3A_83, %dma_start3A_84] : memref<10000x128xf32, #tpu.memory_space<vmem_shared>> -> memref<10000x128xf32, #tpu.memory_space<vmem_shared>>
        tpu.enqueue_indirect_dma source(%dma_start3A_79 : memref<80x128xf32, #tpu.memory_space<vmem>>) target(%dma_start3A_85 : memref<10000x128xf32, #tpu.memory_space<vmem_shared>>) offsets(%dma_start3A_82 : memref<80xi32, #tpu.memory_space<vmem>>) semaphore(%arg16 : memref<!tpu.dma_semaphore, #tpu.memory_space<semaphore_mem>>) {add = true}
        %eq3A_86 = arith.constant 22 : i32
        %eq3A_87 = arith.cmpi eq, %rem3A_39, %eq3A_86 : i32
        %convert_element_type3A_88 = arith.extui %eq3A_87 : i1 to i32
        %cond3A_89 = arith.constant 0 : i32
        %cond3A_90 = arith.cmpi ne, %convert_element_type3A_88, %cond3A_89 : i32
        scf.if %cond3A_90 {
          %add3A_97 = arith.constant 1 : i32
          %add3A_98 = arith.addi %div3A_38, %add3A_97 : i32
          %mul3A_99 = arith.constant 25 : i32
          %mul3A_100 = arith.muli %add3A_98, %mul3A_99 : i32
          %lt3A_101 = arith.cmpi slt, %mul3A_100, %add3A_8 : i32
          %convert_element_type3A_102 = arith.extui %lt3A_101 : i1 to i32
          %cond3A_103 = arith.constant 0 : i32
          %cond3A_104 = arith.cmpi ne, %convert_element_type3A_102, %cond3A_103 : i32
          scf.if %cond3A_104 {
            %add3A_105 = arith.constant 1 : i32
            %add3A_106 = arith.addi %div3A_38, %add3A_105 : i32
            %rem3A_107 = arith.constant 2 : i32
            %rem3A_108 = arith.remsi %add3A_106, %rem3A_107 : i32
            %add3A_109 = arith.constant 1 : i32
            %add3A_110 = arith.addi %div3A_38, %add3A_109 : i32
            %mul3A_111 = arith.constant 25 : i32
            %mul3A_112 = arith.muli %add3A_110, %mul3A_111 : i32
            %add3A_113 = arith.addi %add3A_4, %mul3A_112 : i32
            "tpu.region"() ({
              %run_scoped3A_119 = tpu.sem_alloc : memref<!tpu.dma_semaphore, #tpu.memory_space<semaphore_mem>>
              %dma_start3A_120 = arith.constant 0 : i32
              %dma_start3A_121 = arith.constant 0 : i32
              %dma_start3A_122 = arith.constant 0 : i32
              %dma_start3A_123 = tpu.memref_slice %arg8[%rem3A_108, %dma_start3A_120, %dma_start3A_121, %dma_start3A_122] : memref<2x25x1x80xi32, #tpu.memory_space<vmem>> -> memref<1x25x1x80xi32, #tpu.memory_space<vmem>>
              %dma_start3A_124 = tpu.memref_squeeze %dma_start3A_123 : memref<1x25x1x80xi32, #tpu.memory_space<vmem>> -> memref<25x1x80xi32, #tpu.memory_space<vmem>>
              %dma_start3A_125 = arith.constant 0 : i32
              %dma_start3A_126 = arith.constant 0 : i32
              %dma_start3A_127 = tpu.memref_slice %arg3[%add3A_113, %dma_start3A_125, %dma_start3A_126] : memref<4008x1x80xi32, #tpu.memory_space<hbm>> -> memref<25x1x80xi32, #tpu.memory_space<hbm>>
              %dma_start3A_128 = arith.constant 0 : i32
              %dma_start3A_129 = arith.constant 0 : i32
              %dma_start3A_130 = arith.constant 0 : i32
              %dma_start3A_131 = tpu.memref_slice %arg8[%rem3A_108, %dma_start3A_128, %dma_start3A_129, %dma_start3A_130] : memref<2x25x1x80xi32, #tpu.memory_space<vmem>> -> memref<1x25x1x80xi32, #tpu.memory_space<vmem>>
              %dma_start3A_132 = tpu.memref_squeeze %dma_start3A_131 : memref<1x25x1x80xi32, #tpu.memory_space<vmem>> -> memref<25x1x80xi32, #tpu.memory_space<vmem>>
              %dma_start3A_133 = arith.constant 0 : i32
              %dma_start3A_134 = arith.constant 0 : i32
              %dma_start3A_135 = tpu.memref_slice %arg3[%add3A_113, %dma_start3A_133, %dma_start3A_134] : memref<4008x1x80xi32, #tpu.memory_space<hbm>> -> memref<25x1x80xi32, #tpu.memory_space<hbm>>
              tpu.enqueue_dma source(%dma_start3A_135 : memref<25x1x80xi32, #tpu.memory_space<hbm>>) target(%dma_start3A_132 : memref<25x1x80xi32, #tpu.memory_space<vmem>>) target_semaphore(%run_scoped3A_119 : memref<!tpu.dma_semaphore, #tpu.memory_space<semaphore_mem>>)
              %dma_wait3A_136 = arith.constant 0 : i32
              %dma_wait3A_137 = arith.constant 0 : i32
              %dma_wait3A_138 = arith.constant 0 : i32
              %dma_wait3A_139 = tpu.memref_slice %arg8[%rem3A_108, %dma_wait3A_136, %dma_wait3A_137, %dma_wait3A_138] : memref<2x25x1x80xi32, #tpu.memory_space<vmem>> -> memref<1x25x1x80xi32, #tpu.memory_space<vmem>>
              %dma_wait3A_140 = tpu.memref_squeeze %dma_wait3A_139 : memref<1x25x1x80xi32, #tpu.memory_space<vmem>> -> memref<25x1x80xi32, #tpu.memory_space<vmem>>
              %dma_wait3A_141 = arith.constant 0 : i32
              %dma_wait3A_142 = arith.constant 0 : i32
              %dma_wait3A_143 = tpu.memref_slice %arg3[%add3A_113, %dma_wait3A_141, %dma_wait3A_142] : memref<4008x1x80xi32, #tpu.memory_space<hbm>> -> memref<25x1x80xi32, #tpu.memory_space<hbm>>
              %dma_wait3A_144 = arith.constant 0 : i32
              %dma_wait3A_145 = arith.constant 0 : i32
              %dma_wait3A_146 = arith.constant 0 : i32
              %dma_wait3A_147 = tpu.memref_slice %arg8[%rem3A_108, %dma_wait3A_144, %dma_wait3A_145, %dma_wait3A_146] : memref<2x25x1x80xi32, #tpu.memory_space<vmem>> -> memref<1x25x1x80xi32, #tpu.memory_space<vmem>>
              %dma_wait3A_148 = tpu.memref_squeeze %dma_wait3A_147 : memref<1x25x1x80xi32, #tpu.memory_space<vmem>> -> memref<25x1x80xi32, #tpu.memory_space<vmem>>
              %dma_wait3A_149 = arith.constant 0 : i32
              %dma_wait3A_150 = arith.constant 0 : i32
              %dma_wait3A_151 = tpu.memref_slice %arg3[%add3A_113, %dma_wait3A_149, %dma_wait3A_150] : memref<4008x1x80xi32, #tpu.memory_space<hbm>> -> memref<25x1x80xi32, #tpu.memory_space<hbm>>
              tpu.wait_dma2 semaphore(%run_scoped3A_119 : memref<!tpu.dma_semaphore, #tpu.memory_space<semaphore_mem>>) src(%dma_wait3A_151 : memref<25x1x80xi32, #tpu.memory_space<hbm>>) dst(%dma_wait3A_148 : memref<25x1x80xi32, #tpu.memory_space<vmem>>)
              tpu.yield
            }) : () -> ()
            %add3A_114 = arith.constant 1 : i32
            %add3A_115 = arith.addi %div3A_38, %add3A_114 : i32
            %mul3A_116 = arith.constant 25 : i32
            %mul3A_117 = arith.muli %add3A_115, %mul3A_116 : i32
            %add3A_118 = arith.addi %add3A_4, %mul3A_117 : i32
            "tpu.region"() ({
              %run_scoped3A_119 = tpu.sem_alloc : memref<!tpu.dma_semaphore, #tpu.memory_space<semaphore_mem>>
              %dma_start3A_120 = arith.constant 0 : i32
              %dma_start3A_121 = arith.constant 0 : i32
              %dma_start3A_122 = arith.constant 0 : i32
              %dma_start3A_123 = tpu.memref_slice %arg9[%rem3A_108, %dma_start3A_120, %dma_start3A_121, %dma_start3A_122] : memref<2x25x1x80xi32, #tpu.memory_space<vmem>> -> memref<1x25x1x80xi32, #tpu.memory_space<vmem>>
              %dma_start3A_124 = tpu.memref_squeeze %dma_start3A_123 : memref<1x25x1x80xi32, #tpu.memory_space<vmem>> -> memref<25x1x80xi32, #tpu.memory_space<vmem>>
              %dma_start3A_125 = arith.constant 0 : i32
              %dma_start3A_126 = arith.constant 0 : i32
              %dma_start3A_127 = tpu.memref_slice %arg4[%add3A_118, %dma_start3A_125, %dma_start3A_126] : memref<4008x1x80xi32, #tpu.memory_space<hbm>> -> memref<25x1x80xi32, #tpu.memory_space<hbm>>
              %dma_start3A_128 = arith.constant 0 : i32
              %dma_start3A_129 = arith.constant 0 : i32
              %dma_start3A_130 = arith.constant 0 : i32
              %dma_start3A_131 = tpu.memref_slice %arg9[%rem3A_108, %dma_start3A_128, %dma_start3A_129, %dma_start3A_130] : memref<2x25x1x80xi32, #tpu.memory_space<vmem>> -> memref<1x25x1x80xi32, #tpu.memory_space<vmem>>
              %dma_start3A_132 = tpu.memref_squeeze %dma_start3A_131 : memref<1x25x1x80xi32, #tpu.memory_space<vmem>> -> memref<25x1x80xi32, #tpu.memory_space<vmem>>
              %dma_start3A_133 = arith.constant 0 : i32
              %dma_start3A_134 = arith.constant 0 : i32
              %dma_start3A_135 = tpu.memref_slice %arg4[%add3A_118, %dma_start3A_133, %dma_start3A_134] : memref<4008x1x80xi32, #tpu.memory_space<hbm>> -> memref<25x1x80xi32, #tpu.memory_space<hbm>>
              tpu.enqueue_dma source(%dma_start3A_135 : memref<25x1x80xi32, #tpu.memory_space<hbm>>) target(%dma_start3A_132 : memref<25x1x80xi32, #tpu.memory_space<vmem>>) target_semaphore(%run_scoped3A_119 : memref<!tpu.dma_semaphore, #tpu.memory_space<semaphore_mem>>)
              %dma_wait3A_136 = arith.constant 0 : i32
              %dma_wait3A_137 = arith.constant 0 : i32
              %dma_wait3A_138 = arith.constant 0 : i32
              %dma_wait3A_139 = tpu.memref_slice %arg9[%rem3A_108, %dma_wait3A_136, %dma_wait3A_137, %dma_wait3A_138] : memref<2x25x1x80xi32, #tpu.memory_space<vmem>> -> memref<1x25x1x80xi32, #tpu.memory_space<vmem>>
              %dma_wait3A_140 = tpu.memref_squeeze %dma_wait3A_139 : memref<1x25x1x80xi32, #tpu.memory_space<vmem>> -> memref<25x1x80xi32, #tpu.memory_space<vmem>>
              %dma_wait3A_141 = arith.constant 0 : i32
              %dma_wait3A_142 = arith.constant 0 : i32
              %dma_wait3A_143 = tpu.memref_slice %arg4[%add3A_118, %dma_wait3A_141, %dma_wait3A_142] : memref<4008x1x80xi32, #tpu.memory_space<hbm>> -> memref<25x1x80xi32, #tpu.memory_space<hbm>>
              %dma_wait3A_144 = arith.constant 0 : i32
              %dma_wait3A_145 = arith.constant 0 : i32
              %dma_wait3A_146 = arith.constant 0 : i32
              %dma_wait3A_147 = tpu.memref_slice %arg9[%rem3A_108, %dma_wait3A_144, %dma_wait3A_145, %dma_wait3A_146] : memref<2x25x1x80xi32, #tpu.memory_space<vmem>> -> memref<1x25x1x80xi32, #tpu.memory_space<vmem>>
              %dma_wait3A_148 = tpu.memref_squeeze %dma_wait3A_147 : memref<1x25x1x80xi32, #tpu.memory_space<vmem>> -> memref<25x1x80xi32, #tpu.memory_space<vmem>>
              %dma_wait3A_149 = arith.constant 0 : i32
              %dma_wait3A_150 = arith.constant 0 : i32
              %dma_wait3A_151 = tpu.memref_slice %arg4[%add3A_118, %dma_wait3A_149, %dma_wait3A_150] : memref<4008x1x80xi32, #tpu.memory_space<hbm>> -> memref<25x1x80xi32, #tpu.memory_space<hbm>>
              tpu.wait_dma2 semaphore(%run_scoped3A_119 : memref<!tpu.dma_semaphore, #tpu.memory_space<semaphore_mem>>) src(%dma_wait3A_151 : memref<25x1x80xi32, #tpu.memory_space<hbm>>) dst(%dma_wait3A_148 : memref<25x1x80xi32, #tpu.memory_space<vmem>>)
              tpu.yield
            }) : () -> ()
          } else {
          }
        } else {
        }
        %add3A_91 = arith.constant 2 : i32
        %add3A_92 = arith.addi %while3A_37, %add3A_91 : i32
        %lt3A_93 = arith.cmpi slt, %add3A_92, %add3A_8 : i32
        %convert_element_type3A_94 = arith.extui %lt3A_93 : i1 to i32
        %cond3A_95 = arith.constant 0 : i32
        %cond3A_96 = arith.cmpi ne, %convert_element_type3A_94, %cond3A_95 : i32
        scf.if %cond3A_96 {
          %add3A_97 = arith.constant 2 : i32
          %add3A_98 = arith.addi %while3A_37, %add3A_97 : i32
          %sub3A = arith.constant 3 : i32
          %sub3A_99 = arith.subi %add3A_98, %sub3A : i32
          %ge3A = arith.constant 0 : i32
          %ge3A_100 = arith.cmpi sge, %sub3A_99, %ge3A : i32
          %convert_element_type3A_101 = arith.extui %ge3A_100 : i1 to i32
          %cond3A_102 = arith.constant 0 : i32
          %cond3A_103 = arith.cmpi ne, %convert_element_type3A_101, %cond3A_102 : i32
          scf.if %cond3A_103 {
            %dma_wait3A_124 = arith.constant 1 : i32
            %dma_wait3A_125 = arith.constant 0 : i32
            %dma_wait3A_126 = arith.constant 0 : i32
            %dma_wait3A_127 = arith.constant 0 : i32
            %dma_wait3A_128 = arith.constant 0 : i32
            %dma_wait3A_129 = arith.constant 0 : i32
            %dma_wait3A_130 = tpu.memref_slice %arg10[%dma_wait3A_124, %dma_wait3A_128, %dma_wait3A_129] : memref<3x80x128xf32, #tpu.memory_space<vmem>> -> memref<1x80x128xf32, #tpu.memory_space<vmem>>
            %dma_wait3A_131 = tpu.memref_squeeze %dma_wait3A_130 : memref<1x80x128xf32, #tpu.memory_space<vmem>> -> memref<80x128xf32, #tpu.memory_space<vmem>>
            %dma_wait3A_132 = arith.constant 0 : i32
            %dma_wait3A_133 = tpu.memref_slice %arg9[%dma_wait3A_125, %dma_wait3A_126, %dma_wait3A_127, %dma_wait3A_132] : memref<2x25x1x80xi32, #tpu.memory_space<vmem>> -> memref<1x1x1x80xi32, #tpu.memory_space<vmem>>
            %dma_wait3A_134 = tpu.memref_squeeze %dma_wait3A_133 : memref<1x1x1x80xi32, #tpu.memory_space<vmem>> -> memref<80xi32, #tpu.memory_space<vmem>>
            %dma_wait3A_135 = arith.constant 0 : i32
            %dma_wait3A_136 = arith.constant 0 : i32
            %dma_wait3A_137 = tpu.memref_slice %arg7[%dma_wait3A_135, %dma_wait3A_136] : memref<10000x128xf32, #tpu.memory_space<vmem_shared>> -> memref<10000x128xf32, #tpu.memory_space<vmem_shared>>
            tpu.wait_indirect_dma semaphore(%arg15 : memref<!tpu.dma_semaphore, #tpu.memory_space<semaphore_mem>>) src(%dma_wait3A_131 : memref<80x128xf32, #tpu.memory_space<vmem>>) dst(%dma_wait3A_137 : memref<10000x128xf32, #tpu.memory_space<vmem_shared>>)
          } else {
          }
          %add3A_104 = arith.constant 2 : i32
          %add3A_105 = arith.addi %while3A_37, %add3A_104 : i32
          %div3A_106 = arith.constant 25 : i32
          %div3A_107 = arith.divsi %add3A_105, %div3A_106 : i32
          %rem3A_108 = arith.constant 2 : i32
          %rem3A_109 = arith.remsi %div3A_107, %rem3A_108 : i32
          %rem3A_110 = arith.constant 25 : i32
          %rem3A_111 = arith.remsi %add3A_105, %rem3A_110 : i32
          %dma_start3A_112 = arith.constant 0 : i32
          %dma_start3A_113 = arith.constant 1 : i32
          %dma_start3A_114 = arith.constant 0 : i32
          %dma_start3A_115 = arith.constant 0 : i32
          %dma_start3A_116 = tpu.memref_slice %arg10[%dma_start3A_113, %dma_start3A_114, %dma_start3A_115] : memref<3x80x128xf32, #tpu.memory_space<vmem>> -> memref<1x80x128xf32, #tpu.memory_space<vmem>>
          %dma_start3A_117 = tpu.memref_squeeze %dma_start3A_116 : memref<1x80x128xf32, #tpu.memory_space<vmem>> -> memref<80x128xf32, #tpu.memory_space<vmem>>
          %dma_start3A_118 = arith.constant 0 : i32
          %dma_start3A_119 = tpu.memref_slice %arg8[%rem3A_109, %rem3A_111, %dma_start3A_112, %dma_start3A_118] : memref<2x25x1x80xi32, #tpu.memory_space<vmem>> -> memref<1x1x1x80xi32, #tpu.memory_space<vmem>>
          %dma_start3A_120 = tpu.memref_squeeze %dma_start3A_119 : memref<1x1x1x80xi32, #tpu.memory_space<vmem>> -> memref<80xi32, #tpu.memory_space<vmem>>
          %dma_start3A_121 = arith.constant 0 : i32
          %dma_start3A_122 = arith.constant 0 : i32
          %dma_start3A_123 = tpu.memref_slice %arg2[%dma_start3A_121, %dma_start3A_122] : memref<10000x128xf32, #tpu.memory_space<hbm>> -> memref<10000x128xf32, #tpu.memory_space<hbm>>
          tpu.enqueue_indirect_dma source(%dma_start3A_123 : memref<10000x128xf32, #tpu.memory_space<hbm>>) target(%dma_start3A_117 : memref<80x128xf32, #tpu.memory_space<vmem>>) offsets(%dma_start3A_120 : memref<80xi32, #tpu.memory_space<vmem>>) semaphore(%arg12 : memref<!tpu.dma_semaphore, #tpu.memory_space<semaphore_mem>>)
        } else {
        }
      } else {
      }
    }
    %gt3A_26 = arith.constant 0 : i32
    %gt3A_27 = arith.cmpi sgt, %add3A_8, %gt3A_26 : i32
    %convert_element_type3A_28 = arith.extui %gt3A_27 : i1 to i32
    %cond3A_29 = arith.constant 0 : i32
    %cond3A_30 = arith.cmpi ne, %convert_element_type3A_28, %cond3A_29 : i32
    scf.if %cond3A_30 {
      %dma_wait3A = arith.constant 0 : i32
      %dma_wait3A_37 = arith.constant 0 : i32
      %dma_wait3A_38 = arith.constant 0 : i32
      %dma_wait3A_39 = arith.constant 0 : i32
      %dma_wait3A_40 = arith.constant 0 : i32
      %dma_wait3A_41 = arith.constant 0 : i32
      %dma_wait3A_42 = tpu.memref_slice %arg10[%dma_wait3A, %dma_wait3A_40, %dma_wait3A_41] : memref<3x80x128xf32, #tpu.memory_space<vmem>> -> memref<1x80x128xf32, #tpu.memory_space<vmem>>
      %dma_wait3A_43 = tpu.memref_squeeze %dma_wait3A_42 : memref<1x80x128xf32, #tpu.memory_space<vmem>> -> memref<80x128xf32, #tpu.memory_space<vmem>>
      %dma_wait3A_44 = arith.constant 0 : i32
      %dma_wait3A_45 = tpu.memref_slice %arg9[%dma_wait3A_37, %dma_wait3A_38, %dma_wait3A_39, %dma_wait3A_44] : memref<2x25x1x80xi32, #tpu.memory_space<vmem>> -> memref<1x1x1x80xi32, #tpu.memory_space<vmem>>
      %dma_wait3A_46 = tpu.memref_squeeze %dma_wait3A_45 : memref<1x1x1x80xi32, #tpu.memory_space<vmem>> -> memref<80xi32, #tpu.memory_space<vmem>>
      %dma_wait3A_47 = arith.constant 0 : i32
      %dma_wait3A_48 = arith.constant 0 : i32
      %dma_wait3A_49 = tpu.memref_slice %arg7[%dma_wait3A_47, %dma_wait3A_48] : memref<10000x128xf32, #tpu.memory_space<vmem_shared>> -> memref<10000x128xf32, #tpu.memory_space<vmem_shared>>
      tpu.wait_indirect_dma semaphore(%arg14 : memref<!tpu.dma_semaphore, #tpu.memory_space<semaphore_mem>>) src(%dma_wait3A_43 : memref<80x128xf32, #tpu.memory_space<vmem>>) dst(%dma_wait3A_49 : memref<10000x128xf32, #tpu.memory_space<vmem_shared>>)
      %dma_wait3A_50 = arith.constant 1 : i32
      %dma_wait3A_51 = arith.constant 0 : i32
      %dma_wait3A_52 = arith.constant 0 : i32
      %dma_wait3A_53 = arith.constant 0 : i32
      %dma_wait3A_54 = arith.constant 0 : i32
      %dma_wait3A_55 = arith.constant 0 : i32
      %dma_wait3A_56 = tpu.memref_slice %arg10[%dma_wait3A_50, %dma_wait3A_54, %dma_wait3A_55] : memref<3x80x128xf32, #tpu.memory_space<vmem>> -> memref<1x80x128xf32, #tpu.memory_space<vmem>>
      %dma_wait3A_57 = tpu.memref_squeeze %dma_wait3A_56 : memref<1x80x128xf32, #tpu.memory_space<vmem>> -> memref<80x128xf32, #tpu.memory_space<vmem>>
      %dma_wait3A_58 = arith.constant 0 : i32
      %dma_wait3A_59 = tpu.memref_slice %arg9[%dma_wait3A_51, %dma_wait3A_52, %dma_wait3A_53, %dma_wait3A_58] : memref<2x25x1x80xi32, #tpu.memory_space<vmem>> -> memref<1x1x1x80xi32, #tpu.memory_space<vmem>>
      %dma_wait3A_60 = tpu.memref_squeeze %dma_wait3A_59 : memref<1x1x1x80xi32, #tpu.memory_space<vmem>> -> memref<80xi32, #tpu.memory_space<vmem>>
      %dma_wait3A_61 = arith.constant 0 : i32
      %dma_wait3A_62 = arith.constant 0 : i32
      %dma_wait3A_63 = tpu.memref_slice %arg7[%dma_wait3A_61, %dma_wait3A_62] : memref<10000x128xf32, #tpu.memory_space<vmem_shared>> -> memref<10000x128xf32, #tpu.memory_space<vmem_shared>>
      tpu.wait_indirect_dma semaphore(%arg15 : memref<!tpu.dma_semaphore, #tpu.memory_space<semaphore_mem>>) src(%dma_wait3A_57 : memref<80x128xf32, #tpu.memory_space<vmem>>) dst(%dma_wait3A_63 : memref<10000x128xf32, #tpu.memory_space<vmem_shared>>)
      %dma_wait3A_64 = arith.constant 2 : i32
      %dma_wait3A_65 = arith.constant 0 : i32
      %dma_wait3A_66 = arith.constant 0 : i32
      %dma_wait3A_67 = arith.constant 0 : i32
      %dma_wait3A_68 = arith.constant 0 : i32
      %dma_wait3A_69 = arith.constant 0 : i32
      %dma_wait3A_70 = tpu.memref_slice %arg10[%dma_wait3A_64, %dma_wait3A_68, %dma_wait3A_69] : memref<3x80x128xf32, #tpu.memory_space<vmem>> -> memref<1x80x128xf32, #tpu.memory_space<vmem>>
      %dma_wait3A_71 = tpu.memref_squeeze %dma_wait3A_70 : memref<1x80x128xf32, #tpu.memory_space<vmem>> -> memref<80x128xf32, #tpu.memory_space<vmem>>
      %dma_wait3A_72 = arith.constant 0 : i32
      %dma_wait3A_73 = tpu.memref_slice %arg9[%dma_wait3A_65, %dma_wait3A_66, %dma_wait3A_67, %dma_wait3A_72] : memref<2x25x1x80xi32, #tpu.memory_space<vmem>> -> memref<1x1x1x80xi32, #tpu.memory_space<vmem>>
      %dma_wait3A_74 = tpu.memref_squeeze %dma_wait3A_73 : memref<1x1x1x80xi32, #tpu.memory_space<vmem>> -> memref<80xi32, #tpu.memory_space<vmem>>
      %dma_wait3A_75 = arith.constant 0 : i32
      %dma_wait3A_76 = arith.constant 0 : i32
      %dma_wait3A_77 = tpu.memref_slice %arg7[%dma_wait3A_75, %dma_wait3A_76] : memref<10000x128xf32, #tpu.memory_space<vmem_shared>> -> memref<10000x128xf32, #tpu.memory_space<vmem_shared>>
      tpu.wait_indirect_dma semaphore(%arg16 : memref<!tpu.dma_semaphore, #tpu.memory_space<semaphore_mem>>) src(%dma_wait3A_71 : memref<80x128xf32, #tpu.memory_space<vmem>>) dst(%dma_wait3A_77 : memref<10000x128xf32, #tpu.memory_space<vmem_shared>>)
    } else {
    }
    %barrier3A_31 = arith.constant 0 : index
    tpu.barrier barrier_id(%barrier3A_31)
    %lt3A_32 = arith.constant 10 : i32
    %lt3A_33 = arith.cmpi slt, %arg1, %lt3A_32 : i32
    %convert_element_type3A_34 = arith.extui %lt3A_33 : i1 to i32
    %cond3A_35 = arith.constant 0 : i32
    %cond3A_36 = arith.cmpi ne, %convert_element_type3A_34, %cond3A_35 : i32
    scf.if %cond3A_36 {
      %mul3A_37 = arith.constant 1000 : i32
      %mul3A_38 = arith.muli %arg1, %mul3A_37 : i32
      %mul3A_39 = arith.constant 1000 : i32
      %mul3A_40 = arith.muli %arg1, %mul3A_39 : i32
      "tpu.region"() ({
        %run_scoped3A_41 = tpu.sem_alloc : memref<!tpu.dma_semaphore, #tpu.memory_space<semaphore_mem>>
        %dma_start3A = arith.constant 0 : i32
        %dma_start3A_42 = tpu.memref_slice %arg6[%arg0, %mul3A_40, %dma_start3A] : memref<2x10000x128xf32, #tpu.memory_space<hbm>> -> memref<1x1000x128xf32, #tpu.memory_space<hbm>>
        %dma_start3A_43 = tpu.memref_squeeze %dma_start3A_42 : memref<1x1000x128xf32, #tpu.memory_space<hbm>> -> memref<1000x128xf32, #tpu.memory_space<hbm>>
        %dma_start3A_44 = arith.constant 0 : i32
        %dma_start3A_45 = tpu.memref_slice %arg7[%mul3A_38, %dma_start3A_44] : memref<10000x128xf32, #tpu.memory_space<vmem_shared>> -> memref<1000x128xf32, #tpu.memory_space<vmem_shared>>
        tpu.enqueue_dma source(%dma_start3A_45 : memref<1000x128xf32, #tpu.memory_space<vmem_shared>>) target(%dma_start3A_43 : memref<1000x128xf32, #tpu.memory_space<hbm>>) target_semaphore(%run_scoped3A_41 : memref<!tpu.dma_semaphore, #tpu.memory_space<semaphore_mem>>)
        %dma_wait3A = arith.constant 0 : i32
        %dma_wait3A_46 = tpu.memref_slice %arg6[%arg0, %mul3A_40, %dma_wait3A] : memref<2x10000x128xf32, #tpu.memory_space<hbm>> -> memref<1x1000x128xf32, #tpu.memory_space<hbm>>
        %dma_wait3A_47 = tpu.memref_squeeze %dma_wait3A_46 : memref<1x1000x128xf32, #tpu.memory_space<hbm>> -> memref<1000x128xf32, #tpu.memory_space<hbm>>
        %dma_wait3A_48 = arith.constant 0 : i32
        %dma_wait3A_49 = tpu.memref_slice %arg7[%mul3A_38, %dma_wait3A_48] : memref<10000x128xf32, #tpu.memory_space<vmem_shared>> -> memref<1000x128xf32, #tpu.memory_space<vmem_shared>>
        tpu.wait_dma2 semaphore(%run_scoped3A_41 : memref<!tpu.dma_semaphore, #tpu.memory_space<semaphore_mem>>) src(%dma_wait3A_49 : memref<1000x128xf32, #tpu.memory_space<vmem_shared>>) dst(%dma_wait3A_47 : memref<1000x128xf32, #tpu.memory_space<hbm>>)
        tpu.yield
      }) : () -> ()
    } else {
    }
    return
  }
}

#map = affine_map<(d0, d1) -> (0, 0)>
#map1 = affine_map<(d0, d1) -> (0, 0, 0)>
module attributes {stable_mosaic.version = 14 : i64} {
  func.func @_agg_call(%arg0: i32, %arg1: i32, %arg2: memref<10000x128xf32, #tpu.memory_space<hbm>>, %arg3: memref<4008x1x80xi32, #tpu.memory_space<hbm>>, %arg4: memref<4008x1x80xi32, #tpu.memory_space<hbm>>, %arg5: memref<1000x128xf32, #tpu.memory_space<hbm>>, %arg6: memref<2x10000x128xf32, #tpu.memory_space<hbm>>, %arg7: memref<10000x128xf32, #tpu.memory_space<vmem_shared>>, %arg8: memref<2x25x1x80xi32, #tpu.memory_space<vmem>>, %arg9: memref<2x25x1x80xi32, #tpu.memory_space<vmem>>, %arg10: memref<3x80x128xf32, #tpu.memory_space<vmem>>, %arg11: memref<!tpu.dma_semaphore, #tpu.memory_space<semaphore_mem>>, %arg12: memref<!tpu.dma_semaphore, #tpu.memory_space<semaphore_mem>>, %arg13: memref<!tpu.dma_semaphore, #tpu.memory_space<semaphore_mem>>, %arg14: memref<!tpu.dma_semaphore, #tpu.memory_space<semaphore_mem>>, %arg15: memref<!tpu.dma_semaphore, #tpu.memory_space<semaphore_mem>>, %arg16: memref<!tpu.dma_semaphore, #tpu.memory_space<semaphore_mem>>) attributes {dimension_semantics = [#tpu.dimension_semantics<core_parallel>, #tpu.dimension_semantics<subcore_parallel>], iteration_bounds = array<i64: 2, 16>, scalar_prefetch = 0 : i64, scratch_operands = 10 : i64, tpu.core_type = #tpu.core_type<sc_vector_subcore>, window_params = [{transform_indices = #map}, {transform_indices = #map1}, {transform_indices = #map1}, {transform_indices = #map}, {transform_indices = #map1}]} {
    %mul3A = arith.constant 2 : i32
    %mul3A_0 = arith.muli %arg1, %mul3A : i32
    %add3A = arith.addi %mul3A_0, %arg0 : i32
    %mul3A_1 = arith.constant 125 : i32
    %mul3A_2 = arith.muli %mul3A_1, %add3A : i32
    %min3A = arith.constant 0 : i32
    %min3A_3 = arith.minsi %add3A, %min3A : i32
    %add3A_4 = arith.addi %mul3A_2, %min3A_3 : i32
    %lt3A = arith.constant 0 : i32
    %lt3A_5 = arith.cmpi slt, %add3A, %lt3A : i32
    %jit3A = arith.constant 1 : i32
    %jit3A_6 = arith.constant 0 : i32
    %select_n3A = arith.select %lt3A_5, %jit3A, %jit3A_6 : i32
    %add3A_7 = arith.constant 125 : i32
    %add3A_8 = arith.addi %add3A_7, %select_n3A : i32
    %lt3A_9 = arith.constant 10 : i32
    %lt3A_10 = arith.cmpi slt, %arg1, %lt3A_9 : i32
    %convert_element_type3A = arith.extui %lt3A_10 : i1 to i32
    %cond3A = arith.constant 0 : i32
    %cond3A_11 = arith.cmpi ne, %convert_element_type3A, %cond3A : i32
    scf.if %cond3A_11 {
      %mul3A_37 = arith.constant 1000 : i32
      %mul3A_38 = arith.muli %arg1, %mul3A_37 : i32
      "tpu.region"() ({
        %run_scoped3A_39 = tpu.sem_alloc : memref<!tpu.dma_semaphore, #tpu.memory_space<semaphore_mem>>
        %dma_start3A = arith.constant 0 : i32
        %dma_start3A_40 = tpu.memref_slice %arg7[%mul3A_38, %dma_start3A] : memref<10000x128xf32, #tpu.memory_space<vmem_shared>> -> memref<1000x128xf32, #tpu.memory_space<vmem_shared>>
        tpu.enqueue_dma source(%arg5 : memref<1000x128xf32, #tpu.memory_space<hbm>>) target(%dma_start3A_40 : memref<1000x128xf32, #tpu.memory_space<vmem_shared>>) target_semaphore(%run_scoped3A_39 : memref<!tpu.dma_semaphore, #tpu.memory_space<semaphore_mem>>)
        %dma_wait3A = arith.constant 0 : i32
        %dma_wait3A_41 = tpu.memref_slice %arg7[%mul3A_38, %dma_wait3A] : memref<10000x128xf32, #tpu.memory_space<vmem_shared>> -> memref<1000x128xf32, #tpu.memory_space<vmem_shared>>
        tpu.wait_dma2 semaphore(%run_scoped3A_39 : memref<!tpu.dma_semaphore, #tpu.memory_space<semaphore_mem>>) src(%arg5 : memref<1000x128xf32, #tpu.memory_space<hbm>>) dst(%dma_wait3A_41 : memref<1000x128xf32, #tpu.memory_space<vmem_shared>>)
        tpu.yield
      }) : () -> ()
    } else {
    }
    %run_scoped3A = arith.constant 0 : i32
    "tpu.region"() ({
      %run_scoped3A_37 = tpu.sem_alloc : memref<!tpu.dma_semaphore, #tpu.memory_space<semaphore_mem>>
      %dma_start3A = arith.constant 0 : i32
      %dma_start3A_38 = arith.constant 0 : i32
      %dma_start3A_39 = arith.constant 0 : i32
      %dma_start3A_40 = tpu.memref_slice %arg8[%run_scoped3A, %dma_start3A, %dma_start3A_38, %dma_start3A_39] : memref<2x25x1x80xi32, #tpu.memory_space<vmem>> -> memref<1x25x1x80xi32, #tpu.memory_space<vmem>>
      %dma_start3A_41 = tpu.memref_squeeze %dma_start3A_40 : memref<1x25x1x80xi32, #tpu.memory_space<vmem>> -> memref<25x1x80xi32, #tpu.memory_space<vmem>>
      %dma_start3A_42 = arith.constant 0 : i32
      %dma_start3A_43 = arith.constant 0 : i32
      %dma_start3A_44 = tpu.memref_slice %arg3[%add3A_4, %dma_start3A_42, %dma_start3A_43] : memref<4008x1x80xi32, #tpu.memory_space<hbm>> -> memref<25x1x80xi32, #tpu.memory_space<hbm>>
      %dma_start3A_45 = arith.constant 0 : i32
      %dma_start3A_46 = arith.constant 0 : i32
      %dma_start3A_47 = arith.constant 0 : i32
      %dma_start3A_48 = tpu.memref_slice %arg8[%run_scoped3A, %dma_start3A_45, %dma_start3A_46, %dma_start3A_47] : memref<2x25x1x80xi32, #tpu.memory_space<vmem>> -> memref<1x25x1x80xi32, #tpu.memory_space<vmem>>
      %dma_start3A_49 = tpu.memref_squeeze %dma_start3A_48 : memref<1x25x1x80xi32, #tpu.memory_space<vmem>> -> memref<25x1x80xi32, #tpu.memory_space<vmem>>
      %dma_start3A_50 = arith.constant 0 : i32
      %dma_start3A_51 = arith.constant 0 : i32
      %dma_start3A_52 = tpu.memref_slice %arg3[%add3A_4, %dma_start3A_50, %dma_start3A_51] : memref<4008x1x80xi32, #tpu.memory_space<hbm>> -> memref<25x1x80xi32, #tpu.memory_space<hbm>>
      tpu.enqueue_dma source(%dma_start3A_52 : memref<25x1x80xi32, #tpu.memory_space<hbm>>) target(%dma_start3A_49 : memref<25x1x80xi32, #tpu.memory_space<vmem>>) target_semaphore(%run_scoped3A_37 : memref<!tpu.dma_semaphore, #tpu.memory_space<semaphore_mem>>)
      %dma_wait3A = arith.constant 0 : i32
      %dma_wait3A_53 = arith.constant 0 : i32
      %dma_wait3A_54 = arith.constant 0 : i32
      %dma_wait3A_55 = tpu.memref_slice %arg8[%run_scoped3A, %dma_wait3A, %dma_wait3A_53, %dma_wait3A_54] : memref<2x25x1x80xi32, #tpu.memory_space<vmem>> -> memref<1x25x1x80xi32, #tpu.memory_space<vmem>>
      %dma_wait3A_56 = tpu.memref_squeeze %dma_wait3A_55 : memref<1x25x1x80xi32, #tpu.memory_space<vmem>> -> memref<25x1x80xi32, #tpu.memory_space<vmem>>
      %dma_wait3A_57 = arith.constant 0 : i32
      %dma_wait3A_58 = arith.constant 0 : i32
      %dma_wait3A_59 = tpu.memref_slice %arg3[%add3A_4, %dma_wait3A_57, %dma_wait3A_58] : memref<4008x1x80xi32, #tpu.memory_space<hbm>> -> memref<25x1x80xi32, #tpu.memory_space<hbm>>
      %dma_wait3A_60 = arith.constant 0 : i32
      %dma_wait3A_61 = arith.constant 0 : i32
      %dma_wait3A_62 = arith.constant 0 : i32
      %dma_wait3A_63 = tpu.memref_slice %arg8[%run_scoped3A, %dma_wait3A_60, %dma_wait3A_61, %dma_wait3A_62] : memref<2x25x1x80xi32, #tpu.memory_space<vmem>> -> memref<1x25x1x80xi32, #tpu.memory_space<vmem>>
      %dma_wait3A_64 = tpu.memref_squeeze %dma_wait3A_63 : memref<1x25x1x80xi32, #tpu.memory_space<vmem>> -> memref<25x1x80xi32, #tpu.memory_space<vmem>>
      %dma_wait3A_65 = arith.constant 0 : i32
      %dma_wait3A_66 = arith.constant 0 : i32
      %dma_wait3A_67 = tpu.memref_slice %arg3[%add3A_4, %dma_wait3A_65, %dma_wait3A_66] : memref<4008x1x80xi32, #tpu.memory_space<hbm>> -> memref<25x1x80xi32, #tpu.memory_space<hbm>>
      tpu.wait_dma2 semaphore(%run_scoped3A_37 : memref<!tpu.dma_semaphore, #tpu.memory_space<semaphore_mem>>) src(%dma_wait3A_67 : memref<25x1x80xi32, #tpu.memory_space<hbm>>) dst(%dma_wait3A_64 : memref<25x1x80xi32, #tpu.memory_space<vmem>>)
      tpu.yield
    }) : () -> ()
    %run_scoped3A_12 = arith.constant 0 : i32
    "tpu.region"() ({
      %run_scoped3A_37 = tpu.sem_alloc : memref<!tpu.dma_semaphore, #tpu.memory_space<semaphore_mem>>
      %dma_start3A = arith.constant 0 : i32
      %dma_start3A_38 = arith.constant 0 : i32
      %dma_start3A_39 = arith.constant 0 : i32
      %dma_start3A_40 = tpu.memref_slice %arg9[%run_scoped3A_12, %dma_start3A, %dma_start3A_38, %dma_start3A_39] : memref<2x25x1x80xi32, #tpu.memory_space<vmem>> -> memref<1x25x1x80xi32, #tpu.memory_space<vmem>>
      %dma_start3A_41 = tpu.memref_squeeze %dma_start3A_40 : memref<1x25x1x80xi32, #tpu.memory_space<vmem>> -> memref<25x1x80xi32, #tpu.memory_space<vmem>>
      %dma_start3A_42 = arith.constant 0 : i32
      %dma_start3A_43 = arith.constant 0 : i32
      %dma_start3A_44 = tpu.memref_slice %arg4[%add3A_4, %dma_start3A_42, %dma_start3A_43] : memref<4008x1x80xi32, #tpu.memory_space<hbm>> -> memref<25x1x80xi32, #tpu.memory_space<hbm>>
      %dma_start3A_45 = arith.constant 0 : i32
      %dma_start3A_46 = arith.constant 0 : i32
      %dma_start3A_47 = arith.constant 0 : i32
      %dma_start3A_48 = tpu.memref_slice %arg9[%run_scoped3A_12, %dma_start3A_45, %dma_start3A_46, %dma_start3A_47] : memref<2x25x1x80xi32, #tpu.memory_space<vmem>> -> memref<1x25x1x80xi32, #tpu.memory_space<vmem>>
      %dma_start3A_49 = tpu.memref_squeeze %dma_start3A_48 : memref<1x25x1x80xi32, #tpu.memory_space<vmem>> -> memref<25x1x80xi32, #tpu.memory_space<vmem>>
      %dma_start3A_50 = arith.constant 0 : i32
      %dma_start3A_51 = arith.constant 0 : i32
      %dma_start3A_52 = tpu.memref_slice %arg4[%add3A_4, %dma_start3A_50, %dma_start3A_51] : memref<4008x1x80xi32, #tpu.memory_space<hbm>> -> memref<25x1x80xi32, #tpu.memory_space<hbm>>
      tpu.enqueue_dma source(%dma_start3A_52 : memref<25x1x80xi32, #tpu.memory_space<hbm>>) target(%dma_start3A_49 : memref<25x1x80xi32, #tpu.memory_space<vmem>>) target_semaphore(%run_scoped3A_37 : memref<!tpu.dma_semaphore, #tpu.memory_space<semaphore_mem>>)
      %dma_wait3A = arith.constant 0 : i32
      %dma_wait3A_53 = arith.constant 0 : i32
      %dma_wait3A_54 = arith.constant 0 : i32
      %dma_wait3A_55 = tpu.memref_slice %arg9[%run_scoped3A_12, %dma_wait3A, %dma_wait3A_53, %dma_wait3A_54] : memref<2x25x1x80xi32, #tpu.memory_space<vmem>> -> memref<1x25x1x80xi32, #tpu.memory_space<vmem>>
      %dma_wait3A_56 = tpu.memref_squeeze %dma_wait3A_55 : memref<1x25x1x80xi32, #tpu.memory_space<vmem>> -> memref<25x1x80xi32, #tpu.memory_space<vmem>>
      %dma_wait3A_57 = arith.constant 0 : i32
      %dma_wait3A_58 = arith.constant 0 : i32
      %dma_wait3A_59 = tpu.memref_slice %arg4[%add3A_4, %dma_wait3A_57, %dma_wait3A_58] : memref<4008x1x80xi32, #tpu.memory_space<hbm>> -> memref<25x1x80xi32, #tpu.memory_space<hbm>>
      %dma_wait3A_60 = arith.constant 0 : i32
      %dma_wait3A_61 = arith.constant 0 : i32
      %dma_wait3A_62 = arith.constant 0 : i32
      %dma_wait3A_63 = tpu.memref_slice %arg9[%run_scoped3A_12, %dma_wait3A_60, %dma_wait3A_61, %dma_wait3A_62] : memref<2x25x1x80xi32, #tpu.memory_space<vmem>> -> memref<1x25x1x80xi32, #tpu.memory_space<vmem>>
      %dma_wait3A_64 = tpu.memref_squeeze %dma_wait3A_63 : memref<1x25x1x80xi32, #tpu.memory_space<vmem>> -> memref<25x1x80xi32, #tpu.memory_space<vmem>>
      %dma_wait3A_65 = arith.constant 0 : i32
      %dma_wait3A_66 = arith.constant 0 : i32
      %dma_wait3A_67 = tpu.memref_slice %arg4[%add3A_4, %dma_wait3A_65, %dma_wait3A_66] : memref<4008x1x80xi32, #tpu.memory_space<hbm>> -> memref<25x1x80xi32, #tpu.memory_space<hbm>>
      tpu.wait_dma2 semaphore(%run_scoped3A_37 : memref<!tpu.dma_semaphore, #tpu.memory_space<semaphore_mem>>) src(%dma_wait3A_67 : memref<25x1x80xi32, #tpu.memory_space<hbm>>) dst(%dma_wait3A_64 : memref<25x1x80xi32, #tpu.memory_space<vmem>>)
      tpu.yield
    }) : () -> ()
    %barrier3A = arith.constant 0 : index
    tpu.barrier barrier_id(%barrier3A)
    %gt3A = arith.constant 0 : i32
    %gt3A_13 = arith.cmpi sgt, %add3A_8, %gt3A : i32
    %convert_element_type3A_14 = arith.extui %gt3A_13 : i1 to i32
    %cond3A_15 = arith.constant 0 : i32
    %cond3A_16 = arith.cmpi ne, %convert_element_type3A_14, %cond3A_15 : i32
    scf.if %cond3A_16 {
      %dma_start3A = arith.constant 0 : i32
      %dma_start3A_37 = arith.constant 0 : i32
      %dma_start3A_38 = arith.constant 0 : i32
      %dma_start3A_39 = arith.constant 0 : i32
      %dma_start3A_40 = arith.constant 0 : i32
      %dma_start3A_41 = arith.constant 0 : i32
      %dma_start3A_42 = tpu.memref_slice %arg10[%dma_start3A_39, %dma_start3A_40, %dma_start3A_41] : memref<3x80x128xf32, #tpu.memory_space<vmem>> -> memref<1x80x128xf32, #tpu.memory_space<vmem>>
      %dma_start3A_43 = tpu.memref_squeeze %dma_start3A_42 : memref<1x80x128xf32, #tpu.memory_space<vmem>> -> memref<80x128xf32, #tpu.memory_space<vmem>>
      %dma_start3A_44 = arith.constant 0 : i32
      %dma_start3A_45 = tpu.memref_slice %arg8[%dma_start3A, %dma_start3A_37, %dma_start3A_38, %dma_start3A_44] : memref<2x25x1x80xi32, #tpu.memory_space<vmem>> -> memref<1x1x1x80xi32, #tpu.memory_space<vmem>>
      %dma_start3A_46 = tpu.memref_squeeze %dma_start3A_45 : memref<1x1x1x80xi32, #tpu.memory_space<vmem>> -> memref<80xi32, #tpu.memory_space<vmem>>
      %dma_start3A_47 = arith.constant 0 : i32
      %dma_start3A_48 = arith.constant 0 : i32
      %dma_start3A_49 = tpu.memref_slice %arg2[%dma_start3A_47, %dma_start3A_48] : memref<10000x128xf32, #tpu.memory_space<hbm>> -> memref<10000x128xf32, #tpu.memory_space<hbm>>
      tpu.enqueue_indirect_dma source(%dma_start3A_49 : memref<10000x128xf32, #tpu.memory_space<hbm>>) target(%dma_start3A_43 : memref<80x128xf32, #tpu.memory_space<vmem>>) offsets(%dma_start3A_46 : memref<80xi32, #tpu.memory_space<vmem>>) semaphore(%arg11 : memref<!tpu.dma_semaphore, #tpu.memory_space<semaphore_mem>>)
      %dma_start3A_50 = arith.constant 0 : i32
      %dma_start3A_51 = arith.constant 1 : i32
      %dma_start3A_52 = arith.constant 0 : i32
      %dma_start3A_53 = arith.constant 1 : i32
      %dma_start3A_54 = arith.constant 0 : i32
      %dma_start3A_55 = arith.constant 0 : i32
      %dma_start3A_56 = tpu.memref_slice %arg10[%dma_start3A_53, %dma_start3A_54, %dma_start3A_55] : memref<3x80x128xf32, #tpu.memory_space<vmem>> -> memref<1x80x128xf32, #tpu.memory_space<vmem>>
      %dma_start3A_57 = tpu.memref_squeeze %dma_start3A_56 : memref<1x80x128xf32, #tpu.memory_space<vmem>> -> memref<80x128xf32, #tpu.memory_space<vmem>>
      %dma_start3A_58 = arith.constant 0 : i32
      %dma_start3A_59 = tpu.memref_slice %arg8[%dma_start3A_50, %dma_start3A_51, %dma_start3A_52, %dma_start3A_58] : memref<2x25x1x80xi32, #tpu.memory_space<vmem>> -> memref<1x1x1x80xi32, #tpu.memory_space<vmem>>
      %dma_start3A_60 = tpu.memref_squeeze %dma_start3A_59 : memref<1x1x1x80xi32, #tpu.memory_space<vmem>> -> memref<80xi32, #tpu.memory_space<vmem>>
      %dma_start3A_61 = arith.constant 0 : i32
      %dma_start3A_62 = arith.constant 0 : i32
      %dma_start3A_63 = tpu.memref_slice %arg2[%dma_start3A_61, %dma_start3A_62] : memref<10000x128xf32, #tpu.memory_space<hbm>> -> memref<10000x128xf32, #tpu.memory_space<hbm>>
      tpu.enqueue_indirect_dma source(%dma_start3A_63 : memref<10000x128xf32, #tpu.memory_space<hbm>>) target(%dma_start3A_57 : memref<80x128xf32, #tpu.memory_space<vmem>>) offsets(%dma_start3A_60 : memref<80xi32, #tpu.memory_space<vmem>>) semaphore(%arg12 : memref<!tpu.dma_semaphore, #tpu.memory_space<semaphore_mem>>)
    } else {
    }
    %while3A = arith.constant 0 : i32
    %while3A_17 = arith.constant 0 : i32
    %while3A_18 = arith.subi %add3A_8, %while3A_17 : i32
    %while3A_19 = arith.addi %while3A_17, %while3A_18 : i32
    %while3A_20 = arith.constant 1 : i32
    %while3A_21 = arith.divsi %while3A_18, %while3A_20 : i32
    %while3A_22 = arith.muli %while3A_21, %while3A_20 : i32
    %while3A_23 = arith.addi %while3A_17, %while3A_22 : i32
    %while3A_24 = arith.constant 1 : i32
    scf.for %while3A_37 = %while3A_17 to %while3A_23 step %while3A_24  : i32 {
      %div3A = arith.constant 25 : i32
      %div3A_38 = arith.divsi %while3A_37, %div3A : i32
      %rem3A = arith.constant 25 : i32
      %rem3A_39 = arith.remsi %while3A_37, %rem3A : i32
      %rem3A_40 = arith.constant 2 : i32
      %rem3A_41 = arith.remsi %div3A_38, %rem3A_40 : i32
      %rem3A_42 = arith.constant 3 : i32
      %rem3A_43 = arith.remsi %while3A_37, %rem3A_42 : i32
      %eq3A = arith.constant 0 : i32
      %eq3A_44 = arith.cmpi eq, %rem3A_43, %eq3A : i32
      %convert_element_type3A_45 = arith.extui %eq3A_44 : i1 to i32
      %cond3A_46 = arith.constant 0 : i32
      %cond3A_47 = arith.cmpi ne, %convert_element_type3A_45, %cond3A_46 : i32
      scf.if %cond3A_47 {
        %dma_wait3A = arith.constant 0 : i32
        %dma_wait3A_62 = arith.constant 0 : i32
        %dma_wait3A_63 = arith.constant 0 : i32
        %dma_wait3A_64 = arith.constant 0 : i32
        %dma_wait3A_65 = arith.constant 0 : i32
        %dma_wait3A_66 = arith.constant 0 : i32
        %dma_wait3A_67 = tpu.memref_slice %arg10[%dma_wait3A_64, %dma_wait3A_65, %dma_wait3A_66] : memref<3x80x128xf32, #tpu.memory_space<vmem>> -> memref<1x80x128xf32, #tpu.memory_space<vmem>>
        %dma_wait3A_68 = tpu.memref_squeeze %dma_wait3A_67 : memref<1x80x128xf32, #tpu.memory_space<vmem>> -> memref<80x128xf32, #tpu.memory_space<vmem>>
        %dma_wait3A_69 = arith.constant 0 : i32
        %dma_wait3A_70 = tpu.memref_slice %arg8[%dma_wait3A, %dma_wait3A_62, %dma_wait3A_63, %dma_wait3A_69] : memref<2x25x1x80xi32, #tpu.memory_space<vmem>> -> memref<1x1x1x80xi32, #tpu.memory_space<vmem>>
        %dma_wait3A_71 = tpu.memref_squeeze %dma_wait3A_70 : memref<1x1x1x80xi32, #tpu.memory_space<vmem>> -> memref<80xi32, #tpu.memory_space<vmem>>
        %dma_wait3A_72 = arith.constant 0 : i32
        %dma_wait3A_73 = arith.constant 0 : i32
        %dma_wait3A_74 = tpu.memref_slice %arg2[%dma_wait3A_72, %dma_wait3A_73] : memref<10000x128xf32, #tpu.memory_space<hbm>> -> memref<10000x128xf32, #tpu.memory_space<hbm>>
        tpu.wait_indirect_dma semaphore(%arg11 : memref<!tpu.dma_semaphore, #tpu.memory_space<semaphore_mem>>) src(%dma_wait3A_74 : memref<10000x128xf32, #tpu.memory_space<hbm>>) dst(%dma_wait3A_68 : memref<80x128xf32, #tpu.memory_space<vmem>>)
        %dma_start3A = arith.constant 0 : i32
        %dma_start3A_75 = arith.constant 0 : i32
        %dma_start3A_76 = arith.constant 0 : i32
        %dma_start3A_77 = arith.constant 0 : i32
        %dma_start3A_78 = tpu.memref_slice %arg10[%dma_start3A, %dma_start3A_76, %dma_start3A_77] : memref<3x80x128xf32, #tpu.memory_space<vmem>> -> memref<1x80x128xf32, #tpu.memory_space<vmem>>
        %dma_start3A_79 = tpu.memref_squeeze %dma_start3A_78 : memref<1x80x128xf32, #tpu.memory_space<vmem>> -> memref<80x128xf32, #tpu.memory_space<vmem>>
        %dma_start3A_80 = arith.constant 0 : i32
        %dma_start3A_81 = tpu.memref_slice %arg9[%rem3A_41, %rem3A_39, %dma_start3A_75, %dma_start3A_80] : memref<2x25x1x80xi32, #tpu.memory_space<vmem>> -> memref<1x1x1x80xi32, #tpu.memory_space<vmem>>
        %dma_start3A_82 = tpu.memref_squeeze %dma_start3A_81 : memref<1x1x1x80xi32, #tpu.memory_space<vmem>> -> memref<80xi32, #tpu.memory_space<vmem>>
        %dma_start3A_83 = arith.constant 0 : i32
        %dma_start3A_84 = arith.constant 0 : i32
        %dma_start3A_85 = tpu.memref_slice %arg7[%dma_start3A_83, %dma_start3A_84] : memref<10000x128xf32, #tpu.memory_space<vmem_shared>> -> memref<10000x128xf32, #tpu.memory_space<vmem_shared>>
        tpu.enqueue_indirect_dma source(%dma_start3A_79 : memref<80x128xf32, #tpu.memory_space<vmem>>) target(%dma_start3A_85 : memref<10000x128xf32, #tpu.memory_space<vmem_shared>>) offsets(%dma_start3A_82 : memref<80xi32, #tpu.memory_space<vmem>>) semaphore(%arg14 : memref<!tpu.dma_semaphore, #tpu.memory_space<semaphore_mem>>) {add = true}
        %eq3A_86 = arith.constant 22 : i32
        %eq3A_87 = arith.cmpi eq, %rem3A_39, %eq3A_86 : i32
        %convert_element_type3A_88 = arith.extui %eq3A_87 : i1 to i32
        %cond3A_89 = arith.constant 0 : i32
        %cond3A_90 = arith.cmpi ne, %convert_element_type3A_88, %cond3A_89 : i32
        scf.if %cond3A_90 {
          %add3A_97 = arith.constant 1 : i32
          %add3A_98 = arith.addi %div3A_38, %add3A_97 : i32
          %mul3A_99 = arith.constant 25 : i32
          %mul3A_100 = arith.muli %add3A_98, %mul3A_99 : i32
          %lt3A_101 = arith.cmpi slt, %mul3A_100, %add3A_8 : i32
          %convert_element_type3A_102 = arith.extui %lt3A_101 : i1 to i32
          %cond3A_103 = arith.constant 0 : i32
          %cond3A_104 = arith.cmpi ne, %convert_element_type3A_102, %cond3A_103 : i32
          scf.if %cond3A_104 {
            %add3A_105 = arith.constant 1 : i32
            %add3A_106 = arith.addi %div3A_38, %add3A_105 : i32
            %rem3A_107 = arith.constant 2 : i32
            %rem3A_108 = arith.remsi %add3A_106, %rem3A_107 : i32
            %add3A_109 = arith.constant 1 : i32
            %add3A_110 = arith.addi %div3A_38, %add3A_109 : i32
            %mul3A_111 = arith.constant 25 : i32
            %mul3A_112 = arith.muli %add3A_110, %mul3A_111 : i32
            %add3A_113 = arith.addi %add3A_4, %mul3A_112 : i32
            "tpu.region"() ({
              %run_scoped3A_119 = tpu.sem_alloc : memref<!tpu.dma_semaphore, #tpu.memory_space<semaphore_mem>>
              %dma_start3A_120 = arith.constant 0 : i32
              %dma_start3A_121 = arith.constant 0 : i32
              %dma_start3A_122 = arith.constant 0 : i32
              %dma_start3A_123 = tpu.memref_slice %arg8[%rem3A_108, %dma_start3A_120, %dma_start3A_121, %dma_start3A_122] : memref<2x25x1x80xi32, #tpu.memory_space<vmem>> -> memref<1x25x1x80xi32, #tpu.memory_space<vmem>>
              %dma_start3A_124 = tpu.memref_squeeze %dma_start3A_123 : memref<1x25x1x80xi32, #tpu.memory_space<vmem>> -> memref<25x1x80xi32, #tpu.memory_space<vmem>>
              %dma_start3A_125 = arith.constant 0 : i32
              %dma_start3A_126 = arith.constant 0 : i32
              %dma_start3A_127 = tpu.memref_slice %arg3[%add3A_113, %dma_start3A_125, %dma_start3A_126] : memref<4008x1x80xi32, #tpu.memory_space<hbm>> -> memref<25x1x80xi32, #tpu.memory_space<hbm>>
              %dma_start3A_128 = arith.constant 0 : i32
              %dma_start3A_129 = arith.constant 0 : i32
              %dma_start3A_130 = arith.constant 0 : i32
              %dma_start3A_131 = tpu.memref_slice %arg8[%rem3A_108, %dma_start3A_128, %dma_start3A_129, %dma_start3A_130] : memref<2x25x1x80xi32, #tpu.memory_space<vmem>> -> memref<1x25x1x80xi32, #tpu.memory_space<vmem>>
              %dma_start3A_132 = tpu.memref_squeeze %dma_start3A_131 : memref<1x25x1x80xi32, #tpu.memory_space<vmem>> -> memref<25x1x80xi32, #tpu.memory_space<vmem>>
              %dma_start3A_133 = arith.constant 0 : i32
              %dma_start3A_134 = arith.constant 0 : i32
              %dma_start3A_135 = tpu.memref_slice %arg3[%add3A_113, %dma_start3A_133, %dma_start3A_134] : memref<4008x1x80xi32, #tpu.memory_space<hbm>> -> memref<25x1x80xi32, #tpu.memory_space<hbm>>
              tpu.enqueue_dma source(%dma_start3A_135 : memref<25x1x80xi32, #tpu.memory_space<hbm>>) target(%dma_start3A_132 : memref<25x1x80xi32, #tpu.memory_space<vmem>>) target_semaphore(%run_scoped3A_119 : memref<!tpu.dma_semaphore, #tpu.memory_space<semaphore_mem>>)
              %dma_wait3A_136 = arith.constant 0 : i32
              %dma_wait3A_137 = arith.constant 0 : i32
              %dma_wait3A_138 = arith.constant 0 : i32
              %dma_wait3A_139 = tpu.memref_slice %arg8[%rem3A_108, %dma_wait3A_136, %dma_wait3A_137, %dma_wait3A_138] : memref<2x25x1x80xi32, #tpu.memory_space<vmem>> -> memref<1x25x1x80xi32, #tpu.memory_space<vmem>>
              %dma_wait3A_140 = tpu.memref_squeeze %dma_wait3A_139 : memref<1x25x1x80xi32, #tpu.memory_space<vmem>> -> memref<25x1x80xi32, #tpu.memory_space<vmem>>
              %dma_wait3A_141 = arith.constant 0 : i32
              %dma_wait3A_142 = arith.constant 0 : i32
              %dma_wait3A_143 = tpu.memref_slice %arg3[%add3A_113, %dma_wait3A_141, %dma_wait3A_142] : memref<4008x1x80xi32, #tpu.memory_space<hbm>> -> memref<25x1x80xi32, #tpu.memory_space<hbm>>
              %dma_wait3A_144 = arith.constant 0 : i32
              %dma_wait3A_145 = arith.constant 0 : i32
              %dma_wait3A_146 = arith.constant 0 : i32
              %dma_wait3A_147 = tpu.memref_slice %arg8[%rem3A_108, %dma_wait3A_144, %dma_wait3A_145, %dma_wait3A_146] : memref<2x25x1x80xi32, #tpu.memory_space<vmem>> -> memref<1x25x1x80xi32, #tpu.memory_space<vmem>>
              %dma_wait3A_148 = tpu.memref_squeeze %dma_wait3A_147 : memref<1x25x1x80xi32, #tpu.memory_space<vmem>> -> memref<25x1x80xi32, #tpu.memory_space<vmem>>
              %dma_wait3A_149 = arith.constant 0 : i32
              %dma_wait3A_150 = arith.constant 0 : i32
              %dma_wait3A_151 = tpu.memref_slice %arg3[%add3A_113, %dma_wait3A_149, %dma_wait3A_150] : memref<4008x1x80xi32, #tpu.memory_space<hbm>> -> memref<25x1x80xi32, #tpu.memory_space<hbm>>
              tpu.wait_dma2 semaphore(%run_scoped3A_119 : memref<!tpu.dma_semaphore, #tpu.memory_space<semaphore_mem>>) src(%dma_wait3A_151 : memref<25x1x80xi32, #tpu.memory_space<hbm>>) dst(%dma_wait3A_148 : memref<25x1x80xi32, #tpu.memory_space<vmem>>)
              tpu.yield
            }) : () -> ()
            %add3A_114 = arith.constant 1 : i32
            %add3A_115 = arith.addi %div3A_38, %add3A_114 : i32
            %mul3A_116 = arith.constant 25 : i32
            %mul3A_117 = arith.muli %add3A_115, %mul3A_116 : i32
            %add3A_118 = arith.addi %add3A_4, %mul3A_117 : i32
            "tpu.region"() ({
              %run_scoped3A_119 = tpu.sem_alloc : memref<!tpu.dma_semaphore, #tpu.memory_space<semaphore_mem>>
              %dma_start3A_120 = arith.constant 0 : i32
              %dma_start3A_121 = arith.constant 0 : i32
              %dma_start3A_122 = arith.constant 0 : i32
              %dma_start3A_123 = tpu.memref_slice %arg9[%rem3A_108, %dma_start3A_120, %dma_start3A_121, %dma_start3A_122] : memref<2x25x1x80xi32, #tpu.memory_space<vmem>> -> memref<1x25x1x80xi32, #tpu.memory_space<vmem>>
              %dma_start3A_124 = tpu.memref_squeeze %dma_start3A_123 : memref<1x25x1x80xi32, #tpu.memory_space<vmem>> -> memref<25x1x80xi32, #tpu.memory_space<vmem>>
              %dma_start3A_125 = arith.constant 0 : i32
              %dma_start3A_126 = arith.constant 0 : i32
              %dma_start3A_127 = tpu.memref_slice %arg4[%add3A_118, %dma_start3A_125, %dma_start3A_126] : memref<4008x1x80xi32, #tpu.memory_space<hbm>> -> memref<25x1x80xi32, #tpu.memory_space<hbm>>
              %dma_start3A_128 = arith.constant 0 : i32
              %dma_start3A_129 = arith.constant 0 : i32
              %dma_start3A_130 = arith.constant 0 : i32
              %dma_start3A_131 = tpu.memref_slice %arg9[%rem3A_108, %dma_start3A_128, %dma_start3A_129, %dma_start3A_130] : memref<2x25x1x80xi32, #tpu.memory_space<vmem>> -> memref<1x25x1x80xi32, #tpu.memory_space<vmem>>
              %dma_start3A_132 = tpu.memref_squeeze %dma_start3A_131 : memref<1x25x1x80xi32, #tpu.memory_space<vmem>> -> memref<25x1x80xi32, #tpu.memory_space<vmem>>
              %dma_start3A_133 = arith.constant 0 : i32
              %dma_start3A_134 = arith.constant 0 : i32
              %dma_start3A_135 = tpu.memref_slice %arg4[%add3A_118, %dma_start3A_133, %dma_start3A_134] : memref<4008x1x80xi32, #tpu.memory_space<hbm>> -> memref<25x1x80xi32, #tpu.memory_space<hbm>>
              tpu.enqueue_dma source(%dma_start3A_135 : memref<25x1x80xi32, #tpu.memory_space<hbm>>) target(%dma_start3A_132 : memref<25x1x80xi32, #tpu.memory_space<vmem>>) target_semaphore(%run_scoped3A_119 : memref<!tpu.dma_semaphore, #tpu.memory_space<semaphore_mem>>)
              %dma_wait3A_136 = arith.constant 0 : i32
              %dma_wait3A_137 = arith.constant 0 : i32
              %dma_wait3A_138 = arith.constant 0 : i32
              %dma_wait3A_139 = tpu.memref_slice %arg9[%rem3A_108, %dma_wait3A_136, %dma_wait3A_137, %dma_wait3A_138] : memref<2x25x1x80xi32, #tpu.memory_space<vmem>> -> memref<1x25x1x80xi32, #tpu.memory_space<vmem>>
              %dma_wait3A_140 = tpu.memref_squeeze %dma_wait3A_139 : memref<1x25x1x80xi32, #tpu.memory_space<vmem>> -> memref<25x1x80xi32, #tpu.memory_space<vmem>>
              %dma_wait3A_141 = arith.constant 0 : i32
              %dma_wait3A_142 = arith.constant 0 : i32
              %dma_wait3A_143 = tpu.memref_slice %arg4[%add3A_118, %dma_wait3A_141, %dma_wait3A_142] : memref<4008x1x80xi32, #tpu.memory_space<hbm>> -> memref<25x1x80xi32, #tpu.memory_space<hbm>>
              %dma_wait3A_144 = arith.constant 0 : i32
              %dma_wait3A_145 = arith.constant 0 : i32
              %dma_wait3A_146 = arith.constant 0 : i32
              %dma_wait3A_147 = tpu.memref_slice %arg9[%rem3A_108, %dma_wait3A_144, %dma_wait3A_145, %dma_wait3A_146] : memref<2x25x1x80xi32, #tpu.memory_space<vmem>> -> memref<1x25x1x80xi32, #tpu.memory_space<vmem>>
              %dma_wait3A_148 = tpu.memref_squeeze %dma_wait3A_147 : memref<1x25x1x80xi32, #tpu.memory_space<vmem>> -> memref<25x1x80xi32, #tpu.memory_space<vmem>>
              %dma_wait3A_149 = arith.constant 0 : i32
              %dma_wait3A_150 = arith.constant 0 : i32
              %dma_wait3A_151 = tpu.memref_slice %arg4[%add3A_118, %dma_wait3A_149, %dma_wait3A_150] : memref<4008x1x80xi32, #tpu.memory_space<hbm>> -> memref<25x1x80xi32, #tpu.memory_space<hbm>>
              tpu.wait_dma2 semaphore(%run_scoped3A_119 : memref<!tpu.dma_semaphore, #tpu.memory_space<semaphore_mem>>) src(%dma_wait3A_151 : memref<25x1x80xi32, #tpu.memory_space<hbm>>) dst(%dma_wait3A_148 : memref<25x1x80xi32, #tpu.memory_space<vmem>>)
              tpu.yield
            }) : () -> ()
          } else {
          }
        } else {
        }
        %add3A_91 = arith.constant 2 : i32
        %add3A_92 = arith.addi %while3A_37, %add3A_91 : i32
        %lt3A_93 = arith.cmpi slt, %add3A_92, %add3A_8 : i32
        %convert_element_type3A_94 = arith.extui %lt3A_93 : i1 to i32
        %cond3A_95 = arith.constant 0 : i32
        %cond3A_96 = arith.cmpi ne, %convert_element_type3A_94, %cond3A_95 : i32
        scf.if %cond3A_96 {
          %add3A_97 = arith.constant 2 : i32
          %add3A_98 = arith.addi %while3A_37, %add3A_97 : i32
          %sub3A = arith.constant 3 : i32
          %sub3A_99 = arith.subi %add3A_98, %sub3A : i32
          %ge3A = arith.constant 0 : i32
          %ge3A_100 = arith.cmpi sge, %sub3A_99, %ge3A : i32
          %convert_element_type3A_101 = arith.extui %ge3A_100 : i1 to i32
          %cond3A_102 = arith.constant 0 : i32
          %cond3A_103 = arith.cmpi ne, %convert_element_type3A_101, %cond3A_102 : i32
          scf.if %cond3A_103 {
            %dma_wait3A_124 = arith.constant 2 : i32
            %dma_wait3A_125 = arith.constant 0 : i32
            %dma_wait3A_126 = arith.constant 0 : i32
            %dma_wait3A_127 = arith.constant 0 : i32
            %dma_wait3A_128 = arith.constant 0 : i32
            %dma_wait3A_129 = arith.constant 0 : i32
            %dma_wait3A_130 = tpu.memref_slice %arg10[%dma_wait3A_124, %dma_wait3A_128, %dma_wait3A_129] : memref<3x80x128xf32, #tpu.memory_space<vmem>> -> memref<1x80x128xf32, #tpu.memory_space<vmem>>
            %dma_wait3A_131 = tpu.memref_squeeze %dma_wait3A_130 : memref<1x80x128xf32, #tpu.memory_space<vmem>> -> memref<80x128xf32, #tpu.memory_space<vmem>>
            %dma_wait3A_132 = arith.constant 0 : i32
            %dma_wait3A_133 = tpu.memref_slice %arg9[%dma_wait3A_125, %dma_wait3A_126, %dma_wait3A_127, %dma_wait3A_132] : memref<2x25x1x80xi32, #tpu.memory_space<vmem>> -> memref<1x1x1x80xi32, #tpu.memory_space<vmem>>
            %dma_wait3A_134 = tpu.memref_squeeze %dma_wait3A_133 : memref<1x1x1x80xi32, #tpu.memory_space<vmem>> -> memref<80xi32, #tpu.memory_space<vmem>>
            %dma_wait3A_135 = arith.constant 0 : i32
            %dma_wait3A_136 = arith.constant 0 : i32
            %dma_wait3A_137 = tpu.memref_slice %arg7[%dma_wait3A_135, %dma_wait3A_136] : memref<10000x128xf32, #tpu.memory_space<vmem_shared>> -> memref<10000x128xf32, #tpu.memory_space<vmem_shared>>
            tpu.wait_indirect_dma semaphore(%arg16 : memref<!tpu.dma_semaphore, #tpu.memory_space<semaphore_mem>>) src(%dma_wait3A_131 : memref<80x128xf32, #tpu.memory_space<vmem>>) dst(%dma_wait3A_137 : memref<10000x128xf32, #tpu.memory_space<vmem_shared>>)
          } else {
          }
          %add3A_104 = arith.constant 2 : i32
          %add3A_105 = arith.addi %while3A_37, %add3A_104 : i32
          %div3A_106 = arith.constant 25 : i32
          %div3A_107 = arith.divsi %add3A_105, %div3A_106 : i32
          %rem3A_108 = arith.constant 2 : i32
          %rem3A_109 = arith.remsi %div3A_107, %rem3A_108 : i32
          %rem3A_110 = arith.constant 25 : i32
          %rem3A_111 = arith.remsi %add3A_105, %rem3A_110 : i32
          %dma_start3A_112 = arith.constant 0 : i32
          %dma_start3A_113 = arith.constant 2 : i32
          %dma_start3A_114 = arith.constant 0 : i32
          %dma_start3A_115 = arith.constant 0 : i32
          %dma_start3A_116 = tpu.memref_slice %arg10[%dma_start3A_113, %dma_start3A_114, %dma_start3A_115] : memref<3x80x128xf32, #tpu.memory_space<vmem>> -> memref<1x80x128xf32, #tpu.memory_space<vmem>>
          %dma_start3A_117 = tpu.memref_squeeze %dma_start3A_116 : memref<1x80x128xf32, #tpu.memory_space<vmem>> -> memref<80x128xf32, #tpu.memory_space<vmem>>
          %dma_start3A_118 = arith.constant 0 : i32
          %dma_start3A_119 = tpu.memref_slice %arg8[%rem3A_109, %rem3A_111, %dma_start3A_112, %dma_start3A_118] : memref<2x25x1x80xi32, #tpu.memory_space<vmem>> -> memref<1x1x1x80xi32, #tpu.memory_space<vmem>>
          %dma_start3A_120 = tpu.memref_squeeze %dma_start3A_119 : memref<1x1x1x80xi32, #tpu.memory_space<vmem>> -> memref<80xi32, #tpu.memory_space<vmem>>
          %dma_start3A_121 = arith.constant 0 : i32
          %dma_start3A_122 = arith.constant 0 : i32
          %dma_start3A_123 = tpu.memref_slice %arg2[%dma_start3A_121, %dma_start3A_122] : memref<10000x128xf32, #tpu.memory_space<hbm>> -> memref<10000x128xf32, #tpu.memory_space<hbm>>
          tpu.enqueue_indirect_dma source(%dma_start3A_123 : memref<10000x128xf32, #tpu.memory_space<hbm>>) target(%dma_start3A_117 : memref<80x128xf32, #tpu.memory_space<vmem>>) offsets(%dma_start3A_120 : memref<80xi32, #tpu.memory_space<vmem>>) semaphore(%arg13 : memref<!tpu.dma_semaphore, #tpu.memory_space<semaphore_mem>>)
        } else {
        }
      } else {
      }
      %rem3A_48 = arith.constant 3 : i32
      %rem3A_49 = arith.remsi %while3A_37, %rem3A_48 : i32
      %eq3A_50 = arith.constant 1 : i32
      %eq3A_51 = arith.cmpi eq, %rem3A_49, %eq3A_50 : i32
      %convert_element_type3A_52 = arith.extui %eq3A_51 : i1 to i32
      %cond3A_53 = arith.constant 0 : i32
      %cond3A_54 = arith.cmpi ne, %convert_element_type3A_52, %cond3A_53 : i32
      scf.if %cond3A_54 {
        %dma_wait3A = arith.constant 0 : i32
        %dma_wait3A_62 = arith.constant 0 : i32
        %dma_wait3A_63 = arith.constant 0 : i32
        %dma_wait3A_64 = arith.constant 1 : i32
        %dma_wait3A_65 = arith.constant 0 : i32
        %dma_wait3A_66 = arith.constant 0 : i32
        %dma_wait3A_67 = tpu.memref_slice %arg10[%dma_wait3A_64, %dma_wait3A_65, %dma_wait3A_66] : memref<3x80x128xf32, #tpu.memory_space<vmem>> -> memref<1x80x128xf32, #tpu.memory_space<vmem>>
        %dma_wait3A_68 = tpu.memref_squeeze %dma_wait3A_67 : memref<1x80x128xf32, #tpu.memory_space<vmem>> -> memref<80x128xf32, #tpu.memory_space<vmem>>
        %dma_wait3A_69 = arith.constant 0 : i32
        %dma_wait3A_70 = tpu.memref_slice %arg8[%dma_wait3A, %dma_wait3A_62, %dma_wait3A_63, %dma_wait3A_69] : memref<2x25x1x80xi32, #tpu.memory_space<vmem>> -> memref<1x1x1x80xi32, #tpu.memory_space<vmem>>
        %dma_wait3A_71 = tpu.memref_squeeze %dma_wait3A_70 : memref<1x1x1x80xi32, #tpu.memory_space<vmem>> -> memref<80xi32, #tpu.memory_space<vmem>>
        %dma_wait3A_72 = arith.constant 0 : i32
        %dma_wait3A_73 = arith.constant 0 : i32
        %dma_wait3A_74 = tpu.memref_slice %arg2[%dma_wait3A_72, %dma_wait3A_73] : memref<10000x128xf32, #tpu.memory_space<hbm>> -> memref<10000x128xf32, #tpu.memory_space<hbm>>
        tpu.wait_indirect_dma semaphore(%arg12 : memref<!tpu.dma_semaphore, #tpu.memory_space<semaphore_mem>>) src(%dma_wait3A_74 : memref<10000x128xf32, #tpu.memory_space<hbm>>) dst(%dma_wait3A_68 : memref<80x128xf32, #tpu.memory_space<vmem>>)
        %dma_start3A = arith.constant 1 : i32
        %dma_start3A_75 = arith.constant 0 : i32
        %dma_start3A_76 = arith.constant 0 : i32
        %dma_start3A_77 = arith.constant 0 : i32
        %dma_start3A_78 = tpu.memref_slice %arg10[%dma_start3A, %dma_start3A_76, %dma_start3A_77] : memref<3x80x128xf32, #tpu.memory_space<vmem>> -> memref<1x80x128xf32, #tpu.memory_space<vmem>>
        %dma_start3A_79 = tpu.memref_squeeze %dma_start3A_78 : memref<1x80x128xf32, #tpu.memory_space<vmem>> -> memref<80x128xf32, #tpu.memory_space<vmem>>
        %dma_start3A_80 = arith.constant 0 : i32
        %dma_start3A_81 = tpu.memref_slice %arg9[%rem3A_41, %rem3A_39, %dma_start3A_75, %dma_start3A_80] : memref<2x25x1x80xi32, #tpu.memory_space<vmem>> -> memref<1x1x1x80xi32, #tpu.memory_space<vmem>>
        %dma_start3A_82 = tpu.memref_squeeze %dma_start3A_81 : memref<1x1x1x80xi32, #tpu.memory_space<vmem>> -> memref<80xi32, #tpu.memory_space<vmem>>
        %dma_start3A_83 = arith.constant 0 : i32
        %dma_start3A_84 = arith.constant 0 : i32
        %dma_start3A_85 = tpu.memref_slice %arg7[%dma_start3A_83, %dma_start3A_84] : memref<10000x128xf32, #tpu.memory_space<vmem_shared>> -> memref<10000x128xf32, #tpu.memory_space<vmem_shared>>
        tpu.enqueue_indirect_dma source(%dma_start3A_79 : memref<80x128xf32, #tpu.memory_space<vmem>>) target(%dma_start3A_85 : memref<10000x128xf32, #tpu.memory_space<vmem_shared>>) offsets(%dma_start3A_82 : memref<80xi32, #tpu.memory_space<vmem>>) semaphore(%arg15 : memref<!tpu.dma_semaphore, #tpu.memory_space<semaphore_mem>>) {add = true}
        %eq3A_86 = arith.constant 22 : i32
        %eq3A_87 = arith.cmpi eq, %rem3A_39, %eq3A_86 : i32
        %convert_element_type3A_88 = arith.extui %eq3A_87 : i1 to i32
        %cond3A_89 = arith.constant 0 : i32
        %cond3A_90 = arith.cmpi ne, %convert_element_type3A_88, %cond3A_89 : i32
        scf.if %cond3A_90 {
          %add3A_97 = arith.constant 1 : i32
          %add3A_98 = arith.addi %div3A_38, %add3A_97 : i32
          %mul3A_99 = arith.constant 25 : i32
          %mul3A_100 = arith.muli %add3A_98, %mul3A_99 : i32
          %lt3A_101 = arith.cmpi slt, %mul3A_100, %add3A_8 : i32
          %convert_element_type3A_102 = arith.extui %lt3A_101 : i1 to i32
          %cond3A_103 = arith.constant 0 : i32
          %cond3A_104 = arith.cmpi ne, %convert_element_type3A_102, %cond3A_103 : i32
          scf.if %cond3A_104 {
            %add3A_105 = arith.constant 1 : i32
            %add3A_106 = arith.addi %div3A_38, %add3A_105 : i32
            %rem3A_107 = arith.constant 2 : i32
            %rem3A_108 = arith.remsi %add3A_106, %rem3A_107 : i32
            %add3A_109 = arith.constant 1 : i32
            %add3A_110 = arith.addi %div3A_38, %add3A_109 : i32
            %mul3A_111 = arith.constant 25 : i32
            %mul3A_112 = arith.muli %add3A_110, %mul3A_111 : i32
            %add3A_113 = arith.addi %add3A_4, %mul3A_112 : i32
            "tpu.region"() ({
              %run_scoped3A_119 = tpu.sem_alloc : memref<!tpu.dma_semaphore, #tpu.memory_space<semaphore_mem>>
              %dma_start3A_120 = arith.constant 0 : i32
              %dma_start3A_121 = arith.constant 0 : i32
              %dma_start3A_122 = arith.constant 0 : i32
              %dma_start3A_123 = tpu.memref_slice %arg8[%rem3A_108, %dma_start3A_120, %dma_start3A_121, %dma_start3A_122] : memref<2x25x1x80xi32, #tpu.memory_space<vmem>> -> memref<1x25x1x80xi32, #tpu.memory_space<vmem>>
              %dma_start3A_124 = tpu.memref_squeeze %dma_start3A_123 : memref<1x25x1x80xi32, #tpu.memory_space<vmem>> -> memref<25x1x80xi32, #tpu.memory_space<vmem>>
              %dma_start3A_125 = arith.constant 0 : i32
              %dma_start3A_126 = arith.constant 0 : i32
              %dma_start3A_127 = tpu.memref_slice %arg3[%add3A_113, %dma_start3A_125, %dma_start3A_126] : memref<4008x1x80xi32, #tpu.memory_space<hbm>> -> memref<25x1x80xi32, #tpu.memory_space<hbm>>
              %dma_start3A_128 = arith.constant 0 : i32
              %dma_start3A_129 = arith.constant 0 : i32
              %dma_start3A_130 = arith.constant 0 : i32
              %dma_start3A_131 = tpu.memref_slice %arg8[%rem3A_108, %dma_start3A_128, %dma_start3A_129, %dma_start3A_130] : memref<2x25x1x80xi32, #tpu.memory_space<vmem>> -> memref<1x25x1x80xi32, #tpu.memory_space<vmem>>
              %dma_start3A_132 = tpu.memref_squeeze %dma_start3A_131 : memref<1x25x1x80xi32, #tpu.memory_space<vmem>> -> memref<25x1x80xi32, #tpu.memory_space<vmem>>
              %dma_start3A_133 = arith.constant 0 : i32
              %dma_start3A_134 = arith.constant 0 : i32
              %dma_start3A_135 = tpu.memref_slice %arg3[%add3A_113, %dma_start3A_133, %dma_start3A_134] : memref<4008x1x80xi32, #tpu.memory_space<hbm>> -> memref<25x1x80xi32, #tpu.memory_space<hbm>>
              tpu.enqueue_dma source(%dma_start3A_135 : memref<25x1x80xi32, #tpu.memory_space<hbm>>) target(%dma_start3A_132 : memref<25x1x80xi32, #tpu.memory_space<vmem>>) target_semaphore(%run_scoped3A_119 : memref<!tpu.dma_semaphore, #tpu.memory_space<semaphore_mem>>)
              %dma_wait3A_136 = arith.constant 0 : i32
              %dma_wait3A_137 = arith.constant 0 : i32
              %dma_wait3A_138 = arith.constant 0 : i32
              %dma_wait3A_139 = tpu.memref_slice %arg8[%rem3A_108, %dma_wait3A_136, %dma_wait3A_137, %dma_wait3A_138] : memref<2x25x1x80xi32, #tpu.memory_space<vmem>> -> memref<1x25x1x80xi32, #tpu.memory_space<vmem>>
              %dma_wait3A_140 = tpu.memref_squeeze %dma_wait3A_139 : memref<1x25x1x80xi32, #tpu.memory_space<vmem>> -> memref<25x1x80xi32, #tpu.memory_space<vmem>>
              %dma_wait3A_141 = arith.constant 0 : i32
              %dma_wait3A_142 = arith.constant 0 : i32
              %dma_wait3A_143 = tpu.memref_slice %arg3[%add3A_113, %dma_wait3A_141, %dma_wait3A_142] : memref<4008x1x80xi32, #tpu.memory_space<hbm>> -> memref<25x1x80xi32, #tpu.memory_space<hbm>>
              %dma_wait3A_144 = arith.constant 0 : i32
              %dma_wait3A_145 = arith.constant 0 : i32
              %dma_wait3A_146 = arith.constant 0 : i32
              %dma_wait3A_147 = tpu.memref_slice %arg8[%rem3A_108, %dma_wait3A_144, %dma_wait3A_145, %dma_wait3A_146] : memref<2x25x1x80xi32, #tpu.memory_space<vmem>> -> memref<1x25x1x80xi32, #tpu.memory_space<vmem>>
              %dma_wait3A_148 = tpu.memref_squeeze %dma_wait3A_147 : memref<1x25x1x80xi32, #tpu.memory_space<vmem>> -> memref<25x1x80xi32, #tpu.memory_space<vmem>>
              %dma_wait3A_149 = arith.constant 0 : i32
              %dma_wait3A_150 = arith.constant 0 : i32
              %dma_wait3A_151 = tpu.memref_slice %arg3[%add3A_113, %dma_wait3A_149, %dma_wait3A_150] : memref<4008x1x80xi32, #tpu.memory_space<hbm>> -> memref<25x1x80xi32, #tpu.memory_space<hbm>>
              tpu.wait_dma2 semaphore(%run_scoped3A_119 : memref<!tpu.dma_semaphore, #tpu.memory_space<semaphore_mem>>) src(%dma_wait3A_151 : memref<25x1x80xi32, #tpu.memory_space<hbm>>) dst(%dma_wait3A_148 : memref<25x1x80xi32, #tpu.memory_space<vmem>>)
              tpu.yield
            }) : () -> ()
            %add3A_114 = arith.constant 1 : i32
            %add3A_115 = arith.addi %div3A_38, %add3A_114 : i32
            %mul3A_116 = arith.constant 25 : i32
            %mul3A_117 = arith.muli %add3A_115, %mul3A_116 : i32
            %add3A_118 = arith.addi %add3A_4, %mul3A_117 : i32
            "tpu.region"() ({
              %run_scoped3A_119 = tpu.sem_alloc : memref<!tpu.dma_semaphore, #tpu.memory_space<semaphore_mem>>
              %dma_start3A_120 = arith.constant 0 : i32
              %dma_start3A_121 = arith.constant 0 : i32
              %dma_start3A_122 = arith.constant 0 : i32
              %dma_start3A_123 = tpu.memref_slice %arg9[%rem3A_108, %dma_start3A_120, %dma_start3A_121, %dma_start3A_122] : memref<2x25x1x80xi32, #tpu.memory_space<vmem>> -> memref<1x25x1x80xi32, #tpu.memory_space<vmem>>
              %dma_start3A_124 = tpu.memref_squeeze %dma_start3A_123 : memref<1x25x1x80xi32, #tpu.memory_space<vmem>> -> memref<25x1x80xi32, #tpu.memory_space<vmem>>
              %dma_start3A_125 = arith.constant 0 : i32
              %dma_start3A_126 = arith.constant 0 : i32
              %dma_start3A_127 = tpu.memref_slice %arg4[%add3A_118, %dma_start3A_125, %dma_start3A_126] : memref<4008x1x80xi32, #tpu.memory_space<hbm>> -> memref<25x1x80xi32, #tpu.memory_space<hbm>>
              %dma_start3A_128 = arith.constant 0 : i32
              %dma_start3A_129 = arith.constant 0 : i32
              %dma_start3A_130 = arith.constant 0 : i32
              %dma_start3A_131 = tpu.memref_slice %arg9[%rem3A_108, %dma_start3A_128, %dma_start3A_129, %dma_start3A_130] : memref<2x25x1x80xi32, #tpu.memory_space<vmem>> -> memref<1x25x1x80xi32, #tpu.memory_space<vmem>>
              %dma_start3A_132 = tpu.memref_squeeze %dma_start3A_131 : memref<1x25x1x80xi32, #tpu.memory_space<vmem>> -> memref<25x1x80xi32, #tpu.memory_space<vmem>>
              %dma_start3A_133 = arith.constant 0 : i32
              %dma_start3A_134 = arith.constant 0 : i32
              %dma_start3A_135 = tpu.memref_slice %arg4[%add3A_118, %dma_start3A_133, %dma_start3A_134] : memref<4008x1x80xi32, #tpu.memory_space<hbm>> -> memref<25x1x80xi32, #tpu.memory_space<hbm>>
              tpu.enqueue_dma source(%dma_start3A_135 : memref<25x1x80xi32, #tpu.memory_space<hbm>>) target(%dma_start3A_132 : memref<25x1x80xi32, #tpu.memory_space<vmem>>) target_semaphore(%run_scoped3A_119 : memref<!tpu.dma_semaphore, #tpu.memory_space<semaphore_mem>>)
              %dma_wait3A_136 = arith.constant 0 : i32
              %dma_wait3A_137 = arith.constant 0 : i32
              %dma_wait3A_138 = arith.constant 0 : i32
              %dma_wait3A_139 = tpu.memref_slice %arg9[%rem3A_108, %dma_wait3A_136, %dma_wait3A_137, %dma_wait3A_138] : memref<2x25x1x80xi32, #tpu.memory_space<vmem>> -> memref<1x25x1x80xi32, #tpu.memory_space<vmem>>
              %dma_wait3A_140 = tpu.memref_squeeze %dma_wait3A_139 : memref<1x25x1x80xi32, #tpu.memory_space<vmem>> -> memref<25x1x80xi32, #tpu.memory_space<vmem>>
              %dma_wait3A_141 = arith.constant 0 : i32
              %dma_wait3A_142 = arith.constant 0 : i32
              %dma_wait3A_143 = tpu.memref_slice %arg4[%add3A_118, %dma_wait3A_141, %dma_wait3A_142] : memref<4008x1x80xi32, #tpu.memory_space<hbm>> -> memref<25x1x80xi32, #tpu.memory_space<hbm>>
              %dma_wait3A_144 = arith.constant 0 : i32
              %dma_wait3A_145 = arith.constant 0 : i32
              %dma_wait3A_146 = arith.constant 0 : i32
              %dma_wait3A_147 = tpu.memref_slice %arg9[%rem3A_108, %dma_wait3A_144, %dma_wait3A_145, %dma_wait3A_146] : memref<2x25x1x80xi32, #tpu.memory_space<vmem>> -> memref<1x25x1x80xi32, #tpu.memory_space<vmem>>
              %dma_wait3A_148 = tpu.memref_squeeze %dma_wait3A_147 : memref<1x25x1x80xi32, #tpu.memory_space<vmem>> -> memref<25x1x80xi32, #tpu.memory_space<vmem>>
              %dma_wait3A_149 = arith.constant 0 : i32
              %dma_wait3A_150 = arith.constant 0 : i32
              %dma_wait3A_151 = tpu.memref_slice %arg4[%add3A_118, %dma_wait3A_149, %dma_wait3A_150] : memref<4008x1x80xi32, #tpu.memory_space<hbm>> -> memref<25x1x80xi32, #tpu.memory_space<hbm>>
              tpu.wait_dma2 semaphore(%run_scoped3A_119 : memref<!tpu.dma_semaphore, #tpu.memory_space<semaphore_mem>>) src(%dma_wait3A_151 : memref<25x1x80xi32, #tpu.memory_space<hbm>>) dst(%dma_wait3A_148 : memref<25x1x80xi32, #tpu.memory_space<vmem>>)
              tpu.yield
            }) : () -> ()
          } else {
          }
        } else {
        }
        %add3A_91 = arith.constant 2 : i32
        %add3A_92 = arith.addi %while3A_37, %add3A_91 : i32
        %lt3A_93 = arith.cmpi slt, %add3A_92, %add3A_8 : i32
        %convert_element_type3A_94 = arith.extui %lt3A_93 : i1 to i32
        %cond3A_95 = arith.constant 0 : i32
        %cond3A_96 = arith.cmpi ne, %convert_element_type3A_94, %cond3A_95 : i32
        scf.if %cond3A_96 {
          %add3A_97 = arith.constant 2 : i32
          %add3A_98 = arith.addi %while3A_37, %add3A_97 : i32
          %sub3A = arith.constant 3 : i32
          %sub3A_99 = arith.subi %add3A_98, %sub3A : i32
          %ge3A = arith.constant 0 : i32
          %ge3A_100 = arith.cmpi sge, %sub3A_99, %ge3A : i32
          %convert_element_type3A_101 = arith.extui %ge3A_100 : i1 to i32
          %cond3A_102 = arith.constant 0 : i32
          %cond3A_103 = arith.cmpi ne, %convert_element_type3A_101, %cond3A_102 : i32
          scf.if %cond3A_103 {
            %dma_wait3A_124 = arith.constant 0 : i32
            %dma_wait3A_125 = arith.constant 0 : i32
            %dma_wait3A_126 = arith.constant 0 : i32
            %dma_wait3A_127 = arith.constant 0 : i32
            %dma_wait3A_128 = arith.constant 0 : i32
            %dma_wait3A_129 = arith.constant 0 : i32
            %dma_wait3A_130 = tpu.memref_slice %arg10[%dma_wait3A_124, %dma_wait3A_128, %dma_wait3A_129] : memref<3x80x128xf32, #tpu.memory_space<vmem>> -> memref<1x80x128xf32, #tpu.memory_space<vmem>>
            %dma_wait3A_131 = tpu.memref_squeeze %dma_wait3A_130 : memref<1x80x128xf32, #tpu.memory_space<vmem>> -> memref<80x128xf32, #tpu.memory_space<vmem>>
            %dma_wait3A_132 = arith.constant 0 : i32
            %dma_wait3A_133 = tpu.memref_slice %arg9[%dma_wait3A_125, %dma_wait3A_126, %dma_wait3A_127, %dma_wait3A_132] : memref<2x25x1x80xi32, #tpu.memory_space<vmem>> -> memref<1x1x1x80xi32, #tpu.memory_space<vmem>>
            %dma_wait3A_134 = tpu.memref_squeeze %dma_wait3A_133 : memref<1x1x1x80xi32, #tpu.memory_space<vmem>> -> memref<80xi32, #tpu.memory_space<vmem>>
            %dma_wait3A_135 = arith.constant 0 : i32
            %dma_wait3A_136 = arith.constant 0 : i32
            %dma_wait3A_137 = tpu.memref_slice %arg7[%dma_wait3A_135, %dma_wait3A_136] : memref<10000x128xf32, #tpu.memory_space<vmem_shared>> -> memref<10000x128xf32, #tpu.memory_space<vmem_shared>>
            tpu.wait_indirect_dma semaphore(%arg14 : memref<!tpu.dma_semaphore, #tpu.memory_space<semaphore_mem>>) src(%dma_wait3A_131 : memref<80x128xf32, #tpu.memory_space<vmem>>) dst(%dma_wait3A_137 : memref<10000x128xf32, #tpu.memory_space<vmem_shared>>)
          } else {
          }
          %add3A_104 = arith.constant 2 : i32
          %add3A_105 = arith.addi %while3A_37, %add3A_104 : i32
          %div3A_106 = arith.constant 25 : i32
          %div3A_107 = arith.divsi %add3A_105, %div3A_106 : i32
          %rem3A_108 = arith.constant 2 : i32
          %rem3A_109 = arith.remsi %div3A_107, %rem3A_108 : i32
          %rem3A_110 = arith.constant 25 : i32
          %rem3A_111 = arith.remsi %add3A_105, %rem3A_110 : i32
          %dma_start3A_112 = arith.constant 0 : i32
          %dma_start3A_113 = arith.constant 0 : i32
          %dma_start3A_114 = arith.constant 0 : i32
          %dma_start3A_115 = arith.constant 0 : i32
          %dma_start3A_116 = tpu.memref_slice %arg10[%dma_start3A_113, %dma_start3A_114, %dma_start3A_115] : memref<3x80x128xf32, #tpu.memory_space<vmem>> -> memref<1x80x128xf32, #tpu.memory_space<vmem>>
          %dma_start3A_117 = tpu.memref_squeeze %dma_start3A_116 : memref<1x80x128xf32, #tpu.memory_space<vmem>> -> memref<80x128xf32, #tpu.memory_space<vmem>>
          %dma_start3A_118 = arith.constant 0 : i32
          %dma_start3A_119 = tpu.memref_slice %arg8[%rem3A_109, %rem3A_111, %dma_start3A_112, %dma_start3A_118] : memref<2x25x1x80xi32, #tpu.memory_space<vmem>> -> memref<1x1x1x80xi32, #tpu.memory_space<vmem>>
          %dma_start3A_120 = tpu.memref_squeeze %dma_start3A_119 : memref<1x1x1x80xi32, #tpu.memory_space<vmem>> -> memref<80xi32, #tpu.memory_space<vmem>>
          %dma_start3A_121 = arith.constant 0 : i32
          %dma_start3A_122 = arith.constant 0 : i32
          %dma_start3A_123 = tpu.memref_slice %arg2[%dma_start3A_121, %dma_start3A_122] : memref<10000x128xf32, #tpu.memory_space<hbm>> -> memref<10000x128xf32, #tpu.memory_space<hbm>>
          tpu.enqueue_indirect_dma source(%dma_start3A_123 : memref<10000x128xf32, #tpu.memory_space<hbm>>) target(%dma_start3A_117 : memref<80x128xf32, #tpu.memory_space<vmem>>) offsets(%dma_start3A_120 : memref<80xi32, #tpu.memory_space<vmem>>) semaphore(%arg11 : memref<!tpu.dma_semaphore, #tpu.memory_space<semaphore_mem>>)
        } else {
        }
      } else {
      }
      %rem3A_55 = arith.constant 3 : i32
      %rem3A_56 = arith.remsi %while3A_37, %rem3A_55 : i32
      %eq3A_57 = arith.constant 2 : i32
      %eq3A_58 = arith.cmpi eq, %rem3A_56, %eq3A_57 : i32
      %convert_element_type3A_59 = arith.extui %eq3A_58 : i1 to i32
      %cond3A_60 = arith.constant 0 : i32
      %cond3A_61 = arith.cmpi ne, %convert_element_type3A_59, %cond3A_60 : i32
      scf.if %cond3A_61 {
        %dma_wait3A = arith.constant 0 : i32
        %dma_wait3A_62 = arith.constant 0 : i32
        %dma_wait3A_63 = arith.constant 0 : i32
        %dma_wait3A_64 = arith.constant 2 : i32
        %dma_wait3A_65 = arith.constant 0 : i32
        %dma_wait3A_66 = arith.constant 0 : i32
        %dma_wait3A_67 = tpu.memref_slice %arg10[%dma_wait3A_64, %dma_wait3A_65, %dma_wait3A_66] : memref<3x80x128xf32, #tpu.memory_space<vmem>> -> memref<1x80x128xf32, #tpu.memory_space<vmem>>
        %dma_wait3A_68 = tpu.memref_squeeze %dma_wait3A_67 : memref<1x80x128xf32, #tpu.memory_space<vmem>> -> memref<80x128xf32, #tpu.memory_space<vmem>>
        %dma_wait3A_69 = arith.constant 0 : i32
        %dma_wait3A_70 = tpu.memref_slice %arg8[%dma_wait3A, %dma_wait3A_62, %dma_wait3A_63, %dma_wait3A_69] : memref<2x25x1x80xi32, #tpu.memory_space<vmem>> -> memref<1x1x1x80xi32, #tpu.memory_space<vmem>>
        %dma_wait3A_71 = tpu.memref_squeeze %dma_wait3A_70 : memref<1x1x1x80xi32, #tpu.memory_space<vmem>> -> memref<80xi32, #tpu.memory_space<vmem>>
        %dma_wait3A_72 = arith.constant 0 : i32
        %dma_wait3A_73 = arith.constant 0 : i32
        %dma_wait3A_74 = tpu.memref_slice %arg2[%dma_wait3A_72, %dma_wait3A_73] : memref<10000x128xf32, #tpu.memory_space<hbm>> -> memref<10000x128xf32, #tpu.memory_space<hbm>>
        tpu.wait_indirect_dma semaphore(%arg13 : memref<!tpu.dma_semaphore, #tpu.memory_space<semaphore_mem>>) src(%dma_wait3A_74 : memref<10000x128xf32, #tpu.memory_space<hbm>>) dst(%dma_wait3A_68 : memref<80x128xf32, #tpu.memory_space<vmem>>)
        %dma_start3A = arith.constant 2 : i32
        %dma_start3A_75 = arith.constant 0 : i32
        %dma_start3A_76 = arith.constant 0 : i32
        %dma_start3A_77 = arith.constant 0 : i32
        %dma_start3A_78 = tpu.memref_slice %arg10[%dma_start3A, %dma_start3A_76, %dma_start3A_77] : memref<3x80x128xf32, #tpu.memory_space<vmem>> -> memref<1x80x128xf32, #tpu.memory_space<vmem>>
        %dma_start3A_79 = tpu.memref_squeeze %dma_start3A_78 : memref<1x80x128xf32, #tpu.memory_space<vmem>> -> memref<80x128xf32, #tpu.memory_space<vmem>>
        %dma_start3A_80 = arith.constant 0 : i32
        %dma_start3A_81 = tpu.memref_slice %arg9[%rem3A_41, %rem3A_39, %dma_start3A_75, %dma_start3A_80] : memref<2x25x1x80xi32, #tpu.memory_space<vmem>> -> memref<1x1x1x80xi32, #tpu.memory_space<vmem>>
        %dma_start3A_82 = tpu.memref_squeeze %dma_start3A_81 : memref<1x1x1x80xi32, #tpu.memory_space<vmem>> -> memref<80xi32, #tpu.memory_space<vmem>>
        %dma_start3A_83 = arith.constant 0 : i32
        %dma_start3A_84 = arith.constant 0 : i32
        %dma_start3A_85 = tpu.memref_slice %arg7[%dma_start3A_83, %dma_start3A_84] : memref<10000x128xf32, #tpu.memory_space<vmem_shared>> -> memref<10000x128xf32, #tpu.memory_space<vmem_shared>>
        tpu.enqueue_indirect_dma source(%dma_start3A_79 : memref<80x128xf32, #tpu.memory_space<vmem>>) target(%dma_start3A_85 : memref<10000x128xf32, #tpu.memory_space<vmem_shared>>) offsets(%dma_start3A_82 : memref<80xi32, #tpu.memory_space<vmem>>) semaphore(%arg16 : memref<!tpu.dma_semaphore, #tpu.memory_space<semaphore_mem>>) {add = true}
        %eq3A_86 = arith.constant 22 : i32
        %eq3A_87 = arith.cmpi eq, %rem3A_39, %eq3A_86 : i32
        %convert_element_type3A_88 = arith.extui %eq3A_87 : i1 to i32
        %cond3A_89 = arith.constant 0 : i32
        %cond3A_90 = arith.cmpi ne, %convert_element_type3A_88, %cond3A_89 : i32
        scf.if %cond3A_90 {
          %add3A_97 = arith.constant 1 : i32
          %add3A_98 = arith.addi %div3A_38, %add3A_97 : i32
          %mul3A_99 = arith.constant 25 : i32
          %mul3A_100 = arith.muli %add3A_98, %mul3A_99 : i32
          %lt3A_101 = arith.cmpi slt, %mul3A_100, %add3A_8 : i32
          %convert_element_type3A_102 = arith.extui %lt3A_101 : i1 to i32
          %cond3A_103 = arith.constant 0 : i32
          %cond3A_104 = arith.cmpi ne, %convert_element_type3A_102, %cond3A_103 : i32
          scf.if %cond3A_104 {
            %add3A_105 = arith.constant 1 : i32
            %add3A_106 = arith.addi %div3A_38, %add3A_105 : i32
            %rem3A_107 = arith.constant 2 : i32
            %rem3A_108 = arith.remsi %add3A_106, %rem3A_107 : i32
            %add3A_109 = arith.constant 1 : i32
            %add3A_110 = arith.addi %div3A_38, %add3A_109 : i32
            %mul3A_111 = arith.constant 25 : i32
            %mul3A_112 = arith.muli %add3A_110, %mul3A_111 : i32
            %add3A_113 = arith.addi %add3A_4, %mul3A_112 : i32
            "tpu.region"() ({
              %run_scoped3A_119 = tpu.sem_alloc : memref<!tpu.dma_semaphore, #tpu.memory_space<semaphore_mem>>
              %dma_start3A_120 = arith.constant 0 : i32
              %dma_start3A_121 = arith.constant 0 : i32
              %dma_start3A_122 = arith.constant 0 : i32
              %dma_start3A_123 = tpu.memref_slice %arg8[%rem3A_108, %dma_start3A_120, %dma_start3A_121, %dma_start3A_122] : memref<2x25x1x80xi32, #tpu.memory_space<vmem>> -> memref<1x25x1x80xi32, #tpu.memory_space<vmem>>
              %dma_start3A_124 = tpu.memref_squeeze %dma_start3A_123 : memref<1x25x1x80xi32, #tpu.memory_space<vmem>> -> memref<25x1x80xi32, #tpu.memory_space<vmem>>
              %dma_start3A_125 = arith.constant 0 : i32
              %dma_start3A_126 = arith.constant 0 : i32
              %dma_start3A_127 = tpu.memref_slice %arg3[%add3A_113, %dma_start3A_125, %dma_start3A_126] : memref<4008x1x80xi32, #tpu.memory_space<hbm>> -> memref<25x1x80xi32, #tpu.memory_space<hbm>>
              %dma_start3A_128 = arith.constant 0 : i32
              %dma_start3A_129 = arith.constant 0 : i32
              %dma_start3A_130 = arith.constant 0 : i32
              %dma_start3A_131 = tpu.memref_slice %arg8[%rem3A_108, %dma_start3A_128, %dma_start3A_129, %dma_start3A_130] : memref<2x25x1x80xi32, #tpu.memory_space<vmem>> -> memref<1x25x1x80xi32, #tpu.memory_space<vmem>>
              %dma_start3A_132 = tpu.memref_squeeze %dma_start3A_131 : memref<1x25x1x80xi32, #tpu.memory_space<vmem>> -> memref<25x1x80xi32, #tpu.memory_space<vmem>>
              %dma_start3A_133 = arith.constant 0 : i32
              %dma_start3A_134 = arith.constant 0 : i32
              %dma_start3A_135 = tpu.memref_slice %arg3[%add3A_113, %dma_start3A_133, %dma_start3A_134] : memref<4008x1x80xi32, #tpu.memory_space<hbm>> -> memref<25x1x80xi32, #tpu.memory_space<hbm>>
              tpu.enqueue_dma source(%dma_start3A_135 : memref<25x1x80xi32, #tpu.memory_space<hbm>>) target(%dma_start3A_132 : memref<25x1x80xi32, #tpu.memory_space<vmem>>) target_semaphore(%run_scoped3A_119 : memref<!tpu.dma_semaphore, #tpu.memory_space<semaphore_mem>>)
              %dma_wait3A_136 = arith.constant 0 : i32
              %dma_wait3A_137 = arith.constant 0 : i32
              %dma_wait3A_138 = arith.constant 0 : i32
              %dma_wait3A_139 = tpu.memref_slice %arg8[%rem3A_108, %dma_wait3A_136, %dma_wait3A_137, %dma_wait3A_138] : memref<2x25x1x80xi32, #tpu.memory_space<vmem>> -> memref<1x25x1x80xi32, #tpu.memory_space<vmem>>
              %dma_wait3A_140 = tpu.memref_squeeze %dma_wait3A_139 : memref<1x25x1x80xi32, #tpu.memory_space<vmem>> -> memref<25x1x80xi32, #tpu.memory_space<vmem>>
              %dma_wait3A_141 = arith.constant 0 : i32
              %dma_wait3A_142 = arith.constant 0 : i32
              %dma_wait3A_143 = tpu.memref_slice %arg3[%add3A_113, %dma_wait3A_141, %dma_wait3A_142] : memref<4008x1x80xi32, #tpu.memory_space<hbm>> -> memref<25x1x80xi32, #tpu.memory_space<hbm>>
              %dma_wait3A_144 = arith.constant 0 : i32
              %dma_wait3A_145 = arith.constant 0 : i32
              %dma_wait3A_146 = arith.constant 0 : i32
              %dma_wait3A_147 = tpu.memref_slice %arg8[%rem3A_108, %dma_wait3A_144, %dma_wait3A_145, %dma_wait3A_146] : memref<2x25x1x80xi32, #tpu.memory_space<vmem>> -> memref<1x25x1x80xi32, #tpu.memory_space<vmem>>
              %dma_wait3A_148 = tpu.memref_squeeze %dma_wait3A_147 : memref<1x25x1x80xi32, #tpu.memory_space<vmem>> -> memref<25x1x80xi32, #tpu.memory_space<vmem>>
              %dma_wait3A_149 = arith.constant 0 : i32
              %dma_wait3A_150 = arith.constant 0 : i32
              %dma_wait3A_151 = tpu.memref_slice %arg3[%add3A_113, %dma_wait3A_149, %dma_wait3A_150] : memref<4008x1x80xi32, #tpu.memory_space<hbm>> -> memref<25x1x80xi32, #tpu.memory_space<hbm>>
              tpu.wait_dma2 semaphore(%run_scoped3A_119 : memref<!tpu.dma_semaphore, #tpu.memory_space<semaphore_mem>>) src(%dma_wait3A_151 : memref<25x1x80xi32, #tpu.memory_space<hbm>>) dst(%dma_wait3A_148 : memref<25x1x80xi32, #tpu.memory_space<vmem>>)
              tpu.yield
            }) : () -> ()
            %add3A_114 = arith.constant 1 : i32
            %add3A_115 = arith.addi %div3A_38, %add3A_114 : i32
            %mul3A_116 = arith.constant 25 : i32
            %mul3A_117 = arith.muli %add3A_115, %mul3A_116 : i32
            %add3A_118 = arith.addi %add3A_4, %mul3A_117 : i32
            "tpu.region"() ({
              %run_scoped3A_119 = tpu.sem_alloc : memref<!tpu.dma_semaphore, #tpu.memory_space<semaphore_mem>>
              %dma_start3A_120 = arith.constant 0 : i32
              %dma_start3A_121 = arith.constant 0 : i32
              %dma_start3A_122 = arith.constant 0 : i32
              %dma_start3A_123 = tpu.memref_slice %arg9[%rem3A_108, %dma_start3A_120, %dma_start3A_121, %dma_start3A_122] : memref<2x25x1x80xi32, #tpu.memory_space<vmem>> -> memref<1x25x1x80xi32, #tpu.memory_space<vmem>>
              %dma_start3A_124 = tpu.memref_squeeze %dma_start3A_123 : memref<1x25x1x80xi32, #tpu.memory_space<vmem>> -> memref<25x1x80xi32, #tpu.memory_space<vmem>>
              %dma_start3A_125 = arith.constant 0 : i32
              %dma_start3A_126 = arith.constant 0 : i32
              %dma_start3A_127 = tpu.memref_slice %arg4[%add3A_118, %dma_start3A_125, %dma_start3A_126] : memref<4008x1x80xi32, #tpu.memory_space<hbm>> -> memref<25x1x80xi32, #tpu.memory_space<hbm>>
              %dma_start3A_128 = arith.constant 0 : i32
              %dma_start3A_129 = arith.constant 0 : i32
              %dma_start3A_130 = arith.constant 0 : i32
              %dma_start3A_131 = tpu.memref_slice %arg9[%rem3A_108, %dma_start3A_128, %dma_start3A_129, %dma_start3A_130] : memref<2x25x1x80xi32, #tpu.memory_space<vmem>> -> memref<1x25x1x80xi32, #tpu.memory_space<vmem>>
              %dma_start3A_132 = tpu.memref_squeeze %dma_start3A_131 : memref<1x25x1x80xi32, #tpu.memory_space<vmem>> -> memref<25x1x80xi32, #tpu.memory_space<vmem>>
              %dma_start3A_133 = arith.constant 0 : i32
              %dma_start3A_134 = arith.constant 0 : i32
              %dma_start3A_135 = tpu.memref_slice %arg4[%add3A_118, %dma_start3A_133, %dma_start3A_134] : memref<4008x1x80xi32, #tpu.memory_space<hbm>> -> memref<25x1x80xi32, #tpu.memory_space<hbm>>
              tpu.enqueue_dma source(%dma_start3A_135 : memref<25x1x80xi32, #tpu.memory_space<hbm>>) target(%dma_start3A_132 : memref<25x1x80xi32, #tpu.memory_space<vmem>>) target_semaphore(%run_scoped3A_119 : memref<!tpu.dma_semaphore, #tpu.memory_space<semaphore_mem>>)
              %dma_wait3A_136 = arith.constant 0 : i32
              %dma_wait3A_137 = arith.constant 0 : i32
              %dma_wait3A_138 = arith.constant 0 : i32
              %dma_wait3A_139 = tpu.memref_slice %arg9[%rem3A_108, %dma_wait3A_136, %dma_wait3A_137, %dma_wait3A_138] : memref<2x25x1x80xi32, #tpu.memory_space<vmem>> -> memref<1x25x1x80xi32, #tpu.memory_space<vmem>>
              %dma_wait3A_140 = tpu.memref_squeeze %dma_wait3A_139 : memref<1x25x1x80xi32, #tpu.memory_space<vmem>> -> memref<25x1x80xi32, #tpu.memory_space<vmem>>
              %dma_wait3A_141 = arith.constant 0 : i32
              %dma_wait3A_142 = arith.constant 0 : i32
              %dma_wait3A_143 = tpu.memref_slice %arg4[%add3A_118, %dma_wait3A_141, %dma_wait3A_142] : memref<4008x1x80xi32, #tpu.memory_space<hbm>> -> memref<25x1x80xi32, #tpu.memory_space<hbm>>
              %dma_wait3A_144 = arith.constant 0 : i32
              %dma_wait3A_145 = arith.constant 0 : i32
              %dma_wait3A_146 = arith.constant 0 : i32
              %dma_wait3A_147 = tpu.memref_slice %arg9[%rem3A_108, %dma_wait3A_144, %dma_wait3A_145, %dma_wait3A_146] : memref<2x25x1x80xi32, #tpu.memory_space<vmem>> -> memref<1x25x1x80xi32, #tpu.memory_space<vmem>>
              %dma_wait3A_148 = tpu.memref_squeeze %dma_wait3A_147 : memref<1x25x1x80xi32, #tpu.memory_space<vmem>> -> memref<25x1x80xi32, #tpu.memory_space<vmem>>
              %dma_wait3A_149 = arith.constant 0 : i32
              %dma_wait3A_150 = arith.constant 0 : i32
              %dma_wait3A_151 = tpu.memref_slice %arg4[%add3A_118, %dma_wait3A_149, %dma_wait3A_150] : memref<4008x1x80xi32, #tpu.memory_space<hbm>> -> memref<25x1x80xi32, #tpu.memory_space<hbm>>
              tpu.wait_dma2 semaphore(%run_scoped3A_119 : memref<!tpu.dma_semaphore, #tpu.memory_space<semaphore_mem>>) src(%dma_wait3A_151 : memref<25x1x80xi32, #tpu.memory_space<hbm>>) dst(%dma_wait3A_148 : memref<25x1x80xi32, #tpu.memory_space<vmem>>)
              tpu.yield
            }) : () -> ()
          } else {
          }
        } else {
        }
        %add3A_91 = arith.constant 2 : i32
        %add3A_92 = arith.addi %while3A_37, %add3A_91 : i32
        %lt3A_93 = arith.cmpi slt, %add3A_92, %add3A_8 : i32
        %convert_element_type3A_94 = arith.extui %lt3A_93 : i1 to i32
        %cond3A_95 = arith.constant 0 : i32
        %cond3A_96 = arith.cmpi ne, %convert_element_type3A_94, %cond3A_95 : i32
        scf.if %cond3A_96 {
          %add3A_97 = arith.constant 2 : i32
          %add3A_98 = arith.addi %while3A_37, %add3A_97 : i32
          %sub3A = arith.constant 3 : i32
          %sub3A_99 = arith.subi %add3A_98, %sub3A : i32
          %ge3A = arith.constant 0 : i32
          %ge3A_100 = arith.cmpi sge, %sub3A_99, %ge3A : i32
          %convert_element_type3A_101 = arith.extui %ge3A_100 : i1 to i32
          %cond3A_102 = arith.constant 0 : i32
          %cond3A_103 = arith.cmpi ne, %convert_element_type3A_101, %cond3A_102 : i32
          scf.if %cond3A_103 {
            %dma_wait3A_124 = arith.constant 1 : i32
            %dma_wait3A_125 = arith.constant 0 : i32
            %dma_wait3A_126 = arith.constant 0 : i32
            %dma_wait3A_127 = arith.constant 0 : i32
            %dma_wait3A_128 = arith.constant 0 : i32
            %dma_wait3A_129 = arith.constant 0 : i32
            %dma_wait3A_130 = tpu.memref_slice %arg10[%dma_wait3A_124, %dma_wait3A_128, %dma_wait3A_129] : memref<3x80x128xf32, #tpu.memory_space<vmem>> -> memref<1x80x128xf32, #tpu.memory_space<vmem>>
            %dma_wait3A_131 = tpu.memref_squeeze %dma_wait3A_130 : memref<1x80x128xf32, #tpu.memory_space<vmem>> -> memref<80x128xf32, #tpu.memory_space<vmem>>
            %dma_wait3A_132 = arith.constant 0 : i32
            %dma_wait3A_133 = tpu.memref_slice %arg9[%dma_wait3A_125, %dma_wait3A_126, %dma_wait3A_127, %dma_wait3A_132] : memref<2x25x1x80xi32, #tpu.memory_space<vmem>> -> memref<1x1x1x80xi32, #tpu.memory_space<vmem>>
            %dma_wait3A_134 = tpu.memref_squeeze %dma_wait3A_133 : memref<1x1x1x80xi32, #tpu.memory_space<vmem>> -> memref<80xi32, #tpu.memory_space<vmem>>
            %dma_wait3A_135 = arith.constant 0 : i32
            %dma_wait3A_136 = arith.constant 0 : i32
            %dma_wait3A_137 = tpu.memref_slice %arg7[%dma_wait3A_135, %dma_wait3A_136] : memref<10000x128xf32, #tpu.memory_space<vmem_shared>> -> memref<10000x128xf32, #tpu.memory_space<vmem_shared>>
            tpu.wait_indirect_dma semaphore(%arg15 : memref<!tpu.dma_semaphore, #tpu.memory_space<semaphore_mem>>) src(%dma_wait3A_131 : memref<80x128xf32, #tpu.memory_space<vmem>>) dst(%dma_wait3A_137 : memref<10000x128xf32, #tpu.memory_space<vmem_shared>>)
          } else {
          }
          %add3A_104 = arith.constant 2 : i32
          %add3A_105 = arith.addi %while3A_37, %add3A_104 : i32
          %div3A_106 = arith.constant 25 : i32
          %div3A_107 = arith.divsi %add3A_105, %div3A_106 : i32
          %rem3A_108 = arith.constant 2 : i32
          %rem3A_109 = arith.remsi %div3A_107, %rem3A_108 : i32
          %rem3A_110 = arith.constant 25 : i32
          %rem3A_111 = arith.remsi %add3A_105, %rem3A_110 : i32
          %dma_start3A_112 = arith.constant 0 : i32
          %dma_start3A_113 = arith.constant 1 : i32
          %dma_start3A_114 = arith.constant 0 : i32
          %dma_start3A_115 = arith.constant 0 : i32
          %dma_start3A_116 = tpu.memref_slice %arg10[%dma_start3A_113, %dma_start3A_114, %dma_start3A_115] : memref<3x80x128xf32, #tpu.memory_space<vmem>> -> memref<1x80x128xf32, #tpu.memory_space<vmem>>
          %dma_start3A_117 = tpu.memref_squeeze %dma_start3A_116 : memref<1x80x128xf32, #tpu.memory_space<vmem>> -> memref<80x128xf32, #tpu.memory_space<vmem>>
          %dma_start3A_118 = arith.constant 0 : i32
          %dma_start3A_119 = tpu.memref_slice %arg8[%rem3A_109, %rem3A_111, %dma_start3A_112, %dma_start3A_118] : memref<2x25x1x80xi32, #tpu.memory_space<vmem>> -> memref<1x1x1x80xi32, #tpu.memory_space<vmem>>
          %dma_start3A_120 = tpu.memref_squeeze %dma_start3A_119 : memref<1x1x1x80xi32, #tpu.memory_space<vmem>> -> memref<80xi32, #tpu.memory_space<vmem>>
          %dma_start3A_121 = arith.constant 0 : i32
          %dma_start3A_122 = arith.constant 0 : i32
          %dma_start3A_123 = tpu.memref_slice %arg2[%dma_start3A_121, %dma_start3A_122] : memref<10000x128xf32, #tpu.memory_space<hbm>> -> memref<10000x128xf32, #tpu.memory_space<hbm>>
          tpu.enqueue_indirect_dma source(%dma_start3A_123 : memref<10000x128xf32, #tpu.memory_space<hbm>>) target(%dma_start3A_117 : memref<80x128xf32, #tpu.memory_space<vmem>>) offsets(%dma_start3A_120 : memref<80xi32, #tpu.memory_space<vmem>>) semaphore(%arg12 : memref<!tpu.dma_semaphore, #tpu.memory_space<semaphore_mem>>)
        } else {
        }
      } else {
      }
    }
    %while3A_25 = arith.constant 1 : i32
    scf.for %while3A_37 = %while3A_23 to %while3A_19 step %while3A_25  : i32 {
      %div3A = arith.constant 25 : i32
      %div3A_38 = arith.divsi %while3A_37, %div3A : i32
      %rem3A = arith.constant 25 : i32
      %rem3A_39 = arith.remsi %while3A_37, %rem3A : i32
      %rem3A_40 = arith.constant 2 : i32
      %rem3A_41 = arith.remsi %div3A_38, %rem3A_40 : i32
      %rem3A_42 = arith.constant 3 : i32
      %rem3A_43 = arith.remsi %while3A_37, %rem3A_42 : i32
      %eq3A = arith.constant 0 : i32
      %eq3A_44 = arith.cmpi eq, %rem3A_43, %eq3A : i32
      %convert_element_type3A_45 = arith.extui %eq3A_44 : i1 to i32
      %cond3A_46 = arith.constant 0 : i32
      %cond3A_47 = arith.cmpi ne, %convert_element_type3A_45, %cond3A_46 : i32
      scf.if %cond3A_47 {
        %dma_wait3A = arith.constant 0 : i32
        %dma_wait3A_62 = arith.constant 0 : i32
        %dma_wait3A_63 = arith.constant 0 : i32
        %dma_wait3A_64 = arith.constant 0 : i32
        %dma_wait3A_65 = arith.constant 0 : i32
        %dma_wait3A_66 = arith.constant 0 : i32
        %dma_wait3A_67 = tpu.memref_slice %arg10[%dma_wait3A_64, %dma_wait3A_65, %dma_wait3A_66] : memref<3x80x128xf32, #tpu.memory_space<vmem>> -> memref<1x80x128xf32, #tpu.memory_space<vmem>>
        %dma_wait3A_68 = tpu.memref_squeeze %dma_wait3A_67 : memref<1x80x128xf32, #tpu.memory_space<vmem>> -> memref<80x128xf32, #tpu.memory_space<vmem>>
        %dma_wait3A_69 = arith.constant 0 : i32
        %dma_wait3A_70 = tpu.memref_slice %arg8[%dma_wait3A, %dma_wait3A_62, %dma_wait3A_63, %dma_wait3A_69] : memref<2x25x1x80xi32, #tpu.memory_space<vmem>> -> memref<1x1x1x80xi32, #tpu.memory_space<vmem>>
        %dma_wait3A_71 = tpu.memref_squeeze %dma_wait3A_70 : memref<1x1x1x80xi32, #tpu.memory_space<vmem>> -> memref<80xi32, #tpu.memory_space<vmem>>
        %dma_wait3A_72 = arith.constant 0 : i32
        %dma_wait3A_73 = arith.constant 0 : i32
        %dma_wait3A_74 = tpu.memref_slice %arg2[%dma_wait3A_72, %dma_wait3A_73] : memref<10000x128xf32, #tpu.memory_space<hbm>> -> memref<10000x128xf32, #tpu.memory_space<hbm>>
        tpu.wait_indirect_dma semaphore(%arg11 : memref<!tpu.dma_semaphore, #tpu.memory_space<semaphore_mem>>) src(%dma_wait3A_74 : memref<10000x128xf32, #tpu.memory_space<hbm>>) dst(%dma_wait3A_68 : memref<80x128xf32, #tpu.memory_space<vmem>>)
        %dma_start3A = arith.constant 0 : i32
        %dma_start3A_75 = arith.constant 0 : i32
        %dma_start3A_76 = arith.constant 0 : i32
        %dma_start3A_77 = arith.constant 0 : i32
        %dma_start3A_78 = tpu.memref_slice %arg10[%dma_start3A, %dma_start3A_76, %dma_start3A_77] : memref<3x80x128xf32, #tpu.memory_space<vmem>> -> memref<1x80x128xf32, #tpu.memory_space<vmem>>
        %dma_start3A_79 = tpu.memref_squeeze %dma_start3A_78 : memref<1x80x128xf32, #tpu.memory_space<vmem>> -> memref<80x128xf32, #tpu.memory_space<vmem>>
        %dma_start3A_80 = arith.constant 0 : i32
        %dma_start3A_81 = tpu.memref_slice %arg9[%rem3A_41, %rem3A_39, %dma_start3A_75, %dma_start3A_80] : memref<2x25x1x80xi32, #tpu.memory_space<vmem>> -> memref<1x1x1x80xi32, #tpu.memory_space<vmem>>
        %dma_start3A_82 = tpu.memref_squeeze %dma_start3A_81 : memref<1x1x1x80xi32, #tpu.memory_space<vmem>> -> memref<80xi32, #tpu.memory_space<vmem>>
        %dma_start3A_83 = arith.constant 0 : i32
        %dma_start3A_84 = arith.constant 0 : i32
        %dma_start3A_85 = tpu.memref_slice %arg7[%dma_start3A_83, %dma_start3A_84] : memref<10000x128xf32, #tpu.memory_space<vmem_shared>> -> memref<10000x128xf32, #tpu.memory_space<vmem_shared>>
        tpu.enqueue_indirect_dma source(%dma_start3A_79 : memref<80x128xf32, #tpu.memory_space<vmem>>) target(%dma_start3A_85 : memref<10000x128xf32, #tpu.memory_space<vmem_shared>>) offsets(%dma_start3A_82 : memref<80xi32, #tpu.memory_space<vmem>>) semaphore(%arg14 : memref<!tpu.dma_semaphore, #tpu.memory_space<semaphore_mem>>) {add = true}
        %eq3A_86 = arith.constant 22 : i32
        %eq3A_87 = arith.cmpi eq, %rem3A_39, %eq3A_86 : i32
        %convert_element_type3A_88 = arith.extui %eq3A_87 : i1 to i32
        %cond3A_89 = arith.constant 0 : i32
        %cond3A_90 = arith.cmpi ne, %convert_element_type3A_88, %cond3A_89 : i32
        scf.if %cond3A_90 {
          %add3A_97 = arith.constant 1 : i32
          %add3A_98 = arith.addi %div3A_38, %add3A_97 : i32
          %mul3A_99 = arith.constant 25 : i32
          %mul3A_100 = arith.muli %add3A_98, %mul3A_99 : i32
          %lt3A_101 = arith.cmpi slt, %mul3A_100, %add3A_8 : i32
          %convert_element_type3A_102 = arith.extui %lt3A_101 : i1 to i32
          %cond3A_103 = arith.constant 0 : i32
          %cond3A_104 = arith.cmpi ne, %convert_element_type3A_102, %cond3A_103 : i32
          scf.if %cond3A_104 {
            %add3A_105 = arith.constant 1 : i32
            %add3A_106 = arith.addi %div3A_38, %add3A_105 : i32
            %rem3A_107 = arith.constant 2 : i32
            %rem3A_108 = arith.remsi %add3A_106, %rem3A_107 : i32
            %add3A_109 = arith.constant 1 : i32
            %add3A_110 = arith.addi %div3A_38, %add3A_109 : i32
            %mul3A_111 = arith.constant 25 : i32
            %mul3A_112 = arith.muli %add3A_110, %mul3A_111 : i32
            %add3A_113 = arith.addi %add3A_4, %mul3A_112 : i32
            "tpu.region"() ({
              %run_scoped3A_119 = tpu.sem_alloc : memref<!tpu.dma_semaphore, #tpu.memory_space<semaphore_mem>>
              %dma_start3A_120 = arith.constant 0 : i32
              %dma_start3A_121 = arith.constant 0 : i32
              %dma_start3A_122 = arith.constant 0 : i32
              %dma_start3A_123 = tpu.memref_slice %arg8[%rem3A_108, %dma_start3A_120, %dma_start3A_121, %dma_start3A_122] : memref<2x25x1x80xi32, #tpu.memory_space<vmem>> -> memref<1x25x1x80xi32, #tpu.memory_space<vmem>>
              %dma_start3A_124 = tpu.memref_squeeze %dma_start3A_123 : memref<1x25x1x80xi32, #tpu.memory_space<vmem>> -> memref<25x1x80xi32, #tpu.memory_space<vmem>>
              %dma_start3A_125 = arith.constant 0 : i32
              %dma_start3A_126 = arith.constant 0 : i32
              %dma_start3A_127 = tpu.memref_slice %arg3[%add3A_113, %dma_start3A_125, %dma_start3A_126] : memref<4008x1x80xi32, #tpu.memory_space<hbm>> -> memref<25x1x80xi32, #tpu.memory_space<hbm>>
              %dma_start3A_128 = arith.constant 0 : i32
              %dma_start3A_129 = arith.constant 0 : i32
              %dma_start3A_130 = arith.constant 0 : i32
              %dma_start3A_131 = tpu.memref_slice %arg8[%rem3A_108, %dma_start3A_128, %dma_start3A_129, %dma_start3A_130] : memref<2x25x1x80xi32, #tpu.memory_space<vmem>> -> memref<1x25x1x80xi32, #tpu.memory_space<vmem>>
              %dma_start3A_132 = tpu.memref_squeeze %dma_start3A_131 : memref<1x25x1x80xi32, #tpu.memory_space<vmem>> -> memref<25x1x80xi32, #tpu.memory_space<vmem>>
              %dma_start3A_133 = arith.constant 0 : i32
              %dma_start3A_134 = arith.constant 0 : i32
              %dma_start3A_135 = tpu.memref_slice %arg3[%add3A_113, %dma_start3A_133, %dma_start3A_134] : memref<4008x1x80xi32, #tpu.memory_space<hbm>> -> memref<25x1x80xi32, #tpu.memory_space<hbm>>
              tpu.enqueue_dma source(%dma_start3A_135 : memref<25x1x80xi32, #tpu.memory_space<hbm>>) target(%dma_start3A_132 : memref<25x1x80xi32, #tpu.memory_space<vmem>>) target_semaphore(%run_scoped3A_119 : memref<!tpu.dma_semaphore, #tpu.memory_space<semaphore_mem>>)
              %dma_wait3A_136 = arith.constant 0 : i32
              %dma_wait3A_137 = arith.constant 0 : i32
              %dma_wait3A_138 = arith.constant 0 : i32
              %dma_wait3A_139 = tpu.memref_slice %arg8[%rem3A_108, %dma_wait3A_136, %dma_wait3A_137, %dma_wait3A_138] : memref<2x25x1x80xi32, #tpu.memory_space<vmem>> -> memref<1x25x1x80xi32, #tpu.memory_space<vmem>>
              %dma_wait3A_140 = tpu.memref_squeeze %dma_wait3A_139 : memref<1x25x1x80xi32, #tpu.memory_space<vmem>> -> memref<25x1x80xi32, #tpu.memory_space<vmem>>
              %dma_wait3A_141 = arith.constant 0 : i32
              %dma_wait3A_142 = arith.constant 0 : i32
              %dma_wait3A_143 = tpu.memref_slice %arg3[%add3A_113, %dma_wait3A_141, %dma_wait3A_142] : memref<4008x1x80xi32, #tpu.memory_space<hbm>> -> memref<25x1x80xi32, #tpu.memory_space<hbm>>
              %dma_wait3A_144 = arith.constant 0 : i32
              %dma_wait3A_145 = arith.constant 0 : i32
              %dma_wait3A_146 = arith.constant 0 : i32
              %dma_wait3A_147 = tpu.memref_slice %arg8[%rem3A_108, %dma_wait3A_144, %dma_wait3A_145, %dma_wait3A_146] : memref<2x25x1x80xi32, #tpu.memory_space<vmem>> -> memref<1x25x1x80xi32, #tpu.memory_space<vmem>>
              %dma_wait3A_148 = tpu.memref_squeeze %dma_wait3A_147 : memref<1x25x1x80xi32, #tpu.memory_space<vmem>> -> memref<25x1x80xi32, #tpu.memory_space<vmem>>
              %dma_wait3A_149 = arith.constant 0 : i32
              %dma_wait3A_150 = arith.constant 0 : i32
              %dma_wait3A_151 = tpu.memref_slice %arg3[%add3A_113, %dma_wait3A_149, %dma_wait3A_150] : memref<4008x1x80xi32, #tpu.memory_space<hbm>> -> memref<25x1x80xi32, #tpu.memory_space<hbm>>
              tpu.wait_dma2 semaphore(%run_scoped3A_119 : memref<!tpu.dma_semaphore, #tpu.memory_space<semaphore_mem>>) src(%dma_wait3A_151 : memref<25x1x80xi32, #tpu.memory_space<hbm>>) dst(%dma_wait3A_148 : memref<25x1x80xi32, #tpu.memory_space<vmem>>)
              tpu.yield
            }) : () -> ()
            %add3A_114 = arith.constant 1 : i32
            %add3A_115 = arith.addi %div3A_38, %add3A_114 : i32
            %mul3A_116 = arith.constant 25 : i32
            %mul3A_117 = arith.muli %add3A_115, %mul3A_116 : i32
            %add3A_118 = arith.addi %add3A_4, %mul3A_117 : i32
            "tpu.region"() ({
              %run_scoped3A_119 = tpu.sem_alloc : memref<!tpu.dma_semaphore, #tpu.memory_space<semaphore_mem>>
              %dma_start3A_120 = arith.constant 0 : i32
              %dma_start3A_121 = arith.constant 0 : i32
              %dma_start3A_122 = arith.constant 0 : i32
              %dma_start3A_123 = tpu.memref_slice %arg9[%rem3A_108, %dma_start3A_120, %dma_start3A_121, %dma_start3A_122] : memref<2x25x1x80xi32, #tpu.memory_space<vmem>> -> memref<1x25x1x80xi32, #tpu.memory_space<vmem>>
              %dma_start3A_124 = tpu.memref_squeeze %dma_start3A_123 : memref<1x25x1x80xi32, #tpu.memory_space<vmem>> -> memref<25x1x80xi32, #tpu.memory_space<vmem>>
              %dma_start3A_125 = arith.constant 0 : i32
              %dma_start3A_126 = arith.constant 0 : i32
              %dma_start3A_127 = tpu.memref_slice %arg4[%add3A_118, %dma_start3A_125, %dma_start3A_126] : memref<4008x1x80xi32, #tpu.memory_space<hbm>> -> memref<25x1x80xi32, #tpu.memory_space<hbm>>
              %dma_start3A_128 = arith.constant 0 : i32
              %dma_start3A_129 = arith.constant 0 : i32
              %dma_start3A_130 = arith.constant 0 : i32
              %dma_start3A_131 = tpu.memref_slice %arg9[%rem3A_108, %dma_start3A_128, %dma_start3A_129, %dma_start3A_130] : memref<2x25x1x80xi32, #tpu.memory_space<vmem>> -> memref<1x25x1x80xi32, #tpu.memory_space<vmem>>
              %dma_start3A_132 = tpu.memref_squeeze %dma_start3A_131 : memref<1x25x1x80xi32, #tpu.memory_space<vmem>> -> memref<25x1x80xi32, #tpu.memory_space<vmem>>
              %dma_start3A_133 = arith.constant 0 : i32
              %dma_start3A_134 = arith.constant 0 : i32
              %dma_start3A_135 = tpu.memref_slice %arg4[%add3A_118, %dma_start3A_133, %dma_start3A_134] : memref<4008x1x80xi32, #tpu.memory_space<hbm>> -> memref<25x1x80xi32, #tpu.memory_space<hbm>>
              tpu.enqueue_dma source(%dma_start3A_135 : memref<25x1x80xi32, #tpu.memory_space<hbm>>) target(%dma_start3A_132 : memref<25x1x80xi32, #tpu.memory_space<vmem>>) target_semaphore(%run_scoped3A_119 : memref<!tpu.dma_semaphore, #tpu.memory_space<semaphore_mem>>)
              %dma_wait3A_136 = arith.constant 0 : i32
              %dma_wait3A_137 = arith.constant 0 : i32
              %dma_wait3A_138 = arith.constant 0 : i32
              %dma_wait3A_139 = tpu.memref_slice %arg9[%rem3A_108, %dma_wait3A_136, %dma_wait3A_137, %dma_wait3A_138] : memref<2x25x1x80xi32, #tpu.memory_space<vmem>> -> memref<1x25x1x80xi32, #tpu.memory_space<vmem>>
              %dma_wait3A_140 = tpu.memref_squeeze %dma_wait3A_139 : memref<1x25x1x80xi32, #tpu.memory_space<vmem>> -> memref<25x1x80xi32, #tpu.memory_space<vmem>>
              %dma_wait3A_141 = arith.constant 0 : i32
              %dma_wait3A_142 = arith.constant 0 : i32
              %dma_wait3A_143 = tpu.memref_slice %arg4[%add3A_118, %dma_wait3A_141, %dma_wait3A_142] : memref<4008x1x80xi32, #tpu.memory_space<hbm>> -> memref<25x1x80xi32, #tpu.memory_space<hbm>>
              %dma_wait3A_144 = arith.constant 0 : i32
              %dma_wait3A_145 = arith.constant 0 : i32
              %dma_wait3A_146 = arith.constant 0 : i32
              %dma_wait3A_147 = tpu.memref_slice %arg9[%rem3A_108, %dma_wait3A_144, %dma_wait3A_145, %dma_wait3A_146] : memref<2x25x1x80xi32, #tpu.memory_space<vmem>> -> memref<1x25x1x80xi32, #tpu.memory_space<vmem>>
              %dma_wait3A_148 = tpu.memref_squeeze %dma_wait3A_147 : memref<1x25x1x80xi32, #tpu.memory_space<vmem>> -> memref<25x1x80xi32, #tpu.memory_space<vmem>>
              %dma_wait3A_149 = arith.constant 0 : i32
              %dma_wait3A_150 = arith.constant 0 : i32
              %dma_wait3A_151 = tpu.memref_slice %arg4[%add3A_118, %dma_wait3A_149, %dma_wait3A_150] : memref<4008x1x80xi32, #tpu.memory_space<hbm>> -> memref<25x1x80xi32, #tpu.memory_space<hbm>>
              tpu.wait_dma2 semaphore(%run_scoped3A_119 : memref<!tpu.dma_semaphore, #tpu.memory_space<semaphore_mem>>) src(%dma_wait3A_151 : memref<25x1x80xi32, #tpu.memory_space<hbm>>) dst(%dma_wait3A_148 : memref<25x1x80xi32, #tpu.memory_space<vmem>>)
              tpu.yield
            }) : () -> ()
          } else {
          }
        } else {
        }
        %add3A_91 = arith.constant 2 : i32
        %add3A_92 = arith.addi %while3A_37, %add3A_91 : i32
        %lt3A_93 = arith.cmpi slt, %add3A_92, %add3A_8 : i32
        %convert_element_type3A_94 = arith.extui %lt3A_93 : i1 to i32
        %cond3A_95 = arith.constant 0 : i32
        %cond3A_96 = arith.cmpi ne, %convert_element_type3A_94, %cond3A_95 : i32
        scf.if %cond3A_96 {
          %add3A_97 = arith.constant 2 : i32
          %add3A_98 = arith.addi %while3A_37, %add3A_97 : i32
          %sub3A = arith.constant 3 : i32
          %sub3A_99 = arith.subi %add3A_98, %sub3A : i32
          %ge3A = arith.constant 0 : i32
          %ge3A_100 = arith.cmpi sge, %sub3A_99, %ge3A : i32
          %convert_element_type3A_101 = arith.extui %ge3A_100 : i1 to i32
          %cond3A_102 = arith.constant 0 : i32
          %cond3A_103 = arith.cmpi ne, %convert_element_type3A_101, %cond3A_102 : i32
          scf.if %cond3A_103 {
            %dma_wait3A_124 = arith.constant 2 : i32
            %dma_wait3A_125 = arith.constant 0 : i32
            %dma_wait3A_126 = arith.constant 0 : i32
            %dma_wait3A_127 = arith.constant 0 : i32
            %dma_wait3A_128 = arith.constant 0 : i32
            %dma_wait3A_129 = arith.constant 0 : i32
            %dma_wait3A_130 = tpu.memref_slice %arg10[%dma_wait3A_124, %dma_wait3A_128, %dma_wait3A_129] : memref<3x80x128xf32, #tpu.memory_space<vmem>> -> memref<1x80x128xf32, #tpu.memory_space<vmem>>
            %dma_wait3A_131 = tpu.memref_squeeze %dma_wait3A_130 : memref<1x80x128xf32, #tpu.memory_space<vmem>> -> memref<80x128xf32, #tpu.memory_space<vmem>>
            %dma_wait3A_132 = arith.constant 0 : i32
            %dma_wait3A_133 = tpu.memref_slice %arg9[%dma_wait3A_125, %dma_wait3A_126, %dma_wait3A_127, %dma_wait3A_132] : memref<2x25x1x80xi32, #tpu.memory_space<vmem>> -> memref<1x1x1x80xi32, #tpu.memory_space<vmem>>
            %dma_wait3A_134 = tpu.memref_squeeze %dma_wait3A_133 : memref<1x1x1x80xi32, #tpu.memory_space<vmem>> -> memref<80xi32, #tpu.memory_space<vmem>>
            %dma_wait3A_135 = arith.constant 0 : i32
            %dma_wait3A_136 = arith.constant 0 : i32
            %dma_wait3A_137 = tpu.memref_slice %arg7[%dma_wait3A_135, %dma_wait3A_136] : memref<10000x128xf32, #tpu.memory_space<vmem_shared>> -> memref<10000x128xf32, #tpu.memory_space<vmem_shared>>
            tpu.wait_indirect_dma semaphore(%arg16 : memref<!tpu.dma_semaphore, #tpu.memory_space<semaphore_mem>>) src(%dma_wait3A_131 : memref<80x128xf32, #tpu.memory_space<vmem>>) dst(%dma_wait3A_137 : memref<10000x128xf32, #tpu.memory_space<vmem_shared>>)
          } else {
          }
          %add3A_104 = arith.constant 2 : i32
          %add3A_105 = arith.addi %while3A_37, %add3A_104 : i32
          %div3A_106 = arith.constant 25 : i32
          %div3A_107 = arith.divsi %add3A_105, %div3A_106 : i32
          %rem3A_108 = arith.constant 2 : i32
          %rem3A_109 = arith.remsi %div3A_107, %rem3A_108 : i32
          %rem3A_110 = arith.constant 25 : i32
          %rem3A_111 = arith.remsi %add3A_105, %rem3A_110 : i32
          %dma_start3A_112 = arith.constant 0 : i32
          %dma_start3A_113 = arith.constant 2 : i32
          %dma_start3A_114 = arith.constant 0 : i32
          %dma_start3A_115 = arith.constant 0 : i32
          %dma_start3A_116 = tpu.memref_slice %arg10[%dma_start3A_113, %dma_start3A_114, %dma_start3A_115] : memref<3x80x128xf32, #tpu.memory_space<vmem>> -> memref<1x80x128xf32, #tpu.memory_space<vmem>>
          %dma_start3A_117 = tpu.memref_squeeze %dma_start3A_116 : memref<1x80x128xf32, #tpu.memory_space<vmem>> -> memref<80x128xf32, #tpu.memory_space<vmem>>
          %dma_start3A_118 = arith.constant 0 : i32
          %dma_start3A_119 = tpu.memref_slice %arg8[%rem3A_109, %rem3A_111, %dma_start3A_112, %dma_start3A_118] : memref<2x25x1x80xi32, #tpu.memory_space<vmem>> -> memref<1x1x1x80xi32, #tpu.memory_space<vmem>>
          %dma_start3A_120 = tpu.memref_squeeze %dma_start3A_119 : memref<1x1x1x80xi32, #tpu.memory_space<vmem>> -> memref<80xi32, #tpu.memory_space<vmem>>
          %dma_start3A_121 = arith.constant 0 : i32
          %dma_start3A_122 = arith.constant 0 : i32
          %dma_start3A_123 = tpu.memref_slice %arg2[%dma_start3A_121, %dma_start3A_122] : memref<10000x128xf32, #tpu.memory_space<hbm>> -> memref<10000x128xf32, #tpu.memory_space<hbm>>
          tpu.enqueue_indirect_dma source(%dma_start3A_123 : memref<10000x128xf32, #tpu.memory_space<hbm>>) target(%dma_start3A_117 : memref<80x128xf32, #tpu.memory_space<vmem>>) offsets(%dma_start3A_120 : memref<80xi32, #tpu.memory_space<vmem>>) semaphore(%arg13 : memref<!tpu.dma_semaphore, #tpu.memory_space<semaphore_mem>>)
        } else {
        }
      } else {
      }
      %rem3A_48 = arith.constant 3 : i32
      %rem3A_49 = arith.remsi %while3A_37, %rem3A_48 : i32
      %eq3A_50 = arith.constant 1 : i32
      %eq3A_51 = arith.cmpi eq, %rem3A_49, %eq3A_50 : i32
      %convert_element_type3A_52 = arith.extui %eq3A_51 : i1 to i32
      %cond3A_53 = arith.constant 0 : i32
      %cond3A_54 = arith.cmpi ne, %convert_element_type3A_52, %cond3A_53 : i32
      scf.if %cond3A_54 {
        %dma_wait3A = arith.constant 0 : i32
        %dma_wait3A_62 = arith.constant 0 : i32
        %dma_wait3A_63 = arith.constant 0 : i32
        %dma_wait3A_64 = arith.constant 1 : i32
        %dma_wait3A_65 = arith.constant 0 : i32
        %dma_wait3A_66 = arith.constant 0 : i32
        %dma_wait3A_67 = tpu.memref_slice %arg10[%dma_wait3A_64, %dma_wait3A_65, %dma_wait3A_66] : memref<3x80x128xf32, #tpu.memory_space<vmem>> -> memref<1x80x128xf32, #tpu.memory_space<vmem>>
        %dma_wait3A_68 = tpu.memref_squeeze %dma_wait3A_67 : memref<1x80x128xf32, #tpu.memory_space<vmem>> -> memref<80x128xf32, #tpu.memory_space<vmem>>
        %dma_wait3A_69 = arith.constant 0 : i32
        %dma_wait3A_70 = tpu.memref_slice %arg8[%dma_wait3A, %dma_wait3A_62, %dma_wait3A_63, %dma_wait3A_69] : memref<2x25x1x80xi32, #tpu.memory_space<vmem>> -> memref<1x1x1x80xi32, #tpu.memory_space<vmem>>
        %dma_wait3A_71 = tpu.memref_squeeze %dma_wait3A_70 : memref<1x1x1x80xi32, #tpu.memory_space<vmem>> -> memref<80xi32, #tpu.memory_space<vmem>>
        %dma_wait3A_72 = arith.constant 0 : i32
        %dma_wait3A_73 = arith.constant 0 : i32
        %dma_wait3A_74 = tpu.memref_slice %arg2[%dma_wait3A_72, %dma_wait3A_73] : memref<10000x128xf32, #tpu.memory_space<hbm>> -> memref<10000x128xf32, #tpu.memory_space<hbm>>
        tpu.wait_indirect_dma semaphore(%arg12 : memref<!tpu.dma_semaphore, #tpu.memory_space<semaphore_mem>>) src(%dma_wait3A_74 : memref<10000x128xf32, #tpu.memory_space<hbm>>) dst(%dma_wait3A_68 : memref<80x128xf32, #tpu.memory_space<vmem>>)
        %dma_start3A = arith.constant 1 : i32
        %dma_start3A_75 = arith.constant 0 : i32
        %dma_start3A_76 = arith.constant 0 : i32
        %dma_start3A_77 = arith.constant 0 : i32
        %dma_start3A_78 = tpu.memref_slice %arg10[%dma_start3A, %dma_start3A_76, %dma_start3A_77] : memref<3x80x128xf32, #tpu.memory_space<vmem>> -> memref<1x80x128xf32, #tpu.memory_space<vmem>>
        %dma_start3A_79 = tpu.memref_squeeze %dma_start3A_78 : memref<1x80x128xf32, #tpu.memory_space<vmem>> -> memref<80x128xf32, #tpu.memory_space<vmem>>
        %dma_start3A_80 = arith.constant 0 : i32
        %dma_start3A_81 = tpu.memref_slice %arg9[%rem3A_41, %rem3A_39, %dma_start3A_75, %dma_start3A_80] : memref<2x25x1x80xi32, #tpu.memory_space<vmem>> -> memref<1x1x1x80xi32, #tpu.memory_space<vmem>>
        %dma_start3A_82 = tpu.memref_squeeze %dma_start3A_81 : memref<1x1x1x80xi32, #tpu.memory_space<vmem>> -> memref<80xi32, #tpu.memory_space<vmem>>
        %dma_start3A_83 = arith.constant 0 : i32
        %dma_start3A_84 = arith.constant 0 : i32
        %dma_start3A_85 = tpu.memref_slice %arg7[%dma_start3A_83, %dma_start3A_84] : memref<10000x128xf32, #tpu.memory_space<vmem_shared>> -> memref<10000x128xf32, #tpu.memory_space<vmem_shared>>
        tpu.enqueue_indirect_dma source(%dma_start3A_79 : memref<80x128xf32, #tpu.memory_space<vmem>>) target(%dma_start3A_85 : memref<10000x128xf32, #tpu.memory_space<vmem_shared>>) offsets(%dma_start3A_82 : memref<80xi32, #tpu.memory_space<vmem>>) semaphore(%arg15 : memref<!tpu.dma_semaphore, #tpu.memory_space<semaphore_mem>>) {add = true}
        %eq3A_86 = arith.constant 22 : i32
        %eq3A_87 = arith.cmpi eq, %rem3A_39, %eq3A_86 : i32
        %convert_element_type3A_88 = arith.extui %eq3A_87 : i1 to i32
        %cond3A_89 = arith.constant 0 : i32
        %cond3A_90 = arith.cmpi ne, %convert_element_type3A_88, %cond3A_89 : i32
        scf.if %cond3A_90 {
          %add3A_97 = arith.constant 1 : i32
          %add3A_98 = arith.addi %div3A_38, %add3A_97 : i32
          %mul3A_99 = arith.constant 25 : i32
          %mul3A_100 = arith.muli %add3A_98, %mul3A_99 : i32
          %lt3A_101 = arith.cmpi slt, %mul3A_100, %add3A_8 : i32
          %convert_element_type3A_102 = arith.extui %lt3A_101 : i1 to i32
          %cond3A_103 = arith.constant 0 : i32
          %cond3A_104 = arith.cmpi ne, %convert_element_type3A_102, %cond3A_103 : i32
          scf.if %cond3A_104 {
            %add3A_105 = arith.constant 1 : i32
            %add3A_106 = arith.addi %div3A_38, %add3A_105 : i32
            %rem3A_107 = arith.constant 2 : i32
            %rem3A_108 = arith.remsi %add3A_106, %rem3A_107 : i32
            %add3A_109 = arith.constant 1 : i32
            %add3A_110 = arith.addi %div3A_38, %add3A_109 : i32
            %mul3A_111 = arith.constant 25 : i32
            %mul3A_112 = arith.muli %add3A_110, %mul3A_111 : i32
            %add3A_113 = arith.addi %add3A_4, %mul3A_112 : i32
            "tpu.region"() ({
              %run_scoped3A_119 = tpu.sem_alloc : memref<!tpu.dma_semaphore, #tpu.memory_space<semaphore_mem>>
              %dma_start3A_120 = arith.constant 0 : i32
              %dma_start3A_121 = arith.constant 0 : i32
              %dma_start3A_122 = arith.constant 0 : i32
              %dma_start3A_123 = tpu.memref_slice %arg8[%rem3A_108, %dma_start3A_120, %dma_start3A_121, %dma_start3A_122] : memref<2x25x1x80xi32, #tpu.memory_space<vmem>> -> memref<1x25x1x80xi32, #tpu.memory_space<vmem>>
              %dma_start3A_124 = tpu.memref_squeeze %dma_start3A_123 : memref<1x25x1x80xi32, #tpu.memory_space<vmem>> -> memref<25x1x80xi32, #tpu.memory_space<vmem>>
              %dma_start3A_125 = arith.constant 0 : i32
              %dma_start3A_126 = arith.constant 0 : i32
              %dma_start3A_127 = tpu.memref_slice %arg3[%add3A_113, %dma_start3A_125, %dma_start3A_126] : memref<4008x1x80xi32, #tpu.memory_space<hbm>> -> memref<25x1x80xi32, #tpu.memory_space<hbm>>
              %dma_start3A_128 = arith.constant 0 : i32
              %dma_start3A_129 = arith.constant 0 : i32
              %dma_start3A_130 = arith.constant 0 : i32
              %dma_start3A_131 = tpu.memref_slice %arg8[%rem3A_108, %dma_start3A_128, %dma_start3A_129, %dma_start3A_130] : memref<2x25x1x80xi32, #tpu.memory_space<vmem>> -> memref<1x25x1x80xi32, #tpu.memory_space<vmem>>
              %dma_start3A_132 = tpu.memref_squeeze %dma_start3A_131 : memref<1x25x1x80xi32, #tpu.memory_space<vmem>> -> memref<25x1x80xi32, #tpu.memory_space<vmem>>
              %dma_start3A_133 = arith.constant 0 : i32
              %dma_start3A_134 = arith.constant 0 : i32
              %dma_start3A_135 = tpu.memref_slice %arg3[%add3A_113, %dma_start3A_133, %dma_start3A_134] : memref<4008x1x80xi32, #tpu.memory_space<hbm>> -> memref<25x1x80xi32, #tpu.memory_space<hbm>>
              tpu.enqueue_dma source(%dma_start3A_135 : memref<25x1x80xi32, #tpu.memory_space<hbm>>) target(%dma_start3A_132 : memref<25x1x80xi32, #tpu.memory_space<vmem>>) target_semaphore(%run_scoped3A_119 : memref<!tpu.dma_semaphore, #tpu.memory_space<semaphore_mem>>)
              %dma_wait3A_136 = arith.constant 0 : i32
              %dma_wait3A_137 = arith.constant 0 : i32
              %dma_wait3A_138 = arith.constant 0 : i32
              %dma_wait3A_139 = tpu.memref_slice %arg8[%rem3A_108, %dma_wait3A_136, %dma_wait3A_137, %dma_wait3A_138] : memref<2x25x1x80xi32, #tpu.memory_space<vmem>> -> memref<1x25x1x80xi32, #tpu.memory_space<vmem>>
              %dma_wait3A_140 = tpu.memref_squeeze %dma_wait3A_139 : memref<1x25x1x80xi32, #tpu.memory_space<vmem>> -> memref<25x1x80xi32, #tpu.memory_space<vmem>>
              %dma_wait3A_141 = arith.constant 0 : i32
              %dma_wait3A_142 = arith.constant 0 : i32
              %dma_wait3A_143 = tpu.memref_slice %arg3[%add3A_113, %dma_wait3A_141, %dma_wait3A_142] : memref<4008x1x80xi32, #tpu.memory_space<hbm>> -> memref<25x1x80xi32, #tpu.memory_space<hbm>>
              %dma_wait3A_144 = arith.constant 0 : i32
              %dma_wait3A_145 = arith.constant 0 : i32
              %dma_wait3A_146 = arith.constant 0 : i32
              %dma_wait3A_147 = tpu.memref_slice %arg8[%rem3A_108, %dma_wait3A_144, %dma_wait3A_145, %dma_wait3A_146] : memref<2x25x1x80xi32, #tpu.memory_space<vmem>> -> memref<1x25x1x80xi32, #tpu.memory_space<vmem>>
              %dma_wait3A_148 = tpu.memref_squeeze %dma_wait3A_147 : memref<1x25x1x80xi32, #tpu.memory_space<vmem>> -> memref<25x1x80xi32, #tpu.memory_space<vmem>>
              %dma_wait3A_149 = arith.constant 0 : i32
              %dma_wait3A_150 = arith.constant 0 : i32
              %dma_wait3A_151 = tpu.memref_slice %arg3[%add3A_113, %dma_wait3A_149, %dma_wait3A_150] : memref<4008x1x80xi32, #tpu.memory_space<hbm>> -> memref<25x1x80xi32, #tpu.memory_space<hbm>>
              tpu.wait_dma2 semaphore(%run_scoped3A_119 : memref<!tpu.dma_semaphore, #tpu.memory_space<semaphore_mem>>) src(%dma_wait3A_151 : memref<25x1x80xi32, #tpu.memory_space<hbm>>) dst(%dma_wait3A_148 : memref<25x1x80xi32, #tpu.memory_space<vmem>>)
              tpu.yield
            }) : () -> ()
            %add3A_114 = arith.constant 1 : i32
            %add3A_115 = arith.addi %div3A_38, %add3A_114 : i32
            %mul3A_116 = arith.constant 25 : i32
            %mul3A_117 = arith.muli %add3A_115, %mul3A_116 : i32
            %add3A_118 = arith.addi %add3A_4, %mul3A_117 : i32
            "tpu.region"() ({
              %run_scoped3A_119 = tpu.sem_alloc : memref<!tpu.dma_semaphore, #tpu.memory_space<semaphore_mem>>
              %dma_start3A_120 = arith.constant 0 : i32
              %dma_start3A_121 = arith.constant 0 : i32
              %dma_start3A_122 = arith.constant 0 : i32
              %dma_start3A_123 = tpu.memref_slice %arg9[%rem3A_108, %dma_start3A_120, %dma_start3A_121, %dma_start3A_122] : memref<2x25x1x80xi32, #tpu.memory_space<vmem>> -> memref<1x25x1x80xi32, #tpu.memory_space<vmem>>
              %dma_start3A_124 = tpu.memref_squeeze %dma_start3A_123 : memref<1x25x1x80xi32, #tpu.memory_space<vmem>> -> memref<25x1x80xi32, #tpu.memory_space<vmem>>
              %dma_start3A_125 = arith.constant 0 : i32
              %dma_start3A_126 = arith.constant 0 : i32
              %dma_start3A_127 = tpu.memref_slice %arg4[%add3A_118, %dma_start3A_125, %dma_start3A_126] : memref<4008x1x80xi32, #tpu.memory_space<hbm>> -> memref<25x1x80xi32, #tpu.memory_space<hbm>>
              %dma_start3A_128 = arith.constant 0 : i32
              %dma_start3A_129 = arith.constant 0 : i32
              %dma_start3A_130 = arith.constant 0 : i32
              %dma_start3A_131 = tpu.memref_slice %arg9[%rem3A_108, %dma_start3A_128, %dma_start3A_129, %dma_start3A_130] : memref<2x25x1x80xi32, #tpu.memory_space<vmem>> -> memref<1x25x1x80xi32, #tpu.memory_space<vmem>>
              %dma_start3A_132 = tpu.memref_squeeze %dma_start3A_131 : memref<1x25x1x80xi32, #tpu.memory_space<vmem>> -> memref<25x1x80xi32, #tpu.memory_space<vmem>>
              %dma_start3A_133 = arith.constant 0 : i32
              %dma_start3A_134 = arith.constant 0 : i32
              %dma_start3A_135 = tpu.memref_slice %arg4[%add3A_118, %dma_start3A_133, %dma_start3A_134] : memref<4008x1x80xi32, #tpu.memory_space<hbm>> -> memref<25x1x80xi32, #tpu.memory_space<hbm>>
              tpu.enqueue_dma source(%dma_start3A_135 : memref<25x1x80xi32, #tpu.memory_space<hbm>>) target(%dma_start3A_132 : memref<25x1x80xi32, #tpu.memory_space<vmem>>) target_semaphore(%run_scoped3A_119 : memref<!tpu.dma_semaphore, #tpu.memory_space<semaphore_mem>>)
              %dma_wait3A_136 = arith.constant 0 : i32
              %dma_wait3A_137 = arith.constant 0 : i32
              %dma_wait3A_138 = arith.constant 0 : i32
              %dma_wait3A_139 = tpu.memref_slice %arg9[%rem3A_108, %dma_wait3A_136, %dma_wait3A_137, %dma_wait3A_138] : memref<2x25x1x80xi32, #tpu.memory_space<vmem>> -> memref<1x25x1x80xi32, #tpu.memory_space<vmem>>
              %dma_wait3A_140 = tpu.memref_squeeze %dma_wait3A_139 : memref<1x25x1x80xi32, #tpu.memory_space<vmem>> -> memref<25x1x80xi32, #tpu.memory_space<vmem>>
              %dma_wait3A_141 = arith.constant 0 : i32
              %dma_wait3A_142 = arith.constant 0 : i32
              %dma_wait3A_143 = tpu.memref_slice %arg4[%add3A_118, %dma_wait3A_141, %dma_wait3A_142] : memref<4008x1x80xi32, #tpu.memory_space<hbm>> -> memref<25x1x80xi32, #tpu.memory_space<hbm>>
              %dma_wait3A_144 = arith.constant 0 : i32
              %dma_wait3A_145 = arith.constant 0 : i32
              %dma_wait3A_146 = arith.constant 0 : i32
              %dma_wait3A_147 = tpu.memref_slice %arg9[%rem3A_108, %dma_wait3A_144, %dma_wait3A_145, %dma_wait3A_146] : memref<2x25x1x80xi32, #tpu.memory_space<vmem>> -> memref<1x25x1x80xi32, #tpu.memory_space<vmem>>
              %dma_wait3A_148 = tpu.memref_squeeze %dma_wait3A_147 : memref<1x25x1x80xi32, #tpu.memory_space<vmem>> -> memref<25x1x80xi32, #tpu.memory_space<vmem>>
              %dma_wait3A_149 = arith.constant 0 : i32
              %dma_wait3A_150 = arith.constant 0 : i32
              %dma_wait3A_151 = tpu.memref_slice %arg4[%add3A_118, %dma_wait3A_149, %dma_wait3A_150] : memref<4008x1x80xi32, #tpu.memory_space<hbm>> -> memref<25x1x80xi32, #tpu.memory_space<hbm>>
              tpu.wait_dma2 semaphore(%run_scoped3A_119 : memref<!tpu.dma_semaphore, #tpu.memory_space<semaphore_mem>>) src(%dma_wait3A_151 : memref<25x1x80xi32, #tpu.memory_space<hbm>>) dst(%dma_wait3A_148 : memref<25x1x80xi32, #tpu.memory_space<vmem>>)
              tpu.yield
            }) : () -> ()
          } else {
          }
        } else {
        }
        %add3A_91 = arith.constant 2 : i32
        %add3A_92 = arith.addi %while3A_37, %add3A_91 : i32
        %lt3A_93 = arith.cmpi slt, %add3A_92, %add3A_8 : i32
        %convert_element_type3A_94 = arith.extui %lt3A_93 : i1 to i32
        %cond3A_95 = arith.constant 0 : i32
        %cond3A_96 = arith.cmpi ne, %convert_element_type3A_94, %cond3A_95 : i32
        scf.if %cond3A_96 {
          %add3A_97 = arith.constant 2 : i32
          %add3A_98 = arith.addi %while3A_37, %add3A_97 : i32
          %sub3A = arith.constant 3 : i32
          %sub3A_99 = arith.subi %add3A_98, %sub3A : i32
          %ge3A = arith.constant 0 : i32
          %ge3A_100 = arith.cmpi sge, %sub3A_99, %ge3A : i32
          %convert_element_type3A_101 = arith.extui %ge3A_100 : i1 to i32
          %cond3A_102 = arith.constant 0 : i32
          %cond3A_103 = arith.cmpi ne, %convert_element_type3A_101, %cond3A_102 : i32
          scf.if %cond3A_103 {
            %dma_wait3A_124 = arith.constant 0 : i32
            %dma_wait3A_125 = arith.constant 0 : i32
            %dma_wait3A_126 = arith.constant 0 : i32
            %dma_wait3A_127 = arith.constant 0 : i32
            %dma_wait3A_128 = arith.constant 0 : i32
            %dma_wait3A_129 = arith.constant 0 : i32
            %dma_wait3A_130 = tpu.memref_slice %arg10[%dma_wait3A_124, %dma_wait3A_128, %dma_wait3A_129] : memref<3x80x128xf32, #tpu.memory_space<vmem>> -> memref<1x80x128xf32, #tpu.memory_space<vmem>>
            %dma_wait3A_131 = tpu.memref_squeeze %dma_wait3A_130 : memref<1x80x128xf32, #tpu.memory_space<vmem>> -> memref<80x128xf32, #tpu.memory_space<vmem>>
            %dma_wait3A_132 = arith.constant 0 : i32
            %dma_wait3A_133 = tpu.memref_slice %arg9[%dma_wait3A_125, %dma_wait3A_126, %dma_wait3A_127, %dma_wait3A_132] : memref<2x25x1x80xi32, #tpu.memory_space<vmem>> -> memref<1x1x1x80xi32, #tpu.memory_space<vmem>>
            %dma_wait3A_134 = tpu.memref_squeeze %dma_wait3A_133 : memref<1x1x1x80xi32, #tpu.memory_space<vmem>> -> memref<80xi32, #tpu.memory_space<vmem>>
            %dma_wait3A_135 = arith.constant 0 : i32
            %dma_wait3A_136 = arith.constant 0 : i32
            %dma_wait3A_137 = tpu.memref_slice %arg7[%dma_wait3A_135, %dma_wait3A_136] : memref<10000x128xf32, #tpu.memory_space<vmem_shared>> -> memref<10000x128xf32, #tpu.memory_space<vmem_shared>>
            tpu.wait_indirect_dma semaphore(%arg14 : memref<!tpu.dma_semaphore, #tpu.memory_space<semaphore_mem>>) src(%dma_wait3A_131 : memref<80x128xf32, #tpu.memory_space<vmem>>) dst(%dma_wait3A_137 : memref<10000x128xf32, #tpu.memory_space<vmem_shared>>)
          } else {
          }
          %add3A_104 = arith.constant 2 : i32
          %add3A_105 = arith.addi %while3A_37, %add3A_104 : i32
          %div3A_106 = arith.constant 25 : i32
          %div3A_107 = arith.divsi %add3A_105, %div3A_106 : i32
          %rem3A_108 = arith.constant 2 : i32
          %rem3A_109 = arith.remsi %div3A_107, %rem3A_108 : i32
          %rem3A_110 = arith.constant 25 : i32
          %rem3A_111 = arith.remsi %add3A_105, %rem3A_110 : i32
          %dma_start3A_112 = arith.constant 0 : i32
          %dma_start3A_113 = arith.constant 0 : i32
          %dma_start3A_114 = arith.constant 0 : i32
          %dma_start3A_115 = arith.constant 0 : i32
          %dma_start3A_116 = tpu.memref_slice %arg10[%dma_start3A_113, %dma_start3A_114, %dma_start3A_115] : memref<3x80x128xf32, #tpu.memory_space<vmem>> -> memref<1x80x128xf32, #tpu.memory_space<vmem>>
          %dma_start3A_117 = tpu.memref_squeeze %dma_start3A_116 : memref<1x80x128xf32, #tpu.memory_space<vmem>> -> memref<80x128xf32, #tpu.memory_space<vmem>>
          %dma_start3A_118 = arith.constant 0 : i32
          %dma_start3A_119 = tpu.memref_slice %arg8[%rem3A_109, %rem3A_111, %dma_start3A_112, %dma_start3A_118] : memref<2x25x1x80xi32, #tpu.memory_space<vmem>> -> memref<1x1x1x80xi32, #tpu.memory_space<vmem>>
          %dma_start3A_120 = tpu.memref_squeeze %dma_start3A_119 : memref<1x1x1x80xi32, #tpu.memory_space<vmem>> -> memref<80xi32, #tpu.memory_space<vmem>>
          %dma_start3A_121 = arith.constant 0 : i32
          %dma_start3A_122 = arith.constant 0 : i32
          %dma_start3A_123 = tpu.memref_slice %arg2[%dma_start3A_121, %dma_start3A_122] : memref<10000x128xf32, #tpu.memory_space<hbm>> -> memref<10000x128xf32, #tpu.memory_space<hbm>>
          tpu.enqueue_indirect_dma source(%dma_start3A_123 : memref<10000x128xf32, #tpu.memory_space<hbm>>) target(%dma_start3A_117 : memref<80x128xf32, #tpu.memory_space<vmem>>) offsets(%dma_start3A_120 : memref<80xi32, #tpu.memory_space<vmem>>) semaphore(%arg11 : memref<!tpu.dma_semaphore, #tpu.memory_space<semaphore_mem>>)
        } else {
        }
      } else {
      }
      %rem3A_55 = arith.constant 3 : i32
      %rem3A_56 = arith.remsi %while3A_37, %rem3A_55 : i32
      %eq3A_57 = arith.constant 2 : i32
      %eq3A_58 = arith.cmpi eq, %rem3A_56, %eq3A_57 : i32
      %convert_element_type3A_59 = arith.extui %eq3A_58 : i1 to i32
      %cond3A_60 = arith.constant 0 : i32
      %cond3A_61 = arith.cmpi ne, %convert_element_type3A_59, %cond3A_60 : i32
      scf.if %cond3A_61 {
        %dma_wait3A = arith.constant 0 : i32
        %dma_wait3A_62 = arith.constant 0 : i32
        %dma_wait3A_63 = arith.constant 0 : i32
        %dma_wait3A_64 = arith.constant 2 : i32
        %dma_wait3A_65 = arith.constant 0 : i32
        %dma_wait3A_66 = arith.constant 0 : i32
        %dma_wait3A_67 = tpu.memref_slice %arg10[%dma_wait3A_64, %dma_wait3A_65, %dma_wait3A_66] : memref<3x80x128xf32, #tpu.memory_space<vmem>> -> memref<1x80x128xf32, #tpu.memory_space<vmem>>
        %dma_wait3A_68 = tpu.memref_squeeze %dma_wait3A_67 : memref<1x80x128xf32, #tpu.memory_space<vmem>> -> memref<80x128xf32, #tpu.memory_space<vmem>>
        %dma_wait3A_69 = arith.constant 0 : i32
        %dma_wait3A_70 = tpu.memref_slice %arg8[%dma_wait3A, %dma_wait3A_62, %dma_wait3A_63, %dma_wait3A_69] : memref<2x25x1x80xi32, #tpu.memory_space<vmem>> -> memref<1x1x1x80xi32, #tpu.memory_space<vmem>>
        %dma_wait3A_71 = tpu.memref_squeeze %dma_wait3A_70 : memref<1x1x1x80xi32, #tpu.memory_space<vmem>> -> memref<80xi32, #tpu.memory_space<vmem>>
        %dma_wait3A_72 = arith.constant 0 : i32
        %dma_wait3A_73 = arith.constant 0 : i32
        %dma_wait3A_74 = tpu.memref_slice %arg2[%dma_wait3A_72, %dma_wait3A_73] : memref<10000x128xf32, #tpu.memory_space<hbm>> -> memref<10000x128xf32, #tpu.memory_space<hbm>>
        tpu.wait_indirect_dma semaphore(%arg13 : memref<!tpu.dma_semaphore, #tpu.memory_space<semaphore_mem>>) src(%dma_wait3A_74 : memref<10000x128xf32, #tpu.memory_space<hbm>>) dst(%dma_wait3A_68 : memref<80x128xf32, #tpu.memory_space<vmem>>)
        %dma_start3A = arith.constant 2 : i32
        %dma_start3A_75 = arith.constant 0 : i32
        %dma_start3A_76 = arith.constant 0 : i32
        %dma_start3A_77 = arith.constant 0 : i32
        %dma_start3A_78 = tpu.memref_slice %arg10[%dma_start3A, %dma_start3A_76, %dma_start3A_77] : memref<3x80x128xf32, #tpu.memory_space<vmem>> -> memref<1x80x128xf32, #tpu.memory_space<vmem>>
        %dma_start3A_79 = tpu.memref_squeeze %dma_start3A_78 : memref<1x80x128xf32, #tpu.memory_space<vmem>> -> memref<80x128xf32, #tpu.memory_space<vmem>>
        %dma_start3A_80 = arith.constant 0 : i32
        %dma_start3A_81 = tpu.memref_slice %arg9[%rem3A_41, %rem3A_39, %dma_start3A_75, %dma_start3A_80] : memref<2x25x1x80xi32, #tpu.memory_space<vmem>> -> memref<1x1x1x80xi32, #tpu.memory_space<vmem>>
        %dma_start3A_82 = tpu.memref_squeeze %dma_start3A_81 : memref<1x1x1x80xi32, #tpu.memory_space<vmem>> -> memref<80xi32, #tpu.memory_space<vmem>>
        %dma_start3A_83 = arith.constant 0 : i32
        %dma_start3A_84 = arith.constant 0 : i32
        %dma_start3A_85 = tpu.memref_slice %arg7[%dma_start3A_83, %dma_start3A_84] : memref<10000x128xf32, #tpu.memory_space<vmem_shared>> -> memref<10000x128xf32, #tpu.memory_space<vmem_shared>>
        tpu.enqueue_indirect_dma source(%dma_start3A_79 : memref<80x128xf32, #tpu.memory_space<vmem>>) target(%dma_start3A_85 : memref<10000x128xf32, #tpu.memory_space<vmem_shared>>) offsets(%dma_start3A_82 : memref<80xi32, #tpu.memory_space<vmem>>) semaphore(%arg16 : memref<!tpu.dma_semaphore, #tpu.memory_space<semaphore_mem>>) {add = true}
        %eq3A_86 = arith.constant 22 : i32
        %eq3A_87 = arith.cmpi eq, %rem3A_39, %eq3A_86 : i32
        %convert_element_type3A_88 = arith.extui %eq3A_87 : i1 to i32
        %cond3A_89 = arith.constant 0 : i32
        %cond3A_90 = arith.cmpi ne, %convert_element_type3A_88, %cond3A_89 : i32
        scf.if %cond3A_90 {
          %add3A_97 = arith.constant 1 : i32
          %add3A_98 = arith.addi %div3A_38, %add3A_97 : i32
          %mul3A_99 = arith.constant 25 : i32
          %mul3A_100 = arith.muli %add3A_98, %mul3A_99 : i32
          %lt3A_101 = arith.cmpi slt, %mul3A_100, %add3A_8 : i32
          %convert_element_type3A_102 = arith.extui %lt3A_101 : i1 to i32
          %cond3A_103 = arith.constant 0 : i32
          %cond3A_104 = arith.cmpi ne, %convert_element_type3A_102, %cond3A_103 : i32
          scf.if %cond3A_104 {
            %add3A_105 = arith.constant 1 : i32
            %add3A_106 = arith.addi %div3A_38, %add3A_105 : i32
            %rem3A_107 = arith.constant 2 : i32
            %rem3A_108 = arith.remsi %add3A_106, %rem3A_107 : i32
            %add3A_109 = arith.constant 1 : i32
            %add3A_110 = arith.addi %div3A_38, %add3A_109 : i32
            %mul3A_111 = arith.constant 25 : i32
            %mul3A_112 = arith.muli %add3A_110, %mul3A_111 : i32
            %add3A_113 = arith.addi %add3A_4, %mul3A_112 : i32
            "tpu.region"() ({
              %run_scoped3A_119 = tpu.sem_alloc : memref<!tpu.dma_semaphore, #tpu.memory_space<semaphore_mem>>
              %dma_start3A_120 = arith.constant 0 : i32
              %dma_start3A_121 = arith.constant 0 : i32
              %dma_start3A_122 = arith.constant 0 : i32
              %dma_start3A_123 = tpu.memref_slice %arg8[%rem3A_108, %dma_start3A_120, %dma_start3A_121, %dma_start3A_122] : memref<2x25x1x80xi32, #tpu.memory_space<vmem>> -> memref<1x25x1x80xi32, #tpu.memory_space<vmem>>
              %dma_start3A_124 = tpu.memref_squeeze %dma_start3A_123 : memref<1x25x1x80xi32, #tpu.memory_space<vmem>> -> memref<25x1x80xi32, #tpu.memory_space<vmem>>
              %dma_start3A_125 = arith.constant 0 : i32
              %dma_start3A_126 = arith.constant 0 : i32
              %dma_start3A_127 = tpu.memref_slice %arg3[%add3A_113, %dma_start3A_125, %dma_start3A_126] : memref<4008x1x80xi32, #tpu.memory_space<hbm>> -> memref<25x1x80xi32, #tpu.memory_space<hbm>>
              %dma_start3A_128 = arith.constant 0 : i32
              %dma_start3A_129 = arith.constant 0 : i32
              %dma_start3A_130 = arith.constant 0 : i32
              %dma_start3A_131 = tpu.memref_slice %arg8[%rem3A_108, %dma_start3A_128, %dma_start3A_129, %dma_start3A_130] : memref<2x25x1x80xi32, #tpu.memory_space<vmem>> -> memref<1x25x1x80xi32, #tpu.memory_space<vmem>>
              %dma_start3A_132 = tpu.memref_squeeze %dma_start3A_131 : memref<1x25x1x80xi32, #tpu.memory_space<vmem>> -> memref<25x1x80xi32, #tpu.memory_space<vmem>>
              %dma_start3A_133 = arith.constant 0 : i32
              %dma_start3A_134 = arith.constant 0 : i32
              %dma_start3A_135 = tpu.memref_slice %arg3[%add3A_113, %dma_start3A_133, %dma_start3A_134] : memref<4008x1x80xi32, #tpu.memory_space<hbm>> -> memref<25x1x80xi32, #tpu.memory_space<hbm>>
              tpu.enqueue_dma source(%dma_start3A_135 : memref<25x1x80xi32, #tpu.memory_space<hbm>>) target(%dma_start3A_132 : memref<25x1x80xi32, #tpu.memory_space<vmem>>) target_semaphore(%run_scoped3A_119 : memref<!tpu.dma_semaphore, #tpu.memory_space<semaphore_mem>>)
              %dma_wait3A_136 = arith.constant 0 : i32
              %dma_wait3A_137 = arith.constant 0 : i32
              %dma_wait3A_138 = arith.constant 0 : i32
              %dma_wait3A_139 = tpu.memref_slice %arg8[%rem3A_108, %dma_wait3A_136, %dma_wait3A_137, %dma_wait3A_138] : memref<2x25x1x80xi32, #tpu.memory_space<vmem>> -> memref<1x25x1x80xi32, #tpu.memory_space<vmem>>
              %dma_wait3A_140 = tpu.memref_squeeze %dma_wait3A_139 : memref<1x25x1x80xi32, #tpu.memory_space<vmem>> -> memref<25x1x80xi32, #tpu.memory_space<vmem>>
              %dma_wait3A_141 = arith.constant 0 : i32
              %dma_wait3A_142 = arith.constant 0 : i32
              %dma_wait3A_143 = tpu.memref_slice %arg3[%add3A_113, %dma_wait3A_141, %dma_wait3A_142] : memref<4008x1x80xi32, #tpu.memory_space<hbm>> -> memref<25x1x80xi32, #tpu.memory_space<hbm>>
              %dma_wait3A_144 = arith.constant 0 : i32
              %dma_wait3A_145 = arith.constant 0 : i32
              %dma_wait3A_146 = arith.constant 0 : i32
              %dma_wait3A_147 = tpu.memref_slice %arg8[%rem3A_108, %dma_wait3A_144, %dma_wait3A_145, %dma_wait3A_146] : memref<2x25x1x80xi32, #tpu.memory_space<vmem>> -> memref<1x25x1x80xi32, #tpu.memory_space<vmem>>
              %dma_wait3A_148 = tpu.memref_squeeze %dma_wait3A_147 : memref<1x25x1x80xi32, #tpu.memory_space<vmem>> -> memref<25x1x80xi32, #tpu.memory_space<vmem>>
              %dma_wait3A_149 = arith.constant 0 : i32
              %dma_wait3A_150 = arith.constant 0 : i32
              %dma_wait3A_151 = tpu.memref_slice %arg3[%add3A_113, %dma_wait3A_149, %dma_wait3A_150] : memref<4008x1x80xi32, #tpu.memory_space<hbm>> -> memref<25x1x80xi32, #tpu.memory_space<hbm>>
              tpu.wait_dma2 semaphore(%run_scoped3A_119 : memref<!tpu.dma_semaphore, #tpu.memory_space<semaphore_mem>>) src(%dma_wait3A_151 : memref<25x1x80xi32, #tpu.memory_space<hbm>>) dst(%dma_wait3A_148 : memref<25x1x80xi32, #tpu.memory_space<vmem>>)
              tpu.yield
            }) : () -> ()
            %add3A_114 = arith.constant 1 : i32
            %add3A_115 = arith.addi %div3A_38, %add3A_114 : i32
            %mul3A_116 = arith.constant 25 : i32
            %mul3A_117 = arith.muli %add3A_115, %mul3A_116 : i32
            %add3A_118 = arith.addi %add3A_4, %mul3A_117 : i32
            "tpu.region"() ({
              %run_scoped3A_119 = tpu.sem_alloc : memref<!tpu.dma_semaphore, #tpu.memory_space<semaphore_mem>>
              %dma_start3A_120 = arith.constant 0 : i32
              %dma_start3A_121 = arith.constant 0 : i32
              %dma_start3A_122 = arith.constant 0 : i32
              %dma_start3A_123 = tpu.memref_slice %arg9[%rem3A_108, %dma_start3A_120, %dma_start3A_121, %dma_start3A_122] : memref<2x25x1x80xi32, #tpu.memory_space<vmem>> -> memref<1x25x1x80xi32, #tpu.memory_space<vmem>>
              %dma_start3A_124 = tpu.memref_squeeze %dma_start3A_123 : memref<1x25x1x80xi32, #tpu.memory_space<vmem>> -> memref<25x1x80xi32, #tpu.memory_space<vmem>>
              %dma_start3A_125 = arith.constant 0 : i32
              %dma_start3A_126 = arith.constant 0 : i32
              %dma_start3A_127 = tpu.memref_slice %arg4[%add3A_118, %dma_start3A_125, %dma_start3A_126] : memref<4008x1x80xi32, #tpu.memory_space<hbm>> -> memref<25x1x80xi32, #tpu.memory_space<hbm>>
              %dma_start3A_128 = arith.constant 0 : i32
              %dma_start3A_129 = arith.constant 0 : i32
              %dma_start3A_130 = arith.constant 0 : i32
              %dma_start3A_131 = tpu.memref_slice %arg9[%rem3A_108, %dma_start3A_128, %dma_start3A_129, %dma_start3A_130] : memref<2x25x1x80xi32, #tpu.memory_space<vmem>> -> memref<1x25x1x80xi32, #tpu.memory_space<vmem>>
              %dma_start3A_132 = tpu.memref_squeeze %dma_start3A_131 : memref<1x25x1x80xi32, #tpu.memory_space<vmem>> -> memref<25x1x80xi32, #tpu.memory_space<vmem>>
              %dma_start3A_133 = arith.constant 0 : i32
              %dma_start3A_134 = arith.constant 0 : i32
              %dma_start3A_135 = tpu.memref_slice %arg4[%add3A_118, %dma_start3A_133, %dma_start3A_134] : memref<4008x1x80xi32, #tpu.memory_space<hbm>> -> memref<25x1x80xi32, #tpu.memory_space<hbm>>
              tpu.enqueue_dma source(%dma_start3A_135 : memref<25x1x80xi32, #tpu.memory_space<hbm>>) target(%dma_start3A_132 : memref<25x1x80xi32, #tpu.memory_space<vmem>>) target_semaphore(%run_scoped3A_119 : memref<!tpu.dma_semaphore, #tpu.memory_space<semaphore_mem>>)
              %dma_wait3A_136 = arith.constant 0 : i32
              %dma_wait3A_137 = arith.constant 0 : i32
              %dma_wait3A_138 = arith.constant 0 : i32
              %dma_wait3A_139 = tpu.memref_slice %arg9[%rem3A_108, %dma_wait3A_136, %dma_wait3A_137, %dma_wait3A_138] : memref<2x25x1x80xi32, #tpu.memory_space<vmem>> -> memref<1x25x1x80xi32, #tpu.memory_space<vmem>>
              %dma_wait3A_140 = tpu.memref_squeeze %dma_wait3A_139 : memref<1x25x1x80xi32, #tpu.memory_space<vmem>> -> memref<25x1x80xi32, #tpu.memory_space<vmem>>
              %dma_wait3A_141 = arith.constant 0 : i32
              %dma_wait3A_142 = arith.constant 0 : i32
              %dma_wait3A_143 = tpu.memref_slice %arg4[%add3A_118, %dma_wait3A_141, %dma_wait3A_142] : memref<4008x1x80xi32, #tpu.memory_space<hbm>> -> memref<25x1x80xi32, #tpu.memory_space<hbm>>
              %dma_wait3A_144 = arith.constant 0 : i32
              %dma_wait3A_145 = arith.constant 0 : i32
              %dma_wait3A_146 = arith.constant 0 : i32
              %dma_wait3A_147 = tpu.memref_slice %arg9[%rem3A_108, %dma_wait3A_144, %dma_wait3A_145, %dma_wait3A_146] : memref<2x25x1x80xi32, #tpu.memory_space<vmem>> -> memref<1x25x1x80xi32, #tpu.memory_space<vmem>>
              %dma_wait3A_148 = tpu.memref_squeeze %dma_wait3A_147 : memref<1x25x1x80xi32, #tpu.memory_space<vmem>> -> memref<25x1x80xi32, #tpu.memory_space<vmem>>
              %dma_wait3A_149 = arith.constant 0 : i32
              %dma_wait3A_150 = arith.constant 0 : i32
              %dma_wait3A_151 = tpu.memref_slice %arg4[%add3A_118, %dma_wait3A_149, %dma_wait3A_150] : memref<4008x1x80xi32, #tpu.memory_space<hbm>> -> memref<25x1x80xi32, #tpu.memory_space<hbm>>
              tpu.wait_dma2 semaphore(%run_scoped3A_119 : memref<!tpu.dma_semaphore, #tpu.memory_space<semaphore_mem>>) src(%dma_wait3A_151 : memref<25x1x80xi32, #tpu.memory_space<hbm>>) dst(%dma_wait3A_148 : memref<25x1x80xi32, #tpu.memory_space<vmem>>)
              tpu.yield
            }) : () -> ()
          } else {
          }
        } else {
        }
        %add3A_91 = arith.constant 2 : i32
        %add3A_92 = arith.addi %while3A_37, %add3A_91 : i32
        %lt3A_93 = arith.cmpi slt, %add3A_92, %add3A_8 : i32
        %convert_element_type3A_94 = arith.extui %lt3A_93 : i1 to i32
        %cond3A_95 = arith.constant 0 : i32
        %cond3A_96 = arith.cmpi ne, %convert_element_type3A_94, %cond3A_95 : i32
        scf.if %cond3A_96 {
          %add3A_97 = arith.constant 2 : i32
          %add3A_98 = arith.addi %while3A_37, %add3A_97 : i32
          %sub3A = arith.constant 3 : i32
          %sub3A_99 = arith.subi %add3A_98, %sub3A : i32
          %ge3A = arith.constant 0 : i32
          %ge3A_100 = arith.cmpi sge, %sub3A_99, %ge3A : i32
          %convert_element_type3A_101 = arith.extui %ge3A_100 : i1 to i32
          %cond3A_102 = arith.constant 0 : i32
          %cond3A_103 = arith.cmpi ne, %convert_element_type3A_101, %cond3A_102 : i32
          scf.if %cond3A_103 {
            %dma_wait3A_124 = arith.constant 1 : i32
            %dma_wait3A_125 = arith.constant 0 : i32
            %dma_wait3A_126 = arith.constant 0 : i32
            %dma_wait3A_127 = arith.constant 0 : i32
            %dma_wait3A_128 = arith.constant 0 : i32
            %dma_wait3A_129 = arith.constant 0 : i32
            %dma_wait3A_130 = tpu.memref_slice %arg10[%dma_wait3A_124, %dma_wait3A_128, %dma_wait3A_129] : memref<3x80x128xf32, #tpu.memory_space<vmem>> -> memref<1x80x128xf32, #tpu.memory_space<vmem>>
            %dma_wait3A_131 = tpu.memref_squeeze %dma_wait3A_130 : memref<1x80x128xf32, #tpu.memory_space<vmem>> -> memref<80x128xf32, #tpu.memory_space<vmem>>
            %dma_wait3A_132 = arith.constant 0 : i32
            %dma_wait3A_133 = tpu.memref_slice %arg9[%dma_wait3A_125, %dma_wait3A_126, %dma_wait3A_127, %dma_wait3A_132] : memref<2x25x1x80xi32, #tpu.memory_space<vmem>> -> memref<1x1x1x80xi32, #tpu.memory_space<vmem>>
            %dma_wait3A_134 = tpu.memref_squeeze %dma_wait3A_133 : memref<1x1x1x80xi32, #tpu.memory_space<vmem>> -> memref<80xi32, #tpu.memory_space<vmem>>
            %dma_wait3A_135 = arith.constant 0 : i32
            %dma_wait3A_136 = arith.constant 0 : i32
            %dma_wait3A_137 = tpu.memref_slice %arg7[%dma_wait3A_135, %dma_wait3A_136] : memref<10000x128xf32, #tpu.memory_space<vmem_shared>> -> memref<10000x128xf32, #tpu.memory_space<vmem_shared>>
            tpu.wait_indirect_dma semaphore(%arg15 : memref<!tpu.dma_semaphore, #tpu.memory_space<semaphore_mem>>) src(%dma_wait3A_131 : memref<80x128xf32, #tpu.memory_space<vmem>>) dst(%dma_wait3A_137 : memref<10000x128xf32, #tpu.memory_space<vmem_shared>>)
          } else {
          }
          %add3A_104 = arith.constant 2 : i32
          %add3A_105 = arith.addi %while3A_37, %add3A_104 : i32
          %div3A_106 = arith.constant 25 : i32
          %div3A_107 = arith.divsi %add3A_105, %div3A_106 : i32
          %rem3A_108 = arith.constant 2 : i32
          %rem3A_109 = arith.remsi %div3A_107, %rem3A_108 : i32
          %rem3A_110 = arith.constant 25 : i32
          %rem3A_111 = arith.remsi %add3A_105, %rem3A_110 : i32
          %dma_start3A_112 = arith.constant 0 : i32
          %dma_start3A_113 = arith.constant 1 : i32
          %dma_start3A_114 = arith.constant 0 : i32
          %dma_start3A_115 = arith.constant 0 : i32
          %dma_start3A_116 = tpu.memref_slice %arg10[%dma_start3A_113, %dma_start3A_114, %dma_start3A_115] : memref<3x80x128xf32, #tpu.memory_space<vmem>> -> memref<1x80x128xf32, #tpu.memory_space<vmem>>
          %dma_start3A_117 = tpu.memref_squeeze %dma_start3A_116 : memref<1x80x128xf32, #tpu.memory_space<vmem>> -> memref<80x128xf32, #tpu.memory_space<vmem>>
          %dma_start3A_118 = arith.constant 0 : i32
          %dma_start3A_119 = tpu.memref_slice %arg8[%rem3A_109, %rem3A_111, %dma_start3A_112, %dma_start3A_118] : memref<2x25x1x80xi32, #tpu.memory_space<vmem>> -> memref<1x1x1x80xi32, #tpu.memory_space<vmem>>
          %dma_start3A_120 = tpu.memref_squeeze %dma_start3A_119 : memref<1x1x1x80xi32, #tpu.memory_space<vmem>> -> memref<80xi32, #tpu.memory_space<vmem>>
          %dma_start3A_121 = arith.constant 0 : i32
          %dma_start3A_122 = arith.constant 0 : i32
          %dma_start3A_123 = tpu.memref_slice %arg2[%dma_start3A_121, %dma_start3A_122] : memref<10000x128xf32, #tpu.memory_space<hbm>> -> memref<10000x128xf32, #tpu.memory_space<hbm>>
          tpu.enqueue_indirect_dma source(%dma_start3A_123 : memref<10000x128xf32, #tpu.memory_space<hbm>>) target(%dma_start3A_117 : memref<80x128xf32, #tpu.memory_space<vmem>>) offsets(%dma_start3A_120 : memref<80xi32, #tpu.memory_space<vmem>>) semaphore(%arg12 : memref<!tpu.dma_semaphore, #tpu.memory_space<semaphore_mem>>)
        } else {
        }
      } else {
      }
    }
    %gt3A_26 = arith.constant 0 : i32
    %gt3A_27 = arith.cmpi sgt, %add3A_8, %gt3A_26 : i32
    %convert_element_type3A_28 = arith.extui %gt3A_27 : i1 to i32
    %cond3A_29 = arith.constant 0 : i32
    %cond3A_30 = arith.cmpi ne, %convert_element_type3A_28, %cond3A_29 : i32
    scf.if %cond3A_30 {
      %dma_wait3A = arith.constant 0 : i32
      %dma_wait3A_37 = arith.constant 0 : i32
      %dma_wait3A_38 = arith.constant 0 : i32
      %dma_wait3A_39 = arith.constant 0 : i32
      %dma_wait3A_40 = arith.constant 0 : i32
      %dma_wait3A_41 = arith.constant 0 : i32
      %dma_wait3A_42 = tpu.memref_slice %arg10[%dma_wait3A, %dma_wait3A_40, %dma_wait3A_41] : memref<3x80x128xf32, #tpu.memory_space<vmem>> -> memref<1x80x128xf32, #tpu.memory_space<vmem>>
      %dma_wait3A_43 = tpu.memref_squeeze %dma_wait3A_42 : memref<1x80x128xf32, #tpu.memory_space<vmem>> -> memref<80x128xf32, #tpu.memory_space<vmem>>
      %dma_wait3A_44 = arith.constant 0 : i32
      %dma_wait3A_45 = tpu.memref_slice %arg9[%dma_wait3A_37, %dma_wait3A_38, %dma_wait3A_39, %dma_wait3A_44] : memref<2x25x1x80xi32, #tpu.memory_space<vmem>> -> memref<1x1x1x80xi32, #tpu.memory_space<vmem>>
      %dma_wait3A_46 = tpu.memref_squeeze %dma_wait3A_45 : memref<1x1x1x80xi32, #tpu.memory_space<vmem>> -> memref<80xi32, #tpu.memory_space<vmem>>
      %dma_wait3A_47 = arith.constant 0 : i32
      %dma_wait3A_48 = arith.constant 0 : i32
      %dma_wait3A_49 = tpu.memref_slice %arg7[%dma_wait3A_47, %dma_wait3A_48] : memref<10000x128xf32, #tpu.memory_space<vmem_shared>> -> memref<10000x128xf32, #tpu.memory_space<vmem_shared>>
      tpu.wait_indirect_dma semaphore(%arg14 : memref<!tpu.dma_semaphore, #tpu.memory_space<semaphore_mem>>) src(%dma_wait3A_43 : memref<80x128xf32, #tpu.memory_space<vmem>>) dst(%dma_wait3A_49 : memref<10000x128xf32, #tpu.memory_space<vmem_shared>>)
      %dma_wait3A_50 = arith.constant 1 : i32
      %dma_wait3A_51 = arith.constant 0 : i32
      %dma_wait3A_52 = arith.constant 0 : i32
      %dma_wait3A_53 = arith.constant 0 : i32
      %dma_wait3A_54 = arith.constant 0 : i32
      %dma_wait3A_55 = arith.constant 0 : i32
      %dma_wait3A_56 = tpu.memref_slice %arg10[%dma_wait3A_50, %dma_wait3A_54, %dma_wait3A_55] : memref<3x80x128xf32, #tpu.memory_space<vmem>> -> memref<1x80x128xf32, #tpu.memory_space<vmem>>
      %dma_wait3A_57 = tpu.memref_squeeze %dma_wait3A_56 : memref<1x80x128xf32, #tpu.memory_space<vmem>> -> memref<80x128xf32, #tpu.memory_space<vmem>>
      %dma_wait3A_58 = arith.constant 0 : i32
      %dma_wait3A_59 = tpu.memref_slice %arg9[%dma_wait3A_51, %dma_wait3A_52, %dma_wait3A_53, %dma_wait3A_58] : memref<2x25x1x80xi32, #tpu.memory_space<vmem>> -> memref<1x1x1x80xi32, #tpu.memory_space<vmem>>
      %dma_wait3A_60 = tpu.memref_squeeze %dma_wait3A_59 : memref<1x1x1x80xi32, #tpu.memory_space<vmem>> -> memref<80xi32, #tpu.memory_space<vmem>>
      %dma_wait3A_61 = arith.constant 0 : i32
      %dma_wait3A_62 = arith.constant 0 : i32
      %dma_wait3A_63 = tpu.memref_slice %arg7[%dma_wait3A_61, %dma_wait3A_62] : memref<10000x128xf32, #tpu.memory_space<vmem_shared>> -> memref<10000x128xf32, #tpu.memory_space<vmem_shared>>
      tpu.wait_indirect_dma semaphore(%arg15 : memref<!tpu.dma_semaphore, #tpu.memory_space<semaphore_mem>>) src(%dma_wait3A_57 : memref<80x128xf32, #tpu.memory_space<vmem>>) dst(%dma_wait3A_63 : memref<10000x128xf32, #tpu.memory_space<vmem_shared>>)
      %dma_wait3A_64 = arith.constant 2 : i32
      %dma_wait3A_65 = arith.constant 0 : i32
      %dma_wait3A_66 = arith.constant 0 : i32
      %dma_wait3A_67 = arith.constant 0 : i32
      %dma_wait3A_68 = arith.constant 0 : i32
      %dma_wait3A_69 = arith.constant 0 : i32
      %dma_wait3A_70 = tpu.memref_slice %arg10[%dma_wait3A_64, %dma_wait3A_68, %dma_wait3A_69] : memref<3x80x128xf32, #tpu.memory_space<vmem>> -> memref<1x80x128xf32, #tpu.memory_space<vmem>>
      %dma_wait3A_71 = tpu.memref_squeeze %dma_wait3A_70 : memref<1x80x128xf32, #tpu.memory_space<vmem>> -> memref<80x128xf32, #tpu.memory_space<vmem>>
      %dma_wait3A_72 = arith.constant 0 : i32
      %dma_wait3A_73 = tpu.memref_slice %arg9[%dma_wait3A_65, %dma_wait3A_66, %dma_wait3A_67, %dma_wait3A_72] : memref<2x25x1x80xi32, #tpu.memory_space<vmem>> -> memref<1x1x1x80xi32, #tpu.memory_space<vmem>>
      %dma_wait3A_74 = tpu.memref_squeeze %dma_wait3A_73 : memref<1x1x1x80xi32, #tpu.memory_space<vmem>> -> memref<80xi32, #tpu.memory_space<vmem>>
      %dma_wait3A_75 = arith.constant 0 : i32
      %dma_wait3A_76 = arith.constant 0 : i32
      %dma_wait3A_77 = tpu.memref_slice %arg7[%dma_wait3A_75, %dma_wait3A_76] : memref<10000x128xf32, #tpu.memory_space<vmem_shared>> -> memref<10000x128xf32, #tpu.memory_space<vmem_shared>>
      tpu.wait_indirect_dma semaphore(%arg16 : memref<!tpu.dma_semaphore, #tpu.memory_space<semaphore_mem>>) src(%dma_wait3A_71 : memref<80x128xf32, #tpu.memory_space<vmem>>) dst(%dma_wait3A_77 : memref<10000x128xf32, #tpu.memory_space<vmem_shared>>)
    } else {
    }
    %barrier3A_31 = arith.constant 0 : index
    tpu.barrier barrier_id(%barrier3A_31)
    %lt3A_32 = arith.constant 10 : i32
    %lt3A_33 = arith.cmpi slt, %arg1, %lt3A_32 : i32
    %convert_element_type3A_34 = arith.extui %lt3A_33 : i1 to i32
    %cond3A_35 = arith.constant 0 : i32
    %cond3A_36 = arith.cmpi ne, %convert_element_type3A_34, %cond3A_35 : i32
    scf.if %cond3A_36 {
      %mul3A_37 = arith.constant 1000 : i32
      %mul3A_38 = arith.muli %arg1, %mul3A_37 : i32
      %mul3A_39 = arith.constant 1000 : i32
      %mul3A_40 = arith.muli %arg1, %mul3A_39 : i32
      "tpu.region"() ({
        %run_scoped3A_41 = tpu.sem_alloc : memref<!tpu.dma_semaphore, #tpu.memory_space<semaphore_mem>>
        %dma_start3A = arith.constant 0 : i32
        %dma_start3A_42 = tpu.memref_slice %arg6[%arg0, %mul3A_40, %dma_start3A] : memref<2x10000x128xf32, #tpu.memory_space<hbm>> -> memref<1x1000x128xf32, #tpu.memory_space<hbm>>
        %dma_start3A_43 = tpu.memref_squeeze %dma_start3A_42 : memref<1x1000x128xf32, #tpu.memory_space<hbm>> -> memref<1000x128xf32, #tpu.memory_space<hbm>>
        %dma_start3A_44 = arith.constant 0 : i32
        %dma_start3A_45 = tpu.memref_slice %arg7[%mul3A_38, %dma_start3A_44] : memref<10000x128xf32, #tpu.memory_space<vmem_shared>> -> memref<1000x128xf32, #tpu.memory_space<vmem_shared>>
        tpu.enqueue_dma source(%dma_start3A_45 : memref<1000x128xf32, #tpu.memory_space<vmem_shared>>) target(%dma_start3A_43 : memref<1000x128xf32, #tpu.memory_space<hbm>>) target_semaphore(%run_scoped3A_41 : memref<!tpu.dma_semaphore, #tpu.memory_space<semaphore_mem>>)
        %dma_wait3A = arith.constant 0 : i32
        %dma_wait3A_46 = tpu.memref_slice %arg6[%arg0, %mul3A_40, %dma_wait3A] : memref<2x10000x128xf32, #tpu.memory_space<hbm>> -> memref<1x1000x128xf32, #tpu.memory_space<hbm>>
        %dma_wait3A_47 = tpu.memref_squeeze %dma_wait3A_46 : memref<1x1000x128xf32, #tpu.memory_space<hbm>> -> memref<1000x128xf32, #tpu.memory_space<hbm>>
        %dma_wait3A_48 = arith.constant 0 : i32
        %dma_wait3A_49 = tpu.memref_slice %arg7[%mul3A_38, %dma_wait3A_48] : memref<10000x128xf32, #tpu.memory_space<vmem_shared>> -> memref<1000x128xf32, #tpu.memory_space<vmem_shared>>
        tpu.wait_dma2 semaphore(%run_scoped3A_41 : memref<!tpu.dma_semaphore, #tpu.memory_space<semaphore_mem>>) src(%dma_wait3A_49 : memref<1000x128xf32, #tpu.memory_space<vmem_shared>>) dst(%dma_wait3A_47 : memref<1000x128xf32, #tpu.memory_space<hbm>>)
        tpu.yield
      }) : () -> ()
    } else {
    }
    return
  }
}

#map = affine_map<(d0, d1) -> (0, 0, 0)>
#map1 = affine_map<(d0, d1) -> (0, 0)>
module attributes {stable_mosaic.version = 14 : i64} {
  func.func @_deg_call(%arg0: i32, %arg1: i32, %arg2: memref<4008x1x80xi32, #tpu.memory_space<hbm>>, %arg3: memref<80x128xf32, #tpu.memory_space<hbm>>, %arg4: memref<1000x128xf32, #tpu.memory_space<hbm>>, %arg5: memref<2x10000x128xf32, #tpu.memory_space<hbm>>, %arg6: memref<10000x128xf32, #tpu.memory_space<vmem_shared>>, %arg7: memref<126x1x80xi32, #tpu.memory_space<vmem>>, %arg8: memref<80x128xf32, #tpu.memory_space<vmem>>, %arg9: memref<!tpu.dma_semaphore, #tpu.memory_space<semaphore_mem>>) attributes {dimension_semantics = [#tpu.dimension_semantics<core_parallel>, #tpu.dimension_semantics<subcore_parallel>], iteration_bounds = array<i64: 2, 16>, scalar_prefetch = 0 : i64, scratch_operands = 4 : i64, tpu.core_type = #tpu.core_type<sc_vector_subcore>, window_params = [{transform_indices = #map}, {transform_indices = #map1}, {transform_indices = #map1}, {transform_indices = #map}]} {
    %mul3A = arith.constant 2 : i32
    %mul3A_0 = arith.muli %arg1, %mul3A : i32
    %add3A = arith.addi %mul3A_0, %arg0 : i32
    %mul3A_1 = arith.constant 125 : i32
    %mul3A_2 = arith.muli %mul3A_1, %add3A : i32
    %min3A = arith.constant 0 : i32
    %min3A_3 = arith.minsi %add3A, %min3A : i32
    %add3A_4 = arith.addi %mul3A_2, %min3A_3 : i32
    %lt3A = arith.constant 0 : i32
    %lt3A_5 = arith.cmpi slt, %add3A, %lt3A : i32
    %jit3A = arith.constant 1 : i32
    %jit3A_6 = arith.constant 0 : i32
    %select_n3A = arith.select %lt3A_5, %jit3A, %jit3A_6 : i32
    %add3A_7 = arith.constant 125 : i32
    %add3A_8 = arith.addi %add3A_7, %select_n3A : i32
    %lt3A_9 = arith.constant 10 : i32
    %lt3A_10 = arith.cmpi slt, %arg1, %lt3A_9 : i32
    %convert_element_type3A = arith.extui %lt3A_10 : i1 to i32
    %cond3A = arith.constant 0 : i32
    %cond3A_11 = arith.cmpi ne, %convert_element_type3A, %cond3A : i32
    scf.if %cond3A_11 {
      %mul3A_37 = arith.constant 1000 : i32
      %mul3A_38 = arith.muli %arg1, %mul3A_37 : i32
      "tpu.region"() ({
        %run_scoped3A = tpu.sem_alloc : memref<!tpu.dma_semaphore, #tpu.memory_space<semaphore_mem>>
        %dma_start3A = arith.constant 0 : i32
        %dma_start3A_39 = tpu.memref_slice %arg6[%mul3A_38, %dma_start3A] : memref<10000x128xf32, #tpu.memory_space<vmem_shared>> -> memref<1000x128xf32, #tpu.memory_space<vmem_shared>>
        tpu.enqueue_dma source(%arg4 : memref<1000x128xf32, #tpu.memory_space<hbm>>) target(%dma_start3A_39 : memref<1000x128xf32, #tpu.memory_space<vmem_shared>>) target_semaphore(%run_scoped3A : memref<!tpu.dma_semaphore, #tpu.memory_space<semaphore_mem>>)
        %dma_wait3A = arith.constant 0 : i32
        %dma_wait3A_40 = tpu.memref_slice %arg6[%mul3A_38, %dma_wait3A] : memref<10000x128xf32, #tpu.memory_space<vmem_shared>> -> memref<1000x128xf32, #tpu.memory_space<vmem_shared>>
        tpu.wait_dma2 semaphore(%run_scoped3A : memref<!tpu.dma_semaphore, #tpu.memory_space<semaphore_mem>>) src(%arg4 : memref<1000x128xf32, #tpu.memory_space<hbm>>) dst(%dma_wait3A_40 : memref<1000x128xf32, #tpu.memory_space<vmem_shared>>)
        tpu.yield
      }) : () -> ()
    } else {
    }
    "tpu.region"() ({
      %run_scoped3A = tpu.sem_alloc : memref<!tpu.dma_semaphore, #tpu.memory_space<semaphore_mem>>
      tpu.enqueue_dma source(%arg3 : memref<80x128xf32, #tpu.memory_space<hbm>>) target(%arg8 : memref<80x128xf32, #tpu.memory_space<vmem>>) target_semaphore(%run_scoped3A : memref<!tpu.dma_semaphore, #tpu.memory_space<semaphore_mem>>)
      tpu.wait_dma2 semaphore(%run_scoped3A : memref<!tpu.dma_semaphore, #tpu.memory_space<semaphore_mem>>) src(%arg3 : memref<80x128xf32, #tpu.memory_space<hbm>>) dst(%arg8 : memref<80x128xf32, #tpu.memory_space<vmem>>)
      tpu.yield
    }) : () -> ()
    "tpu.region"() ({
      %run_scoped3A = tpu.sem_alloc : memref<!tpu.dma_semaphore, #tpu.memory_space<semaphore_mem>>
      %dma_start3A = arith.constant 0 : i32
      %dma_start3A_37 = arith.constant 0 : i32
      %dma_start3A_38 = tpu.memref_slice %arg2[%add3A_4, %dma_start3A, %dma_start3A_37] : memref<4008x1x80xi32, #tpu.memory_space<hbm>> -> memref<126x1x80xi32, #tpu.memory_space<hbm>>
      %dma_start3A_39 = arith.constant 0 : i32
      %dma_start3A_40 = arith.constant 0 : i32
      %dma_start3A_41 = tpu.memref_slice %arg2[%add3A_4, %dma_start3A_39, %dma_start3A_40] : memref<4008x1x80xi32, #tpu.memory_space<hbm>> -> memref<126x1x80xi32, #tpu.memory_space<hbm>>
      tpu.enqueue_dma source(%dma_start3A_41 : memref<126x1x80xi32, #tpu.memory_space<hbm>>) target(%arg7 : memref<126x1x80xi32, #tpu.memory_space<vmem>>) target_semaphore(%run_scoped3A : memref<!tpu.dma_semaphore, #tpu.memory_space<semaphore_mem>>)
      %dma_wait3A = arith.constant 0 : i32
      %dma_wait3A_42 = arith.constant 0 : i32
      %dma_wait3A_43 = tpu.memref_slice %arg2[%add3A_4, %dma_wait3A, %dma_wait3A_42] : memref<4008x1x80xi32, #tpu.memory_space<hbm>> -> memref<126x1x80xi32, #tpu.memory_space<hbm>>
      %dma_wait3A_44 = arith.constant 0 : i32
      %dma_wait3A_45 = arith.constant 0 : i32
      %dma_wait3A_46 = tpu.memref_slice %arg2[%add3A_4, %dma_wait3A_44, %dma_wait3A_45] : memref<4008x1x80xi32, #tpu.memory_space<hbm>> -> memref<126x1x80xi32, #tpu.memory_space<hbm>>
      tpu.wait_dma2 semaphore(%run_scoped3A : memref<!tpu.dma_semaphore, #tpu.memory_space<semaphore_mem>>) src(%dma_wait3A_46 : memref<126x1x80xi32, #tpu.memory_space<hbm>>) dst(%arg7 : memref<126x1x80xi32, #tpu.memory_space<vmem>>)
      tpu.yield
    }) : () -> ()
    %barrier3A = arith.constant 0 : index
    tpu.barrier barrier_id(%barrier3A)
    %while3A = arith.constant 0 : i32
    %while3A_12 = arith.constant 0 : i32
    %while3A_13 = arith.subi %add3A_8, %while3A_12 : i32
    %while3A_14 = arith.addi %while3A_12, %while3A_13 : i32
    %while3A_15 = arith.constant 1 : i32
    %while3A_16 = arith.divsi %while3A_13, %while3A_15 : i32
    %while3A_17 = arith.muli %while3A_16, %while3A_15 : i32
    %while3A_18 = arith.addi %while3A_12, %while3A_17 : i32
    %while3A_19 = arith.constant 1 : i32
    scf.for %while3A_37 = %while3A_12 to %while3A_18 step %while3A_19  : i32 {
      %dma_start3A = arith.constant 0 : i32
      %dma_start3A_38 = arith.constant 0 : i32
      %dma_start3A_39 = tpu.memref_slice %arg7[%while3A_37, %dma_start3A, %dma_start3A_38] : memref<126x1x80xi32, #tpu.memory_space<vmem>> -> memref<1x1x80xi32, #tpu.memory_space<vmem>>
      %dma_start3A_40 = tpu.memref_squeeze %dma_start3A_39 : memref<1x1x80xi32, #tpu.memory_space<vmem>> -> memref<80xi32, #tpu.memory_space<vmem>>
      %dma_start3A_41 = arith.constant 0 : i32
      %dma_start3A_42 = arith.constant 0 : i32
      %dma_start3A_43 = tpu.memref_slice %arg6[%dma_start3A_41, %dma_start3A_42] : memref<10000x128xf32, #tpu.memory_space<vmem_shared>> -> memref<10000x128xf32, #tpu.memory_space<vmem_shared>>
      tpu.enqueue_indirect_dma source(%arg8 : memref<80x128xf32, #tpu.memory_space<vmem>>) target(%dma_start3A_43 : memref<10000x128xf32, #tpu.memory_space<vmem_shared>>) offsets(%dma_start3A_40 : memref<80xi32, #tpu.memory_space<vmem>>) semaphore(%arg9 : memref<!tpu.dma_semaphore, #tpu.memory_space<semaphore_mem>>) {add = true}
    }
    %while3A_20 = arith.constant 1 : i32
    scf.for %while3A_37 = %while3A_18 to %while3A_14 step %while3A_20  : i32 {
      %dma_start3A = arith.constant 0 : i32
      %dma_start3A_38 = arith.constant 0 : i32
      %dma_start3A_39 = tpu.memref_slice %arg7[%while3A_37, %dma_start3A, %dma_start3A_38] : memref<126x1x80xi32, #tpu.memory_space<vmem>> -> memref<1x1x80xi32, #tpu.memory_space<vmem>>
      %dma_start3A_40 = tpu.memref_squeeze %dma_start3A_39 : memref<1x1x80xi32, #tpu.memory_space<vmem>> -> memref<80xi32, #tpu.memory_space<vmem>>
      %dma_start3A_41 = arith.constant 0 : i32
      %dma_start3A_42 = arith.constant 0 : i32
      %dma_start3A_43 = tpu.memref_slice %arg6[%dma_start3A_41, %dma_start3A_42] : memref<10000x128xf32, #tpu.memory_space<vmem_shared>> -> memref<10000x128xf32, #tpu.memory_space<vmem_shared>>
      tpu.enqueue_indirect_dma source(%arg8 : memref<80x128xf32, #tpu.memory_space<vmem>>) target(%dma_start3A_43 : memref<10000x128xf32, #tpu.memory_space<vmem_shared>>) offsets(%dma_start3A_40 : memref<80xi32, #tpu.memory_space<vmem>>) semaphore(%arg9 : memref<!tpu.dma_semaphore, #tpu.memory_space<semaphore_mem>>) {add = true}
    }
    %while3A_21 = arith.constant 0 : i32
    %while3A_22 = arith.constant 0 : i32
    %while3A_23 = arith.subi %add3A_8, %while3A_22 : i32
    %while3A_24 = arith.addi %while3A_22, %while3A_23 : i32
    %while3A_25 = arith.constant 1 : i32
    %while3A_26 = arith.divsi %while3A_23, %while3A_25 : i32
    %while3A_27 = arith.muli %while3A_26, %while3A_25 : i32
    %while3A_28 = arith.addi %while3A_22, %while3A_27 : i32
    %while3A_29 = arith.constant 1 : i32
    scf.for %while3A_37 = %while3A_22 to %while3A_28 step %while3A_29  : i32 {
      %dma_wait3A = arith.constant 0 : i32
      %dma_wait3A_38 = arith.constant 0 : i32
      %dma_wait3A_39 = arith.constant 0 : i32
      %dma_wait3A_40 = tpu.memref_slice %arg7[%dma_wait3A, %dma_wait3A_38, %dma_wait3A_39] : memref<126x1x80xi32, #tpu.memory_space<vmem>> -> memref<1x1x80xi32, #tpu.memory_space<vmem>>
      %dma_wait3A_41 = tpu.memref_squeeze %dma_wait3A_40 : memref<1x1x80xi32, #tpu.memory_space<vmem>> -> memref<80xi32, #tpu.memory_space<vmem>>
      %dma_wait3A_42 = arith.constant 0 : i32
      %dma_wait3A_43 = arith.constant 0 : i32
      %dma_wait3A_44 = tpu.memref_slice %arg6[%dma_wait3A_42, %dma_wait3A_43] : memref<10000x128xf32, #tpu.memory_space<vmem_shared>> -> memref<10000x128xf32, #tpu.memory_space<vmem_shared>>
      tpu.wait_indirect_dma semaphore(%arg9 : memref<!tpu.dma_semaphore, #tpu.memory_space<semaphore_mem>>) src(%arg8 : memref<80x128xf32, #tpu.memory_space<vmem>>) dst(%dma_wait3A_44 : memref<10000x128xf32, #tpu.memory_space<vmem_shared>>)
    }
    %while3A_30 = arith.constant 1 : i32
    scf.for %while3A_37 = %while3A_28 to %while3A_24 step %while3A_30  : i32 {
      %dma_wait3A = arith.constant 0 : i32
      %dma_wait3A_38 = arith.constant 0 : i32
      %dma_wait3A_39 = arith.constant 0 : i32
      %dma_wait3A_40 = tpu.memref_slice %arg7[%dma_wait3A, %dma_wait3A_38, %dma_wait3A_39] : memref<126x1x80xi32, #tpu.memory_space<vmem>> -> memref<1x1x80xi32, #tpu.memory_space<vmem>>
      %dma_wait3A_41 = tpu.memref_squeeze %dma_wait3A_40 : memref<1x1x80xi32, #tpu.memory_space<vmem>> -> memref<80xi32, #tpu.memory_space<vmem>>
      %dma_wait3A_42 = arith.constant 0 : i32
      %dma_wait3A_43 = arith.constant 0 : i32
      %dma_wait3A_44 = tpu.memref_slice %arg6[%dma_wait3A_42, %dma_wait3A_43] : memref<10000x128xf32, #tpu.memory_space<vmem_shared>> -> memref<10000x128xf32, #tpu.memory_space<vmem_shared>>
      tpu.wait_indirect_dma semaphore(%arg9 : memref<!tpu.dma_semaphore, #tpu.memory_space<semaphore_mem>>) src(%arg8 : memref<80x128xf32, #tpu.memory_space<vmem>>) dst(%dma_wait3A_44 : memref<10000x128xf32, #tpu.memory_space<vmem_shared>>)
    }
    %barrier3A_31 = arith.constant 0 : index
    tpu.barrier barrier_id(%barrier3A_31)
    %lt3A_32 = arith.constant 10 : i32
    %lt3A_33 = arith.cmpi slt, %arg1, %lt3A_32 : i32
    %convert_element_type3A_34 = arith.extui %lt3A_33 : i1 to i32
    %cond3A_35 = arith.constant 0 : i32
    %cond3A_36 = arith.cmpi ne, %convert_element_type3A_34, %cond3A_35 : i32
    scf.if %cond3A_36 {
      %mul3A_37 = arith.constant 1000 : i32
      %mul3A_38 = arith.muli %arg1, %mul3A_37 : i32
      %mul3A_39 = arith.constant 1000 : i32
      %mul3A_40 = arith.muli %arg1, %mul3A_39 : i32
      "tpu.region"() ({
        %run_scoped3A = tpu.sem_alloc : memref<!tpu.dma_semaphore, #tpu.memory_space<semaphore_mem>>
        %dma_start3A = arith.constant 0 : i32
        %dma_start3A_41 = tpu.memref_slice %arg5[%arg0, %mul3A_40, %dma_start3A] : memref<2x10000x128xf32, #tpu.memory_space<hbm>> -> memref<1x1000x128xf32, #tpu.memory_space<hbm>>
        %dma_start3A_42 = tpu.memref_squeeze %dma_start3A_41 : memref<1x1000x128xf32, #tpu.memory_space<hbm>> -> memref<1000x128xf32, #tpu.memory_space<hbm>>
        %dma_start3A_43 = arith.constant 0 : i32
        %dma_start3A_44 = tpu.memref_slice %arg6[%mul3A_38, %dma_start3A_43] : memref<10000x128xf32, #tpu.memory_space<vmem_shared>> -> memref<1000x128xf32, #tpu.memory_space<vmem_shared>>
        tpu.enqueue_dma source(%dma_start3A_44 : memref<1000x128xf32, #tpu.memory_space<vmem_shared>>) target(%dma_start3A_42 : memref<1000x128xf32, #tpu.memory_space<hbm>>) target_semaphore(%run_scoped3A : memref<!tpu.dma_semaphore, #tpu.memory_space<semaphore_mem>>)
        %dma_wait3A = arith.constant 0 : i32
        %dma_wait3A_45 = tpu.memref_slice %arg5[%arg0, %mul3A_40, %dma_wait3A] : memref<2x10000x128xf32, #tpu.memory_space<hbm>> -> memref<1x1000x128xf32, #tpu.memory_space<hbm>>
        %dma_wait3A_46 = tpu.memref_squeeze %dma_wait3A_45 : memref<1x1000x128xf32, #tpu.memory_space<hbm>> -> memref<1000x128xf32, #tpu.memory_space<hbm>>
        %dma_wait3A_47 = arith.constant 0 : i32
        %dma_wait3A_48 = tpu.memref_slice %arg6[%mul3A_38, %dma_wait3A_47] : memref<10000x128xf32, #tpu.memory_space<vmem_shared>> -> memref<1000x128xf32, #tpu.memory_space<vmem_shared>>
        tpu.wait_dma2 semaphore(%run_scoped3A : memref<!tpu.dma_semaphore, #tpu.memory_space<semaphore_mem>>) src(%dma_wait3A_48 : memref<1000x128xf32, #tpu.memory_space<vmem_shared>>) dst(%dma_wait3A_46 : memref<1000x128xf32, #tpu.memory_space<hbm>>)
        tpu.yield
      }) : () -> ()
    } else {
    }
    return
  }
}

#map = affine_map<(d0, d1) -> (0, 0)>
#map1 = affine_map<(d0, d1) -> (0, 0, 0)>
module attributes {stable_mosaic.version = 14 : i64} {
  func.func @_agg_call(%arg0: i32, %arg1: i32, %arg2: memref<10000x128xf32, #tpu.memory_space<hbm>>, %arg3: memref<4008x1x80xi32, #tpu.memory_space<hbm>>, %arg4: memref<4008x1x80xi32, #tpu.memory_space<hbm>>, %arg5: memref<1000x128xf32, #tpu.memory_space<hbm>>, %arg6: memref<2x10000x128xf32, #tpu.memory_space<hbm>>, %arg7: memref<10000x128xf32, #tpu.memory_space<vmem_shared>>, %arg8: memref<2x25x1x80xi32, #tpu.memory_space<vmem>>, %arg9: memref<2x25x1x80xi32, #tpu.memory_space<vmem>>, %arg10: memref<3x80x128xf32, #tpu.memory_space<vmem>>, %arg11: memref<!tpu.dma_semaphore, #tpu.memory_space<semaphore_mem>>, %arg12: memref<!tpu.dma_semaphore, #tpu.memory_space<semaphore_mem>>, %arg13: memref<!tpu.dma_semaphore, #tpu.memory_space<semaphore_mem>>, %arg14: memref<!tpu.dma_semaphore, #tpu.memory_space<semaphore_mem>>, %arg15: memref<!tpu.dma_semaphore, #tpu.memory_space<semaphore_mem>>, %arg16: memref<!tpu.dma_semaphore, #tpu.memory_space<semaphore_mem>>) attributes {dimension_semantics = [#tpu.dimension_semantics<core_parallel>, #tpu.dimension_semantics<subcore_parallel>], iteration_bounds = array<i64: 2, 16>, scalar_prefetch = 0 : i64, scratch_operands = 10 : i64, tpu.core_type = #tpu.core_type<sc_vector_subcore>, window_params = [{transform_indices = #map}, {transform_indices = #map1}, {transform_indices = #map1}, {transform_indices = #map}, {transform_indices = #map1}]} {
    %mul3A = arith.constant 2 : i32
    %mul3A_0 = arith.muli %arg1, %mul3A : i32
    %add3A = arith.addi %mul3A_0, %arg0 : i32
    %mul3A_1 = arith.constant 125 : i32
    %mul3A_2 = arith.muli %mul3A_1, %add3A : i32
    %min3A = arith.constant 0 : i32
    %min3A_3 = arith.minsi %add3A, %min3A : i32
    %add3A_4 = arith.addi %mul3A_2, %min3A_3 : i32
    %lt3A = arith.constant 0 : i32
    %lt3A_5 = arith.cmpi slt, %add3A, %lt3A : i32
    %jit3A = arith.constant 1 : i32
    %jit3A_6 = arith.constant 0 : i32
    %select_n3A = arith.select %lt3A_5, %jit3A, %jit3A_6 : i32
    %add3A_7 = arith.constant 125 : i32
    %add3A_8 = arith.addi %add3A_7, %select_n3A : i32
    %lt3A_9 = arith.constant 10 : i32
    %lt3A_10 = arith.cmpi slt, %arg1, %lt3A_9 : i32
    %convert_element_type3A = arith.extui %lt3A_10 : i1 to i32
    %cond3A = arith.constant 0 : i32
    %cond3A_11 = arith.cmpi ne, %convert_element_type3A, %cond3A : i32
    scf.if %cond3A_11 {
      %mul3A_37 = arith.constant 1000 : i32
      %mul3A_38 = arith.muli %arg1, %mul3A_37 : i32
      "tpu.region"() ({
        %run_scoped3A_39 = tpu.sem_alloc : memref<!tpu.dma_semaphore, #tpu.memory_space<semaphore_mem>>
        %dma_start3A = arith.constant 0 : i32
        %dma_start3A_40 = tpu.memref_slice %arg7[%mul3A_38, %dma_start3A] : memref<10000x128xf32, #tpu.memory_space<vmem_shared>> -> memref<1000x128xf32, #tpu.memory_space<vmem_shared>>
        tpu.enqueue_dma source(%arg5 : memref<1000x128xf32, #tpu.memory_space<hbm>>) target(%dma_start3A_40 : memref<1000x128xf32, #tpu.memory_space<vmem_shared>>) target_semaphore(%run_scoped3A_39 : memref<!tpu.dma_semaphore, #tpu.memory_space<semaphore_mem>>)
        %dma_wait3A = arith.constant 0 : i32
        %dma_wait3A_41 = tpu.memref_slice %arg7[%mul3A_38, %dma_wait3A] : memref<10000x128xf32, #tpu.memory_space<vmem_shared>> -> memref<1000x128xf32, #tpu.memory_space<vmem_shared>>
        tpu.wait_dma2 semaphore(%run_scoped3A_39 : memref<!tpu.dma_semaphore, #tpu.memory_space<semaphore_mem>>) src(%arg5 : memref<1000x128xf32, #tpu.memory_space<hbm>>) dst(%dma_wait3A_41 : memref<1000x128xf32, #tpu.memory_space<vmem_shared>>)
        tpu.yield
      }) : () -> ()
    } else {
    }
    %run_scoped3A = arith.constant 0 : i32
    "tpu.region"() ({
      %run_scoped3A_37 = tpu.sem_alloc : memref<!tpu.dma_semaphore, #tpu.memory_space<semaphore_mem>>
      %dma_start3A = arith.constant 0 : i32
      %dma_start3A_38 = arith.constant 0 : i32
      %dma_start3A_39 = arith.constant 0 : i32
      %dma_start3A_40 = tpu.memref_slice %arg8[%run_scoped3A, %dma_start3A, %dma_start3A_38, %dma_start3A_39] : memref<2x25x1x80xi32, #tpu.memory_space<vmem>> -> memref<1x25x1x80xi32, #tpu.memory_space<vmem>>
      %dma_start3A_41 = tpu.memref_squeeze %dma_start3A_40 : memref<1x25x1x80xi32, #tpu.memory_space<vmem>> -> memref<25x1x80xi32, #tpu.memory_space<vmem>>
      %dma_start3A_42 = arith.constant 0 : i32
      %dma_start3A_43 = arith.constant 0 : i32
      %dma_start3A_44 = tpu.memref_slice %arg3[%add3A_4, %dma_start3A_42, %dma_start3A_43] : memref<4008x1x80xi32, #tpu.memory_space<hbm>> -> memref<25x1x80xi32, #tpu.memory_space<hbm>>
      %dma_start3A_45 = arith.constant 0 : i32
      %dma_start3A_46 = arith.constant 0 : i32
      %dma_start3A_47 = arith.constant 0 : i32
      %dma_start3A_48 = tpu.memref_slice %arg8[%run_scoped3A, %dma_start3A_45, %dma_start3A_46, %dma_start3A_47] : memref<2x25x1x80xi32, #tpu.memory_space<vmem>> -> memref<1x25x1x80xi32, #tpu.memory_space<vmem>>
      %dma_start3A_49 = tpu.memref_squeeze %dma_start3A_48 : memref<1x25x1x80xi32, #tpu.memory_space<vmem>> -> memref<25x1x80xi32, #tpu.memory_space<vmem>>
      %dma_start3A_50 = arith.constant 0 : i32
      %dma_start3A_51 = arith.constant 0 : i32
      %dma_start3A_52 = tpu.memref_slice %arg3[%add3A_4, %dma_start3A_50, %dma_start3A_51] : memref<4008x1x80xi32, #tpu.memory_space<hbm>> -> memref<25x1x80xi32, #tpu.memory_space<hbm>>
      tpu.enqueue_dma source(%dma_start3A_52 : memref<25x1x80xi32, #tpu.memory_space<hbm>>) target(%dma_start3A_49 : memref<25x1x80xi32, #tpu.memory_space<vmem>>) target_semaphore(%run_scoped3A_37 : memref<!tpu.dma_semaphore, #tpu.memory_space<semaphore_mem>>)
      %dma_wait3A = arith.constant 0 : i32
      %dma_wait3A_53 = arith.constant 0 : i32
      %dma_wait3A_54 = arith.constant 0 : i32
      %dma_wait3A_55 = tpu.memref_slice %arg8[%run_scoped3A, %dma_wait3A, %dma_wait3A_53, %dma_wait3A_54] : memref<2x25x1x80xi32, #tpu.memory_space<vmem>> -> memref<1x25x1x80xi32, #tpu.memory_space<vmem>>
      %dma_wait3A_56 = tpu.memref_squeeze %dma_wait3A_55 : memref<1x25x1x80xi32, #tpu.memory_space<vmem>> -> memref<25x1x80xi32, #tpu.memory_space<vmem>>
      %dma_wait3A_57 = arith.constant 0 : i32
      %dma_wait3A_58 = arith.constant 0 : i32
      %dma_wait3A_59 = tpu.memref_slice %arg3[%add3A_4, %dma_wait3A_57, %dma_wait3A_58] : memref<4008x1x80xi32, #tpu.memory_space<hbm>> -> memref<25x1x80xi32, #tpu.memory_space<hbm>>
      %dma_wait3A_60 = arith.constant 0 : i32
      %dma_wait3A_61 = arith.constant 0 : i32
      %dma_wait3A_62 = arith.constant 0 : i32
      %dma_wait3A_63 = tpu.memref_slice %arg8[%run_scoped3A, %dma_wait3A_60, %dma_wait3A_61, %dma_wait3A_62] : memref<2x25x1x80xi32, #tpu.memory_space<vmem>> -> memref<1x25x1x80xi32, #tpu.memory_space<vmem>>
      %dma_wait3A_64 = tpu.memref_squeeze %dma_wait3A_63 : memref<1x25x1x80xi32, #tpu.memory_space<vmem>> -> memref<25x1x80xi32, #tpu.memory_space<vmem>>
      %dma_wait3A_65 = arith.constant 0 : i32
      %dma_wait3A_66 = arith.constant 0 : i32
      %dma_wait3A_67 = tpu.memref_slice %arg3[%add3A_4, %dma_wait3A_65, %dma_wait3A_66] : memref<4008x1x80xi32, #tpu.memory_space<hbm>> -> memref<25x1x80xi32, #tpu.memory_space<hbm>>
      tpu.wait_dma2 semaphore(%run_scoped3A_37 : memref<!tpu.dma_semaphore, #tpu.memory_space<semaphore_mem>>) src(%dma_wait3A_67 : memref<25x1x80xi32, #tpu.memory_space<hbm>>) dst(%dma_wait3A_64 : memref<25x1x80xi32, #tpu.memory_space<vmem>>)
      tpu.yield
    }) : () -> ()
    %run_scoped3A_12 = arith.constant 0 : i32
    "tpu.region"() ({
      %run_scoped3A_37 = tpu.sem_alloc : memref<!tpu.dma_semaphore, #tpu.memory_space<semaphore_mem>>
      %dma_start3A = arith.constant 0 : i32
      %dma_start3A_38 = arith.constant 0 : i32
      %dma_start3A_39 = arith.constant 0 : i32
      %dma_start3A_40 = tpu.memref_slice %arg9[%run_scoped3A_12, %dma_start3A, %dma_start3A_38, %dma_start3A_39] : memref<2x25x1x80xi32, #tpu.memory_space<vmem>> -> memref<1x25x1x80xi32, #tpu.memory_space<vmem>>
      %dma_start3A_41 = tpu.memref_squeeze %dma_start3A_40 : memref<1x25x1x80xi32, #tpu.memory_space<vmem>> -> memref<25x1x80xi32, #tpu.memory_space<vmem>>
      %dma_start3A_42 = arith.constant 0 : i32
      %dma_start3A_43 = arith.constant 0 : i32
      %dma_start3A_44 = tpu.memref_slice %arg4[%add3A_4, %dma_start3A_42, %dma_start3A_43] : memref<4008x1x80xi32, #tpu.memory_space<hbm>> -> memref<25x1x80xi32, #tpu.memory_space<hbm>>
      %dma_start3A_45 = arith.constant 0 : i32
      %dma_start3A_46 = arith.constant 0 : i32
      %dma_start3A_47 = arith.constant 0 : i32
      %dma_start3A_48 = tpu.memref_slice %arg9[%run_scoped3A_12, %dma_start3A_45, %dma_start3A_46, %dma_start3A_47] : memref<2x25x1x80xi32, #tpu.memory_space<vmem>> -> memref<1x25x1x80xi32, #tpu.memory_space<vmem>>
      %dma_start3A_49 = tpu.memref_squeeze %dma_start3A_48 : memref<1x25x1x80xi32, #tpu.memory_space<vmem>> -> memref<25x1x80xi32, #tpu.memory_space<vmem>>
      %dma_start3A_50 = arith.constant 0 : i32
      %dma_start3A_51 = arith.constant 0 : i32
      %dma_start3A_52 = tpu.memref_slice %arg4[%add3A_4, %dma_start3A_50, %dma_start3A_51] : memref<4008x1x80xi32, #tpu.memory_space<hbm>> -> memref<25x1x80xi32, #tpu.memory_space<hbm>>
      tpu.enqueue_dma source(%dma_start3A_52 : memref<25x1x80xi32, #tpu.memory_space<hbm>>) target(%dma_start3A_49 : memref<25x1x80xi32, #tpu.memory_space<vmem>>) target_semaphore(%run_scoped3A_37 : memref<!tpu.dma_semaphore, #tpu.memory_space<semaphore_mem>>)
      %dma_wait3A = arith.constant 0 : i32
      %dma_wait3A_53 = arith.constant 0 : i32
      %dma_wait3A_54 = arith.constant 0 : i32
      %dma_wait3A_55 = tpu.memref_slice %arg9[%run_scoped3A_12, %dma_wait3A, %dma_wait3A_53, %dma_wait3A_54] : memref<2x25x1x80xi32, #tpu.memory_space<vmem>> -> memref<1x25x1x80xi32, #tpu.memory_space<vmem>>
      %dma_wait3A_56 = tpu.memref_squeeze %dma_wait3A_55 : memref<1x25x1x80xi32, #tpu.memory_space<vmem>> -> memref<25x1x80xi32, #tpu.memory_space<vmem>>
      %dma_wait3A_57 = arith.constant 0 : i32
      %dma_wait3A_58 = arith.constant 0 : i32
      %dma_wait3A_59 = tpu.memref_slice %arg4[%add3A_4, %dma_wait3A_57, %dma_wait3A_58] : memref<4008x1x80xi32, #tpu.memory_space<hbm>> -> memref<25x1x80xi32, #tpu.memory_space<hbm>>
      %dma_wait3A_60 = arith.constant 0 : i32
      %dma_wait3A_61 = arith.constant 0 : i32
      %dma_wait3A_62 = arith.constant 0 : i32
      %dma_wait3A_63 = tpu.memref_slice %arg9[%run_scoped3A_12, %dma_wait3A_60, %dma_wait3A_61, %dma_wait3A_62] : memref<2x25x1x80xi32, #tpu.memory_space<vmem>> -> memref<1x25x1x80xi32, #tpu.memory_space<vmem>>
      %dma_wait3A_64 = tpu.memref_squeeze %dma_wait3A_63 : memref<1x25x1x80xi32, #tpu.memory_space<vmem>> -> memref<25x1x80xi32, #tpu.memory_space<vmem>>
      %dma_wait3A_65 = arith.constant 0 : i32
      %dma_wait3A_66 = arith.constant 0 : i32
      %dma_wait3A_67 = tpu.memref_slice %arg4[%add3A_4, %dma_wait3A_65, %dma_wait3A_66] : memref<4008x1x80xi32, #tpu.memory_space<hbm>> -> memref<25x1x80xi32, #tpu.memory_space<hbm>>
      tpu.wait_dma2 semaphore(%run_scoped3A_37 : memref<!tpu.dma_semaphore, #tpu.memory_space<semaphore_mem>>) src(%dma_wait3A_67 : memref<25x1x80xi32, #tpu.memory_space<hbm>>) dst(%dma_wait3A_64 : memref<25x1x80xi32, #tpu.memory_space<vmem>>)
      tpu.yield
    }) : () -> ()
    %barrier3A = arith.constant 0 : index
    tpu.barrier barrier_id(%barrier3A)
    %gt3A = arith.constant 0 : i32
    %gt3A_13 = arith.cmpi sgt, %add3A_8, %gt3A : i32
    %convert_element_type3A_14 = arith.extui %gt3A_13 : i1 to i32
    %cond3A_15 = arith.constant 0 : i32
    %cond3A_16 = arith.cmpi ne, %convert_element_type3A_14, %cond3A_15 : i32
    scf.if %cond3A_16 {
      %dma_start3A = arith.constant 0 : i32
      %dma_start3A_37 = arith.constant 0 : i32
      %dma_start3A_38 = arith.constant 0 : i32
      %dma_start3A_39 = arith.constant 0 : i32
      %dma_start3A_40 = arith.constant 0 : i32
      %dma_start3A_41 = arith.constant 0 : i32
      %dma_start3A_42 = tpu.memref_slice %arg10[%dma_start3A_39, %dma_start3A_40, %dma_start3A_41] : memref<3x80x128xf32, #tpu.memory_space<vmem>> -> memref<1x80x128xf32, #tpu.memory_space<vmem>>
      %dma_start3A_43 = tpu.memref_squeeze %dma_start3A_42 : memref<1x80x128xf32, #tpu.memory_space<vmem>> -> memref<80x128xf32, #tpu.memory_space<vmem>>
      %dma_start3A_44 = arith.constant 0 : i32
      %dma_start3A_45 = tpu.memref_slice %arg8[%dma_start3A, %dma_start3A_37, %dma_start3A_38, %dma_start3A_44] : memref<2x25x1x80xi32, #tpu.memory_space<vmem>> -> memref<1x1x1x80xi32, #tpu.memory_space<vmem>>
      %dma_start3A_46 = tpu.memref_squeeze %dma_start3A_45 : memref<1x1x1x80xi32, #tpu.memory_space<vmem>> -> memref<80xi32, #tpu.memory_space<vmem>>
      %dma_start3A_47 = arith.constant 0 : i32
      %dma_start3A_48 = arith.constant 0 : i32
      %dma_start3A_49 = tpu.memref_slice %arg2[%dma_start3A_47, %dma_start3A_48] : memref<10000x128xf32, #tpu.memory_space<hbm>> -> memref<10000x128xf32, #tpu.memory_space<hbm>>
      tpu.enqueue_indirect_dma source(%dma_start3A_49 : memref<10000x128xf32, #tpu.memory_space<hbm>>) target(%dma_start3A_43 : memref<80x128xf32, #tpu.memory_space<vmem>>) offsets(%dma_start3A_46 : memref<80xi32, #tpu.memory_space<vmem>>) semaphore(%arg11 : memref<!tpu.dma_semaphore, #tpu.memory_space<semaphore_mem>>)
      %dma_start3A_50 = arith.constant 0 : i32
      %dma_start3A_51 = arith.constant 1 : i32
      %dma_start3A_52 = arith.constant 0 : i32
      %dma_start3A_53 = arith.constant 1 : i32
      %dma_start3A_54 = arith.constant 0 : i32
      %dma_start3A_55 = arith.constant 0 : i32
      %dma_start3A_56 = tpu.memref_slice %arg10[%dma_start3A_53, %dma_start3A_54, %dma_start3A_55] : memref<3x80x128xf32, #tpu.memory_space<vmem>> -> memref<1x80x128xf32, #tpu.memory_space<vmem>>
      %dma_start3A_57 = tpu.memref_squeeze %dma_start3A_56 : memref<1x80x128xf32, #tpu.memory_space<vmem>> -> memref<80x128xf32, #tpu.memory_space<vmem>>
      %dma_start3A_58 = arith.constant 0 : i32
      %dma_start3A_59 = tpu.memref_slice %arg8[%dma_start3A_50, %dma_start3A_51, %dma_start3A_52, %dma_start3A_58] : memref<2x25x1x80xi32, #tpu.memory_space<vmem>> -> memref<1x1x1x80xi32, #tpu.memory_space<vmem>>
      %dma_start3A_60 = tpu.memref_squeeze %dma_start3A_59 : memref<1x1x1x80xi32, #tpu.memory_space<vmem>> -> memref<80xi32, #tpu.memory_space<vmem>>
      %dma_start3A_61 = arith.constant 0 : i32
      %dma_start3A_62 = arith.constant 0 : i32
      %dma_start3A_63 = tpu.memref_slice %arg2[%dma_start3A_61, %dma_start3A_62] : memref<10000x128xf32, #tpu.memory_space<hbm>> -> memref<10000x128xf32, #tpu.memory_space<hbm>>
      tpu.enqueue_indirect_dma source(%dma_start3A_63 : memref<10000x128xf32, #tpu.memory_space<hbm>>) target(%dma_start3A_57 : memref<80x128xf32, #tpu.memory_space<vmem>>) offsets(%dma_start3A_60 : memref<80xi32, #tpu.memory_space<vmem>>) semaphore(%arg12 : memref<!tpu.dma_semaphore, #tpu.memory_space<semaphore_mem>>)
    } else {
    }
    %while3A = arith.constant 0 : i32
    %while3A_17 = arith.constant 0 : i32
    %while3A_18 = arith.subi %add3A_8, %while3A_17 : i32
    %while3A_19 = arith.addi %while3A_17, %while3A_18 : i32
    %while3A_20 = arith.constant 1 : i32
    %while3A_21 = arith.divsi %while3A_18, %while3A_20 : i32
    %while3A_22 = arith.muli %while3A_21, %while3A_20 : i32
    %while3A_23 = arith.addi %while3A_17, %while3A_22 : i32
    %while3A_24 = arith.constant 1 : i32
    scf.for %while3A_37 = %while3A_17 to %while3A_23 step %while3A_24  : i32 {
      %div3A = arith.constant 25 : i32
      %div3A_38 = arith.divsi %while3A_37, %div3A : i32
      %rem3A = arith.constant 25 : i32
      %rem3A_39 = arith.remsi %while3A_37, %rem3A : i32
      %rem3A_40 = arith.constant 2 : i32
      %rem3A_41 = arith.remsi %div3A_38, %rem3A_40 : i32
      %rem3A_42 = arith.constant 3 : i32
      %rem3A_43 = arith.remsi %while3A_37, %rem3A_42 : i32
      %eq3A = arith.constant 0 : i32
      %eq3A_44 = arith.cmpi eq, %rem3A_43, %eq3A : i32
      %convert_element_type3A_45 = arith.extui %eq3A_44 : i1 to i32
      %cond3A_46 = arith.constant 0 : i32
      %cond3A_47 = arith.cmpi ne, %convert_element_type3A_45, %cond3A_46 : i32
      scf.if %cond3A_47 {
        %dma_wait3A = arith.constant 0 : i32
        %dma_wait3A_62 = arith.constant 0 : i32
        %dma_wait3A_63 = arith.constant 0 : i32
        %dma_wait3A_64 = arith.constant 0 : i32
        %dma_wait3A_65 = arith.constant 0 : i32
        %dma_wait3A_66 = arith.constant 0 : i32
        %dma_wait3A_67 = tpu.memref_slice %arg10[%dma_wait3A_64, %dma_wait3A_65, %dma_wait3A_66] : memref<3x80x128xf32, #tpu.memory_space<vmem>> -> memref<1x80x128xf32, #tpu.memory_space<vmem>>
        %dma_wait3A_68 = tpu.memref_squeeze %dma_wait3A_67 : memref<1x80x128xf32, #tpu.memory_space<vmem>> -> memref<80x128xf32, #tpu.memory_space<vmem>>
        %dma_wait3A_69 = arith.constant 0 : i32
        %dma_wait3A_70 = tpu.memref_slice %arg8[%dma_wait3A, %dma_wait3A_62, %dma_wait3A_63, %dma_wait3A_69] : memref<2x25x1x80xi32, #tpu.memory_space<vmem>> -> memref<1x1x1x80xi32, #tpu.memory_space<vmem>>
        %dma_wait3A_71 = tpu.memref_squeeze %dma_wait3A_70 : memref<1x1x1x80xi32, #tpu.memory_space<vmem>> -> memref<80xi32, #tpu.memory_space<vmem>>
        %dma_wait3A_72 = arith.constant 0 : i32
        %dma_wait3A_73 = arith.constant 0 : i32
        %dma_wait3A_74 = tpu.memref_slice %arg2[%dma_wait3A_72, %dma_wait3A_73] : memref<10000x128xf32, #tpu.memory_space<hbm>> -> memref<10000x128xf32, #tpu.memory_space<hbm>>
        tpu.wait_indirect_dma semaphore(%arg11 : memref<!tpu.dma_semaphore, #tpu.memory_space<semaphore_mem>>) src(%dma_wait3A_74 : memref<10000x128xf32, #tpu.memory_space<hbm>>) dst(%dma_wait3A_68 : memref<80x128xf32, #tpu.memory_space<vmem>>)
        %dma_start3A = arith.constant 0 : i32
        %dma_start3A_75 = arith.constant 0 : i32
        %dma_start3A_76 = arith.constant 0 : i32
        %dma_start3A_77 = arith.constant 0 : i32
        %dma_start3A_78 = tpu.memref_slice %arg10[%dma_start3A, %dma_start3A_76, %dma_start3A_77] : memref<3x80x128xf32, #tpu.memory_space<vmem>> -> memref<1x80x128xf32, #tpu.memory_space<vmem>>
        %dma_start3A_79 = tpu.memref_squeeze %dma_start3A_78 : memref<1x80x128xf32, #tpu.memory_space<vmem>> -> memref<80x128xf32, #tpu.memory_space<vmem>>
        %dma_start3A_80 = arith.constant 0 : i32
        %dma_start3A_81 = tpu.memref_slice %arg9[%rem3A_41, %rem3A_39, %dma_start3A_75, %dma_start3A_80] : memref<2x25x1x80xi32, #tpu.memory_space<vmem>> -> memref<1x1x1x80xi32, #tpu.memory_space<vmem>>
        %dma_start3A_82 = tpu.memref_squeeze %dma_start3A_81 : memref<1x1x1x80xi32, #tpu.memory_space<vmem>> -> memref<80xi32, #tpu.memory_space<vmem>>
        %dma_start3A_83 = arith.constant 0 : i32
        %dma_start3A_84 = arith.constant 0 : i32
        %dma_start3A_85 = tpu.memref_slice %arg7[%dma_start3A_83, %dma_start3A_84] : memref<10000x128xf32, #tpu.memory_space<vmem_shared>> -> memref<10000x128xf32, #tpu.memory_space<vmem_shared>>
        tpu.enqueue_indirect_dma source(%dma_start3A_79 : memref<80x128xf32, #tpu.memory_space<vmem>>) target(%dma_start3A_85 : memref<10000x128xf32, #tpu.memory_space<vmem_shared>>) offsets(%dma_start3A_82 : memref<80xi32, #tpu.memory_space<vmem>>) semaphore(%arg14 : memref<!tpu.dma_semaphore, #tpu.memory_space<semaphore_mem>>) {add = true}
        %eq3A_86 = arith.constant 22 : i32
        %eq3A_87 = arith.cmpi eq, %rem3A_39, %eq3A_86 : i32
        %convert_element_type3A_88 = arith.extui %eq3A_87 : i1 to i32
        %cond3A_89 = arith.constant 0 : i32
        %cond3A_90 = arith.cmpi ne, %convert_element_type3A_88, %cond3A_89 : i32
        scf.if %cond3A_90 {
          %add3A_97 = arith.constant 1 : i32
          %add3A_98 = arith.addi %div3A_38, %add3A_97 : i32
          %mul3A_99 = arith.constant 25 : i32
          %mul3A_100 = arith.muli %add3A_98, %mul3A_99 : i32
          %lt3A_101 = arith.cmpi slt, %mul3A_100, %add3A_8 : i32
          %convert_element_type3A_102 = arith.extui %lt3A_101 : i1 to i32
          %cond3A_103 = arith.constant 0 : i32
          %cond3A_104 = arith.cmpi ne, %convert_element_type3A_102, %cond3A_103 : i32
          scf.if %cond3A_104 {
            %add3A_105 = arith.constant 1 : i32
            %add3A_106 = arith.addi %div3A_38, %add3A_105 : i32
            %rem3A_107 = arith.constant 2 : i32
            %rem3A_108 = arith.remsi %add3A_106, %rem3A_107 : i32
            %add3A_109 = arith.constant 1 : i32
            %add3A_110 = arith.addi %div3A_38, %add3A_109 : i32
            %mul3A_111 = arith.constant 25 : i32
            %mul3A_112 = arith.muli %add3A_110, %mul3A_111 : i32
            %add3A_113 = arith.addi %add3A_4, %mul3A_112 : i32
            "tpu.region"() ({
              %run_scoped3A_119 = tpu.sem_alloc : memref<!tpu.dma_semaphore, #tpu.memory_space<semaphore_mem>>
              %dma_start3A_120 = arith.constant 0 : i32
              %dma_start3A_121 = arith.constant 0 : i32
              %dma_start3A_122 = arith.constant 0 : i32
              %dma_start3A_123 = tpu.memref_slice %arg8[%rem3A_108, %dma_start3A_120, %dma_start3A_121, %dma_start3A_122] : memref<2x25x1x80xi32, #tpu.memory_space<vmem>> -> memref<1x25x1x80xi32, #tpu.memory_space<vmem>>
              %dma_start3A_124 = tpu.memref_squeeze %dma_start3A_123 : memref<1x25x1x80xi32, #tpu.memory_space<vmem>> -> memref<25x1x80xi32, #tpu.memory_space<vmem>>
              %dma_start3A_125 = arith.constant 0 : i32
              %dma_start3A_126 = arith.constant 0 : i32
              %dma_start3A_127 = tpu.memref_slice %arg3[%add3A_113, %dma_start3A_125, %dma_start3A_126] : memref<4008x1x80xi32, #tpu.memory_space<hbm>> -> memref<25x1x80xi32, #tpu.memory_space<hbm>>
              %dma_start3A_128 = arith.constant 0 : i32
              %dma_start3A_129 = arith.constant 0 : i32
              %dma_start3A_130 = arith.constant 0 : i32
              %dma_start3A_131 = tpu.memref_slice %arg8[%rem3A_108, %dma_start3A_128, %dma_start3A_129, %dma_start3A_130] : memref<2x25x1x80xi32, #tpu.memory_space<vmem>> -> memref<1x25x1x80xi32, #tpu.memory_space<vmem>>
              %dma_start3A_132 = tpu.memref_squeeze %dma_start3A_131 : memref<1x25x1x80xi32, #tpu.memory_space<vmem>> -> memref<25x1x80xi32, #tpu.memory_space<vmem>>
              %dma_start3A_133 = arith.constant 0 : i32
              %dma_start3A_134 = arith.constant 0 : i32
              %dma_start3A_135 = tpu.memref_slice %arg3[%add3A_113, %dma_start3A_133, %dma_start3A_134] : memref<4008x1x80xi32, #tpu.memory_space<hbm>> -> memref<25x1x80xi32, #tpu.memory_space<hbm>>
              tpu.enqueue_dma source(%dma_start3A_135 : memref<25x1x80xi32, #tpu.memory_space<hbm>>) target(%dma_start3A_132 : memref<25x1x80xi32, #tpu.memory_space<vmem>>) target_semaphore(%run_scoped3A_119 : memref<!tpu.dma_semaphore, #tpu.memory_space<semaphore_mem>>)
              %dma_wait3A_136 = arith.constant 0 : i32
              %dma_wait3A_137 = arith.constant 0 : i32
              %dma_wait3A_138 = arith.constant 0 : i32
              %dma_wait3A_139 = tpu.memref_slice %arg8[%rem3A_108, %dma_wait3A_136, %dma_wait3A_137, %dma_wait3A_138] : memref<2x25x1x80xi32, #tpu.memory_space<vmem>> -> memref<1x25x1x80xi32, #tpu.memory_space<vmem>>
              %dma_wait3A_140 = tpu.memref_squeeze %dma_wait3A_139 : memref<1x25x1x80xi32, #tpu.memory_space<vmem>> -> memref<25x1x80xi32, #tpu.memory_space<vmem>>
              %dma_wait3A_141 = arith.constant 0 : i32
              %dma_wait3A_142 = arith.constant 0 : i32
              %dma_wait3A_143 = tpu.memref_slice %arg3[%add3A_113, %dma_wait3A_141, %dma_wait3A_142] : memref<4008x1x80xi32, #tpu.memory_space<hbm>> -> memref<25x1x80xi32, #tpu.memory_space<hbm>>
              %dma_wait3A_144 = arith.constant 0 : i32
              %dma_wait3A_145 = arith.constant 0 : i32
              %dma_wait3A_146 = arith.constant 0 : i32
              %dma_wait3A_147 = tpu.memref_slice %arg8[%rem3A_108, %dma_wait3A_144, %dma_wait3A_145, %dma_wait3A_146] : memref<2x25x1x80xi32, #tpu.memory_space<vmem>> -> memref<1x25x1x80xi32, #tpu.memory_space<vmem>>
              %dma_wait3A_148 = tpu.memref_squeeze %dma_wait3A_147 : memref<1x25x1x80xi32, #tpu.memory_space<vmem>> -> memref<25x1x80xi32, #tpu.memory_space<vmem>>
              %dma_wait3A_149 = arith.constant 0 : i32
              %dma_wait3A_150 = arith.constant 0 : i32
              %dma_wait3A_151 = tpu.memref_slice %arg3[%add3A_113, %dma_wait3A_149, %dma_wait3A_150] : memref<4008x1x80xi32, #tpu.memory_space<hbm>> -> memref<25x1x80xi32, #tpu.memory_space<hbm>>
              tpu.wait_dma2 semaphore(%run_scoped3A_119 : memref<!tpu.dma_semaphore, #tpu.memory_space<semaphore_mem>>) src(%dma_wait3A_151 : memref<25x1x80xi32, #tpu.memory_space<hbm>>) dst(%dma_wait3A_148 : memref<25x1x80xi32, #tpu.memory_space<vmem>>)
              tpu.yield
            }) : () -> ()
            %add3A_114 = arith.constant 1 : i32
            %add3A_115 = arith.addi %div3A_38, %add3A_114 : i32
            %mul3A_116 = arith.constant 25 : i32
            %mul3A_117 = arith.muli %add3A_115, %mul3A_116 : i32
            %add3A_118 = arith.addi %add3A_4, %mul3A_117 : i32
            "tpu.region"() ({
              %run_scoped3A_119 = tpu.sem_alloc : memref<!tpu.dma_semaphore, #tpu.memory_space<semaphore_mem>>
              %dma_start3A_120 = arith.constant 0 : i32
              %dma_start3A_121 = arith.constant 0 : i32
              %dma_start3A_122 = arith.constant 0 : i32
              %dma_start3A_123 = tpu.memref_slice %arg9[%rem3A_108, %dma_start3A_120, %dma_start3A_121, %dma_start3A_122] : memref<2x25x1x80xi32, #tpu.memory_space<vmem>> -> memref<1x25x1x80xi32, #tpu.memory_space<vmem>>
              %dma_start3A_124 = tpu.memref_squeeze %dma_start3A_123 : memref<1x25x1x80xi32, #tpu.memory_space<vmem>> -> memref<25x1x80xi32, #tpu.memory_space<vmem>>
              %dma_start3A_125 = arith.constant 0 : i32
              %dma_start3A_126 = arith.constant 0 : i32
              %dma_start3A_127 = tpu.memref_slice %arg4[%add3A_118, %dma_start3A_125, %dma_start3A_126] : memref<4008x1x80xi32, #tpu.memory_space<hbm>> -> memref<25x1x80xi32, #tpu.memory_space<hbm>>
              %dma_start3A_128 = arith.constant 0 : i32
              %dma_start3A_129 = arith.constant 0 : i32
              %dma_start3A_130 = arith.constant 0 : i32
              %dma_start3A_131 = tpu.memref_slice %arg9[%rem3A_108, %dma_start3A_128, %dma_start3A_129, %dma_start3A_130] : memref<2x25x1x80xi32, #tpu.memory_space<vmem>> -> memref<1x25x1x80xi32, #tpu.memory_space<vmem>>
              %dma_start3A_132 = tpu.memref_squeeze %dma_start3A_131 : memref<1x25x1x80xi32, #tpu.memory_space<vmem>> -> memref<25x1x80xi32, #tpu.memory_space<vmem>>
              %dma_start3A_133 = arith.constant 0 : i32
              %dma_start3A_134 = arith.constant 0 : i32
              %dma_start3A_135 = tpu.memref_slice %arg4[%add3A_118, %dma_start3A_133, %dma_start3A_134] : memref<4008x1x80xi32, #tpu.memory_space<hbm>> -> memref<25x1x80xi32, #tpu.memory_space<hbm>>
              tpu.enqueue_dma source(%dma_start3A_135 : memref<25x1x80xi32, #tpu.memory_space<hbm>>) target(%dma_start3A_132 : memref<25x1x80xi32, #tpu.memory_space<vmem>>) target_semaphore(%run_scoped3A_119 : memref<!tpu.dma_semaphore, #tpu.memory_space<semaphore_mem>>)
              %dma_wait3A_136 = arith.constant 0 : i32
              %dma_wait3A_137 = arith.constant 0 : i32
              %dma_wait3A_138 = arith.constant 0 : i32
              %dma_wait3A_139 = tpu.memref_slice %arg9[%rem3A_108, %dma_wait3A_136, %dma_wait3A_137, %dma_wait3A_138] : memref<2x25x1x80xi32, #tpu.memory_space<vmem>> -> memref<1x25x1x80xi32, #tpu.memory_space<vmem>>
              %dma_wait3A_140 = tpu.memref_squeeze %dma_wait3A_139 : memref<1x25x1x80xi32, #tpu.memory_space<vmem>> -> memref<25x1x80xi32, #tpu.memory_space<vmem>>
              %dma_wait3A_141 = arith.constant 0 : i32
              %dma_wait3A_142 = arith.constant 0 : i32
              %dma_wait3A_143 = tpu.memref_slice %arg4[%add3A_118, %dma_wait3A_141, %dma_wait3A_142] : memref<4008x1x80xi32, #tpu.memory_space<hbm>> -> memref<25x1x80xi32, #tpu.memory_space<hbm>>
              %dma_wait3A_144 = arith.constant 0 : i32
              %dma_wait3A_145 = arith.constant 0 : i32
              %dma_wait3A_146 = arith.constant 0 : i32
              %dma_wait3A_147 = tpu.memref_slice %arg9[%rem3A_108, %dma_wait3A_144, %dma_wait3A_145, %dma_wait3A_146] : memref<2x25x1x80xi32, #tpu.memory_space<vmem>> -> memref<1x25x1x80xi32, #tpu.memory_space<vmem>>
              %dma_wait3A_148 = tpu.memref_squeeze %dma_wait3A_147 : memref<1x25x1x80xi32, #tpu.memory_space<vmem>> -> memref<25x1x80xi32, #tpu.memory_space<vmem>>
              %dma_wait3A_149 = arith.constant 0 : i32
              %dma_wait3A_150 = arith.constant 0 : i32
              %dma_wait3A_151 = tpu.memref_slice %arg4[%add3A_118, %dma_wait3A_149, %dma_wait3A_150] : memref<4008x1x80xi32, #tpu.memory_space<hbm>> -> memref<25x1x80xi32, #tpu.memory_space<hbm>>
              tpu.wait_dma2 semaphore(%run_scoped3A_119 : memref<!tpu.dma_semaphore, #tpu.memory_space<semaphore_mem>>) src(%dma_wait3A_151 : memref<25x1x80xi32, #tpu.memory_space<hbm>>) dst(%dma_wait3A_148 : memref<25x1x80xi32, #tpu.memory_space<vmem>>)
              tpu.yield
            }) : () -> ()
          } else {
          }
        } else {
        }
        %add3A_91 = arith.constant 2 : i32
        %add3A_92 = arith.addi %while3A_37, %add3A_91 : i32
        %lt3A_93 = arith.cmpi slt, %add3A_92, %add3A_8 : i32
        %convert_element_type3A_94 = arith.extui %lt3A_93 : i1 to i32
        %cond3A_95 = arith.constant 0 : i32
        %cond3A_96 = arith.cmpi ne, %convert_element_type3A_94, %cond3A_95 : i32
        scf.if %cond3A_96 {
          %add3A_97 = arith.constant 2 : i32
          %add3A_98 = arith.addi %while3A_37, %add3A_97 : i32
          %sub3A = arith.constant 3 : i32
          %sub3A_99 = arith.subi %add3A_98, %sub3A : i32
          %ge3A = arith.constant 0 : i32
          %ge3A_100 = arith.cmpi sge, %sub3A_99, %ge3A : i32
          %convert_element_type3A_101 = arith.extui %ge3A_100 : i1 to i32
          %cond3A_102 = arith.constant 0 : i32
          %cond3A_103 = arith.cmpi ne, %convert_element_type3A_101, %cond3A_102 : i32
          scf.if %cond3A_103 {
            %dma_wait3A_124 = arith.constant 2 : i32
            %dma_wait3A_125 = arith.constant 0 : i32
            %dma_wait3A_126 = arith.constant 0 : i32
            %dma_wait3A_127 = arith.constant 0 : i32
            %dma_wait3A_128 = arith.constant 0 : i32
            %dma_wait3A_129 = arith.constant 0 : i32
            %dma_wait3A_130 = tpu.memref_slice %arg10[%dma_wait3A_124, %dma_wait3A_128, %dma_wait3A_129] : memref<3x80x128xf32, #tpu.memory_space<vmem>> -> memref<1x80x128xf32, #tpu.memory_space<vmem>>
            %dma_wait3A_131 = tpu.memref_squeeze %dma_wait3A_130 : memref<1x80x128xf32, #tpu.memory_space<vmem>> -> memref<80x128xf32, #tpu.memory_space<vmem>>
            %dma_wait3A_132 = arith.constant 0 : i32
            %dma_wait3A_133 = tpu.memref_slice %arg9[%dma_wait3A_125, %dma_wait3A_126, %dma_wait3A_127, %dma_wait3A_132] : memref<2x25x1x80xi32, #tpu.memory_space<vmem>> -> memref<1x1x1x80xi32, #tpu.memory_space<vmem>>
            %dma_wait3A_134 = tpu.memref_squeeze %dma_wait3A_133 : memref<1x1x1x80xi32, #tpu.memory_space<vmem>> -> memref<80xi32, #tpu.memory_space<vmem>>
            %dma_wait3A_135 = arith.constant 0 : i32
            %dma_wait3A_136 = arith.constant 0 : i32
            %dma_wait3A_137 = tpu.memref_slice %arg7[%dma_wait3A_135, %dma_wait3A_136] : memref<10000x128xf32, #tpu.memory_space<vmem_shared>> -> memref<10000x128xf32, #tpu.memory_space<vmem_shared>>
            tpu.wait_indirect_dma semaphore(%arg16 : memref<!tpu.dma_semaphore, #tpu.memory_space<semaphore_mem>>) src(%dma_wait3A_131 : memref<80x128xf32, #tpu.memory_space<vmem>>) dst(%dma_wait3A_137 : memref<10000x128xf32, #tpu.memory_space<vmem_shared>>)
          } else {
          }
          %add3A_104 = arith.constant 2 : i32
          %add3A_105 = arith.addi %while3A_37, %add3A_104 : i32
          %div3A_106 = arith.constant 25 : i32
          %div3A_107 = arith.divsi %add3A_105, %div3A_106 : i32
          %rem3A_108 = arith.constant 2 : i32
          %rem3A_109 = arith.remsi %div3A_107, %rem3A_108 : i32
          %rem3A_110 = arith.constant 25 : i32
          %rem3A_111 = arith.remsi %add3A_105, %rem3A_110 : i32
          %dma_start3A_112 = arith.constant 0 : i32
          %dma_start3A_113 = arith.constant 2 : i32
          %dma_start3A_114 = arith.constant 0 : i32
          %dma_start3A_115 = arith.constant 0 : i32
          %dma_start3A_116 = tpu.memref_slice %arg10[%dma_start3A_113, %dma_start3A_114, %dma_start3A_115] : memref<3x80x128xf32, #tpu.memory_space<vmem>> -> memref<1x80x128xf32, #tpu.memory_space<vmem>>
          %dma_start3A_117 = tpu.memref_squeeze %dma_start3A_116 : memref<1x80x128xf32, #tpu.memory_space<vmem>> -> memref<80x128xf32, #tpu.memory_space<vmem>>
          %dma_start3A_118 = arith.constant 0 : i32
          %dma_start3A_119 = tpu.memref_slice %arg8[%rem3A_109, %rem3A_111, %dma_start3A_112, %dma_start3A_118] : memref<2x25x1x80xi32, #tpu.memory_space<vmem>> -> memref<1x1x1x80xi32, #tpu.memory_space<vmem>>
          %dma_start3A_120 = tpu.memref_squeeze %dma_start3A_119 : memref<1x1x1x80xi32, #tpu.memory_space<vmem>> -> memref<80xi32, #tpu.memory_space<vmem>>
          %dma_start3A_121 = arith.constant 0 : i32
          %dma_start3A_122 = arith.constant 0 : i32
          %dma_start3A_123 = tpu.memref_slice %arg2[%dma_start3A_121, %dma_start3A_122] : memref<10000x128xf32, #tpu.memory_space<hbm>> -> memref<10000x128xf32, #tpu.memory_space<hbm>>
          tpu.enqueue_indirect_dma source(%dma_start3A_123 : memref<10000x128xf32, #tpu.memory_space<hbm>>) target(%dma_start3A_117 : memref<80x128xf32, #tpu.memory_space<vmem>>) offsets(%dma_start3A_120 : memref<80xi32, #tpu.memory_space<vmem>>) semaphore(%arg13 : memref<!tpu.dma_semaphore, #tpu.memory_space<semaphore_mem>>)
        } else {
        }
      } else {
      }
      %rem3A_48 = arith.constant 3 : i32
      %rem3A_49 = arith.remsi %while3A_37, %rem3A_48 : i32
      %eq3A_50 = arith.constant 1 : i32
      %eq3A_51 = arith.cmpi eq, %rem3A_49, %eq3A_50 : i32
      %convert_element_type3A_52 = arith.extui %eq3A_51 : i1 to i32
      %cond3A_53 = arith.constant 0 : i32
      %cond3A_54 = arith.cmpi ne, %convert_element_type3A_52, %cond3A_53 : i32
      scf.if %cond3A_54 {
        %dma_wait3A = arith.constant 0 : i32
        %dma_wait3A_62 = arith.constant 0 : i32
        %dma_wait3A_63 = arith.constant 0 : i32
        %dma_wait3A_64 = arith.constant 1 : i32
        %dma_wait3A_65 = arith.constant 0 : i32
        %dma_wait3A_66 = arith.constant 0 : i32
        %dma_wait3A_67 = tpu.memref_slice %arg10[%dma_wait3A_64, %dma_wait3A_65, %dma_wait3A_66] : memref<3x80x128xf32, #tpu.memory_space<vmem>> -> memref<1x80x128xf32, #tpu.memory_space<vmem>>
        %dma_wait3A_68 = tpu.memref_squeeze %dma_wait3A_67 : memref<1x80x128xf32, #tpu.memory_space<vmem>> -> memref<80x128xf32, #tpu.memory_space<vmem>>
        %dma_wait3A_69 = arith.constant 0 : i32
        %dma_wait3A_70 = tpu.memref_slice %arg8[%dma_wait3A, %dma_wait3A_62, %dma_wait3A_63, %dma_wait3A_69] : memref<2x25x1x80xi32, #tpu.memory_space<vmem>> -> memref<1x1x1x80xi32, #tpu.memory_space<vmem>>
        %dma_wait3A_71 = tpu.memref_squeeze %dma_wait3A_70 : memref<1x1x1x80xi32, #tpu.memory_space<vmem>> -> memref<80xi32, #tpu.memory_space<vmem>>
        %dma_wait3A_72 = arith.constant 0 : i32
        %dma_wait3A_73 = arith.constant 0 : i32
        %dma_wait3A_74 = tpu.memref_slice %arg2[%dma_wait3A_72, %dma_wait3A_73] : memref<10000x128xf32, #tpu.memory_space<hbm>> -> memref<10000x128xf32, #tpu.memory_space<hbm>>
        tpu.wait_indirect_dma semaphore(%arg12 : memref<!tpu.dma_semaphore, #tpu.memory_space<semaphore_mem>>) src(%dma_wait3A_74 : memref<10000x128xf32, #tpu.memory_space<hbm>>) dst(%dma_wait3A_68 : memref<80x128xf32, #tpu.memory_space<vmem>>)
        %dma_start3A = arith.constant 1 : i32
        %dma_start3A_75 = arith.constant 0 : i32
        %dma_start3A_76 = arith.constant 0 : i32
        %dma_start3A_77 = arith.constant 0 : i32
        %dma_start3A_78 = tpu.memref_slice %arg10[%dma_start3A, %dma_start3A_76, %dma_start3A_77] : memref<3x80x128xf32, #tpu.memory_space<vmem>> -> memref<1x80x128xf32, #tpu.memory_space<vmem>>
        %dma_start3A_79 = tpu.memref_squeeze %dma_start3A_78 : memref<1x80x128xf32, #tpu.memory_space<vmem>> -> memref<80x128xf32, #tpu.memory_space<vmem>>
        %dma_start3A_80 = arith.constant 0 : i32
        %dma_start3A_81 = tpu.memref_slice %arg9[%rem3A_41, %rem3A_39, %dma_start3A_75, %dma_start3A_80] : memref<2x25x1x80xi32, #tpu.memory_space<vmem>> -> memref<1x1x1x80xi32, #tpu.memory_space<vmem>>
        %dma_start3A_82 = tpu.memref_squeeze %dma_start3A_81 : memref<1x1x1x80xi32, #tpu.memory_space<vmem>> -> memref<80xi32, #tpu.memory_space<vmem>>
        %dma_start3A_83 = arith.constant 0 : i32
        %dma_start3A_84 = arith.constant 0 : i32
        %dma_start3A_85 = tpu.memref_slice %arg7[%dma_start3A_83, %dma_start3A_84] : memref<10000x128xf32, #tpu.memory_space<vmem_shared>> -> memref<10000x128xf32, #tpu.memory_space<vmem_shared>>
        tpu.enqueue_indirect_dma source(%dma_start3A_79 : memref<80x128xf32, #tpu.memory_space<vmem>>) target(%dma_start3A_85 : memref<10000x128xf32, #tpu.memory_space<vmem_shared>>) offsets(%dma_start3A_82 : memref<80xi32, #tpu.memory_space<vmem>>) semaphore(%arg15 : memref<!tpu.dma_semaphore, #tpu.memory_space<semaphore_mem>>) {add = true}
        %eq3A_86 = arith.constant 22 : i32
        %eq3A_87 = arith.cmpi eq, %rem3A_39, %eq3A_86 : i32
        %convert_element_type3A_88 = arith.extui %eq3A_87 : i1 to i32
        %cond3A_89 = arith.constant 0 : i32
        %cond3A_90 = arith.cmpi ne, %convert_element_type3A_88, %cond3A_89 : i32
        scf.if %cond3A_90 {
          %add3A_97 = arith.constant 1 : i32
          %add3A_98 = arith.addi %div3A_38, %add3A_97 : i32
          %mul3A_99 = arith.constant 25 : i32
          %mul3A_100 = arith.muli %add3A_98, %mul3A_99 : i32
          %lt3A_101 = arith.cmpi slt, %mul3A_100, %add3A_8 : i32
          %convert_element_type3A_102 = arith.extui %lt3A_101 : i1 to i32
          %cond3A_103 = arith.constant 0 : i32
          %cond3A_104 = arith.cmpi ne, %convert_element_type3A_102, %cond3A_103 : i32
          scf.if %cond3A_104 {
            %add3A_105 = arith.constant 1 : i32
            %add3A_106 = arith.addi %div3A_38, %add3A_105 : i32
            %rem3A_107 = arith.constant 2 : i32
            %rem3A_108 = arith.remsi %add3A_106, %rem3A_107 : i32
            %add3A_109 = arith.constant 1 : i32
            %add3A_110 = arith.addi %div3A_38, %add3A_109 : i32
            %mul3A_111 = arith.constant 25 : i32
            %mul3A_112 = arith.muli %add3A_110, %mul3A_111 : i32
            %add3A_113 = arith.addi %add3A_4, %mul3A_112 : i32
            "tpu.region"() ({
              %run_scoped3A_119 = tpu.sem_alloc : memref<!tpu.dma_semaphore, #tpu.memory_space<semaphore_mem>>
              %dma_start3A_120 = arith.constant 0 : i32
              %dma_start3A_121 = arith.constant 0 : i32
              %dma_start3A_122 = arith.constant 0 : i32
              %dma_start3A_123 = tpu.memref_slice %arg8[%rem3A_108, %dma_start3A_120, %dma_start3A_121, %dma_start3A_122] : memref<2x25x1x80xi32, #tpu.memory_space<vmem>> -> memref<1x25x1x80xi32, #tpu.memory_space<vmem>>
              %dma_start3A_124 = tpu.memref_squeeze %dma_start3A_123 : memref<1x25x1x80xi32, #tpu.memory_space<vmem>> -> memref<25x1x80xi32, #tpu.memory_space<vmem>>
              %dma_start3A_125 = arith.constant 0 : i32
              %dma_start3A_126 = arith.constant 0 : i32
              %dma_start3A_127 = tpu.memref_slice %arg3[%add3A_113, %dma_start3A_125, %dma_start3A_126] : memref<4008x1x80xi32, #tpu.memory_space<hbm>> -> memref<25x1x80xi32, #tpu.memory_space<hbm>>
              %dma_start3A_128 = arith.constant 0 : i32
              %dma_start3A_129 = arith.constant 0 : i32
              %dma_start3A_130 = arith.constant 0 : i32
              %dma_start3A_131 = tpu.memref_slice %arg8[%rem3A_108, %dma_start3A_128, %dma_start3A_129, %dma_start3A_130] : memref<2x25x1x80xi32, #tpu.memory_space<vmem>> -> memref<1x25x1x80xi32, #tpu.memory_space<vmem>>
              %dma_start3A_132 = tpu.memref_squeeze %dma_start3A_131 : memref<1x25x1x80xi32, #tpu.memory_space<vmem>> -> memref<25x1x80xi32, #tpu.memory_space<vmem>>
              %dma_start3A_133 = arith.constant 0 : i32
              %dma_start3A_134 = arith.constant 0 : i32
              %dma_start3A_135 = tpu.memref_slice %arg3[%add3A_113, %dma_start3A_133, %dma_start3A_134] : memref<4008x1x80xi32, #tpu.memory_space<hbm>> -> memref<25x1x80xi32, #tpu.memory_space<hbm>>
              tpu.enqueue_dma source(%dma_start3A_135 : memref<25x1x80xi32, #tpu.memory_space<hbm>>) target(%dma_start3A_132 : memref<25x1x80xi32, #tpu.memory_space<vmem>>) target_semaphore(%run_scoped3A_119 : memref<!tpu.dma_semaphore, #tpu.memory_space<semaphore_mem>>)
              %dma_wait3A_136 = arith.constant 0 : i32
              %dma_wait3A_137 = arith.constant 0 : i32
              %dma_wait3A_138 = arith.constant 0 : i32
              %dma_wait3A_139 = tpu.memref_slice %arg8[%rem3A_108, %dma_wait3A_136, %dma_wait3A_137, %dma_wait3A_138] : memref<2x25x1x80xi32, #tpu.memory_space<vmem>> -> memref<1x25x1x80xi32, #tpu.memory_space<vmem>>
              %dma_wait3A_140 = tpu.memref_squeeze %dma_wait3A_139 : memref<1x25x1x80xi32, #tpu.memory_space<vmem>> -> memref<25x1x80xi32, #tpu.memory_space<vmem>>
              %dma_wait3A_141 = arith.constant 0 : i32
              %dma_wait3A_142 = arith.constant 0 : i32
              %dma_wait3A_143 = tpu.memref_slice %arg3[%add3A_113, %dma_wait3A_141, %dma_wait3A_142] : memref<4008x1x80xi32, #tpu.memory_space<hbm>> -> memref<25x1x80xi32, #tpu.memory_space<hbm>>
              %dma_wait3A_144 = arith.constant 0 : i32
              %dma_wait3A_145 = arith.constant 0 : i32
              %dma_wait3A_146 = arith.constant 0 : i32
              %dma_wait3A_147 = tpu.memref_slice %arg8[%rem3A_108, %dma_wait3A_144, %dma_wait3A_145, %dma_wait3A_146] : memref<2x25x1x80xi32, #tpu.memory_space<vmem>> -> memref<1x25x1x80xi32, #tpu.memory_space<vmem>>
              %dma_wait3A_148 = tpu.memref_squeeze %dma_wait3A_147 : memref<1x25x1x80xi32, #tpu.memory_space<vmem>> -> memref<25x1x80xi32, #tpu.memory_space<vmem>>
              %dma_wait3A_149 = arith.constant 0 : i32
              %dma_wait3A_150 = arith.constant 0 : i32
              %dma_wait3A_151 = tpu.memref_slice %arg3[%add3A_113, %dma_wait3A_149, %dma_wait3A_150] : memref<4008x1x80xi32, #tpu.memory_space<hbm>> -> memref<25x1x80xi32, #tpu.memory_space<hbm>>
              tpu.wait_dma2 semaphore(%run_scoped3A_119 : memref<!tpu.dma_semaphore, #tpu.memory_space<semaphore_mem>>) src(%dma_wait3A_151 : memref<25x1x80xi32, #tpu.memory_space<hbm>>) dst(%dma_wait3A_148 : memref<25x1x80xi32, #tpu.memory_space<vmem>>)
              tpu.yield
            }) : () -> ()
            %add3A_114 = arith.constant 1 : i32
            %add3A_115 = arith.addi %div3A_38, %add3A_114 : i32
            %mul3A_116 = arith.constant 25 : i32
            %mul3A_117 = arith.muli %add3A_115, %mul3A_116 : i32
            %add3A_118 = arith.addi %add3A_4, %mul3A_117 : i32
            "tpu.region"() ({
              %run_scoped3A_119 = tpu.sem_alloc : memref<!tpu.dma_semaphore, #tpu.memory_space<semaphore_mem>>
              %dma_start3A_120 = arith.constant 0 : i32
              %dma_start3A_121 = arith.constant 0 : i32
              %dma_start3A_122 = arith.constant 0 : i32
              %dma_start3A_123 = tpu.memref_slice %arg9[%rem3A_108, %dma_start3A_120, %dma_start3A_121, %dma_start3A_122] : memref<2x25x1x80xi32, #tpu.memory_space<vmem>> -> memref<1x25x1x80xi32, #tpu.memory_space<vmem>>
              %dma_start3A_124 = tpu.memref_squeeze %dma_start3A_123 : memref<1x25x1x80xi32, #tpu.memory_space<vmem>> -> memref<25x1x80xi32, #tpu.memory_space<vmem>>
              %dma_start3A_125 = arith.constant 0 : i32
              %dma_start3A_126 = arith.constant 0 : i32
              %dma_start3A_127 = tpu.memref_slice %arg4[%add3A_118, %dma_start3A_125, %dma_start3A_126] : memref<4008x1x80xi32, #tpu.memory_space<hbm>> -> memref<25x1x80xi32, #tpu.memory_space<hbm>>
              %dma_start3A_128 = arith.constant 0 : i32
              %dma_start3A_129 = arith.constant 0 : i32
              %dma_start3A_130 = arith.constant 0 : i32
              %dma_start3A_131 = tpu.memref_slice %arg9[%rem3A_108, %dma_start3A_128, %dma_start3A_129, %dma_start3A_130] : memref<2x25x1x80xi32, #tpu.memory_space<vmem>> -> memref<1x25x1x80xi32, #tpu.memory_space<vmem>>
              %dma_start3A_132 = tpu.memref_squeeze %dma_start3A_131 : memref<1x25x1x80xi32, #tpu.memory_space<vmem>> -> memref<25x1x80xi32, #tpu.memory_space<vmem>>
              %dma_start3A_133 = arith.constant 0 : i32
              %dma_start3A_134 = arith.constant 0 : i32
              %dma_start3A_135 = tpu.memref_slice %arg4[%add3A_118, %dma_start3A_133, %dma_start3A_134] : memref<4008x1x80xi32, #tpu.memory_space<hbm>> -> memref<25x1x80xi32, #tpu.memory_space<hbm>>
              tpu.enqueue_dma source(%dma_start3A_135 : memref<25x1x80xi32, #tpu.memory_space<hbm>>) target(%dma_start3A_132 : memref<25x1x80xi32, #tpu.memory_space<vmem>>) target_semaphore(%run_scoped3A_119 : memref<!tpu.dma_semaphore, #tpu.memory_space<semaphore_mem>>)
              %dma_wait3A_136 = arith.constant 0 : i32
              %dma_wait3A_137 = arith.constant 0 : i32
              %dma_wait3A_138 = arith.constant 0 : i32
              %dma_wait3A_139 = tpu.memref_slice %arg9[%rem3A_108, %dma_wait3A_136, %dma_wait3A_137, %dma_wait3A_138] : memref<2x25x1x80xi32, #tpu.memory_space<vmem>> -> memref<1x25x1x80xi32, #tpu.memory_space<vmem>>
              %dma_wait3A_140 = tpu.memref_squeeze %dma_wait3A_139 : memref<1x25x1x80xi32, #tpu.memory_space<vmem>> -> memref<25x1x80xi32, #tpu.memory_space<vmem>>
              %dma_wait3A_141 = arith.constant 0 : i32
              %dma_wait3A_142 = arith.constant 0 : i32
              %dma_wait3A_143 = tpu.memref_slice %arg4[%add3A_118, %dma_wait3A_141, %dma_wait3A_142] : memref<4008x1x80xi32, #tpu.memory_space<hbm>> -> memref<25x1x80xi32, #tpu.memory_space<hbm>>
              %dma_wait3A_144 = arith.constant 0 : i32
              %dma_wait3A_145 = arith.constant 0 : i32
              %dma_wait3A_146 = arith.constant 0 : i32
              %dma_wait3A_147 = tpu.memref_slice %arg9[%rem3A_108, %dma_wait3A_144, %dma_wait3A_145, %dma_wait3A_146] : memref<2x25x1x80xi32, #tpu.memory_space<vmem>> -> memref<1x25x1x80xi32, #tpu.memory_space<vmem>>
              %dma_wait3A_148 = tpu.memref_squeeze %dma_wait3A_147 : memref<1x25x1x80xi32, #tpu.memory_space<vmem>> -> memref<25x1x80xi32, #tpu.memory_space<vmem>>
              %dma_wait3A_149 = arith.constant 0 : i32
              %dma_wait3A_150 = arith.constant 0 : i32
              %dma_wait3A_151 = tpu.memref_slice %arg4[%add3A_118, %dma_wait3A_149, %dma_wait3A_150] : memref<4008x1x80xi32, #tpu.memory_space<hbm>> -> memref<25x1x80xi32, #tpu.memory_space<hbm>>
              tpu.wait_dma2 semaphore(%run_scoped3A_119 : memref<!tpu.dma_semaphore, #tpu.memory_space<semaphore_mem>>) src(%dma_wait3A_151 : memref<25x1x80xi32, #tpu.memory_space<hbm>>) dst(%dma_wait3A_148 : memref<25x1x80xi32, #tpu.memory_space<vmem>>)
              tpu.yield
            }) : () -> ()
          } else {
          }
        } else {
        }
        %add3A_91 = arith.constant 2 : i32
        %add3A_92 = arith.addi %while3A_37, %add3A_91 : i32
        %lt3A_93 = arith.cmpi slt, %add3A_92, %add3A_8 : i32
        %convert_element_type3A_94 = arith.extui %lt3A_93 : i1 to i32
        %cond3A_95 = arith.constant 0 : i32
        %cond3A_96 = arith.cmpi ne, %convert_element_type3A_94, %cond3A_95 : i32
        scf.if %cond3A_96 {
          %add3A_97 = arith.constant 2 : i32
          %add3A_98 = arith.addi %while3A_37, %add3A_97 : i32
          %sub3A = arith.constant 3 : i32
          %sub3A_99 = arith.subi %add3A_98, %sub3A : i32
          %ge3A = arith.constant 0 : i32
          %ge3A_100 = arith.cmpi sge, %sub3A_99, %ge3A : i32
          %convert_element_type3A_101 = arith.extui %ge3A_100 : i1 to i32
          %cond3A_102 = arith.constant 0 : i32
          %cond3A_103 = arith.cmpi ne, %convert_element_type3A_101, %cond3A_102 : i32
          scf.if %cond3A_103 {
            %dma_wait3A_124 = arith.constant 0 : i32
            %dma_wait3A_125 = arith.constant 0 : i32
            %dma_wait3A_126 = arith.constant 0 : i32
            %dma_wait3A_127 = arith.constant 0 : i32
            %dma_wait3A_128 = arith.constant 0 : i32
            %dma_wait3A_129 = arith.constant 0 : i32
            %dma_wait3A_130 = tpu.memref_slice %arg10[%dma_wait3A_124, %dma_wait3A_128, %dma_wait3A_129] : memref<3x80x128xf32, #tpu.memory_space<vmem>> -> memref<1x80x128xf32, #tpu.memory_space<vmem>>
            %dma_wait3A_131 = tpu.memref_squeeze %dma_wait3A_130 : memref<1x80x128xf32, #tpu.memory_space<vmem>> -> memref<80x128xf32, #tpu.memory_space<vmem>>
            %dma_wait3A_132 = arith.constant 0 : i32
            %dma_wait3A_133 = tpu.memref_slice %arg9[%dma_wait3A_125, %dma_wait3A_126, %dma_wait3A_127, %dma_wait3A_132] : memref<2x25x1x80xi32, #tpu.memory_space<vmem>> -> memref<1x1x1x80xi32, #tpu.memory_space<vmem>>
            %dma_wait3A_134 = tpu.memref_squeeze %dma_wait3A_133 : memref<1x1x1x80xi32, #tpu.memory_space<vmem>> -> memref<80xi32, #tpu.memory_space<vmem>>
            %dma_wait3A_135 = arith.constant 0 : i32
            %dma_wait3A_136 = arith.constant 0 : i32
            %dma_wait3A_137 = tpu.memref_slice %arg7[%dma_wait3A_135, %dma_wait3A_136] : memref<10000x128xf32, #tpu.memory_space<vmem_shared>> -> memref<10000x128xf32, #tpu.memory_space<vmem_shared>>
            tpu.wait_indirect_dma semaphore(%arg14 : memref<!tpu.dma_semaphore, #tpu.memory_space<semaphore_mem>>) src(%dma_wait3A_131 : memref<80x128xf32, #tpu.memory_space<vmem>>) dst(%dma_wait3A_137 : memref<10000x128xf32, #tpu.memory_space<vmem_shared>>)
          } else {
          }
          %add3A_104 = arith.constant 2 : i32
          %add3A_105 = arith.addi %while3A_37, %add3A_104 : i32
          %div3A_106 = arith.constant 25 : i32
          %div3A_107 = arith.divsi %add3A_105, %div3A_106 : i32
          %rem3A_108 = arith.constant 2 : i32
          %rem3A_109 = arith.remsi %div3A_107, %rem3A_108 : i32
          %rem3A_110 = arith.constant 25 : i32
          %rem3A_111 = arith.remsi %add3A_105, %rem3A_110 : i32
          %dma_start3A_112 = arith.constant 0 : i32
          %dma_start3A_113 = arith.constant 0 : i32
          %dma_start3A_114 = arith.constant 0 : i32
          %dma_start3A_115 = arith.constant 0 : i32
          %dma_start3A_116 = tpu.memref_slice %arg10[%dma_start3A_113, %dma_start3A_114, %dma_start3A_115] : memref<3x80x128xf32, #tpu.memory_space<vmem>> -> memref<1x80x128xf32, #tpu.memory_space<vmem>>
          %dma_start3A_117 = tpu.memref_squeeze %dma_start3A_116 : memref<1x80x128xf32, #tpu.memory_space<vmem>> -> memref<80x128xf32, #tpu.memory_space<vmem>>
          %dma_start3A_118 = arith.constant 0 : i32
          %dma_start3A_119 = tpu.memref_slice %arg8[%rem3A_109, %rem3A_111, %dma_start3A_112, %dma_start3A_118] : memref<2x25x1x80xi32, #tpu.memory_space<vmem>> -> memref<1x1x1x80xi32, #tpu.memory_space<vmem>>
          %dma_start3A_120 = tpu.memref_squeeze %dma_start3A_119 : memref<1x1x1x80xi32, #tpu.memory_space<vmem>> -> memref<80xi32, #tpu.memory_space<vmem>>
          %dma_start3A_121 = arith.constant 0 : i32
          %dma_start3A_122 = arith.constant 0 : i32
          %dma_start3A_123 = tpu.memref_slice %arg2[%dma_start3A_121, %dma_start3A_122] : memref<10000x128xf32, #tpu.memory_space<hbm>> -> memref<10000x128xf32, #tpu.memory_space<hbm>>
          tpu.enqueue_indirect_dma source(%dma_start3A_123 : memref<10000x128xf32, #tpu.memory_space<hbm>>) target(%dma_start3A_117 : memref<80x128xf32, #tpu.memory_space<vmem>>) offsets(%dma_start3A_120 : memref<80xi32, #tpu.memory_space<vmem>>) semaphore(%arg11 : memref<!tpu.dma_semaphore, #tpu.memory_space<semaphore_mem>>)
        } else {
        }
      } else {
      }
      %rem3A_55 = arith.constant 3 : i32
      %rem3A_56 = arith.remsi %while3A_37, %rem3A_55 : i32
      %eq3A_57 = arith.constant 2 : i32
      %eq3A_58 = arith.cmpi eq, %rem3A_56, %eq3A_57 : i32
      %convert_element_type3A_59 = arith.extui %eq3A_58 : i1 to i32
      %cond3A_60 = arith.constant 0 : i32
      %cond3A_61 = arith.cmpi ne, %convert_element_type3A_59, %cond3A_60 : i32
      scf.if %cond3A_61 {
        %dma_wait3A = arith.constant 0 : i32
        %dma_wait3A_62 = arith.constant 0 : i32
        %dma_wait3A_63 = arith.constant 0 : i32
        %dma_wait3A_64 = arith.constant 2 : i32
        %dma_wait3A_65 = arith.constant 0 : i32
        %dma_wait3A_66 = arith.constant 0 : i32
        %dma_wait3A_67 = tpu.memref_slice %arg10[%dma_wait3A_64, %dma_wait3A_65, %dma_wait3A_66] : memref<3x80x128xf32, #tpu.memory_space<vmem>> -> memref<1x80x128xf32, #tpu.memory_space<vmem>>
        %dma_wait3A_68 = tpu.memref_squeeze %dma_wait3A_67 : memref<1x80x128xf32, #tpu.memory_space<vmem>> -> memref<80x128xf32, #tpu.memory_space<vmem>>
        %dma_wait3A_69 = arith.constant 0 : i32
        %dma_wait3A_70 = tpu.memref_slice %arg8[%dma_wait3A, %dma_wait3A_62, %dma_wait3A_63, %dma_wait3A_69] : memref<2x25x1x80xi32, #tpu.memory_space<vmem>> -> memref<1x1x1x80xi32, #tpu.memory_space<vmem>>
        %dma_wait3A_71 = tpu.memref_squeeze %dma_wait3A_70 : memref<1x1x1x80xi32, #tpu.memory_space<vmem>> -> memref<80xi32, #tpu.memory_space<vmem>>
        %dma_wait3A_72 = arith.constant 0 : i32
        %dma_wait3A_73 = arith.constant 0 : i32
        %dma_wait3A_74 = tpu.memref_slice %arg2[%dma_wait3A_72, %dma_wait3A_73] : memref<10000x128xf32, #tpu.memory_space<hbm>> -> memref<10000x128xf32, #tpu.memory_space<hbm>>
        tpu.wait_indirect_dma semaphore(%arg13 : memref<!tpu.dma_semaphore, #tpu.memory_space<semaphore_mem>>) src(%dma_wait3A_74 : memref<10000x128xf32, #tpu.memory_space<hbm>>) dst(%dma_wait3A_68 : memref<80x128xf32, #tpu.memory_space<vmem>>)
        %dma_start3A = arith.constant 2 : i32
        %dma_start3A_75 = arith.constant 0 : i32
        %dma_start3A_76 = arith.constant 0 : i32
        %dma_start3A_77 = arith.constant 0 : i32
        %dma_start3A_78 = tpu.memref_slice %arg10[%dma_start3A, %dma_start3A_76, %dma_start3A_77] : memref<3x80x128xf32, #tpu.memory_space<vmem>> -> memref<1x80x128xf32, #tpu.memory_space<vmem>>
        %dma_start3A_79 = tpu.memref_squeeze %dma_start3A_78 : memref<1x80x128xf32, #tpu.memory_space<vmem>> -> memref<80x128xf32, #tpu.memory_space<vmem>>
        %dma_start3A_80 = arith.constant 0 : i32
        %dma_start3A_81 = tpu.memref_slice %arg9[%rem3A_41, %rem3A_39, %dma_start3A_75, %dma_start3A_80] : memref<2x25x1x80xi32, #tpu.memory_space<vmem>> -> memref<1x1x1x80xi32, #tpu.memory_space<vmem>>
        %dma_start3A_82 = tpu.memref_squeeze %dma_start3A_81 : memref<1x1x1x80xi32, #tpu.memory_space<vmem>> -> memref<80xi32, #tpu.memory_space<vmem>>
        %dma_start3A_83 = arith.constant 0 : i32
        %dma_start3A_84 = arith.constant 0 : i32
        %dma_start3A_85 = tpu.memref_slice %arg7[%dma_start3A_83, %dma_start3A_84] : memref<10000x128xf32, #tpu.memory_space<vmem_shared>> -> memref<10000x128xf32, #tpu.memory_space<vmem_shared>>
        tpu.enqueue_indirect_dma source(%dma_start3A_79 : memref<80x128xf32, #tpu.memory_space<vmem>>) target(%dma_start3A_85 : memref<10000x128xf32, #tpu.memory_space<vmem_shared>>) offsets(%dma_start3A_82 : memref<80xi32, #tpu.memory_space<vmem>>) semaphore(%arg16 : memref<!tpu.dma_semaphore, #tpu.memory_space<semaphore_mem>>) {add = true}
        %eq3A_86 = arith.constant 22 : i32
        %eq3A_87 = arith.cmpi eq, %rem3A_39, %eq3A_86 : i32
        %convert_element_type3A_88 = arith.extui %eq3A_87 : i1 to i32
        %cond3A_89 = arith.constant 0 : i32
        %cond3A_90 = arith.cmpi ne, %convert_element_type3A_88, %cond3A_89 : i32
        scf.if %cond3A_90 {
          %add3A_97 = arith.constant 1 : i32
          %add3A_98 = arith.addi %div3A_38, %add3A_97 : i32
          %mul3A_99 = arith.constant 25 : i32
          %mul3A_100 = arith.muli %add3A_98, %mul3A_99 : i32
          %lt3A_101 = arith.cmpi slt, %mul3A_100, %add3A_8 : i32
          %convert_element_type3A_102 = arith.extui %lt3A_101 : i1 to i32
          %cond3A_103 = arith.constant 0 : i32
          %cond3A_104 = arith.cmpi ne, %convert_element_type3A_102, %cond3A_103 : i32
          scf.if %cond3A_104 {
            %add3A_105 = arith.constant 1 : i32
            %add3A_106 = arith.addi %div3A_38, %add3A_105 : i32
            %rem3A_107 = arith.constant 2 : i32
            %rem3A_108 = arith.remsi %add3A_106, %rem3A_107 : i32
            %add3A_109 = arith.constant 1 : i32
            %add3A_110 = arith.addi %div3A_38, %add3A_109 : i32
            %mul3A_111 = arith.constant 25 : i32
            %mul3A_112 = arith.muli %add3A_110, %mul3A_111 : i32
            %add3A_113 = arith.addi %add3A_4, %mul3A_112 : i32
            "tpu.region"() ({
              %run_scoped3A_119 = tpu.sem_alloc : memref<!tpu.dma_semaphore, #tpu.memory_space<semaphore_mem>>
              %dma_start3A_120 = arith.constant 0 : i32
              %dma_start3A_121 = arith.constant 0 : i32
              %dma_start3A_122 = arith.constant 0 : i32
              %dma_start3A_123 = tpu.memref_slice %arg8[%rem3A_108, %dma_start3A_120, %dma_start3A_121, %dma_start3A_122] : memref<2x25x1x80xi32, #tpu.memory_space<vmem>> -> memref<1x25x1x80xi32, #tpu.memory_space<vmem>>
              %dma_start3A_124 = tpu.memref_squeeze %dma_start3A_123 : memref<1x25x1x80xi32, #tpu.memory_space<vmem>> -> memref<25x1x80xi32, #tpu.memory_space<vmem>>
              %dma_start3A_125 = arith.constant 0 : i32
              %dma_start3A_126 = arith.constant 0 : i32
              %dma_start3A_127 = tpu.memref_slice %arg3[%add3A_113, %dma_start3A_125, %dma_start3A_126] : memref<4008x1x80xi32, #tpu.memory_space<hbm>> -> memref<25x1x80xi32, #tpu.memory_space<hbm>>
              %dma_start3A_128 = arith.constant 0 : i32
              %dma_start3A_129 = arith.constant 0 : i32
              %dma_start3A_130 = arith.constant 0 : i32
              %dma_start3A_131 = tpu.memref_slice %arg8[%rem3A_108, %dma_start3A_128, %dma_start3A_129, %dma_start3A_130] : memref<2x25x1x80xi32, #tpu.memory_space<vmem>> -> memref<1x25x1x80xi32, #tpu.memory_space<vmem>>
              %dma_start3A_132 = tpu.memref_squeeze %dma_start3A_131 : memref<1x25x1x80xi32, #tpu.memory_space<vmem>> -> memref<25x1x80xi32, #tpu.memory_space<vmem>>
              %dma_start3A_133 = arith.constant 0 : i32
              %dma_start3A_134 = arith.constant 0 : i32
              %dma_start3A_135 = tpu.memref_slice %arg3[%add3A_113, %dma_start3A_133, %dma_start3A_134] : memref<4008x1x80xi32, #tpu.memory_space<hbm>> -> memref<25x1x80xi32, #tpu.memory_space<hbm>>
              tpu.enqueue_dma source(%dma_start3A_135 : memref<25x1x80xi32, #tpu.memory_space<hbm>>) target(%dma_start3A_132 : memref<25x1x80xi32, #tpu.memory_space<vmem>>) target_semaphore(%run_scoped3A_119 : memref<!tpu.dma_semaphore, #tpu.memory_space<semaphore_mem>>)
              %dma_wait3A_136 = arith.constant 0 : i32
              %dma_wait3A_137 = arith.constant 0 : i32
              %dma_wait3A_138 = arith.constant 0 : i32
              %dma_wait3A_139 = tpu.memref_slice %arg8[%rem3A_108, %dma_wait3A_136, %dma_wait3A_137, %dma_wait3A_138] : memref<2x25x1x80xi32, #tpu.memory_space<vmem>> -> memref<1x25x1x80xi32, #tpu.memory_space<vmem>>
              %dma_wait3A_140 = tpu.memref_squeeze %dma_wait3A_139 : memref<1x25x1x80xi32, #tpu.memory_space<vmem>> -> memref<25x1x80xi32, #tpu.memory_space<vmem>>
              %dma_wait3A_141 = arith.constant 0 : i32
              %dma_wait3A_142 = arith.constant 0 : i32
              %dma_wait3A_143 = tpu.memref_slice %arg3[%add3A_113, %dma_wait3A_141, %dma_wait3A_142] : memref<4008x1x80xi32, #tpu.memory_space<hbm>> -> memref<25x1x80xi32, #tpu.memory_space<hbm>>
              %dma_wait3A_144 = arith.constant 0 : i32
              %dma_wait3A_145 = arith.constant 0 : i32
              %dma_wait3A_146 = arith.constant 0 : i32
              %dma_wait3A_147 = tpu.memref_slice %arg8[%rem3A_108, %dma_wait3A_144, %dma_wait3A_145, %dma_wait3A_146] : memref<2x25x1x80xi32, #tpu.memory_space<vmem>> -> memref<1x25x1x80xi32, #tpu.memory_space<vmem>>
              %dma_wait3A_148 = tpu.memref_squeeze %dma_wait3A_147 : memref<1x25x1x80xi32, #tpu.memory_space<vmem>> -> memref<25x1x80xi32, #tpu.memory_space<vmem>>
              %dma_wait3A_149 = arith.constant 0 : i32
              %dma_wait3A_150 = arith.constant 0 : i32
              %dma_wait3A_151 = tpu.memref_slice %arg3[%add3A_113, %dma_wait3A_149, %dma_wait3A_150] : memref<4008x1x80xi32, #tpu.memory_space<hbm>> -> memref<25x1x80xi32, #tpu.memory_space<hbm>>
              tpu.wait_dma2 semaphore(%run_scoped3A_119 : memref<!tpu.dma_semaphore, #tpu.memory_space<semaphore_mem>>) src(%dma_wait3A_151 : memref<25x1x80xi32, #tpu.memory_space<hbm>>) dst(%dma_wait3A_148 : memref<25x1x80xi32, #tpu.memory_space<vmem>>)
              tpu.yield
            }) : () -> ()
            %add3A_114 = arith.constant 1 : i32
            %add3A_115 = arith.addi %div3A_38, %add3A_114 : i32
            %mul3A_116 = arith.constant 25 : i32
            %mul3A_117 = arith.muli %add3A_115, %mul3A_116 : i32
            %add3A_118 = arith.addi %add3A_4, %mul3A_117 : i32
            "tpu.region"() ({
              %run_scoped3A_119 = tpu.sem_alloc : memref<!tpu.dma_semaphore, #tpu.memory_space<semaphore_mem>>
              %dma_start3A_120 = arith.constant 0 : i32
              %dma_start3A_121 = arith.constant 0 : i32
              %dma_start3A_122 = arith.constant 0 : i32
              %dma_start3A_123 = tpu.memref_slice %arg9[%rem3A_108, %dma_start3A_120, %dma_start3A_121, %dma_start3A_122] : memref<2x25x1x80xi32, #tpu.memory_space<vmem>> -> memref<1x25x1x80xi32, #tpu.memory_space<vmem>>
              %dma_start3A_124 = tpu.memref_squeeze %dma_start3A_123 : memref<1x25x1x80xi32, #tpu.memory_space<vmem>> -> memref<25x1x80xi32, #tpu.memory_space<vmem>>
              %dma_start3A_125 = arith.constant 0 : i32
              %dma_start3A_126 = arith.constant 0 : i32
              %dma_start3A_127 = tpu.memref_slice %arg4[%add3A_118, %dma_start3A_125, %dma_start3A_126] : memref<4008x1x80xi32, #tpu.memory_space<hbm>> -> memref<25x1x80xi32, #tpu.memory_space<hbm>>
              %dma_start3A_128 = arith.constant 0 : i32
              %dma_start3A_129 = arith.constant 0 : i32
              %dma_start3A_130 = arith.constant 0 : i32
              %dma_start3A_131 = tpu.memref_slice %arg9[%rem3A_108, %dma_start3A_128, %dma_start3A_129, %dma_start3A_130] : memref<2x25x1x80xi32, #tpu.memory_space<vmem>> -> memref<1x25x1x80xi32, #tpu.memory_space<vmem>>
              %dma_start3A_132 = tpu.memref_squeeze %dma_start3A_131 : memref<1x25x1x80xi32, #tpu.memory_space<vmem>> -> memref<25x1x80xi32, #tpu.memory_space<vmem>>
              %dma_start3A_133 = arith.constant 0 : i32
              %dma_start3A_134 = arith.constant 0 : i32
              %dma_start3A_135 = tpu.memref_slice %arg4[%add3A_118, %dma_start3A_133, %dma_start3A_134] : memref<4008x1x80xi32, #tpu.memory_space<hbm>> -> memref<25x1x80xi32, #tpu.memory_space<hbm>>
              tpu.enqueue_dma source(%dma_start3A_135 : memref<25x1x80xi32, #tpu.memory_space<hbm>>) target(%dma_start3A_132 : memref<25x1x80xi32, #tpu.memory_space<vmem>>) target_semaphore(%run_scoped3A_119 : memref<!tpu.dma_semaphore, #tpu.memory_space<semaphore_mem>>)
              %dma_wait3A_136 = arith.constant 0 : i32
              %dma_wait3A_137 = arith.constant 0 : i32
              %dma_wait3A_138 = arith.constant 0 : i32
              %dma_wait3A_139 = tpu.memref_slice %arg9[%rem3A_108, %dma_wait3A_136, %dma_wait3A_137, %dma_wait3A_138] : memref<2x25x1x80xi32, #tpu.memory_space<vmem>> -> memref<1x25x1x80xi32, #tpu.memory_space<vmem>>
              %dma_wait3A_140 = tpu.memref_squeeze %dma_wait3A_139 : memref<1x25x1x80xi32, #tpu.memory_space<vmem>> -> memref<25x1x80xi32, #tpu.memory_space<vmem>>
              %dma_wait3A_141 = arith.constant 0 : i32
              %dma_wait3A_142 = arith.constant 0 : i32
              %dma_wait3A_143 = tpu.memref_slice %arg4[%add3A_118, %dma_wait3A_141, %dma_wait3A_142] : memref<4008x1x80xi32, #tpu.memory_space<hbm>> -> memref<25x1x80xi32, #tpu.memory_space<hbm>>
              %dma_wait3A_144 = arith.constant 0 : i32
              %dma_wait3A_145 = arith.constant 0 : i32
              %dma_wait3A_146 = arith.constant 0 : i32
              %dma_wait3A_147 = tpu.memref_slice %arg9[%rem3A_108, %dma_wait3A_144, %dma_wait3A_145, %dma_wait3A_146] : memref<2x25x1x80xi32, #tpu.memory_space<vmem>> -> memref<1x25x1x80xi32, #tpu.memory_space<vmem>>
              %dma_wait3A_148 = tpu.memref_squeeze %dma_wait3A_147 : memref<1x25x1x80xi32, #tpu.memory_space<vmem>> -> memref<25x1x80xi32, #tpu.memory_space<vmem>>
              %dma_wait3A_149 = arith.constant 0 : i32
              %dma_wait3A_150 = arith.constant 0 : i32
              %dma_wait3A_151 = tpu.memref_slice %arg4[%add3A_118, %dma_wait3A_149, %dma_wait3A_150] : memref<4008x1x80xi32, #tpu.memory_space<hbm>> -> memref<25x1x80xi32, #tpu.memory_space<hbm>>
              tpu.wait_dma2 semaphore(%run_scoped3A_119 : memref<!tpu.dma_semaphore, #tpu.memory_space<semaphore_mem>>) src(%dma_wait3A_151 : memref<25x1x80xi32, #tpu.memory_space<hbm>>) dst(%dma_wait3A_148 : memref<25x1x80xi32, #tpu.memory_space<vmem>>)
              tpu.yield
            }) : () -> ()
          } else {
          }
        } else {
        }
        %add3A_91 = arith.constant 2 : i32
        %add3A_92 = arith.addi %while3A_37, %add3A_91 : i32
        %lt3A_93 = arith.cmpi slt, %add3A_92, %add3A_8 : i32
        %convert_element_type3A_94 = arith.extui %lt3A_93 : i1 to i32
        %cond3A_95 = arith.constant 0 : i32
        %cond3A_96 = arith.cmpi ne, %convert_element_type3A_94, %cond3A_95 : i32
        scf.if %cond3A_96 {
          %add3A_97 = arith.constant 2 : i32
          %add3A_98 = arith.addi %while3A_37, %add3A_97 : i32
          %sub3A = arith.constant 3 : i32
          %sub3A_99 = arith.subi %add3A_98, %sub3A : i32
          %ge3A = arith.constant 0 : i32
          %ge3A_100 = arith.cmpi sge, %sub3A_99, %ge3A : i32
          %convert_element_type3A_101 = arith.extui %ge3A_100 : i1 to i32
          %cond3A_102 = arith.constant 0 : i32
          %cond3A_103 = arith.cmpi ne, %convert_element_type3A_101, %cond3A_102 : i32
          scf.if %cond3A_103 {
            %dma_wait3A_124 = arith.constant 1 : i32
            %dma_wait3A_125 = arith.constant 0 : i32
            %dma_wait3A_126 = arith.constant 0 : i32
            %dma_wait3A_127 = arith.constant 0 : i32
            %dma_wait3A_128 = arith.constant 0 : i32
            %dma_wait3A_129 = arith.constant 0 : i32
            %dma_wait3A_130 = tpu.memref_slice %arg10[%dma_wait3A_124, %dma_wait3A_128, %dma_wait3A_129] : memref<3x80x128xf32, #tpu.memory_space<vmem>> -> memref<1x80x128xf32, #tpu.memory_space<vmem>>
            %dma_wait3A_131 = tpu.memref_squeeze %dma_wait3A_130 : memref<1x80x128xf32, #tpu.memory_space<vmem>> -> memref<80x128xf32, #tpu.memory_space<vmem>>
            %dma_wait3A_132 = arith.constant 0 : i32
            %dma_wait3A_133 = tpu.memref_slice %arg9[%dma_wait3A_125, %dma_wait3A_126, %dma_wait3A_127, %dma_wait3A_132] : memref<2x25x1x80xi32, #tpu.memory_space<vmem>> -> memref<1x1x1x80xi32, #tpu.memory_space<vmem>>
            %dma_wait3A_134 = tpu.memref_squeeze %dma_wait3A_133 : memref<1x1x1x80xi32, #tpu.memory_space<vmem>> -> memref<80xi32, #tpu.memory_space<vmem>>
            %dma_wait3A_135 = arith.constant 0 : i32
            %dma_wait3A_136 = arith.constant 0 : i32
            %dma_wait3A_137 = tpu.memref_slice %arg7[%dma_wait3A_135, %dma_wait3A_136] : memref<10000x128xf32, #tpu.memory_space<vmem_shared>> -> memref<10000x128xf32, #tpu.memory_space<vmem_shared>>
            tpu.wait_indirect_dma semaphore(%arg15 : memref<!tpu.dma_semaphore, #tpu.memory_space<semaphore_mem>>) src(%dma_wait3A_131 : memref<80x128xf32, #tpu.memory_space<vmem>>) dst(%dma_wait3A_137 : memref<10000x128xf32, #tpu.memory_space<vmem_shared>>)
          } else {
          }
          %add3A_104 = arith.constant 2 : i32
          %add3A_105 = arith.addi %while3A_37, %add3A_104 : i32
          %div3A_106 = arith.constant 25 : i32
          %div3A_107 = arith.divsi %add3A_105, %div3A_106 : i32
          %rem3A_108 = arith.constant 2 : i32
          %rem3A_109 = arith.remsi %div3A_107, %rem3A_108 : i32
          %rem3A_110 = arith.constant 25 : i32
          %rem3A_111 = arith.remsi %add3A_105, %rem3A_110 : i32
          %dma_start3A_112 = arith.constant 0 : i32
          %dma_start3A_113 = arith.constant 1 : i32
          %dma_start3A_114 = arith.constant 0 : i32
          %dma_start3A_115 = arith.constant 0 : i32
          %dma_start3A_116 = tpu.memref_slice %arg10[%dma_start3A_113, %dma_start3A_114, %dma_start3A_115] : memref<3x80x128xf32, #tpu.memory_space<vmem>> -> memref<1x80x128xf32, #tpu.memory_space<vmem>>
          %dma_start3A_117 = tpu.memref_squeeze %dma_start3A_116 : memref<1x80x128xf32, #tpu.memory_space<vmem>> -> memref<80x128xf32, #tpu.memory_space<vmem>>
          %dma_start3A_118 = arith.constant 0 : i32
          %dma_start3A_119 = tpu.memref_slice %arg8[%rem3A_109, %rem3A_111, %dma_start3A_112, %dma_start3A_118] : memref<2x25x1x80xi32, #tpu.memory_space<vmem>> -> memref<1x1x1x80xi32, #tpu.memory_space<vmem>>
          %dma_start3A_120 = tpu.memref_squeeze %dma_start3A_119 : memref<1x1x1x80xi32, #tpu.memory_space<vmem>> -> memref<80xi32, #tpu.memory_space<vmem>>
          %dma_start3A_121 = arith.constant 0 : i32
          %dma_start3A_122 = arith.constant 0 : i32
          %dma_start3A_123 = tpu.memref_slice %arg2[%dma_start3A_121, %dma_start3A_122] : memref<10000x128xf32, #tpu.memory_space<hbm>> -> memref<10000x128xf32, #tpu.memory_space<hbm>>
          tpu.enqueue_indirect_dma source(%dma_start3A_123 : memref<10000x128xf32, #tpu.memory_space<hbm>>) target(%dma_start3A_117 : memref<80x128xf32, #tpu.memory_space<vmem>>) offsets(%dma_start3A_120 : memref<80xi32, #tpu.memory_space<vmem>>) semaphore(%arg12 : memref<!tpu.dma_semaphore, #tpu.memory_space<semaphore_mem>>)
        } else {
        }
      } else {
      }
    }
    %while3A_25 = arith.constant 1 : i32
    scf.for %while3A_37 = %while3A_23 to %while3A_19 step %while3A_25  : i32 {
      %div3A = arith.constant 25 : i32
      %div3A_38 = arith.divsi %while3A_37, %div3A : i32
      %rem3A = arith.constant 25 : i32
      %rem3A_39 = arith.remsi %while3A_37, %rem3A : i32
      %rem3A_40 = arith.constant 2 : i32
      %rem3A_41 = arith.remsi %div3A_38, %rem3A_40 : i32
      %rem3A_42 = arith.constant 3 : i32
      %rem3A_43 = arith.remsi %while3A_37, %rem3A_42 : i32
      %eq3A = arith.constant 0 : i32
      %eq3A_44 = arith.cmpi eq, %rem3A_43, %eq3A : i32
      %convert_element_type3A_45 = arith.extui %eq3A_44 : i1 to i32
      %cond3A_46 = arith.constant 0 : i32
      %cond3A_47 = arith.cmpi ne, %convert_element_type3A_45, %cond3A_46 : i32
      scf.if %cond3A_47 {
        %dma_wait3A = arith.constant 0 : i32
        %dma_wait3A_62 = arith.constant 0 : i32
        %dma_wait3A_63 = arith.constant 0 : i32
        %dma_wait3A_64 = arith.constant 0 : i32
        %dma_wait3A_65 = arith.constant 0 : i32
        %dma_wait3A_66 = arith.constant 0 : i32
        %dma_wait3A_67 = tpu.memref_slice %arg10[%dma_wait3A_64, %dma_wait3A_65, %dma_wait3A_66] : memref<3x80x128xf32, #tpu.memory_space<vmem>> -> memref<1x80x128xf32, #tpu.memory_space<vmem>>
        %dma_wait3A_68 = tpu.memref_squeeze %dma_wait3A_67 : memref<1x80x128xf32, #tpu.memory_space<vmem>> -> memref<80x128xf32, #tpu.memory_space<vmem>>
        %dma_wait3A_69 = arith.constant 0 : i32
        %dma_wait3A_70 = tpu.memref_slice %arg8[%dma_wait3A, %dma_wait3A_62, %dma_wait3A_63, %dma_wait3A_69] : memref<2x25x1x80xi32, #tpu.memory_space<vmem>> -> memref<1x1x1x80xi32, #tpu.memory_space<vmem>>
        %dma_wait3A_71 = tpu.memref_squeeze %dma_wait3A_70 : memref<1x1x1x80xi32, #tpu.memory_space<vmem>> -> memref<80xi32, #tpu.memory_space<vmem>>
        %dma_wait3A_72 = arith.constant 0 : i32
        %dma_wait3A_73 = arith.constant 0 : i32
        %dma_wait3A_74 = tpu.memref_slice %arg2[%dma_wait3A_72, %dma_wait3A_73] : memref<10000x128xf32, #tpu.memory_space<hbm>> -> memref<10000x128xf32, #tpu.memory_space<hbm>>
        tpu.wait_indirect_dma semaphore(%arg11 : memref<!tpu.dma_semaphore, #tpu.memory_space<semaphore_mem>>) src(%dma_wait3A_74 : memref<10000x128xf32, #tpu.memory_space<hbm>>) dst(%dma_wait3A_68 : memref<80x128xf32, #tpu.memory_space<vmem>>)
        %dma_start3A = arith.constant 0 : i32
        %dma_start3A_75 = arith.constant 0 : i32
        %dma_start3A_76 = arith.constant 0 : i32
        %dma_start3A_77 = arith.constant 0 : i32
        %dma_start3A_78 = tpu.memref_slice %arg10[%dma_start3A, %dma_start3A_76, %dma_start3A_77] : memref<3x80x128xf32, #tpu.memory_space<vmem>> -> memref<1x80x128xf32, #tpu.memory_space<vmem>>
        %dma_start3A_79 = tpu.memref_squeeze %dma_start3A_78 : memref<1x80x128xf32, #tpu.memory_space<vmem>> -> memref<80x128xf32, #tpu.memory_space<vmem>>
        %dma_start3A_80 = arith.constant 0 : i32
        %dma_start3A_81 = tpu.memref_slice %arg9[%rem3A_41, %rem3A_39, %dma_start3A_75, %dma_start3A_80] : memref<2x25x1x80xi32, #tpu.memory_space<vmem>> -> memref<1x1x1x80xi32, #tpu.memory_space<vmem>>
        %dma_start3A_82 = tpu.memref_squeeze %dma_start3A_81 : memref<1x1x1x80xi32, #tpu.memory_space<vmem>> -> memref<80xi32, #tpu.memory_space<vmem>>
        %dma_start3A_83 = arith.constant 0 : i32
        %dma_start3A_84 = arith.constant 0 : i32
        %dma_start3A_85 = tpu.memref_slice %arg7[%dma_start3A_83, %dma_start3A_84] : memref<10000x128xf32, #tpu.memory_space<vmem_shared>> -> memref<10000x128xf32, #tpu.memory_space<vmem_shared>>
        tpu.enqueue_indirect_dma source(%dma_start3A_79 : memref<80x128xf32, #tpu.memory_space<vmem>>) target(%dma_start3A_85 : memref<10000x128xf32, #tpu.memory_space<vmem_shared>>) offsets(%dma_start3A_82 : memref<80xi32, #tpu.memory_space<vmem>>) semaphore(%arg14 : memref<!tpu.dma_semaphore, #tpu.memory_space<semaphore_mem>>) {add = true}
        %eq3A_86 = arith.constant 22 : i32
        %eq3A_87 = arith.cmpi eq, %rem3A_39, %eq3A_86 : i32
        %convert_element_type3A_88 = arith.extui %eq3A_87 : i1 to i32
        %cond3A_89 = arith.constant 0 : i32
        %cond3A_90 = arith.cmpi ne, %convert_element_type3A_88, %cond3A_89 : i32
        scf.if %cond3A_90 {
          %add3A_97 = arith.constant 1 : i32
          %add3A_98 = arith.addi %div3A_38, %add3A_97 : i32
          %mul3A_99 = arith.constant 25 : i32
          %mul3A_100 = arith.muli %add3A_98, %mul3A_99 : i32
          %lt3A_101 = arith.cmpi slt, %mul3A_100, %add3A_8 : i32
          %convert_element_type3A_102 = arith.extui %lt3A_101 : i1 to i32
          %cond3A_103 = arith.constant 0 : i32
          %cond3A_104 = arith.cmpi ne, %convert_element_type3A_102, %cond3A_103 : i32
          scf.if %cond3A_104 {
            %add3A_105 = arith.constant 1 : i32
            %add3A_106 = arith.addi %div3A_38, %add3A_105 : i32
            %rem3A_107 = arith.constant 2 : i32
            %rem3A_108 = arith.remsi %add3A_106, %rem3A_107 : i32
            %add3A_109 = arith.constant 1 : i32
            %add3A_110 = arith.addi %div3A_38, %add3A_109 : i32
            %mul3A_111 = arith.constant 25 : i32
            %mul3A_112 = arith.muli %add3A_110, %mul3A_111 : i32
            %add3A_113 = arith.addi %add3A_4, %mul3A_112 : i32
            "tpu.region"() ({
              %run_scoped3A_119 = tpu.sem_alloc : memref<!tpu.dma_semaphore, #tpu.memory_space<semaphore_mem>>
              %dma_start3A_120 = arith.constant 0 : i32
              %dma_start3A_121 = arith.constant 0 : i32
              %dma_start3A_122 = arith.constant 0 : i32
              %dma_start3A_123 = tpu.memref_slice %arg8[%rem3A_108, %dma_start3A_120, %dma_start3A_121, %dma_start3A_122] : memref<2x25x1x80xi32, #tpu.memory_space<vmem>> -> memref<1x25x1x80xi32, #tpu.memory_space<vmem>>
              %dma_start3A_124 = tpu.memref_squeeze %dma_start3A_123 : memref<1x25x1x80xi32, #tpu.memory_space<vmem>> -> memref<25x1x80xi32, #tpu.memory_space<vmem>>
              %dma_start3A_125 = arith.constant 0 : i32
              %dma_start3A_126 = arith.constant 0 : i32
              %dma_start3A_127 = tpu.memref_slice %arg3[%add3A_113, %dma_start3A_125, %dma_start3A_126] : memref<4008x1x80xi32, #tpu.memory_space<hbm>> -> memref<25x1x80xi32, #tpu.memory_space<hbm>>
              %dma_start3A_128 = arith.constant 0 : i32
              %dma_start3A_129 = arith.constant 0 : i32
              %dma_start3A_130 = arith.constant 0 : i32
              %dma_start3A_131 = tpu.memref_slice %arg8[%rem3A_108, %dma_start3A_128, %dma_start3A_129, %dma_start3A_130] : memref<2x25x1x80xi32, #tpu.memory_space<vmem>> -> memref<1x25x1x80xi32, #tpu.memory_space<vmem>>
              %dma_start3A_132 = tpu.memref_squeeze %dma_start3A_131 : memref<1x25x1x80xi32, #tpu.memory_space<vmem>> -> memref<25x1x80xi32, #tpu.memory_space<vmem>>
              %dma_start3A_133 = arith.constant 0 : i32
              %dma_start3A_134 = arith.constant 0 : i32
              %dma_start3A_135 = tpu.memref_slice %arg3[%add3A_113, %dma_start3A_133, %dma_start3A_134] : memref<4008x1x80xi32, #tpu.memory_space<hbm>> -> memref<25x1x80xi32, #tpu.memory_space<hbm>>
              tpu.enqueue_dma source(%dma_start3A_135 : memref<25x1x80xi32, #tpu.memory_space<hbm>>) target(%dma_start3A_132 : memref<25x1x80xi32, #tpu.memory_space<vmem>>) target_semaphore(%run_scoped3A_119 : memref<!tpu.dma_semaphore, #tpu.memory_space<semaphore_mem>>)
              %dma_wait3A_136 = arith.constant 0 : i32
              %dma_wait3A_137 = arith.constant 0 : i32
              %dma_wait3A_138 = arith.constant 0 : i32
              %dma_wait3A_139 = tpu.memref_slice %arg8[%rem3A_108, %dma_wait3A_136, %dma_wait3A_137, %dma_wait3A_138] : memref<2x25x1x80xi32, #tpu.memory_space<vmem>> -> memref<1x25x1x80xi32, #tpu.memory_space<vmem>>
              %dma_wait3A_140 = tpu.memref_squeeze %dma_wait3A_139 : memref<1x25x1x80xi32, #tpu.memory_space<vmem>> -> memref<25x1x80xi32, #tpu.memory_space<vmem>>
              %dma_wait3A_141 = arith.constant 0 : i32
              %dma_wait3A_142 = arith.constant 0 : i32
              %dma_wait3A_143 = tpu.memref_slice %arg3[%add3A_113, %dma_wait3A_141, %dma_wait3A_142] : memref<4008x1x80xi32, #tpu.memory_space<hbm>> -> memref<25x1x80xi32, #tpu.memory_space<hbm>>
              %dma_wait3A_144 = arith.constant 0 : i32
              %dma_wait3A_145 = arith.constant 0 : i32
              %dma_wait3A_146 = arith.constant 0 : i32
              %dma_wait3A_147 = tpu.memref_slice %arg8[%rem3A_108, %dma_wait3A_144, %dma_wait3A_145, %dma_wait3A_146] : memref<2x25x1x80xi32, #tpu.memory_space<vmem>> -> memref<1x25x1x80xi32, #tpu.memory_space<vmem>>
              %dma_wait3A_148 = tpu.memref_squeeze %dma_wait3A_147 : memref<1x25x1x80xi32, #tpu.memory_space<vmem>> -> memref<25x1x80xi32, #tpu.memory_space<vmem>>
              %dma_wait3A_149 = arith.constant 0 : i32
              %dma_wait3A_150 = arith.constant 0 : i32
              %dma_wait3A_151 = tpu.memref_slice %arg3[%add3A_113, %dma_wait3A_149, %dma_wait3A_150] : memref<4008x1x80xi32, #tpu.memory_space<hbm>> -> memref<25x1x80xi32, #tpu.memory_space<hbm>>
              tpu.wait_dma2 semaphore(%run_scoped3A_119 : memref<!tpu.dma_semaphore, #tpu.memory_space<semaphore_mem>>) src(%dma_wait3A_151 : memref<25x1x80xi32, #tpu.memory_space<hbm>>) dst(%dma_wait3A_148 : memref<25x1x80xi32, #tpu.memory_space<vmem>>)
              tpu.yield
            }) : () -> ()
            %add3A_114 = arith.constant 1 : i32
            %add3A_115 = arith.addi %div3A_38, %add3A_114 : i32
            %mul3A_116 = arith.constant 25 : i32
            %mul3A_117 = arith.muli %add3A_115, %mul3A_116 : i32
            %add3A_118 = arith.addi %add3A_4, %mul3A_117 : i32
            "tpu.region"() ({
              %run_scoped3A_119 = tpu.sem_alloc : memref<!tpu.dma_semaphore, #tpu.memory_space<semaphore_mem>>
              %dma_start3A_120 = arith.constant 0 : i32
              %dma_start3A_121 = arith.constant 0 : i32
              %dma_start3A_122 = arith.constant 0 : i32
              %dma_start3A_123 = tpu.memref_slice %arg9[%rem3A_108, %dma_start3A_120, %dma_start3A_121, %dma_start3A_122] : memref<2x25x1x80xi32, #tpu.memory_space<vmem>> -> memref<1x25x1x80xi32, #tpu.memory_space<vmem>>
              %dma_start3A_124 = tpu.memref_squeeze %dma_start3A_123 : memref<1x25x1x80xi32, #tpu.memory_space<vmem>> -> memref<25x1x80xi32, #tpu.memory_space<vmem>>
              %dma_start3A_125 = arith.constant 0 : i32
              %dma_start3A_126 = arith.constant 0 : i32
              %dma_start3A_127 = tpu.memref_slice %arg4[%add3A_118, %dma_start3A_125, %dma_start3A_126] : memref<4008x1x80xi32, #tpu.memory_space<hbm>> -> memref<25x1x80xi32, #tpu.memory_space<hbm>>
              %dma_start3A_128 = arith.constant 0 : i32
              %dma_start3A_129 = arith.constant 0 : i32
              %dma_start3A_130 = arith.constant 0 : i32
              %dma_start3A_131 = tpu.memref_slice %arg9[%rem3A_108, %dma_start3A_128, %dma_start3A_129, %dma_start3A_130] : memref<2x25x1x80xi32, #tpu.memory_space<vmem>> -> memref<1x25x1x80xi32, #tpu.memory_space<vmem>>
              %dma_start3A_132 = tpu.memref_squeeze %dma_start3A_131 : memref<1x25x1x80xi32, #tpu.memory_space<vmem>> -> memref<25x1x80xi32, #tpu.memory_space<vmem>>
              %dma_start3A_133 = arith.constant 0 : i32
              %dma_start3A_134 = arith.constant 0 : i32
              %dma_start3A_135 = tpu.memref_slice %arg4[%add3A_118, %dma_start3A_133, %dma_start3A_134] : memref<4008x1x80xi32, #tpu.memory_space<hbm>> -> memref<25x1x80xi32, #tpu.memory_space<hbm>>
              tpu.enqueue_dma source(%dma_start3A_135 : memref<25x1x80xi32, #tpu.memory_space<hbm>>) target(%dma_start3A_132 : memref<25x1x80xi32, #tpu.memory_space<vmem>>) target_semaphore(%run_scoped3A_119 : memref<!tpu.dma_semaphore, #tpu.memory_space<semaphore_mem>>)
              %dma_wait3A_136 = arith.constant 0 : i32
              %dma_wait3A_137 = arith.constant 0 : i32
              %dma_wait3A_138 = arith.constant 0 : i32
              %dma_wait3A_139 = tpu.memref_slice %arg9[%rem3A_108, %dma_wait3A_136, %dma_wait3A_137, %dma_wait3A_138] : memref<2x25x1x80xi32, #tpu.memory_space<vmem>> -> memref<1x25x1x80xi32, #tpu.memory_space<vmem>>
              %dma_wait3A_140 = tpu.memref_squeeze %dma_wait3A_139 : memref<1x25x1x80xi32, #tpu.memory_space<vmem>> -> memref<25x1x80xi32, #tpu.memory_space<vmem>>
              %dma_wait3A_141 = arith.constant 0 : i32
              %dma_wait3A_142 = arith.constant 0 : i32
              %dma_wait3A_143 = tpu.memref_slice %arg4[%add3A_118, %dma_wait3A_141, %dma_wait3A_142] : memref<4008x1x80xi32, #tpu.memory_space<hbm>> -> memref<25x1x80xi32, #tpu.memory_space<hbm>>
              %dma_wait3A_144 = arith.constant 0 : i32
              %dma_wait3A_145 = arith.constant 0 : i32
              %dma_wait3A_146 = arith.constant 0 : i32
              %dma_wait3A_147 = tpu.memref_slice %arg9[%rem3A_108, %dma_wait3A_144, %dma_wait3A_145, %dma_wait3A_146] : memref<2x25x1x80xi32, #tpu.memory_space<vmem>> -> memref<1x25x1x80xi32, #tpu.memory_space<vmem>>
              %dma_wait3A_148 = tpu.memref_squeeze %dma_wait3A_147 : memref<1x25x1x80xi32, #tpu.memory_space<vmem>> -> memref<25x1x80xi32, #tpu.memory_space<vmem>>
              %dma_wait3A_149 = arith.constant 0 : i32
              %dma_wait3A_150 = arith.constant 0 : i32
              %dma_wait3A_151 = tpu.memref_slice %arg4[%add3A_118, %dma_wait3A_149, %dma_wait3A_150] : memref<4008x1x80xi32, #tpu.memory_space<hbm>> -> memref<25x1x80xi32, #tpu.memory_space<hbm>>
              tpu.wait_dma2 semaphore(%run_scoped3A_119 : memref<!tpu.dma_semaphore, #tpu.memory_space<semaphore_mem>>) src(%dma_wait3A_151 : memref<25x1x80xi32, #tpu.memory_space<hbm>>) dst(%dma_wait3A_148 : memref<25x1x80xi32, #tpu.memory_space<vmem>>)
              tpu.yield
            }) : () -> ()
          } else {
          }
        } else {
        }
        %add3A_91 = arith.constant 2 : i32
        %add3A_92 = arith.addi %while3A_37, %add3A_91 : i32
        %lt3A_93 = arith.cmpi slt, %add3A_92, %add3A_8 : i32
        %convert_element_type3A_94 = arith.extui %lt3A_93 : i1 to i32
        %cond3A_95 = arith.constant 0 : i32
        %cond3A_96 = arith.cmpi ne, %convert_element_type3A_94, %cond3A_95 : i32
        scf.if %cond3A_96 {
          %add3A_97 = arith.constant 2 : i32
          %add3A_98 = arith.addi %while3A_37, %add3A_97 : i32
          %sub3A = arith.constant 3 : i32
          %sub3A_99 = arith.subi %add3A_98, %sub3A : i32
          %ge3A = arith.constant 0 : i32
          %ge3A_100 = arith.cmpi sge, %sub3A_99, %ge3A : i32
          %convert_element_type3A_101 = arith.extui %ge3A_100 : i1 to i32
          %cond3A_102 = arith.constant 0 : i32
          %cond3A_103 = arith.cmpi ne, %convert_element_type3A_101, %cond3A_102 : i32
          scf.if %cond3A_103 {
            %dma_wait3A_124 = arith.constant 2 : i32
            %dma_wait3A_125 = arith.constant 0 : i32
            %dma_wait3A_126 = arith.constant 0 : i32
            %dma_wait3A_127 = arith.constant 0 : i32
            %dma_wait3A_128 = arith.constant 0 : i32
            %dma_wait3A_129 = arith.constant 0 : i32
            %dma_wait3A_130 = tpu.memref_slice %arg10[%dma_wait3A_124, %dma_wait3A_128, %dma_wait3A_129] : memref<3x80x128xf32, #tpu.memory_space<vmem>> -> memref<1x80x128xf32, #tpu.memory_space<vmem>>
            %dma_wait3A_131 = tpu.memref_squeeze %dma_wait3A_130 : memref<1x80x128xf32, #tpu.memory_space<vmem>> -> memref<80x128xf32, #tpu.memory_space<vmem>>
            %dma_wait3A_132 = arith.constant 0 : i32
            %dma_wait3A_133 = tpu.memref_slice %arg9[%dma_wait3A_125, %dma_wait3A_126, %dma_wait3A_127, %dma_wait3A_132] : memref<2x25x1x80xi32, #tpu.memory_space<vmem>> -> memref<1x1x1x80xi32, #tpu.memory_space<vmem>>
            %dma_wait3A_134 = tpu.memref_squeeze %dma_wait3A_133 : memref<1x1x1x80xi32, #tpu.memory_space<vmem>> -> memref<80xi32, #tpu.memory_space<vmem>>
            %dma_wait3A_135 = arith.constant 0 : i32
            %dma_wait3A_136 = arith.constant 0 : i32
            %dma_wait3A_137 = tpu.memref_slice %arg7[%dma_wait3A_135, %dma_wait3A_136] : memref<10000x128xf32, #tpu.memory_space<vmem_shared>> -> memref<10000x128xf32, #tpu.memory_space<vmem_shared>>
            tpu.wait_indirect_dma semaphore(%arg16 : memref<!tpu.dma_semaphore, #tpu.memory_space<semaphore_mem>>) src(%dma_wait3A_131 : memref<80x128xf32, #tpu.memory_space<vmem>>) dst(%dma_wait3A_137 : memref<10000x128xf32, #tpu.memory_space<vmem_shared>>)
          } else {
          }
          %add3A_104 = arith.constant 2 : i32
          %add3A_105 = arith.addi %while3A_37, %add3A_104 : i32
          %div3A_106 = arith.constant 25 : i32
          %div3A_107 = arith.divsi %add3A_105, %div3A_106 : i32
          %rem3A_108 = arith.constant 2 : i32
          %rem3A_109 = arith.remsi %div3A_107, %rem3A_108 : i32
          %rem3A_110 = arith.constant 25 : i32
          %rem3A_111 = arith.remsi %add3A_105, %rem3A_110 : i32
          %dma_start3A_112 = arith.constant 0 : i32
          %dma_start3A_113 = arith.constant 2 : i32
          %dma_start3A_114 = arith.constant 0 : i32
          %dma_start3A_115 = arith.constant 0 : i32
          %dma_start3A_116 = tpu.memref_slice %arg10[%dma_start3A_113, %dma_start3A_114, %dma_start3A_115] : memref<3x80x128xf32, #tpu.memory_space<vmem>> -> memref<1x80x128xf32, #tpu.memory_space<vmem>>
          %dma_start3A_117 = tpu.memref_squeeze %dma_start3A_116 : memref<1x80x128xf32, #tpu.memory_space<vmem>> -> memref<80x128xf32, #tpu.memory_space<vmem>>
          %dma_start3A_118 = arith.constant 0 : i32
          %dma_start3A_119 = tpu.memref_slice %arg8[%rem3A_109, %rem3A_111, %dma_start3A_112, %dma_start3A_118] : memref<2x25x1x80xi32, #tpu.memory_space<vmem>> -> memref<1x1x1x80xi32, #tpu.memory_space<vmem>>
          %dma_start3A_120 = tpu.memref_squeeze %dma_start3A_119 : memref<1x1x1x80xi32, #tpu.memory_space<vmem>> -> memref<80xi32, #tpu.memory_space<vmem>>
          %dma_start3A_121 = arith.constant 0 : i32
          %dma_start3A_122 = arith.constant 0 : i32
          %dma_start3A_123 = tpu.memref_slice %arg2[%dma_start3A_121, %dma_start3A_122] : memref<10000x128xf32, #tpu.memory_space<hbm>> -> memref<10000x128xf32, #tpu.memory_space<hbm>>
          tpu.enqueue_indirect_dma source(%dma_start3A_123 : memref<10000x128xf32, #tpu.memory_space<hbm>>) target(%dma_start3A_117 : memref<80x128xf32, #tpu.memory_space<vmem>>) offsets(%dma_start3A_120 : memref<80xi32, #tpu.memory_space<vmem>>) semaphore(%arg13 : memref<!tpu.dma_semaphore, #tpu.memory_space<semaphore_mem>>)
        } else {
        }
      } else {
      }
      %rem3A_48 = arith.constant 3 : i32
      %rem3A_49 = arith.remsi %while3A_37, %rem3A_48 : i32
      %eq3A_50 = arith.constant 1 : i32
      %eq3A_51 = arith.cmpi eq, %rem3A_49, %eq3A_50 : i32
      %convert_element_type3A_52 = arith.extui %eq3A_51 : i1 to i32
      %cond3A_53 = arith.constant 0 : i32
      %cond3A_54 = arith.cmpi ne, %convert_element_type3A_52, %cond3A_53 : i32
      scf.if %cond3A_54 {
        %dma_wait3A = arith.constant 0 : i32
        %dma_wait3A_62 = arith.constant 0 : i32
        %dma_wait3A_63 = arith.constant 0 : i32
        %dma_wait3A_64 = arith.constant 1 : i32
        %dma_wait3A_65 = arith.constant 0 : i32
        %dma_wait3A_66 = arith.constant 0 : i32
        %dma_wait3A_67 = tpu.memref_slice %arg10[%dma_wait3A_64, %dma_wait3A_65, %dma_wait3A_66] : memref<3x80x128xf32, #tpu.memory_space<vmem>> -> memref<1x80x128xf32, #tpu.memory_space<vmem>>
        %dma_wait3A_68 = tpu.memref_squeeze %dma_wait3A_67 : memref<1x80x128xf32, #tpu.memory_space<vmem>> -> memref<80x128xf32, #tpu.memory_space<vmem>>
        %dma_wait3A_69 = arith.constant 0 : i32
        %dma_wait3A_70 = tpu.memref_slice %arg8[%dma_wait3A, %dma_wait3A_62, %dma_wait3A_63, %dma_wait3A_69] : memref<2x25x1x80xi32, #tpu.memory_space<vmem>> -> memref<1x1x1x80xi32, #tpu.memory_space<vmem>>
        %dma_wait3A_71 = tpu.memref_squeeze %dma_wait3A_70 : memref<1x1x1x80xi32, #tpu.memory_space<vmem>> -> memref<80xi32, #tpu.memory_space<vmem>>
        %dma_wait3A_72 = arith.constant 0 : i32
        %dma_wait3A_73 = arith.constant 0 : i32
        %dma_wait3A_74 = tpu.memref_slice %arg2[%dma_wait3A_72, %dma_wait3A_73] : memref<10000x128xf32, #tpu.memory_space<hbm>> -> memref<10000x128xf32, #tpu.memory_space<hbm>>
        tpu.wait_indirect_dma semaphore(%arg12 : memref<!tpu.dma_semaphore, #tpu.memory_space<semaphore_mem>>) src(%dma_wait3A_74 : memref<10000x128xf32, #tpu.memory_space<hbm>>) dst(%dma_wait3A_68 : memref<80x128xf32, #tpu.memory_space<vmem>>)
        %dma_start3A = arith.constant 1 : i32
        %dma_start3A_75 = arith.constant 0 : i32
        %dma_start3A_76 = arith.constant 0 : i32
        %dma_start3A_77 = arith.constant 0 : i32
        %dma_start3A_78 = tpu.memref_slice %arg10[%dma_start3A, %dma_start3A_76, %dma_start3A_77] : memref<3x80x128xf32, #tpu.memory_space<vmem>> -> memref<1x80x128xf32, #tpu.memory_space<vmem>>
        %dma_start3A_79 = tpu.memref_squeeze %dma_start3A_78 : memref<1x80x128xf32, #tpu.memory_space<vmem>> -> memref<80x128xf32, #tpu.memory_space<vmem>>
        %dma_start3A_80 = arith.constant 0 : i32
        %dma_start3A_81 = tpu.memref_slice %arg9[%rem3A_41, %rem3A_39, %dma_start3A_75, %dma_start3A_80] : memref<2x25x1x80xi32, #tpu.memory_space<vmem>> -> memref<1x1x1x80xi32, #tpu.memory_space<vmem>>
        %dma_start3A_82 = tpu.memref_squeeze %dma_start3A_81 : memref<1x1x1x80xi32, #tpu.memory_space<vmem>> -> memref<80xi32, #tpu.memory_space<vmem>>
        %dma_start3A_83 = arith.constant 0 : i32
        %dma_start3A_84 = arith.constant 0 : i32
        %dma_start3A_85 = tpu.memref_slice %arg7[%dma_start3A_83, %dma_start3A_84] : memref<10000x128xf32, #tpu.memory_space<vmem_shared>> -> memref<10000x128xf32, #tpu.memory_space<vmem_shared>>
        tpu.enqueue_indirect_dma source(%dma_start3A_79 : memref<80x128xf32, #tpu.memory_space<vmem>>) target(%dma_start3A_85 : memref<10000x128xf32, #tpu.memory_space<vmem_shared>>) offsets(%dma_start3A_82 : memref<80xi32, #tpu.memory_space<vmem>>) semaphore(%arg15 : memref<!tpu.dma_semaphore, #tpu.memory_space<semaphore_mem>>) {add = true}
        %eq3A_86 = arith.constant 22 : i32
        %eq3A_87 = arith.cmpi eq, %rem3A_39, %eq3A_86 : i32
        %convert_element_type3A_88 = arith.extui %eq3A_87 : i1 to i32
        %cond3A_89 = arith.constant 0 : i32
        %cond3A_90 = arith.cmpi ne, %convert_element_type3A_88, %cond3A_89 : i32
        scf.if %cond3A_90 {
          %add3A_97 = arith.constant 1 : i32
          %add3A_98 = arith.addi %div3A_38, %add3A_97 : i32
          %mul3A_99 = arith.constant 25 : i32
          %mul3A_100 = arith.muli %add3A_98, %mul3A_99 : i32
          %lt3A_101 = arith.cmpi slt, %mul3A_100, %add3A_8 : i32
          %convert_element_type3A_102 = arith.extui %lt3A_101 : i1 to i32
          %cond3A_103 = arith.constant 0 : i32
          %cond3A_104 = arith.cmpi ne, %convert_element_type3A_102, %cond3A_103 : i32
          scf.if %cond3A_104 {
            %add3A_105 = arith.constant 1 : i32
            %add3A_106 = arith.addi %div3A_38, %add3A_105 : i32
            %rem3A_107 = arith.constant 2 : i32
            %rem3A_108 = arith.remsi %add3A_106, %rem3A_107 : i32
            %add3A_109 = arith.constant 1 : i32
            %add3A_110 = arith.addi %div3A_38, %add3A_109 : i32
            %mul3A_111 = arith.constant 25 : i32
            %mul3A_112 = arith.muli %add3A_110, %mul3A_111 : i32
            %add3A_113 = arith.addi %add3A_4, %mul3A_112 : i32
            "tpu.region"() ({
              %run_scoped3A_119 = tpu.sem_alloc : memref<!tpu.dma_semaphore, #tpu.memory_space<semaphore_mem>>
              %dma_start3A_120 = arith.constant 0 : i32
              %dma_start3A_121 = arith.constant 0 : i32
              %dma_start3A_122 = arith.constant 0 : i32
              %dma_start3A_123 = tpu.memref_slice %arg8[%rem3A_108, %dma_start3A_120, %dma_start3A_121, %dma_start3A_122] : memref<2x25x1x80xi32, #tpu.memory_space<vmem>> -> memref<1x25x1x80xi32, #tpu.memory_space<vmem>>
              %dma_start3A_124 = tpu.memref_squeeze %dma_start3A_123 : memref<1x25x1x80xi32, #tpu.memory_space<vmem>> -> memref<25x1x80xi32, #tpu.memory_space<vmem>>
              %dma_start3A_125 = arith.constant 0 : i32
              %dma_start3A_126 = arith.constant 0 : i32
              %dma_start3A_127 = tpu.memref_slice %arg3[%add3A_113, %dma_start3A_125, %dma_start3A_126] : memref<4008x1x80xi32, #tpu.memory_space<hbm>> -> memref<25x1x80xi32, #tpu.memory_space<hbm>>
              %dma_start3A_128 = arith.constant 0 : i32
              %dma_start3A_129 = arith.constant 0 : i32
              %dma_start3A_130 = arith.constant 0 : i32
              %dma_start3A_131 = tpu.memref_slice %arg8[%rem3A_108, %dma_start3A_128, %dma_start3A_129, %dma_start3A_130] : memref<2x25x1x80xi32, #tpu.memory_space<vmem>> -> memref<1x25x1x80xi32, #tpu.memory_space<vmem>>
              %dma_start3A_132 = tpu.memref_squeeze %dma_start3A_131 : memref<1x25x1x80xi32, #tpu.memory_space<vmem>> -> memref<25x1x80xi32, #tpu.memory_space<vmem>>
              %dma_start3A_133 = arith.constant 0 : i32
              %dma_start3A_134 = arith.constant 0 : i32
              %dma_start3A_135 = tpu.memref_slice %arg3[%add3A_113, %dma_start3A_133, %dma_start3A_134] : memref<4008x1x80xi32, #tpu.memory_space<hbm>> -> memref<25x1x80xi32, #tpu.memory_space<hbm>>
              tpu.enqueue_dma source(%dma_start3A_135 : memref<25x1x80xi32, #tpu.memory_space<hbm>>) target(%dma_start3A_132 : memref<25x1x80xi32, #tpu.memory_space<vmem>>) target_semaphore(%run_scoped3A_119 : memref<!tpu.dma_semaphore, #tpu.memory_space<semaphore_mem>>)
              %dma_wait3A_136 = arith.constant 0 : i32
              %dma_wait3A_137 = arith.constant 0 : i32
              %dma_wait3A_138 = arith.constant 0 : i32
              %dma_wait3A_139 = tpu.memref_slice %arg8[%rem3A_108, %dma_wait3A_136, %dma_wait3A_137, %dma_wait3A_138] : memref<2x25x1x80xi32, #tpu.memory_space<vmem>> -> memref<1x25x1x80xi32, #tpu.memory_space<vmem>>
              %dma_wait3A_140 = tpu.memref_squeeze %dma_wait3A_139 : memref<1x25x1x80xi32, #tpu.memory_space<vmem>> -> memref<25x1x80xi32, #tpu.memory_space<vmem>>
              %dma_wait3A_141 = arith.constant 0 : i32
              %dma_wait3A_142 = arith.constant 0 : i32
              %dma_wait3A_143 = tpu.memref_slice %arg3[%add3A_113, %dma_wait3A_141, %dma_wait3A_142] : memref<4008x1x80xi32, #tpu.memory_space<hbm>> -> memref<25x1x80xi32, #tpu.memory_space<hbm>>
              %dma_wait3A_144 = arith.constant 0 : i32
              %dma_wait3A_145 = arith.constant 0 : i32
              %dma_wait3A_146 = arith.constant 0 : i32
              %dma_wait3A_147 = tpu.memref_slice %arg8[%rem3A_108, %dma_wait3A_144, %dma_wait3A_145, %dma_wait3A_146] : memref<2x25x1x80xi32, #tpu.memory_space<vmem>> -> memref<1x25x1x80xi32, #tpu.memory_space<vmem>>
              %dma_wait3A_148 = tpu.memref_squeeze %dma_wait3A_147 : memref<1x25x1x80xi32, #tpu.memory_space<vmem>> -> memref<25x1x80xi32, #tpu.memory_space<vmem>>
              %dma_wait3A_149 = arith.constant 0 : i32
              %dma_wait3A_150 = arith.constant 0 : i32
              %dma_wait3A_151 = tpu.memref_slice %arg3[%add3A_113, %dma_wait3A_149, %dma_wait3A_150] : memref<4008x1x80xi32, #tpu.memory_space<hbm>> -> memref<25x1x80xi32, #tpu.memory_space<hbm>>
              tpu.wait_dma2 semaphore(%run_scoped3A_119 : memref<!tpu.dma_semaphore, #tpu.memory_space<semaphore_mem>>) src(%dma_wait3A_151 : memref<25x1x80xi32, #tpu.memory_space<hbm>>) dst(%dma_wait3A_148 : memref<25x1x80xi32, #tpu.memory_space<vmem>>)
              tpu.yield
            }) : () -> ()
            %add3A_114 = arith.constant 1 : i32
            %add3A_115 = arith.addi %div3A_38, %add3A_114 : i32
            %mul3A_116 = arith.constant 25 : i32
            %mul3A_117 = arith.muli %add3A_115, %mul3A_116 : i32
            %add3A_118 = arith.addi %add3A_4, %mul3A_117 : i32
            "tpu.region"() ({
              %run_scoped3A_119 = tpu.sem_alloc : memref<!tpu.dma_semaphore, #tpu.memory_space<semaphore_mem>>
              %dma_start3A_120 = arith.constant 0 : i32
              %dma_start3A_121 = arith.constant 0 : i32
              %dma_start3A_122 = arith.constant 0 : i32
              %dma_start3A_123 = tpu.memref_slice %arg9[%rem3A_108, %dma_start3A_120, %dma_start3A_121, %dma_start3A_122] : memref<2x25x1x80xi32, #tpu.memory_space<vmem>> -> memref<1x25x1x80xi32, #tpu.memory_space<vmem>>
              %dma_start3A_124 = tpu.memref_squeeze %dma_start3A_123 : memref<1x25x1x80xi32, #tpu.memory_space<vmem>> -> memref<25x1x80xi32, #tpu.memory_space<vmem>>
              %dma_start3A_125 = arith.constant 0 : i32
              %dma_start3A_126 = arith.constant 0 : i32
              %dma_start3A_127 = tpu.memref_slice %arg4[%add3A_118, %dma_start3A_125, %dma_start3A_126] : memref<4008x1x80xi32, #tpu.memory_space<hbm>> -> memref<25x1x80xi32, #tpu.memory_space<hbm>>
              %dma_start3A_128 = arith.constant 0 : i32
              %dma_start3A_129 = arith.constant 0 : i32
              %dma_start3A_130 = arith.constant 0 : i32
              %dma_start3A_131 = tpu.memref_slice %arg9[%rem3A_108, %dma_start3A_128, %dma_start3A_129, %dma_start3A_130] : memref<2x25x1x80xi32, #tpu.memory_space<vmem>> -> memref<1x25x1x80xi32, #tpu.memory_space<vmem>>
              %dma_start3A_132 = tpu.memref_squeeze %dma_start3A_131 : memref<1x25x1x80xi32, #tpu.memory_space<vmem>> -> memref<25x1x80xi32, #tpu.memory_space<vmem>>
              %dma_start3A_133 = arith.constant 0 : i32
              %dma_start3A_134 = arith.constant 0 : i32
              %dma_start3A_135 = tpu.memref_slice %arg4[%add3A_118, %dma_start3A_133, %dma_start3A_134] : memref<4008x1x80xi32, #tpu.memory_space<hbm>> -> memref<25x1x80xi32, #tpu.memory_space<hbm>>
              tpu.enqueue_dma source(%dma_start3A_135 : memref<25x1x80xi32, #tpu.memory_space<hbm>>) target(%dma_start3A_132 : memref<25x1x80xi32, #tpu.memory_space<vmem>>) target_semaphore(%run_scoped3A_119 : memref<!tpu.dma_semaphore, #tpu.memory_space<semaphore_mem>>)
              %dma_wait3A_136 = arith.constant 0 : i32
              %dma_wait3A_137 = arith.constant 0 : i32
              %dma_wait3A_138 = arith.constant 0 : i32
              %dma_wait3A_139 = tpu.memref_slice %arg9[%rem3A_108, %dma_wait3A_136, %dma_wait3A_137, %dma_wait3A_138] : memref<2x25x1x80xi32, #tpu.memory_space<vmem>> -> memref<1x25x1x80xi32, #tpu.memory_space<vmem>>
              %dma_wait3A_140 = tpu.memref_squeeze %dma_wait3A_139 : memref<1x25x1x80xi32, #tpu.memory_space<vmem>> -> memref<25x1x80xi32, #tpu.memory_space<vmem>>
              %dma_wait3A_141 = arith.constant 0 : i32
              %dma_wait3A_142 = arith.constant 0 : i32
              %dma_wait3A_143 = tpu.memref_slice %arg4[%add3A_118, %dma_wait3A_141, %dma_wait3A_142] : memref<4008x1x80xi32, #tpu.memory_space<hbm>> -> memref<25x1x80xi32, #tpu.memory_space<hbm>>
              %dma_wait3A_144 = arith.constant 0 : i32
              %dma_wait3A_145 = arith.constant 0 : i32
              %dma_wait3A_146 = arith.constant 0 : i32
              %dma_wait3A_147 = tpu.memref_slice %arg9[%rem3A_108, %dma_wait3A_144, %dma_wait3A_145, %dma_wait3A_146] : memref<2x25x1x80xi32, #tpu.memory_space<vmem>> -> memref<1x25x1x80xi32, #tpu.memory_space<vmem>>
              %dma_wait3A_148 = tpu.memref_squeeze %dma_wait3A_147 : memref<1x25x1x80xi32, #tpu.memory_space<vmem>> -> memref<25x1x80xi32, #tpu.memory_space<vmem>>
              %dma_wait3A_149 = arith.constant 0 : i32
              %dma_wait3A_150 = arith.constant 0 : i32
              %dma_wait3A_151 = tpu.memref_slice %arg4[%add3A_118, %dma_wait3A_149, %dma_wait3A_150] : memref<4008x1x80xi32, #tpu.memory_space<hbm>> -> memref<25x1x80xi32, #tpu.memory_space<hbm>>
              tpu.wait_dma2 semaphore(%run_scoped3A_119 : memref<!tpu.dma_semaphore, #tpu.memory_space<semaphore_mem>>) src(%dma_wait3A_151 : memref<25x1x80xi32, #tpu.memory_space<hbm>>) dst(%dma_wait3A_148 : memref<25x1x80xi32, #tpu.memory_space<vmem>>)
              tpu.yield
            }) : () -> ()
          } else {
          }
        } else {
        }
        %add3A_91 = arith.constant 2 : i32
        %add3A_92 = arith.addi %while3A_37, %add3A_91 : i32
        %lt3A_93 = arith.cmpi slt, %add3A_92, %add3A_8 : i32
        %convert_element_type3A_94 = arith.extui %lt3A_93 : i1 to i32
        %cond3A_95 = arith.constant 0 : i32
        %cond3A_96 = arith.cmpi ne, %convert_element_type3A_94, %cond3A_95 : i32
        scf.if %cond3A_96 {
          %add3A_97 = arith.constant 2 : i32
          %add3A_98 = arith.addi %while3A_37, %add3A_97 : i32
          %sub3A = arith.constant 3 : i32
          %sub3A_99 = arith.subi %add3A_98, %sub3A : i32
          %ge3A = arith.constant 0 : i32
          %ge3A_100 = arith.cmpi sge, %sub3A_99, %ge3A : i32
          %convert_element_type3A_101 = arith.extui %ge3A_100 : i1 to i32
          %cond3A_102 = arith.constant 0 : i32
          %cond3A_103 = arith.cmpi ne, %convert_element_type3A_101, %cond3A_102 : i32
          scf.if %cond3A_103 {
            %dma_wait3A_124 = arith.constant 0 : i32
            %dma_wait3A_125 = arith.constant 0 : i32
            %dma_wait3A_126 = arith.constant 0 : i32
            %dma_wait3A_127 = arith.constant 0 : i32
            %dma_wait3A_128 = arith.constant 0 : i32
            %dma_wait3A_129 = arith.constant 0 : i32
            %dma_wait3A_130 = tpu.memref_slice %arg10[%dma_wait3A_124, %dma_wait3A_128, %dma_wait3A_129] : memref<3x80x128xf32, #tpu.memory_space<vmem>> -> memref<1x80x128xf32, #tpu.memory_space<vmem>>
            %dma_wait3A_131 = tpu.memref_squeeze %dma_wait3A_130 : memref<1x80x128xf32, #tpu.memory_space<vmem>> -> memref<80x128xf32, #tpu.memory_space<vmem>>
            %dma_wait3A_132 = arith.constant 0 : i32
            %dma_wait3A_133 = tpu.memref_slice %arg9[%dma_wait3A_125, %dma_wait3A_126, %dma_wait3A_127, %dma_wait3A_132] : memref<2x25x1x80xi32, #tpu.memory_space<vmem>> -> memref<1x1x1x80xi32, #tpu.memory_space<vmem>>
            %dma_wait3A_134 = tpu.memref_squeeze %dma_wait3A_133 : memref<1x1x1x80xi32, #tpu.memory_space<vmem>> -> memref<80xi32, #tpu.memory_space<vmem>>
            %dma_wait3A_135 = arith.constant 0 : i32
            %dma_wait3A_136 = arith.constant 0 : i32
            %dma_wait3A_137 = tpu.memref_slice %arg7[%dma_wait3A_135, %dma_wait3A_136] : memref<10000x128xf32, #tpu.memory_space<vmem_shared>> -> memref<10000x128xf32, #tpu.memory_space<vmem_shared>>
            tpu.wait_indirect_dma semaphore(%arg14 : memref<!tpu.dma_semaphore, #tpu.memory_space<semaphore_mem>>) src(%dma_wait3A_131 : memref<80x128xf32, #tpu.memory_space<vmem>>) dst(%dma_wait3A_137 : memref<10000x128xf32, #tpu.memory_space<vmem_shared>>)
          } else {
          }
          %add3A_104 = arith.constant 2 : i32
          %add3A_105 = arith.addi %while3A_37, %add3A_104 : i32
          %div3A_106 = arith.constant 25 : i32
          %div3A_107 = arith.divsi %add3A_105, %div3A_106 : i32
          %rem3A_108 = arith.constant 2 : i32
          %rem3A_109 = arith.remsi %div3A_107, %rem3A_108 : i32
          %rem3A_110 = arith.constant 25 : i32
          %rem3A_111 = arith.remsi %add3A_105, %rem3A_110 : i32
          %dma_start3A_112 = arith.constant 0 : i32
          %dma_start3A_113 = arith.constant 0 : i32
          %dma_start3A_114 = arith.constant 0 : i32
          %dma_start3A_115 = arith.constant 0 : i32
          %dma_start3A_116 = tpu.memref_slice %arg10[%dma_start3A_113, %dma_start3A_114, %dma_start3A_115] : memref<3x80x128xf32, #tpu.memory_space<vmem>> -> memref<1x80x128xf32, #tpu.memory_space<vmem>>
          %dma_start3A_117 = tpu.memref_squeeze %dma_start3A_116 : memref<1x80x128xf32, #tpu.memory_space<vmem>> -> memref<80x128xf32, #tpu.memory_space<vmem>>
          %dma_start3A_118 = arith.constant 0 : i32
          %dma_start3A_119 = tpu.memref_slice %arg8[%rem3A_109, %rem3A_111, %dma_start3A_112, %dma_start3A_118] : memref<2x25x1x80xi32, #tpu.memory_space<vmem>> -> memref<1x1x1x80xi32, #tpu.memory_space<vmem>>
          %dma_start3A_120 = tpu.memref_squeeze %dma_start3A_119 : memref<1x1x1x80xi32, #tpu.memory_space<vmem>> -> memref<80xi32, #tpu.memory_space<vmem>>
          %dma_start3A_121 = arith.constant 0 : i32
          %dma_start3A_122 = arith.constant 0 : i32
          %dma_start3A_123 = tpu.memref_slice %arg2[%dma_start3A_121, %dma_start3A_122] : memref<10000x128xf32, #tpu.memory_space<hbm>> -> memref<10000x128xf32, #tpu.memory_space<hbm>>
          tpu.enqueue_indirect_dma source(%dma_start3A_123 : memref<10000x128xf32, #tpu.memory_space<hbm>>) target(%dma_start3A_117 : memref<80x128xf32, #tpu.memory_space<vmem>>) offsets(%dma_start3A_120 : memref<80xi32, #tpu.memory_space<vmem>>) semaphore(%arg11 : memref<!tpu.dma_semaphore, #tpu.memory_space<semaphore_mem>>)
        } else {
        }
      } else {
      }
      %rem3A_55 = arith.constant 3 : i32
      %rem3A_56 = arith.remsi %while3A_37, %rem3A_55 : i32
      %eq3A_57 = arith.constant 2 : i32
      %eq3A_58 = arith.cmpi eq, %rem3A_56, %eq3A_57 : i32
      %convert_element_type3A_59 = arith.extui %eq3A_58 : i1 to i32
      %cond3A_60 = arith.constant 0 : i32
      %cond3A_61 = arith.cmpi ne, %convert_element_type3A_59, %cond3A_60 : i32
      scf.if %cond3A_61 {
        %dma_wait3A = arith.constant 0 : i32
        %dma_wait3A_62 = arith.constant 0 : i32
        %dma_wait3A_63 = arith.constant 0 : i32
        %dma_wait3A_64 = arith.constant 2 : i32
        %dma_wait3A_65 = arith.constant 0 : i32
        %dma_wait3A_66 = arith.constant 0 : i32
        %dma_wait3A_67 = tpu.memref_slice %arg10[%dma_wait3A_64, %dma_wait3A_65, %dma_wait3A_66] : memref<3x80x128xf32, #tpu.memory_space<vmem>> -> memref<1x80x128xf32, #tpu.memory_space<vmem>>
        %dma_wait3A_68 = tpu.memref_squeeze %dma_wait3A_67 : memref<1x80x128xf32, #tpu.memory_space<vmem>> -> memref<80x128xf32, #tpu.memory_space<vmem>>
        %dma_wait3A_69 = arith.constant 0 : i32
        %dma_wait3A_70 = tpu.memref_slice %arg8[%dma_wait3A, %dma_wait3A_62, %dma_wait3A_63, %dma_wait3A_69] : memref<2x25x1x80xi32, #tpu.memory_space<vmem>> -> memref<1x1x1x80xi32, #tpu.memory_space<vmem>>
        %dma_wait3A_71 = tpu.memref_squeeze %dma_wait3A_70 : memref<1x1x1x80xi32, #tpu.memory_space<vmem>> -> memref<80xi32, #tpu.memory_space<vmem>>
        %dma_wait3A_72 = arith.constant 0 : i32
        %dma_wait3A_73 = arith.constant 0 : i32
        %dma_wait3A_74 = tpu.memref_slice %arg2[%dma_wait3A_72, %dma_wait3A_73] : memref<10000x128xf32, #tpu.memory_space<hbm>> -> memref<10000x128xf32, #tpu.memory_space<hbm>>
        tpu.wait_indirect_dma semaphore(%arg13 : memref<!tpu.dma_semaphore, #tpu.memory_space<semaphore_mem>>) src(%dma_wait3A_74 : memref<10000x128xf32, #tpu.memory_space<hbm>>) dst(%dma_wait3A_68 : memref<80x128xf32, #tpu.memory_space<vmem>>)
        %dma_start3A = arith.constant 2 : i32
        %dma_start3A_75 = arith.constant 0 : i32
        %dma_start3A_76 = arith.constant 0 : i32
        %dma_start3A_77 = arith.constant 0 : i32
        %dma_start3A_78 = tpu.memref_slice %arg10[%dma_start3A, %dma_start3A_76, %dma_start3A_77] : memref<3x80x128xf32, #tpu.memory_space<vmem>> -> memref<1x80x128xf32, #tpu.memory_space<vmem>>
        %dma_start3A_79 = tpu.memref_squeeze %dma_start3A_78 : memref<1x80x128xf32, #tpu.memory_space<vmem>> -> memref<80x128xf32, #tpu.memory_space<vmem>>
        %dma_start3A_80 = arith.constant 0 : i32
        %dma_start3A_81 = tpu.memref_slice %arg9[%rem3A_41, %rem3A_39, %dma_start3A_75, %dma_start3A_80] : memref<2x25x1x80xi32, #tpu.memory_space<vmem>> -> memref<1x1x1x80xi32, #tpu.memory_space<vmem>>
        %dma_start3A_82 = tpu.memref_squeeze %dma_start3A_81 : memref<1x1x1x80xi32, #tpu.memory_space<vmem>> -> memref<80xi32, #tpu.memory_space<vmem>>
        %dma_start3A_83 = arith.constant 0 : i32
        %dma_start3A_84 = arith.constant 0 : i32
        %dma_start3A_85 = tpu.memref_slice %arg7[%dma_start3A_83, %dma_start3A_84] : memref<10000x128xf32, #tpu.memory_space<vmem_shared>> -> memref<10000x128xf32, #tpu.memory_space<vmem_shared>>
        tpu.enqueue_indirect_dma source(%dma_start3A_79 : memref<80x128xf32, #tpu.memory_space<vmem>>) target(%dma_start3A_85 : memref<10000x128xf32, #tpu.memory_space<vmem_shared>>) offsets(%dma_start3A_82 : memref<80xi32, #tpu.memory_space<vmem>>) semaphore(%arg16 : memref<!tpu.dma_semaphore, #tpu.memory_space<semaphore_mem>>) {add = true}
        %eq3A_86 = arith.constant 22 : i32
        %eq3A_87 = arith.cmpi eq, %rem3A_39, %eq3A_86 : i32
        %convert_element_type3A_88 = arith.extui %eq3A_87 : i1 to i32
        %cond3A_89 = arith.constant 0 : i32
        %cond3A_90 = arith.cmpi ne, %convert_element_type3A_88, %cond3A_89 : i32
        scf.if %cond3A_90 {
          %add3A_97 = arith.constant 1 : i32
          %add3A_98 = arith.addi %div3A_38, %add3A_97 : i32
          %mul3A_99 = arith.constant 25 : i32
          %mul3A_100 = arith.muli %add3A_98, %mul3A_99 : i32
          %lt3A_101 = arith.cmpi slt, %mul3A_100, %add3A_8 : i32
          %convert_element_type3A_102 = arith.extui %lt3A_101 : i1 to i32
          %cond3A_103 = arith.constant 0 : i32
          %cond3A_104 = arith.cmpi ne, %convert_element_type3A_102, %cond3A_103 : i32
          scf.if %cond3A_104 {
            %add3A_105 = arith.constant 1 : i32
            %add3A_106 = arith.addi %div3A_38, %add3A_105 : i32
            %rem3A_107 = arith.constant 2 : i32
            %rem3A_108 = arith.remsi %add3A_106, %rem3A_107 : i32
            %add3A_109 = arith.constant 1 : i32
            %add3A_110 = arith.addi %div3A_38, %add3A_109 : i32
            %mul3A_111 = arith.constant 25 : i32
            %mul3A_112 = arith.muli %add3A_110, %mul3A_111 : i32
            %add3A_113 = arith.addi %add3A_4, %mul3A_112 : i32
            "tpu.region"() ({
              %run_scoped3A_119 = tpu.sem_alloc : memref<!tpu.dma_semaphore, #tpu.memory_space<semaphore_mem>>
              %dma_start3A_120 = arith.constant 0 : i32
              %dma_start3A_121 = arith.constant 0 : i32
              %dma_start3A_122 = arith.constant 0 : i32
              %dma_start3A_123 = tpu.memref_slice %arg8[%rem3A_108, %dma_start3A_120, %dma_start3A_121, %dma_start3A_122] : memref<2x25x1x80xi32, #tpu.memory_space<vmem>> -> memref<1x25x1x80xi32, #tpu.memory_space<vmem>>
              %dma_start3A_124 = tpu.memref_squeeze %dma_start3A_123 : memref<1x25x1x80xi32, #tpu.memory_space<vmem>> -> memref<25x1x80xi32, #tpu.memory_space<vmem>>
              %dma_start3A_125 = arith.constant 0 : i32
              %dma_start3A_126 = arith.constant 0 : i32
              %dma_start3A_127 = tpu.memref_slice %arg3[%add3A_113, %dma_start3A_125, %dma_start3A_126] : memref<4008x1x80xi32, #tpu.memory_space<hbm>> -> memref<25x1x80xi32, #tpu.memory_space<hbm>>
              %dma_start3A_128 = arith.constant 0 : i32
              %dma_start3A_129 = arith.constant 0 : i32
              %dma_start3A_130 = arith.constant 0 : i32
              %dma_start3A_131 = tpu.memref_slice %arg8[%rem3A_108, %dma_start3A_128, %dma_start3A_129, %dma_start3A_130] : memref<2x25x1x80xi32, #tpu.memory_space<vmem>> -> memref<1x25x1x80xi32, #tpu.memory_space<vmem>>
              %dma_start3A_132 = tpu.memref_squeeze %dma_start3A_131 : memref<1x25x1x80xi32, #tpu.memory_space<vmem>> -> memref<25x1x80xi32, #tpu.memory_space<vmem>>
              %dma_start3A_133 = arith.constant 0 : i32
              %dma_start3A_134 = arith.constant 0 : i32
              %dma_start3A_135 = tpu.memref_slice %arg3[%add3A_113, %dma_start3A_133, %dma_start3A_134] : memref<4008x1x80xi32, #tpu.memory_space<hbm>> -> memref<25x1x80xi32, #tpu.memory_space<hbm>>
              tpu.enqueue_dma source(%dma_start3A_135 : memref<25x1x80xi32, #tpu.memory_space<hbm>>) target(%dma_start3A_132 : memref<25x1x80xi32, #tpu.memory_space<vmem>>) target_semaphore(%run_scoped3A_119 : memref<!tpu.dma_semaphore, #tpu.memory_space<semaphore_mem>>)
              %dma_wait3A_136 = arith.constant 0 : i32
              %dma_wait3A_137 = arith.constant 0 : i32
              %dma_wait3A_138 = arith.constant 0 : i32
              %dma_wait3A_139 = tpu.memref_slice %arg8[%rem3A_108, %dma_wait3A_136, %dma_wait3A_137, %dma_wait3A_138] : memref<2x25x1x80xi32, #tpu.memory_space<vmem>> -> memref<1x25x1x80xi32, #tpu.memory_space<vmem>>
              %dma_wait3A_140 = tpu.memref_squeeze %dma_wait3A_139 : memref<1x25x1x80xi32, #tpu.memory_space<vmem>> -> memref<25x1x80xi32, #tpu.memory_space<vmem>>
              %dma_wait3A_141 = arith.constant 0 : i32
              %dma_wait3A_142 = arith.constant 0 : i32
              %dma_wait3A_143 = tpu.memref_slice %arg3[%add3A_113, %dma_wait3A_141, %dma_wait3A_142] : memref<4008x1x80xi32, #tpu.memory_space<hbm>> -> memref<25x1x80xi32, #tpu.memory_space<hbm>>
              %dma_wait3A_144 = arith.constant 0 : i32
              %dma_wait3A_145 = arith.constant 0 : i32
              %dma_wait3A_146 = arith.constant 0 : i32
              %dma_wait3A_147 = tpu.memref_slice %arg8[%rem3A_108, %dma_wait3A_144, %dma_wait3A_145, %dma_wait3A_146] : memref<2x25x1x80xi32, #tpu.memory_space<vmem>> -> memref<1x25x1x80xi32, #tpu.memory_space<vmem>>
              %dma_wait3A_148 = tpu.memref_squeeze %dma_wait3A_147 : memref<1x25x1x80xi32, #tpu.memory_space<vmem>> -> memref<25x1x80xi32, #tpu.memory_space<vmem>>
              %dma_wait3A_149 = arith.constant 0 : i32
              %dma_wait3A_150 = arith.constant 0 : i32
              %dma_wait3A_151 = tpu.memref_slice %arg3[%add3A_113, %dma_wait3A_149, %dma_wait3A_150] : memref<4008x1x80xi32, #tpu.memory_space<hbm>> -> memref<25x1x80xi32, #tpu.memory_space<hbm>>
              tpu.wait_dma2 semaphore(%run_scoped3A_119 : memref<!tpu.dma_semaphore, #tpu.memory_space<semaphore_mem>>) src(%dma_wait3A_151 : memref<25x1x80xi32, #tpu.memory_space<hbm>>) dst(%dma_wait3A_148 : memref<25x1x80xi32, #tpu.memory_space<vmem>>)
              tpu.yield
            }) : () -> ()
            %add3A_114 = arith.constant 1 : i32
            %add3A_115 = arith.addi %div3A_38, %add3A_114 : i32
            %mul3A_116 = arith.constant 25 : i32
            %mul3A_117 = arith.muli %add3A_115, %mul3A_116 : i32
            %add3A_118 = arith.addi %add3A_4, %mul3A_117 : i32
            "tpu.region"() ({
              %run_scoped3A_119 = tpu.sem_alloc : memref<!tpu.dma_semaphore, #tpu.memory_space<semaphore_mem>>
              %dma_start3A_120 = arith.constant 0 : i32
              %dma_start3A_121 = arith.constant 0 : i32
              %dma_start3A_122 = arith.constant 0 : i32
              %dma_start3A_123 = tpu.memref_slice %arg9[%rem3A_108, %dma_start3A_120, %dma_start3A_121, %dma_start3A_122] : memref<2x25x1x80xi32, #tpu.memory_space<vmem>> -> memref<1x25x1x80xi32, #tpu.memory_space<vmem>>
              %dma_start3A_124 = tpu.memref_squeeze %dma_start3A_123 : memref<1x25x1x80xi32, #tpu.memory_space<vmem>> -> memref<25x1x80xi32, #tpu.memory_space<vmem>>
              %dma_start3A_125 = arith.constant 0 : i32
              %dma_start3A_126 = arith.constant 0 : i32
              %dma_start3A_127 = tpu.memref_slice %arg4[%add3A_118, %dma_start3A_125, %dma_start3A_126] : memref<4008x1x80xi32, #tpu.memory_space<hbm>> -> memref<25x1x80xi32, #tpu.memory_space<hbm>>
              %dma_start3A_128 = arith.constant 0 : i32
              %dma_start3A_129 = arith.constant 0 : i32
              %dma_start3A_130 = arith.constant 0 : i32
              %dma_start3A_131 = tpu.memref_slice %arg9[%rem3A_108, %dma_start3A_128, %dma_start3A_129, %dma_start3A_130] : memref<2x25x1x80xi32, #tpu.memory_space<vmem>> -> memref<1x25x1x80xi32, #tpu.memory_space<vmem>>
              %dma_start3A_132 = tpu.memref_squeeze %dma_start3A_131 : memref<1x25x1x80xi32, #tpu.memory_space<vmem>> -> memref<25x1x80xi32, #tpu.memory_space<vmem>>
              %dma_start3A_133 = arith.constant 0 : i32
              %dma_start3A_134 = arith.constant 0 : i32
              %dma_start3A_135 = tpu.memref_slice %arg4[%add3A_118, %dma_start3A_133, %dma_start3A_134] : memref<4008x1x80xi32, #tpu.memory_space<hbm>> -> memref<25x1x80xi32, #tpu.memory_space<hbm>>
              tpu.enqueue_dma source(%dma_start3A_135 : memref<25x1x80xi32, #tpu.memory_space<hbm>>) target(%dma_start3A_132 : memref<25x1x80xi32, #tpu.memory_space<vmem>>) target_semaphore(%run_scoped3A_119 : memref<!tpu.dma_semaphore, #tpu.memory_space<semaphore_mem>>)
              %dma_wait3A_136 = arith.constant 0 : i32
              %dma_wait3A_137 = arith.constant 0 : i32
              %dma_wait3A_138 = arith.constant 0 : i32
              %dma_wait3A_139 = tpu.memref_slice %arg9[%rem3A_108, %dma_wait3A_136, %dma_wait3A_137, %dma_wait3A_138] : memref<2x25x1x80xi32, #tpu.memory_space<vmem>> -> memref<1x25x1x80xi32, #tpu.memory_space<vmem>>
              %dma_wait3A_140 = tpu.memref_squeeze %dma_wait3A_139 : memref<1x25x1x80xi32, #tpu.memory_space<vmem>> -> memref<25x1x80xi32, #tpu.memory_space<vmem>>
              %dma_wait3A_141 = arith.constant 0 : i32
              %dma_wait3A_142 = arith.constant 0 : i32
              %dma_wait3A_143 = tpu.memref_slice %arg4[%add3A_118, %dma_wait3A_141, %dma_wait3A_142] : memref<4008x1x80xi32, #tpu.memory_space<hbm>> -> memref<25x1x80xi32, #tpu.memory_space<hbm>>
              %dma_wait3A_144 = arith.constant 0 : i32
              %dma_wait3A_145 = arith.constant 0 : i32
              %dma_wait3A_146 = arith.constant 0 : i32
              %dma_wait3A_147 = tpu.memref_slice %arg9[%rem3A_108, %dma_wait3A_144, %dma_wait3A_145, %dma_wait3A_146] : memref<2x25x1x80xi32, #tpu.memory_space<vmem>> -> memref<1x25x1x80xi32, #tpu.memory_space<vmem>>
              %dma_wait3A_148 = tpu.memref_squeeze %dma_wait3A_147 : memref<1x25x1x80xi32, #tpu.memory_space<vmem>> -> memref<25x1x80xi32, #tpu.memory_space<vmem>>
              %dma_wait3A_149 = arith.constant 0 : i32
              %dma_wait3A_150 = arith.constant 0 : i32
              %dma_wait3A_151 = tpu.memref_slice %arg4[%add3A_118, %dma_wait3A_149, %dma_wait3A_150] : memref<4008x1x80xi32, #tpu.memory_space<hbm>> -> memref<25x1x80xi32, #tpu.memory_space<hbm>>
              tpu.wait_dma2 semaphore(%run_scoped3A_119 : memref<!tpu.dma_semaphore, #tpu.memory_space<semaphore_mem>>) src(%dma_wait3A_151 : memref<25x1x80xi32, #tpu.memory_space<hbm>>) dst(%dma_wait3A_148 : memref<25x1x80xi32, #tpu.memory_space<vmem>>)
              tpu.yield
            }) : () -> ()
          } else {
          }
        } else {
        }
        %add3A_91 = arith.constant 2 : i32
        %add3A_92 = arith.addi %while3A_37, %add3A_91 : i32
        %lt3A_93 = arith.cmpi slt, %add3A_92, %add3A_8 : i32
        %convert_element_type3A_94 = arith.extui %lt3A_93 : i1 to i32
        %cond3A_95 = arith.constant 0 : i32
        %cond3A_96 = arith.cmpi ne, %convert_element_type3A_94, %cond3A_95 : i32
        scf.if %cond3A_96 {
          %add3A_97 = arith.constant 2 : i32
          %add3A_98 = arith.addi %while3A_37, %add3A_97 : i32
          %sub3A = arith.constant 3 : i32
          %sub3A_99 = arith.subi %add3A_98, %sub3A : i32
          %ge3A = arith.constant 0 : i32
          %ge3A_100 = arith.cmpi sge, %sub3A_99, %ge3A : i32
          %convert_element_type3A_101 = arith.extui %ge3A_100 : i1 to i32
          %cond3A_102 = arith.constant 0 : i32
          %cond3A_103 = arith.cmpi ne, %convert_element_type3A_101, %cond3A_102 : i32
          scf.if %cond3A_103 {
            %dma_wait3A_124 = arith.constant 1 : i32
            %dma_wait3A_125 = arith.constant 0 : i32
            %dma_wait3A_126 = arith.constant 0 : i32
            %dma_wait3A_127 = arith.constant 0 : i32
            %dma_wait3A_128 = arith.constant 0 : i32
            %dma_wait3A_129 = arith.constant 0 : i32
            %dma_wait3A_130 = tpu.memref_slice %arg10[%dma_wait3A_124, %dma_wait3A_128, %dma_wait3A_129] : memref<3x80x128xf32, #tpu.memory_space<vmem>> -> memref<1x80x128xf32, #tpu.memory_space<vmem>>
            %dma_wait3A_131 = tpu.memref_squeeze %dma_wait3A_130 : memref<1x80x128xf32, #tpu.memory_space<vmem>> -> memref<80x128xf32, #tpu.memory_space<vmem>>
            %dma_wait3A_132 = arith.constant 0 : i32
            %dma_wait3A_133 = tpu.memref_slice %arg9[%dma_wait3A_125, %dma_wait3A_126, %dma_wait3A_127, %dma_wait3A_132] : memref<2x25x1x80xi32, #tpu.memory_space<vmem>> -> memref<1x1x1x80xi32, #tpu.memory_space<vmem>>
            %dma_wait3A_134 = tpu.memref_squeeze %dma_wait3A_133 : memref<1x1x1x80xi32, #tpu.memory_space<vmem>> -> memref<80xi32, #tpu.memory_space<vmem>>
            %dma_wait3A_135 = arith.constant 0 : i32
            %dma_wait3A_136 = arith.constant 0 : i32
            %dma_wait3A_137 = tpu.memref_slice %arg7[%dma_wait3A_135, %dma_wait3A_136] : memref<10000x128xf32, #tpu.memory_space<vmem_shared>> -> memref<10000x128xf32, #tpu.memory_space<vmem_shared>>
            tpu.wait_indirect_dma semaphore(%arg15 : memref<!tpu.dma_semaphore, #tpu.memory_space<semaphore_mem>>) src(%dma_wait3A_131 : memref<80x128xf32, #tpu.memory_space<vmem>>) dst(%dma_wait3A_137 : memref<10000x128xf32, #tpu.memory_space<vmem_shared>>)
          } else {
          }
          %add3A_104 = arith.constant 2 : i32
          %add3A_105 = arith.addi %while3A_37, %add3A_104 : i32
          %div3A_106 = arith.constant 25 : i32
          %div3A_107 = arith.divsi %add3A_105, %div3A_106 : i32
          %rem3A_108 = arith.constant 2 : i32
          %rem3A_109 = arith.remsi %div3A_107, %rem3A_108 : i32
          %rem3A_110 = arith.constant 25 : i32
          %rem3A_111 = arith.remsi %add3A_105, %rem3A_110 : i32
          %dma_start3A_112 = arith.constant 0 : i32
          %dma_start3A_113 = arith.constant 1 : i32
          %dma_start3A_114 = arith.constant 0 : i32
          %dma_start3A_115 = arith.constant 0 : i32
          %dma_start3A_116 = tpu.memref_slice %arg10[%dma_start3A_113, %dma_start3A_114, %dma_start3A_115] : memref<3x80x128xf32, #tpu.memory_space<vmem>> -> memref<1x80x128xf32, #tpu.memory_space<vmem>>
          %dma_start3A_117 = tpu.memref_squeeze %dma_start3A_116 : memref<1x80x128xf32, #tpu.memory_space<vmem>> -> memref<80x128xf32, #tpu.memory_space<vmem>>
          %dma_start3A_118 = arith.constant 0 : i32
          %dma_start3A_119 = tpu.memref_slice %arg8[%rem3A_109, %rem3A_111, %dma_start3A_112, %dma_start3A_118] : memref<2x25x1x80xi32, #tpu.memory_space<vmem>> -> memref<1x1x1x80xi32, #tpu.memory_space<vmem>>
          %dma_start3A_120 = tpu.memref_squeeze %dma_start3A_119 : memref<1x1x1x80xi32, #tpu.memory_space<vmem>> -> memref<80xi32, #tpu.memory_space<vmem>>
          %dma_start3A_121 = arith.constant 0 : i32
          %dma_start3A_122 = arith.constant 0 : i32
          %dma_start3A_123 = tpu.memref_slice %arg2[%dma_start3A_121, %dma_start3A_122] : memref<10000x128xf32, #tpu.memory_space<hbm>> -> memref<10000x128xf32, #tpu.memory_space<hbm>>
          tpu.enqueue_indirect_dma source(%dma_start3A_123 : memref<10000x128xf32, #tpu.memory_space<hbm>>) target(%dma_start3A_117 : memref<80x128xf32, #tpu.memory_space<vmem>>) offsets(%dma_start3A_120 : memref<80xi32, #tpu.memory_space<vmem>>) semaphore(%arg12 : memref<!tpu.dma_semaphore, #tpu.memory_space<semaphore_mem>>)
        } else {
        }
      } else {
      }
    }
    %gt3A_26 = arith.constant 0 : i32
    %gt3A_27 = arith.cmpi sgt, %add3A_8, %gt3A_26 : i32
    %convert_element_type3A_28 = arith.extui %gt3A_27 : i1 to i32
    %cond3A_29 = arith.constant 0 : i32
    %cond3A_30 = arith.cmpi ne, %convert_element_type3A_28, %cond3A_29 : i32
    scf.if %cond3A_30 {
      %dma_wait3A = arith.constant 0 : i32
      %dma_wait3A_37 = arith.constant 0 : i32
      %dma_wait3A_38 = arith.constant 0 : i32
      %dma_wait3A_39 = arith.constant 0 : i32
      %dma_wait3A_40 = arith.constant 0 : i32
      %dma_wait3A_41 = arith.constant 0 : i32
      %dma_wait3A_42 = tpu.memref_slice %arg10[%dma_wait3A, %dma_wait3A_40, %dma_wait3A_41] : memref<3x80x128xf32, #tpu.memory_space<vmem>> -> memref<1x80x128xf32, #tpu.memory_space<vmem>>
      %dma_wait3A_43 = tpu.memref_squeeze %dma_wait3A_42 : memref<1x80x128xf32, #tpu.memory_space<vmem>> -> memref<80x128xf32, #tpu.memory_space<vmem>>
      %dma_wait3A_44 = arith.constant 0 : i32
      %dma_wait3A_45 = tpu.memref_slice %arg9[%dma_wait3A_37, %dma_wait3A_38, %dma_wait3A_39, %dma_wait3A_44] : memref<2x25x1x80xi32, #tpu.memory_space<vmem>> -> memref<1x1x1x80xi32, #tpu.memory_space<vmem>>
      %dma_wait3A_46 = tpu.memref_squeeze %dma_wait3A_45 : memref<1x1x1x80xi32, #tpu.memory_space<vmem>> -> memref<80xi32, #tpu.memory_space<vmem>>
      %dma_wait3A_47 = arith.constant 0 : i32
      %dma_wait3A_48 = arith.constant 0 : i32
      %dma_wait3A_49 = tpu.memref_slice %arg7[%dma_wait3A_47, %dma_wait3A_48] : memref<10000x128xf32, #tpu.memory_space<vmem_shared>> -> memref<10000x128xf32, #tpu.memory_space<vmem_shared>>
      tpu.wait_indirect_dma semaphore(%arg14 : memref<!tpu.dma_semaphore, #tpu.memory_space<semaphore_mem>>) src(%dma_wait3A_43 : memref<80x128xf32, #tpu.memory_space<vmem>>) dst(%dma_wait3A_49 : memref<10000x128xf32, #tpu.memory_space<vmem_shared>>)
      %dma_wait3A_50 = arith.constant 1 : i32
      %dma_wait3A_51 = arith.constant 0 : i32
      %dma_wait3A_52 = arith.constant 0 : i32
      %dma_wait3A_53 = arith.constant 0 : i32
      %dma_wait3A_54 = arith.constant 0 : i32
      %dma_wait3A_55 = arith.constant 0 : i32
      %dma_wait3A_56 = tpu.memref_slice %arg10[%dma_wait3A_50, %dma_wait3A_54, %dma_wait3A_55] : memref<3x80x128xf32, #tpu.memory_space<vmem>> -> memref<1x80x128xf32, #tpu.memory_space<vmem>>
      %dma_wait3A_57 = tpu.memref_squeeze %dma_wait3A_56 : memref<1x80x128xf32, #tpu.memory_space<vmem>> -> memref<80x128xf32, #tpu.memory_space<vmem>>
      %dma_wait3A_58 = arith.constant 0 : i32
      %dma_wait3A_59 = tpu.memref_slice %arg9[%dma_wait3A_51, %dma_wait3A_52, %dma_wait3A_53, %dma_wait3A_58] : memref<2x25x1x80xi32, #tpu.memory_space<vmem>> -> memref<1x1x1x80xi32, #tpu.memory_space<vmem>>
      %dma_wait3A_60 = tpu.memref_squeeze %dma_wait3A_59 : memref<1x1x1x80xi32, #tpu.memory_space<vmem>> -> memref<80xi32, #tpu.memory_space<vmem>>
      %dma_wait3A_61 = arith.constant 0 : i32
      %dma_wait3A_62 = arith.constant 0 : i32
      %dma_wait3A_63 = tpu.memref_slice %arg7[%dma_wait3A_61, %dma_wait3A_62] : memref<10000x128xf32, #tpu.memory_space<vmem_shared>> -> memref<10000x128xf32, #tpu.memory_space<vmem_shared>>
      tpu.wait_indirect_dma semaphore(%arg15 : memref<!tpu.dma_semaphore, #tpu.memory_space<semaphore_mem>>) src(%dma_wait3A_57 : memref<80x128xf32, #tpu.memory_space<vmem>>) dst(%dma_wait3A_63 : memref<10000x128xf32, #tpu.memory_space<vmem_shared>>)
      %dma_wait3A_64 = arith.constant 2 : i32
      %dma_wait3A_65 = arith.constant 0 : i32
      %dma_wait3A_66 = arith.constant 0 : i32
      %dma_wait3A_67 = arith.constant 0 : i32
      %dma_wait3A_68 = arith.constant 0 : i32
      %dma_wait3A_69 = arith.constant 0 : i32
      %dma_wait3A_70 = tpu.memref_slice %arg10[%dma_wait3A_64, %dma_wait3A_68, %dma_wait3A_69] : memref<3x80x128xf32, #tpu.memory_space<vmem>> -> memref<1x80x128xf32, #tpu.memory_space<vmem>>
      %dma_wait3A_71 = tpu.memref_squeeze %dma_wait3A_70 : memref<1x80x128xf32, #tpu.memory_space<vmem>> -> memref<80x128xf32, #tpu.memory_space<vmem>>
      %dma_wait3A_72 = arith.constant 0 : i32
      %dma_wait3A_73 = tpu.memref_slice %arg9[%dma_wait3A_65, %dma_wait3A_66, %dma_wait3A_67, %dma_wait3A_72] : memref<2x25x1x80xi32, #tpu.memory_space<vmem>> -> memref<1x1x1x80xi32, #tpu.memory_space<vmem>>
      %dma_wait3A_74 = tpu.memref_squeeze %dma_wait3A_73 : memref<1x1x1x80xi32, #tpu.memory_space<vmem>> -> memref<80xi32, #tpu.memory_space<vmem>>
      %dma_wait3A_75 = arith.constant 0 : i32
      %dma_wait3A_76 = arith.constant 0 : i32
      %dma_wait3A_77 = tpu.memref_slice %arg7[%dma_wait3A_75, %dma_wait3A_76] : memref<10000x128xf32, #tpu.memory_space<vmem_shared>> -> memref<10000x128xf32, #tpu.memory_space<vmem_shared>>
      tpu.wait_indirect_dma semaphore(%arg16 : memref<!tpu.dma_semaphore, #tpu.memory_space<semaphore_mem>>) src(%dma_wait3A_71 : memref<80x128xf32, #tpu.memory_space<vmem>>) dst(%dma_wait3A_77 : memref<10000x128xf32, #tpu.memory_space<vmem_shared>>)
    } else {
    }
    %barrier3A_31 = arith.constant 0 : index
    tpu.barrier barrier_id(%barrier3A_31)
    %lt3A_32 = arith.constant 10 : i32
    %lt3A_33 = arith.cmpi slt, %arg1, %lt3A_32 : i32
    %convert_element_type3A_34 = arith.extui %lt3A_33 : i1 to i32
    %cond3A_35 = arith.constant 0 : i32
    %cond3A_36 = arith.cmpi ne, %convert_element_type3A_34, %cond3A_35 : i32
    scf.if %cond3A_36 {
      %mul3A_37 = arith.constant 1000 : i32
      %mul3A_38 = arith.muli %arg1, %mul3A_37 : i32
      %mul3A_39 = arith.constant 1000 : i32
      %mul3A_40 = arith.muli %arg1, %mul3A_39 : i32
      "tpu.region"() ({
        %run_scoped3A_41 = tpu.sem_alloc : memref<!tpu.dma_semaphore, #tpu.memory_space<semaphore_mem>>
        %dma_start3A = arith.constant 0 : i32
        %dma_start3A_42 = tpu.memref_slice %arg6[%arg0, %mul3A_40, %dma_start3A] : memref<2x10000x128xf32, #tpu.memory_space<hbm>> -> memref<1x1000x128xf32, #tpu.memory_space<hbm>>
        %dma_start3A_43 = tpu.memref_squeeze %dma_start3A_42 : memref<1x1000x128xf32, #tpu.memory_space<hbm>> -> memref<1000x128xf32, #tpu.memory_space<hbm>>
        %dma_start3A_44 = arith.constant 0 : i32
        %dma_start3A_45 = tpu.memref_slice %arg7[%mul3A_38, %dma_start3A_44] : memref<10000x128xf32, #tpu.memory_space<vmem_shared>> -> memref<1000x128xf32, #tpu.memory_space<vmem_shared>>
        tpu.enqueue_dma source(%dma_start3A_45 : memref<1000x128xf32, #tpu.memory_space<vmem_shared>>) target(%dma_start3A_43 : memref<1000x128xf32, #tpu.memory_space<hbm>>) target_semaphore(%run_scoped3A_41 : memref<!tpu.dma_semaphore, #tpu.memory_space<semaphore_mem>>)
        %dma_wait3A = arith.constant 0 : i32
        %dma_wait3A_46 = tpu.memref_slice %arg6[%arg0, %mul3A_40, %dma_wait3A] : memref<2x10000x128xf32, #tpu.memory_space<hbm>> -> memref<1x1000x128xf32, #tpu.memory_space<hbm>>
        %dma_wait3A_47 = tpu.memref_squeeze %dma_wait3A_46 : memref<1x1000x128xf32, #tpu.memory_space<hbm>> -> memref<1000x128xf32, #tpu.memory_space<hbm>>
        %dma_wait3A_48 = arith.constant 0 : i32
        %dma_wait3A_49 = tpu.memref_slice %arg7[%mul3A_38, %dma_wait3A_48] : memref<10000x128xf32, #tpu.memory_space<vmem_shared>> -> memref<1000x128xf32, #tpu.memory_space<vmem_shared>>
        tpu.wait_dma2 semaphore(%run_scoped3A_41 : memref<!tpu.dma_semaphore, #tpu.memory_space<semaphore_mem>>) src(%dma_wait3A_49 : memref<1000x128xf32, #tpu.memory_space<vmem_shared>>) dst(%dma_wait3A_47 : memref<1000x128xf32, #tpu.memory_space<hbm>>)
        tpu.yield
      }) : () -> ()
    } else {
    }
    return
  }
}

module attributes {stable_mosaic.version = 14 : i64} {
  func.func @_tc_mid_body(%arg0: i32, %arg1: memref<2x1000x128xf32, #tpu.memory_space<vmem>>, %arg2: memref<1000x128xf32, #tpu.memory_space<vmem>>, %arg3: memref<1000x8xf32, #tpu.memory_space<vmem>>, %arg4: memref<1x128xf32, #tpu.memory_space<vmem>>, %arg5: memref<128x128xf32, #tpu.memory_space<vmem>>, %arg6: memref<1000x128xf32, #tpu.memory_space<vmem>>) attributes {dimension_semantics = [#tpu.dimension_semantics<arbitrary>], iteration_bounds = array<i64: 10>, scalar_prefetch = 0 : i64, scratch_operands = 0 : i64, tpu.core_type = #tpu.core_type<tc>, window_params = [{transform_indices = @transform_0, window_bounds = array<i64: 2, 1000, 128>}, {transform_indices = @transform_1, window_bounds = array<i64: 1000, 128>}, {transform_indices = @transform_2, window_bounds = array<i64: 1000, 8>}, {pipeline_mode = #tpu.pipeline_mode<synchronous>, transform_indices = @transform_3, window_bounds = array<i64: 1, 128>}, {pipeline_mode = #tpu.pipeline_mode<synchronous>, transform_indices = @transform_4, window_bounds = array<i64: 128, 128>}, {transform_indices = @transform_5, window_bounds = array<i64: 1000, 128>}]} {
    %get3A = arith.constant 0 : index
    %get3A_0 = arith.constant 0 : index
    %get3A_1 = vector.load %arg3[%get3A, %get3A_0] : memref<1000x8xf32, #tpu.memory_space<vmem>>, vector<1000x1xf32>
    %get3A_2 = arith.constant 0 : index
    %get3A_3 = arith.constant 0 : index
    %get3A_4 = arith.constant 0 : index
    %get3A_5 = vector.load %arg1[%get3A_2, %get3A_3, %get3A_4] : memref<2x1000x128xf32, #tpu.memory_space<vmem>>, vector<2x1000x128xf32>
    %reduce_sum3A = arith.constant dense<0.000000e+00> : vector<1000x128xf32>
    %reduce_sum3A_6 = vector.multi_reduction <add>, %get3A_5, %reduce_sum3A [0] : vector<2x1000x128xf32> to vector<1000x128xf32>
    %get3A_7 = arith.constant 0 : index
    %get3A_8 = arith.constant 0 : index
    %get3A_9 = vector.load %arg2[%get3A_7, %get3A_8] : memref<1000x128xf32, #tpu.memory_space<vmem>>, vector<1000x128xf32>
    %add3A = arith.addf %reduce_sum3A_6, %get3A_9 : vector<1000x128xf32>
    %mul3A = vector.broadcast %get3A_1 : vector<1000x1xf32> to vector<1000x128xf32>
    %mul3A_10 = arith.mulf %add3A, %mul3A : vector<1000x128xf32>
    %get3A_11 = arith.constant 0 : index
    %get3A_12 = arith.constant 0 : index
    %get3A_13 = vector.load %arg4[%get3A_11, %get3A_12] : memref<1x128xf32, #tpu.memory_space<vmem>>, vector<1x128xf32>
    %add3A_14 = vector.broadcast %get3A_13 : vector<1x128xf32> to vector<1000x128xf32>
    %add3A_15 = arith.addf %mul3A_10, %add3A_14 : vector<1000x128xf32>
    %max3A = arith.constant 0.000000e+00 : f32
    %max3A_16 = vector.broadcast %max3A : f32 to vector<1000x128xf32>
    %max3A_17 = arith.maximumf %add3A_15, %max3A_16 : vector<1000x128xf32>
    %get3A_18 = arith.constant 0 : index
    %get3A_19 = arith.constant 0 : index
    %get3A_20 = vector.load %arg5[%get3A_18, %get3A_19] : memref<128x128xf32, #tpu.memory_space<vmem>>, vector<128x128xf32>
    %dot_general3A = arith.constant dense<0.000000e+00> : vector<1000x128xf32>
    %dot_general3A_21 = tpu.matmul %max3A_17, %get3A_20, %dot_general3A {dimension_numbers = #tpu.dot_dimension_numbers<[1], [0], [0], [1], [0, 0, 1, 1], [], []>, transpose_lhs_hint = false} : vector<1000x128xf32>, vector<128x128xf32>, vector<1000x128xf32> -> vector<1000x128xf32>
    %mul3A_22 = vector.broadcast %get3A_1 : vector<1000x1xf32> to vector<1000x128xf32>
    %mul3A_23 = arith.mulf %dot_general3A_21, %mul3A_22 : vector<1000x128xf32>
    %swap3A = arith.constant 0 : index
    %swap3A_24 = arith.constant 0 : index
    %swap3A_25 = vector.load %arg6[%swap3A, %swap3A_24] : memref<1000x128xf32, #tpu.memory_space<vmem>>, vector<1000x128xf32>
    tpu.vector_store %arg6[%swap3A, %swap3A_24], %mul3A_23 {strides = array<i32>} : memref<1000x128xf32, #tpu.memory_space<vmem>>, vector<1000x128xf32>,
    return
  }
  func.func @transform_0(%arg0: i32) -> (i32, i32, i32) {
    %c0_i32 = arith.constant 0 : i32
    %c0_i32_0 = arith.constant 0 : i32
    %c0_i32_1 = arith.constant 0 : i32
    return %c0_i32, %arg0, %c0_i32_0 : i32, i32, i32
  }
  func.func @transform_1(%arg0: i32) -> (i32, i32) {
    %c0_i32 = arith.constant 0 : i32
    %c0_i32_0 = arith.constant 0 : i32
    return %arg0, %c0_i32 : i32, i32
  }
  func.func @transform_2(%arg0: i32) -> (i32, i32) {
    %c0_i32 = arith.constant 0 : i32
    %c0_i32_0 = arith.constant 0 : i32
    return %arg0, %c0_i32 : i32, i32
  }
  func.func @transform_3(%arg0: i32) -> (i32, i32) {
    %c0_i32 = arith.constant 0 : i32
    %c0_i32_0 = arith.constant 0 : i32
    %c0_i32_1 = arith.constant 0 : i32
    return %c0_i32, %c0_i32_0 : i32, i32
  }
  func.func @transform_4(%arg0: i32) -> (i32, i32) {
    %c0_i32 = arith.constant 0 : i32
    %c0_i32_0 = arith.constant 0 : i32
    %c0_i32_1 = arith.constant 0 : i32
    return %c0_i32, %c0_i32_0 : i32, i32
  }
  func.func @transform_5(%arg0: i32) -> (i32, i32) {
    %c0_i32 = arith.constant 0 : i32
    %c0_i32_0 = arith.constant 0 : i32
    return %arg0, %c0_i32 : i32, i32
  }
}

module attributes {stable_mosaic.version = 14 : i64} {
  func.func @_tc_first_body(%arg0: i32, %arg1: memref<1000x128xf32, #tpu.memory_space<vmem>>, %arg2: memref<128x128xf32, #tpu.memory_space<vmem>>, %arg3: memref<2x1000x128xf32, #tpu.memory_space<vmem>>, %arg4: memref<1000x128xf32, #tpu.memory_space<vmem>>, %arg5: memref<1000x8xf32, #tpu.memory_space<vmem>>) attributes {dimension_semantics = [#tpu.dimension_semantics<arbitrary>], iteration_bounds = array<i64: 10>, scalar_prefetch = 0 : i64, scratch_operands = 0 : i64, tpu.core_type = #tpu.core_type<tc>, window_params = [{transform_indices = @transform_0, window_bounds = array<i64: 1000, 128>}, {pipeline_mode = #tpu.pipeline_mode<synchronous>, transform_indices = @transform_1, window_bounds = array<i64: 128, 128>}, {transform_indices = @transform_2, window_bounds = array<i64: 2, 1000, 128>}, {transform_indices = @transform_3, window_bounds = array<i64: 1000, 128>}, {transform_indices = @transform_4, window_bounds = array<i64: 1000, 8>}]} {
    %get3A = arith.constant 0 : index
    %get3A_0 = arith.constant 0 : index
    %get3A_1 = arith.constant 0 : index
    %get3A_2 = vector.load %arg3[%get3A, %get3A_0, %get3A_1] : memref<2x1000x128xf32, #tpu.memory_space<vmem>>, vector<2x1000x128xf32>
    %reduce_sum3A = arith.constant dense<0.000000e+00> : vector<1000xf32>
    %reduce_sum3A_3 = vector.multi_reduction <add>, %get3A_2, %reduce_sum3A [0, 2] : vector<2x1000x128xf32> to vector<1000xf32>
    %add3A = arith.constant 1.000000e+00 : f32
    %add3A_4 = vector.broadcast %add3A : f32 to vector<1000xf32>
    %add3A_5 = arith.addf %reduce_sum3A_3, %add3A_4 : vector<1000xf32>
    %rsqrt3A = math.rsqrt %add3A_5 : vector<1000xf32>
    %broadcast_in_dim3A = vector.shape_cast %rsqrt3A : vector<1000xf32> to vector<1000x1xf32>
    %broadcast_in_dim3A_6 = vector.shape_cast %broadcast_in_dim3A : vector<1000x1xf32> to vector<1000x1xf32>
    %broadcast_in_dim3A_7 = vector.broadcast %broadcast_in_dim3A_6 : vector<1000x1xf32> to vector<1000x8xf32>
    %swap3A = arith.constant 0 : index
    %swap3A_8 = arith.constant 0 : index
    %swap3A_9 = vector.load %arg5[%swap3A, %swap3A_8] : memref<1000x8xf32, #tpu.memory_space<vmem>>, vector<1000x8xf32>
    tpu.vector_store %arg5[%swap3A, %swap3A_8], %broadcast_in_dim3A_7 {strides = array<i32>} : memref<1000x8xf32, #tpu.memory_space<vmem>>, vector<1000x8xf32>,
    %get3A_10 = arith.constant 0 : index
    %get3A_11 = arith.constant 0 : index
    %get3A_12 = vector.load %arg1[%get3A_10, %get3A_11] : memref<1000x128xf32, #tpu.memory_space<vmem>>, vector<1000x128xf32>
    %get3A_13 = arith.constant 0 : index
    %get3A_14 = arith.constant 0 : index
    %get3A_15 = vector.load %arg2[%get3A_13, %get3A_14] : memref<128x128xf32, #tpu.memory_space<vmem>>, vector<128x128xf32>
    %dot_general3A = arith.constant dense<0.000000e+00> : vector<1000x128xf32>
    %dot_general3A_16 = tpu.matmul %get3A_12, %get3A_15, %dot_general3A {dimension_numbers = #tpu.dot_dimension_numbers<[1], [0], [0], [1], [0, 0, 1, 1], [], []>, transpose_lhs_hint = false} : vector<1000x128xf32>, vector<128x128xf32>, vector<1000x128xf32> -> vector<1000x128xf32>
    %mul3A = vector.broadcast %broadcast_in_dim3A : vector<1000x1xf32> to vector<1000x128xf32>
    %mul3A_17 = arith.mulf %dot_general3A_16, %mul3A : vector<1000x128xf32>
    %swap3A_18 = arith.constant 0 : index
    %swap3A_19 = arith.constant 0 : index
    %swap3A_20 = vector.load %arg4[%swap3A_18, %swap3A_19] : memref<1000x128xf32, #tpu.memory_space<vmem>>, vector<1000x128xf32>
    tpu.vector_store %arg4[%swap3A_18, %swap3A_19], %mul3A_17 {strides = array<i32>} : memref<1000x128xf32, #tpu.memory_space<vmem>>, vector<1000x128xf32>,
    return
  }
  func.func @transform_0(%arg0: i32) -> (i32, i32) {
    %c0_i32 = arith.constant 0 : i32
    %c0_i32_0 = arith.constant 0 : i32
    return %arg0, %c0_i32 : i32, i32
  }
  func.func @transform_1(%arg0: i32) -> (i32, i32) {
    %c0_i32 = arith.constant 0 : i32
    %c0_i32_0 = arith.constant 0 : i32
    %c0_i32_1 = arith.constant 0 : i32
    return %c0_i32, %c0_i32_0 : i32, i32
  }
  func.func @transform_2(%arg0: i32) -> (i32, i32, i32) {
    %c0_i32 = arith.constant 0 : i32
    %c0_i32_0 = arith.constant 0 : i32
    %c0_i32_1 = arith.constant 0 : i32
    return %c0_i32, %arg0, %c0_i32_0 : i32, i32, i32
  }
  func.func @transform_3(%arg0: i32) -> (i32, i32) {
    %c0_i32 = arith.constant 0 : i32
    %c0_i32_0 = arith.constant 0 : i32
    return %arg0, %c0_i32 : i32, i32
  }
  func.func @transform_4(%arg0: i32) -> (i32, i32) {
    %c0_i32 = arith.constant 0 : i32
    %c0_i32_0 = arith.constant 0 : i32
    return %arg0, %c0_i32 : i32, i32
  }
}

module attributes {stable_mosaic.version = 14 : i64} {
  func.func @_tc_last_body(%arg0: i32, %arg1: memref<2x1000x128xf32, #tpu.memory_space<vmem>>, %arg2: memref<1000x128xf32, #tpu.memory_space<vmem>>, %arg3: memref<1000x8xf32, #tpu.memory_space<vmem>>, %arg4: memref<1x128xf32, #tpu.memory_space<vmem>>, %arg5: memref<1000x128xf32, #tpu.memory_space<vmem>>) attributes {dimension_semantics = [#tpu.dimension_semantics<arbitrary>], iteration_bounds = array<i64: 10>, scalar_prefetch = 0 : i64, scratch_operands = 0 : i64, tpu.core_type = #tpu.core_type<tc>, window_params = [{transform_indices = @transform_0, window_bounds = array<i64: 2, 1000, 128>}, {transform_indices = @transform_1, window_bounds = array<i64: 1000, 128>}, {transform_indices = @transform_2, window_bounds = array<i64: 1000, 8>}, {pipeline_mode = #tpu.pipeline_mode<synchronous>, transform_indices = @transform_3, window_bounds = array<i64: 1, 128>}, {transform_indices = @transform_4, window_bounds = array<i64: 1000, 128>}]} {
    %get3A = arith.constant 0 : index
    %get3A_0 = arith.constant 0 : index
    %get3A_1 = vector.load %arg3[%get3A, %get3A_0] : memref<1000x8xf32, #tpu.memory_space<vmem>>, vector<1000x1xf32>
    %get3A_2 = arith.constant 0 : index
    %get3A_3 = arith.constant 0 : index
    %get3A_4 = arith.constant 0 : index
    %get3A_5 = vector.load %arg1[%get3A_2, %get3A_3, %get3A_4] : memref<2x1000x128xf32, #tpu.memory_space<vmem>>, vector<2x1000x128xf32>
    %reduce_sum3A = arith.constant dense<0.000000e+00> : vector<1000x128xf32>
    %reduce_sum3A_6 = vector.multi_reduction <add>, %get3A_5, %reduce_sum3A [0] : vector<2x1000x128xf32> to vector<1000x128xf32>
    %get3A_7 = arith.constant 0 : index
    %get3A_8 = arith.constant 0 : index
    %get3A_9 = vector.load %arg2[%get3A_7, %get3A_8] : memref<1000x128xf32, #tpu.memory_space<vmem>>, vector<1000x128xf32>
    %add3A = arith.addf %reduce_sum3A_6, %get3A_9 : vector<1000x128xf32>
    %mul3A = vector.broadcast %get3A_1 : vector<1000x1xf32> to vector<1000x128xf32>
    %mul3A_10 = arith.mulf %add3A, %mul3A : vector<1000x128xf32>
    %get3A_11 = arith.constant 0 : index
    %get3A_12 = arith.constant 0 : index
    %get3A_13 = vector.load %arg4[%get3A_11, %get3A_12] : memref<1x128xf32, #tpu.memory_space<vmem>>, vector<1x128xf32>
    %add3A_14 = vector.broadcast %get3A_13 : vector<1x128xf32> to vector<1000x128xf32>
    %add3A_15 = arith.addf %mul3A_10, %add3A_14 : vector<1000x128xf32>
    %swap3A = arith.constant 0 : index
    %swap3A_16 = arith.constant 0 : index
    %swap3A_17 = vector.load %arg5[%swap3A, %swap3A_16] : memref<1000x128xf32, #tpu.memory_space<vmem>>, vector<1000x128xf32>
    tpu.vector_store %arg5[%swap3A, %swap3A_16], %add3A_15 {strides = array<i32>} : memref<1000x128xf32, #tpu.memory_space<vmem>>, vector<1000x128xf32>,
    return
  }
  func.func @transform_0(%arg0: i32) -> (i32, i32, i32) {
    %c0_i32 = arith.constant 0 : i32
    %c0_i32_0 = arith.constant 0 : i32
    %c0_i32_1 = arith.constant 0 : i32
    return %c0_i32, %arg0, %c0_i32_0 : i32, i32, i32
  }
  func.func @transform_1(%arg0: i32) -> (i32, i32) {
    %c0_i32 = arith.constant 0 : i32
    %c0_i32_0 = arith.constant 0 : i32
    return %arg0, %c0_i32 : i32, i32
  }
  func.func @transform_2(%arg0: i32) -> (i32, i32) {
    %c0_i32 = arith.constant 0 : i32
    %c0_i32_0 = arith.constant 0 : i32
    return %arg0, %c0_i32 : i32, i32
  }
  func.func @transform_3(%arg0: i32) -> (i32, i32) {
    %c0_i32 = arith.constant 0 : i32
    %c0_i32_0 = arith.constant 0 : i32
    %c0_i32_1 = arith.constant 0 : i32
    return %c0_i32, %c0_i32_0 : i32, i32
  }
  func.func @transform_4(%arg0: i32) -> (i32, i32) {
    %c0_i32 = arith.constant 0 : i32
    %c0_i32_0 = arith.constant 0 : i32
    return %arg0, %c0_i32 : i32, i32
  }
}

</mosaic_0001>

<sc_bundles>
// kernel: kernel.10.cloned.1.call-start
scs
__scs_entry_jumppad:
0x0: {  	(pc) =	sbr.rel $0x88, $3  }
0x1: {  	(tag) =	ssettag $0x0;
	lr =	simm.s32 $0x1  }
0x2: {  	[smem:$0x3F99] =	sst lr;
	_ =	strace $0xD0000000  }
0x3: {  	_ = 	snop  }
0x4: {  	_ = 	snop  }
0x5: {  	_ = 	snop  }
0x6: {  	_ = 	snop  }
0x7: {  	_ = 	snop  }
__scs_overlays_trampoline_lowered:
0x8: {  	[smem:$0x3FA8] =	sst s0  }
0x9: {  	[smem:$0x3FA9] =	sst s1  }
0xa: {  	[smem:$0x3FAA] =	sst s2  }
0xb: {  	[smem:$0x3FAB] =	sst s3  }
0xc: {  	[smem:$0x3FAC] =	sst s4  }
0xd: {  	[smem:$0x3FAD] =	sst s5  }
0xe: {  	[smem:$0x3FAE] =	sst s6  }
0xf: {  	[smem:$0x3FAF] =	sst s7  }
0x10: {  	[smem:$0x3FB0] =	sst s8  }
0x11: {  	[smem:$0x3FB1] =	sst s9;
	s0 =	simm.s32 @!p0 $0x0  }
0x12: {  	s1 =	sld [smem:$0x3F97];
	s0 =	simm.s32 @p0 $0x1  }
0x13: {  	[smem:$0x3FB2] =	sst s0;
	s0 =	simm.s32 @!p1 $0x0  }
0x14: {  	s2 =	sld [smem:$0x3F96];
	s0 =	simm.s32 @p1 $0x1  }
0x15: {  	[smem:$0x3FB3] =	sst s0;
	s0 =	simm.s32 @!p2 $0x0  }
0x16: {  	s3 =	sld [smem:$0x3FDB];
	s0 =	simm.s32 @p2 $0x1  }
0x17: {  	s4 =	simm.s32 $0x1BF5;
	[smem:$0x3FB5] =	sst s0  }
0x18: {  	s0 =	sld [smem:$0x3F98];
	_ =	swait.ge [sflag:s4], $0x0  }
0x19: {  	s7 =	sld [smem:$0x3F99]  }
0x1a: {  	s8 =	sadd.s32 $0xFFFFE003, lr  }
0x1b: {  	s9 =	sadd.s32 $0xFFFFFEF7, lr;
	s5 =	simm.s32 $0xFFFFFFFF;
	p2 =	slt.u32 s8, $0xFFFFF086  }
0x1c: {  	p1 =	slt.u32 s9, $0xF7A;
	s5 =	simm.s32 @!p2 $0x0  }
0x1d: {  	s5 =	simm.s32 @p1 $0x1;
	p0 =	seq.s32 s7, s2  }
0x1e: {  	s7 =	smul.u32 @!p0 $0xF7A, s2;
	p2 =	seq.s32 @!p0 s5, $0x0  }
0x1f: {  	s9 =	smul.u32 $0xF7A, s1;
	s8 =	simm.s32 @!p0 $0x1BF5;
	p2 =	por !p2, p0  }
0x20: {  	[sflag:s8] =	ssyncset.s32 @!p0 $0xFFFFF086;
	s6 =	sadd.s32 @!p0 s3, s7;
	s7 =	simm.s32 @!p0 $0x108  }
0x21: {  	s3 =	sadd.s32 s3, s9;
	s6 =	sadd.s32 @!p0 $0x88, s6;
	s7 =	simm.s32 @p2 $0x1082  }
0x22: {  	[simem:s7], [sflag:s8] =	dma.local @!p0 [hbm:s6], $0xF7A  }
0x23: {  	s9 =	sor.u32 $0xD0000000, s2;
	s6 =	simm.s32 $0x108;
	_ =	swait.ge @!p0 [sflag:s8], $0x0  }
0x24: {  	s3 =	sadd.s32 $0x88, s3;
	s6 =	simm.s32 @!p1 $0x1082;
	[sflag:s4] =	ssyncset.s32 $0xFFFFF086  }
0x25: {  	[simem:s6], [sflag:s4] =	dma.local [hbm:s3], $0xF7A  }
0x26: {  	[smem:$0x3F99] =	sst s1;
	(tag) =	ssettag s2;
	_ =	strace s9  }
0x27: {  	s1 =	sld [smem:$0x3FA9]  }
0x28: {  	s2 =	sld [smem:$0x3FAA]  }
0x29: {  	s4 =	sld [smem:$0x3FAC]  }
0x2a: {  	p0 =	seq.s32 s5, $0x0;
	s5 =	sld [smem:$0x3FAD]  }
0x2b: {  	s6 =	sld [smem:$0x3FAE]  }
0x2c: {  	s7 =	sld [smem:$0x3FAF]  }
0x2d: {  	s3 =	simm.s32 $0x108;
	s8 =	sld [smem:$0x3FB0]  }
0x2e: {  	s3 =	simm.s32 @!p0 $0x1082;
	s9 =	sld [smem:$0x3FB1]  }
0x2f: {  	lr =	sadd.s32 s0, s3;
	s0 =	sld [smem:$0x3FA8]  }
0x30: {  	s3 =	sld [smem:$0x3FAB]  }
0x31: {  	[smem:$0x3FB4] =	sst s10  }
0x32: {  	s10 =	sld [smem:$0x3FB2];
	_ =	sdelay $0x3  }
0x33: {  	p0 =	seq.s32 s10, $0x1;
	s10 =	sld [smem:$0x3FB4];
	_ =	sdelay $0x3  }
0x34: {  	[smem:$0x3FB4] =	sst s10  }
0x35: {  	s10 =	sld [smem:$0x3FB3];
	_ =	sdelay $0x3  }
0x36: {  	p1 =	seq.s32 s10, $0x1;
	s10 =	sld [smem:$0x3FB4];
	_ =	sdelay $0x3  }
0x37: {  	[smem:$0x3FB4] =	sst s10  }
0x38: {  	s10 =	sld [smem:$0x3FB5]  }
0x39: {  	_ = 	snop;
	(pc) =	sbr.ind lr, $3  }
0x3a: {  	_ = 	snop  }
0x3b: {  	_ = 	snop  }
0x3c: {  	p2 =	seq.s32 s10, $0x1;
	s10 =	sld [smem:$0x3FB4]  }
0x3d: {  	_ =	shalt  }
0x3e: {  	_ =	shalt  }
0x3f: {  	_ =	shalt  }
0x40: {  	_ =	shalt  }
0x41: {  	_ =	shalt  }
0x42: {  	_ =	shalt  }
0x43: {  	_ =	shalt  }
0x44: {  	_ =	shalt  }
0x45: {  	_ =	shalt  }
0x46: {  	_ =	shalt  }
0x47: {  	_ =	shalt  }
0x48: {  	_ =	shalt  }
0x49: {  	_ =	shalt  }
0x4a: {  	_ =	shalt  }
0x4b: {  	_ =	shalt  }
0x4c: {  	_ =	shalt  }
0x4d: {  	_ =	shalt  }
0x4e: {  	_ =	shalt  }
0x4f: {  	_ =	shalt  }
0x50: {  	_ =	shalt  }
0x51: {  	_ =	shalt  }
0x52: {  	_ =	shalt  }
0x53: {  	_ =	shalt  }
0x54: {  	_ =	shalt  }
0x55: {  	_ =	shalt  }
0x56: {  	_ =	shalt  }
0x57: {  	_ =	shalt  }
0x58: {  	_ =	shalt  }
0x59: {  	_ =	shalt  }
0x5a: {  	_ =	shalt  }
0x5b: {  	_ =	shalt  }
0x5c: {  	_ =	shalt  }
0x5d: {  	_ =	shalt  }
0x5e: {  	_ =	shalt  }
0x5f: {  	_ =	shalt  }
0x60: {  	_ =	shalt  }
0x61: {  	_ =	shalt  }
0x62: {  	_ =	shalt  }
0x63: {  	_ =	shalt  }
0x64: {  	_ =	shalt  }
0x65: {  	_ =	shalt  }
0x66: {  	_ =	shalt  }
0x67: {  	_ =	shalt  }
0x68: {  	_ =	shalt  }
0x69: {  	_ =	shalt  }
0x6a: {  	_ =	shalt  }
0x6b: {  	_ =	shalt  }
0x6c: {  	_ =	shalt  }
0x6d: {  	_ =	shalt  }
0x6e: {  	_ =	shalt  }
0x6f: {  	_ =	shalt  }
0x70: {  	_ =	shalt  }
0x71: {  	_ =	shalt  }
0x72: {  	_ =	shalt  }
0x73: {  	_ =	shalt  }
0x74: {  	_ =	shalt  }
0x75: {  	_ =	shalt  }
0x76: {  	_ =	shalt  }
0x77: {  	_ =	shalt  }
0x78: {  	_ =	shalt  }
0x79: {  	_ =	shalt  }
0x7a: {  	_ =	shalt  }
0x7b: {  	_ =	shalt  }
0x7c: {  	_ =	shalt  }
0x7d: {  	_ =	shalt  }
0x7e: {  	_ =	shalt  }
0x7f: {  	_ =	shalt  }
0x80: {  	_ =	shalt  }
0x81: {  	_ =	shalt  }
0x82: {  	_ =	shalt  }
0x83: {  	_ =	shalt  }
0x84: {  	_ =	shalt  }
0x85: {  	_ =	shalt  }
0x86: {  	_ =	shalt  }
0x87: {  	_ =	shalt  }
.Lfunc_end0:
.L_simem_size_0:
called_computation_lowered:
.L_overlay_start_0:
0x88: {  	s2 =	sld [smem:$0x3FD9]  }
0x89: {  	s3 =	sld [smem:$0x3FFE];
	_ =	sdelay $0x1  }
0x8a: {  	s1 =	srdreg.scid  }
0x8b: {  	s0 =	sand.u32 $0x1, s1  }
0x8c: {  	s17 =	sshll.u32 s0, $0xA;
	s2 =	sadd.s32 s3, s2  }
0x8d: {  	s2 =	sadd.s32 s2, s17  }
0x8e: {  	[smem:$0x3FC0] =	sst s2  }
0x8f: {  	_ = 	snop  }
0x90: {  	s2 =	sld [smem:$0x3FD0];
	(tm) =	ssettm $0x1  }
0x91: {  	s18 =	sld [smem:$0x3FFB];
	_ =	sdelay $0x3  }
0x92: {  	_ =	strace s18  }
0x93: {  	s3 =	sld [smem:$0x3FFC];
	_ =	sdelay $0x3  }
0x94: {  	_ =	strace s3  }
0x95: {  	s3 =	sld [smem:$0x3FFD];
	_ =	sdelay $0x3  }
0x96: {  	_ =	strace s3  }
0x97: {  	_ =	strace $0x8FFFFFFF  }
0x98: {  	s19 =	sld [smem:$0x3FDB];
	_ =	sdelay $0x1  }
0x99: {  	s4 =	simm.s32 $_scs_section_size  }
0x9a: {  	s5 =	simm.s32 $_size__tile_overlayer_lowered;
	s6 =	simm.s32 $_tile_overlayer_lowered  }
0x9b: {  	s22 =	simm.s32 $0x1BFF;
	s21 =	sshll.u32 s6, $0x1;
	s3 =	sadd.s32 s4, s19  }
0x9c: {  	s7 =	simm.s32 $0x0;
	s20 =	sshll.u32 s5, $0x1;
	s5 =	sadd.s32 s21, s3  }
0x9d: {  	[timem:s7], [sflag:s22] =	dma.local [hbm:s5], s20  }
0x9e: {  	_ =	swait.ge [sflag:s22], s20  }
0x9f: {  	s4 =	ssub.s32 $0x0, s20;
	[sflag:s22] =	ssyncset.done $0x0  }
0xa0: {  	[sflag:s22] =	ssyncadd.s32 s4;
	_ =	sdelay $0x1  }
0xa1: {  	s23 =	simm.s32 $0x1B8B  }
0xa2: {  	_ =	swait.ge [sflag:s23], $0x1  }
0xa3: {  	[sflag:s23] =	ssyncset.done $0x0  }
0xa4: {  	s25 =	simm.s32 $0x1B8E;
	s24 =	sld [smem:$0x3FFE];
	[sflag:s23] =	ssyncadd.s32 $0xFFFFFFFF  }
0xa5: {  	s26 =	simm.s32 $execute0_lowered;
	[smem:$0x3FD2] =	sst s25  }
0xa6: {  	s5 =	sshll.u32 s26, $0x1;
	_ =	strace $0x80000046;
	[dreg:$0x1] =	wrdreg $0xFFFFFFFF  }
0xa7: {  	s28 =	simm.s32 $_size_execute0_lowered;
	s3 =	sadd.s32 s3, s5;
	[dreg:$0x0] =	wrdreg $0x0  }
0xa8: {  	s5 =	sshll.u32 s28, $0x1;
	[dreg:$0x2] =	wrdreg s3  }
0xa9: {  	[dreg:$0x3] =	wrdreg s5  }
0xaa: {  	[dreg:$0x4] =	wrdreg $0xC0  }
0xab: {  	_ =	task [dreg:s7], $0x5FFFF  }
0xac: {  	[dreg:$0x1] =	wrdreg $0xFFFFFFFF  }
0xad: {  	[dreg:$0x0] =	wrdreg $0x60  }
0xae: {  	[dreg:$0x2] =	wrdreg s24  }
0xaf: {  	[dreg:$0x3] =	wrdreg s2  }
0xb0: {  	[dreg:$0x4] =	wrdreg $0x0  }
0xb1: {  	[dreg:$0x5] =	wrdreg $0x9  }
0xb2: {  	_ =	task.clear_ibuf [dreg:s7], $0x6FFFF;
	_ =	strace $0x90000046  }
0xb3: {  	s29 =	simm.s32 $0x9;
	_ =	strace $0x80000048  }
0xb4: {  	_ =	swait.ge [sflag:s29], $0x1  }
0xb5: {  	[sflag:s29] =	ssyncadd.s32 $0xFFFFFFFF  }
0xb6: {  	_ =	strace $0x90000048  }
0xb7: {  	_ =	sfence  }
0xb8: {  	s30 =	sld [smem:$0x0];
	_ =	sdelay $0x2  }
0xb9: {  	s31 =	sshll.u32 s1, $0xD;
	s1 =	sshrl.u32 s1, $0x2  }
0xba: {  	s3 =	sand.u32 $0x4000, s31;
	s1 =	sadd.s32 s1, s30  }
0xbb: {  	s0 =	sor.u32 s3, s0;
	s1 =	sshll.u32 s1, $0x11  }
0xbc: {  	s0 =	sor.u32 s1, s0  }
0xbd: {  	s0 =	sadd.s32 $0x8F2B, s0  }
0xbe: {  	[sflag:s0] =	ssyncadd.remote.s32 $0x1  }
0xbf: {  	_ =	sfence.sel $0xFFFF  }
0xc0: {  	[dreg:$0x0] =	wrdreg $0xFFFFFFFF;
	(pc) =	sbr.abs _section_cstart, $3  }
0xc1: {  	[dreg:$0x1] =	wrdreg $0xFFFFFFFF  }
0xc2: {  	_ =	task.clear_ibuf [dreg:s7], $0x2FFFF;
	_ =	strace $0x9FFFFFFF  }
0xc3: {  	(tm) =	ssettm $0x7FFFFFFF  }
tec
execute0_lowered:
.L_overlay_start_1:
0x0: {  	(tag) =	ssettag $0x1  }
0x1: {  	s6 =	rddreg [dreg:$0x0]  }
0x2: {  	s1 =	srdreg.scid;
	s2 =	rddreg [dreg:$0x1]  }
0x3: {  	s0 =	stileid.u32;
	s3 =	rddreg [dreg:$0x2];
	s4 =	simm.s32 $0x0  }
0x4: {  	s13 =	simm.s32 $0x13880;
	s14 =	simm.s32 $0x50;
	s15 =	simm.s32 $0x1  }
0x5: {  	s16 =	simm.s32 $0x0;
	s7 =	sand.u32 $0x1, s1;
	s9 =	smul.u32 $0x1F400, s0  }
0x6: {  	s29 =	sshll.u32 s0, $0x1;
	[smem:$0x7FF] =	sst s4;
	s30 =	smul.u32 $0x7D000, s0  }
0x7: {  	p0 =	sgt.u32 s0, $0x9;
	s1 =	sor.u32 s7, s29;
	s8 =	smul.u32 $0x138800, s7  }
0x8: {  	s7 =	ssub.s32 $0x2, s7;
	s5 =	smul.u32 $0x7D0, s1;
	s1 =	rddreg [dreg:$0x3]  }
0x9: {  	_ =	strace $0x80000047;
	s31 =	sshrl.u32 s7, $0x1;
	s8 =	sadd.s32 s9, s8  }
0xa: {  	s9 =	sshrl.u32 s30, $0x2;
	s11 =	ssub.s32 s7, s31;
	s10 =	sadd.s32 s5, s6  }
0xb: {  	s5 =	sadd.s32 $0x12800, s6;
	s8 =	sshrl.u32 s8, $0x3;
	s12 =	sadd.s32 s9, s3  }
0xc: {  	s9 =	sshll.u32 @!p0 s0, $0x6;
	s8 =	sadd.s32 s8, s6;
	s6 =	sadd.s32 $0x2C00, s10  }
0xd: {  	s9 =	sor.u32 @!p0 $0x1C02, s9;
	s10 =	sshrl.u32 @!p0 s12, $0x3;
	s12 =	simm.s32 $0x2  }
0xe: {  	s7 =	sadd.s32 $0x16800, s8;
	s8 =	smax.u32 s11, $0x1;
	s11 =	simm.s32 $0x17780  }
.LBB2_1:
0xf: {  	[spmem:s10], [sflag:s9] =	dma.local @!p0 [hbm:s5], $0x3E80  }
0x10: {  	s17 =	simm.s32 @!p0 $0x2  }
0x11: {  	_ =	swait.ge @!p0 [sflag:s17], $0x3E80  }
0x12: {  	[sflag:s17] =	ssyncset.done @!p0 $0x0  }
0x13: {  	[sflag:s17] =	ssyncadd.s32 @!p0 $0xFFFFC180  }
0x14: {  	[tilespmem:s11], [sflag:$0x2] =	stream.linear.gather [hbm4b:s2+s4], $0x2800, $0x38;
	[tilespmem:$0x19F80] =	vst v63  }
0x15: {  	_ =	swait.ge [sflag:s12], $0x2800  }
0x16: {  	[sflag:s12] =	ssyncset.done $0x0  }
0x17: {  	[sflag:s12] =	ssyncadd.s32 $0xFFFFD800  }
0x18: {  	[tilespmem:s13], [sflag:$0x2] =	stream.linear.gather [hbm4b:s6+s4], $0x3F00, $0x38;
	[tilespmem:$0x19F80] =	vst v63  }
0x19: {  	_ =	swait.ge [sflag:s12], $0x3F00  }
0x1a: {  	[sflag:s12] =	ssyncset.done $0x0  }
0x1b: {  	[sflag:s12] =	ssyncadd.s32 $0xFFFFC100  }
0x1c: {  	s17 =	simm.s32 $0x0;
	[bflag:$0x0] =	sbarrier.arrive $0xFFFF  }
.LBB2_2:
0x1d: {  	p1 =	sne.s32 s17, $0xF800  }
.Ltmp0:
0x1e: {  	_ = 	snop;
	(pc) =	sbr.rel @p1 .LBB2_2-.Ltmp0, $4  }
0x1f: {  	_ = 	snop  }
0x20: {  	s18 =	sshra.s32 s17, $0x2  }
0x21: {  	s17 =	sadd.s32 $0x200, s17;
	s18 =	sadd.s32 $0x13880, s18  }
0x22: {  	[spmem:s3] =	stream.indirect.scatter.add.f32 [tilespmem:s11], [sflag:$0x1], $0x80, s18, s14, $0xb8;
	[tilespmem:$0x19F80] =	vst v63  }
0x23: {  	_ =	swait.ge [sflag:s15], $0x2800  }
0x24: {  	s17 =	simm.s32 $0x7C;
	[sflag:s15] =	ssyncset.done $0x0  }
.LBB2_4:
0x25: {  	p1 =	sne.s32 s17, $0x1;
	s17 =	sadd.s32 $0xFFFFFFFF, s17;
	[sflag:s15] =	ssyncadd.s32 $0xFFFFD800  }
.Ltmp1:
0x26: {  	(pc) =	sbr.rel @p1 .LBB2_4-.Ltmp1, $3  }
0x27: {  	_ =	sdelay $0x1  }
0x28: {  	_ =	swait.ge [sflag:s15], $0x2800  }
0x29: {  	[sflag:s15] =	ssyncset.done $0x0  }
0x2a: {  	s16 =	sadd.s32 $0x1, s16  }
0x2b: {  	[sflag:s15] =	ssyncadd.s32 $0xFFFFD800;
	p1 =	sne.s32 s16, s8  }
.Ltmp2:
0x2c: {  	s17 =	simm.s32 @!p0 $0x2;
	[bflag:$0x0] =	sbarrier.arrive $0xFFFF;
	(pc) =	sbr.rel @p1 .LBB2_1-.Ltmp2, $4  }
0x2d: {  	[hbm:s7], [sflag:s9] =	dma.local @!p0 [spmem:s10], $0x3E80  }
0x2e: {  	_ =	swait.ge @!p0 [sflag:s17], $0x3E80  }
0x2f: {  	[sflag:s17] =	ssyncset.done @!p0 $0x0  }
0x30: {  	[sflag:s17] =	ssyncadd.s32 @!p0 $0xFFFFC180  }
0x31: {  	_ =	sfence.sel $0x180000  }
0x32: {  	[bflag:$0x0] =	sbarrier.arrive $0xFFFF  }
0x33: {  	p0 =	sne.s32 s0, $0x0;
	_ =	strace $0x90000047  }
0x34: {  	s0 =	sadd.s32 @!p0 $0x100000, s1;
	[bflag:$0x2] =	sbarrier.arrive $0xFFFF  }
0x35: {  	[sflag:s0] =	ssyncadd.tile.s32 @!p0 $0x1;
	_ =	shalt  }
.Lfunc_end2:
_tile_overlayer_lowered:
.L_overlay_start_2:
0x36: {  	(tag) =	ssettag $0x2  }
0x37: {  	s0 =	rddreg [dreg:$0x0];
	s2 =	stileid.u32  }
0x38: {  	s1 =	rddreg [dreg:$0x1];
	p0 =	sne.s32 s2, $0x0  }
0x39: {  	s3 =	rddreg [dreg:$0x2];
	[bflag:$0x3] =	sbarrier.arrive $0xFFFF;
	s2 =	simm.s32 @!p0 $0x1C02  }
0x3a: {  	[timem:s3], [sflag:s2] =	dma.local @!p0 [hbm:s0], s1  }
0x3b: {  	s0 =	simm.s32 @!p0 $0x2  }
0x3c: {  	_ =	swait.ge @!p0 [sflag:s0], s1  }
0x3d: {  	s1 =	ssub.s32 @!p0 $0x0, s1;
	[sflag:s0] =	ssyncset.done @!p0 $0x0  }
0x3e: {  	[sflag:s0] =	ssyncadd.s32 @!p0 s1  }
0x3f: {  	[bflag:$0x3] =	sbarrier.arrive $0xFFFF  }
0x40: {  	_ =	shalt  }

// kernel: kernel.13.cloned.1.call-start
scs
__scs_entry_jumppad:
0x0: {  	(pc) =	sbr.rel $0x88, $3  }
0x1: {  	(tag) =	ssettag $0x0;
	lr =	simm.s32 $0x1  }
0x2: {  	[smem:$0x3F99] =	sst lr;
	_ =	strace $0xD0000000  }
0x3: {  	_ = 	snop  }
0x4: {  	_ = 	snop  }
0x5: {  	_ = 	snop  }
0x6: {  	_ = 	snop  }
0x7: {  	_ = 	snop  }
__scs_overlays_trampoline_lowered:
0x8: {  	[smem:$0x3FA8] =	sst s0  }
0x9: {  	[smem:$0x3FA9] =	sst s1  }
0xa: {  	[smem:$0x3FAA] =	sst s2  }
0xb: {  	[smem:$0x3FAB] =	sst s3  }
0xc: {  	[smem:$0x3FAC] =	sst s4  }
0xd: {  	[smem:$0x3FAD] =	sst s5  }
0xe: {  	[smem:$0x3FAE] =	sst s6  }
0xf: {  	[smem:$0x3FAF] =	sst s7  }
0x10: {  	[smem:$0x3FB0] =	sst s8  }
0x11: {  	[smem:$0x3FB1] =	sst s9;
	s0 =	simm.s32 @!p0 $0x0  }
0x12: {  	s1 =	sld [smem:$0x3F97];
	s0 =	simm.s32 @p0 $0x1  }
0x13: {  	[smem:$0x3FB2] =	sst s0;
	s0 =	simm.s32 @!p1 $0x0  }
0x14: {  	s2 =	sld [smem:$0x3F96];
	s0 =	simm.s32 @p1 $0x1  }
0x15: {  	[smem:$0x3FB3] =	sst s0;
	s0 =	simm.s32 @!p2 $0x0  }
0x16: {  	s3 =	sld [smem:$0x3FDB];
	s0 =	simm.s32 @p2 $0x1  }
0x17: {  	s4 =	simm.s32 $0x1BF5;
	[smem:$0x3FB5] =	sst s0  }
0x18: {  	s0 =	sld [smem:$0x3F98];
	_ =	swait.ge [sflag:s4], $0x0  }
0x19: {  	s7 =	sld [smem:$0x3F99]  }
0x1a: {  	s8 =	sadd.s32 $0xFFFFE003, lr  }
0x1b: {  	s9 =	sadd.s32 $0xFFFFFEF7, lr;
	s5 =	simm.s32 $0xFFFFFFFF;
	p2 =	slt.u32 s8, $0xFFFFF086  }
0x1c: {  	p1 =	slt.u32 s9, $0xF7A;
	s5 =	simm.s32 @!p2 $0x0  }
0x1d: {  	s5 =	simm.s32 @p1 $0x1;
	p0 =	seq.s32 s7, s2  }
0x1e: {  	s7 =	smul.u32 @!p0 $0xF7A, s2;
	p2 =	seq.s32 @!p0 s5, $0x0  }
0x1f: {  	s9 =	smul.u32 $0xF7A, s1;
	s8 =	simm.s32 @!p0 $0x1BF5;
	p2 =	por !p2, p0  }
0x20: {  	[sflag:s8] =	ssyncset.s32 @!p0 $0xFFFFF086;
	s6 =	sadd.s32 @!p0 s3, s7;
	s7 =	simm.s32 @!p0 $0x108  }
0x21: {  	s3 =	sadd.s32 s3, s9;
	s6 =	sadd.s32 @!p0 $0x88, s6;
	s7 =	simm.s32 @p2 $0x1082  }
0x22: {  	[simem:s7], [sflag:s8] =	dma.local @!p0 [hbm:s6], $0xF7A  }
0x23: {  	s9 =	sor.u32 $0xD0000000, s2;
	s6 =	simm.s32 $0x108;
	_ =	swait.ge @!p0 [sflag:s8], $0x0  }
0x24: {  	s3 =	sadd.s32 $0x88, s3;
	s6 =	simm.s32 @!p1 $0x1082;
	[sflag:s4] =	ssyncset.s32 $0xFFFFF086  }
0x25: {  	[simem:s6], [sflag:s4] =	dma.local [hbm:s3], $0xF7A  }
0x26: {  	[smem:$0x3F99] =	sst s1;
	(tag) =	ssettag s2;
	_ =	strace s9  }
0x27: {  	s1 =	sld [smem:$0x3FA9]  }
0x28: {  	s2 =	sld [smem:$0x3FAA]  }
0x29: {  	s4 =	sld [smem:$0x3FAC]  }
0x2a: {  	p0 =	seq.s32 s5, $0x0;
	s5 =	sld [smem:$0x3FAD]  }
0x2b: {  	s6 =	sld [smem:$0x3FAE]  }
0x2c: {  	s7 =	sld [smem:$0x3FAF]  }
0x2d: {  	s3 =	simm.s32 $0x108;
	s8 =	sld [smem:$0x3FB0]  }
0x2e: {  	s3 =	simm.s32 @!p0 $0x1082;
	s9 =	sld [smem:$0x3FB1]  }
0x2f: {  	lr =	sadd.s32 s0, s3;
	s0 =	sld [smem:$0x3FA8]  }
0x30: {  	s3 =	sld [smem:$0x3FAB]  }
0x31: {  	[smem:$0x3FB4] =	sst s10  }
0x32: {  	s10 =	sld [smem:$0x3FB2];
	_ =	sdelay $0x3  }
0x33: {  	p0 =	seq.s32 s10, $0x1;
	s10 =	sld [smem:$0x3FB4];
	_ =	sdelay $0x3  }
0x34: {  	[smem:$0x3FB4] =	sst s10  }
0x35: {  	s10 =	sld [smem:$0x3FB3];
	_ =	sdelay $0x3  }
0x36: {  	p1 =	seq.s32 s10, $0x1;
	s10 =	sld [smem:$0x3FB4];
	_ =	sdelay $0x3  }
0x37: {  	[smem:$0x3FB4] =	sst s10  }
0x38: {  	s10 =	sld [smem:$0x3FB5]  }
0x39: {  	_ = 	snop;
	(pc) =	sbr.ind lr, $3  }
0x3a: {  	_ = 	snop  }
0x3b: {  	_ = 	snop  }
0x3c: {  	p2 =	seq.s32 s10, $0x1;
	s10 =	sld [smem:$0x3FB4]  }
0x3d: {  	_ =	shalt  }
0x3e: {  	_ =	shalt  }
0x3f: {  	_ =	shalt  }
0x40: {  	_ =	shalt  }
0x41: {  	_ =	shalt  }
0x42: {  	_ =	shalt  }
0x43: {  	_ =	shalt  }
0x44: {  	_ =	shalt  }
0x45: {  	_ =	shalt  }
0x46: {  	_ =	shalt  }
0x47: {  	_ =	shalt  }
0x48: {  	_ =	shalt  }
0x49: {  	_ =	shalt  }
0x4a: {  	_ =	shalt  }
0x4b: {  	_ =	shalt  }
0x4c: {  	_ =	shalt  }
0x4d: {  	_ =	shalt  }
0x4e: {  	_ =	shalt  }
0x4f: {  	_ =	shalt  }
0x50: {  	_ =	shalt  }
0x51: {  	_ =	shalt  }
0x52: {  	_ =	shalt  }
0x53: {  	_ =	shalt  }
0x54: {  	_ =	shalt  }
0x55: {  	_ =	shalt  }
0x56: {  	_ =	shalt  }
0x57: {  	_ =	shalt  }
0x58: {  	_ =	shalt  }
0x59: {  	_ =	shalt  }
0x5a: {  	_ =	shalt  }
0x5b: {  	_ =	shalt  }
0x5c: {  	_ =	shalt  }
0x5d: {  	_ =	shalt  }
0x5e: {  	_ =	shalt  }
0x5f: {  	_ =	shalt  }
0x60: {  	_ =	shalt  }
0x61: {  	_ =	shalt  }
0x62: {  	_ =	shalt  }
0x63: {  	_ =	shalt  }
0x64: {  	_ =	shalt  }
0x65: {  	_ =	shalt  }
0x66: {  	_ =	shalt  }
0x67: {  	_ =	shalt  }
0x68: {  	_ =	shalt  }
0x69: {  	_ =	shalt  }
0x6a: {  	_ =	shalt  }
0x6b: {  	_ =	shalt  }
0x6c: {  	_ =	shalt  }
0x6d: {  	_ =	shalt  }
0x6e: {  	_ =	shalt  }
0x6f: {  	_ =	shalt  }
0x70: {  	_ =	shalt  }
0x71: {  	_ =	shalt  }
0x72: {  	_ =	shalt  }
0x73: {  	_ =	shalt  }
0x74: {  	_ =	shalt  }
0x75: {  	_ =	shalt  }
0x76: {  	_ =	shalt  }
0x77: {  	_ =	shalt  }
0x78: {  	_ =	shalt  }
0x79: {  	_ =	shalt  }
0x7a: {  	_ =	shalt  }
0x7b: {  	_ =	shalt  }
0x7c: {  	_ =	shalt  }
0x7d: {  	_ =	shalt  }
0x7e: {  	_ =	shalt  }
0x7f: {  	_ =	shalt  }
0x80: {  	_ =	shalt  }
0x81: {  	_ =	shalt  }
0x82: {  	_ =	shalt  }
0x83: {  	_ =	shalt  }
0x84: {  	_ =	shalt  }
0x85: {  	_ =	shalt  }
0x86: {  	_ =	shalt  }
0x87: {  	_ =	shalt  }
.Lfunc_end0:
.L_simem_size_0:
called_computation.1_lowered:
.L_overlay_start_0:
0x88: {  	s2 =	sld [smem:$0x3FD9]  }
0x89: {  	s3 =	sld [smem:$0x3FFE];
	_ =	sdelay $0x1  }
0x8a: {  	s1 =	srdreg.scid  }
0x8b: {  	s0 =	sand.u32 $0x1, s1  }
0x8c: {  	s17 =	sshll.u32 s0, $0xA;
	s2 =	sadd.s32 s3, s2  }
0x8d: {  	s2 =	sadd.s32 s2, s17  }
0x8e: {  	[smem:$0x3FC0] =	sst s2  }
0x8f: {  	_ = 	snop  }
0x90: {  	s2 =	sld [smem:$0x3FD0];
	(tm) =	ssettm $0x1  }
0x91: {  	s18 =	sld [smem:$0x3FFB];
	_ =	sdelay $0x3  }
0x92: {  	_ =	strace s18  }
0x93: {  	s3 =	sld [smem:$0x3FFC];
	_ =	sdelay $0x3  }
0x94: {  	_ =	strace s3  }
0x95: {  	s3 =	sld [smem:$0x3FFD];
	_ =	sdelay $0x3  }
0x96: {  	_ =	strace s3  }
0x97: {  	_ =	strace $0x8FFFFFFF  }
0x98: {  	s19 =	sld [smem:$0x3FDB];
	_ =	sdelay $0x1  }
0x99: {  	s4 =	simm.s32 $_scs_section_size  }
0x9a: {  	s5 =	simm.s32 $_size__tile_overlayer_lowered;
	s6 =	simm.s32 $_tile_overlayer_lowered  }
0x9b: {  	s22 =	simm.s32 $0x1BFF;
	s21 =	sshll.u32 s6, $0x1;
	s3 =	sadd.s32 s4, s19  }
0x9c: {  	s7 =	simm.s32 $0x0;
	s20 =	sshll.u32 s5, $0x1;
	s5 =	sadd.s32 s21, s3  }
0x9d: {  	[timem:s7], [sflag:s22] =	dma.local [hbm:s5], s20  }
0x9e: {  	_ =	swait.ge [sflag:s22], s20  }
0x9f: {  	s4 =	ssub.s32 $0x0, s20;
	[sflag:s22] =	ssyncset.done $0x0  }
0xa0: {  	[sflag:s22] =	ssyncadd.s32 s4;
	_ =	sdelay $0x1  }
0xa1: {  	s23 =	simm.s32 $0x1B8B  }
0xa2: {  	_ =	swait.ge [sflag:s23], $0x1  }
0xa3: {  	[sflag:s23] =	ssyncset.done $0x0  }
0xa4: {  	s25 =	simm.s32 $0x1B8E;
	s24 =	sld [smem:$0x3FFE];
	[sflag:s23] =	ssyncadd.s32 $0xFFFFFFFF  }
0xa5: {  	s26 =	simm.s32 $execute0_lowered;
	[smem:$0x3FD2] =	sst s25  }
0xa6: {  	s5 =	sshll.u32 s26, $0x1;
	_ =	strace $0x80000049;
	[dreg:$0x1] =	wrdreg $0xFFFFFFFF  }
0xa7: {  	s28 =	simm.s32 $_size_execute0_lowered;
	s3 =	sadd.s32 s3, s5;
	[dreg:$0x0] =	wrdreg $0x0  }
0xa8: {  	s5 =	sshll.u32 s28, $0x1;
	[dreg:$0x2] =	wrdreg s3  }
0xa9: {  	[dreg:$0x3] =	wrdreg s5  }
0xaa: {  	[dreg:$0x4] =	wrdreg $0xC0  }
0xab: {  	_ =	task [dreg:s7], $0x5FFFF  }
0xac: {  	[dreg:$0x1] =	wrdreg $0xFFFFFFFF  }
0xad: {  	[dreg:$0x0] =	wrdreg $0x60  }
0xae: {  	[dreg:$0x2] =	wrdreg s2  }
0xaf: {  	[dreg:$0x3] =	wrdreg s24  }
0xb0: {  	[dreg:$0x4] =	wrdreg $0x0  }
0xb1: {  	[dreg:$0x5] =	wrdreg $0x9  }
0xb2: {  	_ =	task.clear_ibuf [dreg:s7], $0x6FFFF;
	_ =	strace $0x90000049  }
0xb3: {  	s29 =	simm.s32 $0x9;
	_ =	strace $0x8000004B  }
0xb4: {  	_ =	swait.ge [sflag:s29], $0x1  }
0xb5: {  	[sflag:s29] =	ssyncadd.s32 $0xFFFFFFFF  }
0xb6: {  	_ =	strace $0x9000004B  }
0xb7: {  	_ =	sfence  }
0xb8: {  	s30 =	sld [smem:$0x0];
	_ =	sdelay $0x2  }
0xb9: {  	s31 =	sshll.u32 s1, $0xD;
	s1 =	sshrl.u32 s1, $0x2  }
0xba: {  	s3 =	sand.u32 $0x4000, s31;
	s1 =	sadd.s32 s1, s30  }
0xbb: {  	s0 =	sor.u32 s3, s0;
	s1 =	sshll.u32 s1, $0x11  }
0xbc: {  	s0 =	sor.u32 s1, s0  }
0xbd: {  	s0 =	sadd.s32 $0x8F2B, s0  }
0xbe: {  	[sflag:s0] =	ssyncadd.remote.s32 $0x1  }
0xbf: {  	_ =	sfence.sel $0xFFFF  }
0xc0: {  	[dreg:$0x0] =	wrdreg $0xFFFFFFFF;
	(pc) =	sbr.abs _section_cstart, $3  }
0xc1: {  	[dreg:$0x1] =	wrdreg $0xFFFFFFFF  }
0xc2: {  	_ =	task.clear_ibuf [dreg:s7], $0x2FFFF;
	_ =	strace $0x9FFFFFFF  }
0xc3: {  	(tm) =	ssettm $0x7FFFFFFF  }
tec
execute0_lowered:
.L_overlay_start_1:
0x0: {  	(tag) =	ssettag $0x1  }
0x1: {  	s1 =	rddreg [dreg:$0x0]  }
0x2: {  	s0 =	rddreg [dreg:$0x1]  }
0x3: {  	s2 =	rddreg [dreg:$0x2];
	s3 =	srdreg.scid;
	s4 =	simm.s32 $0x0  }
0x4: {  	s13 =	stileid.u32;
	s15 =	simm.s32 $0x13880;
	s16 =	simm.s32 $0x7  }
0x5: {  	s18 =	simm.s32 $0x50;
	s19 =	simm.s32 $0x16A80;
	s21 =	simm.s32 $0x19280  }
0x6: {  	s22 =	simm.s32 $0x3;
	s23 =	simm.s32 $0x1BA80;
	s28 =	simm.s32 $0x2  }
0x7: {  	s29 =	simm.s32 $0x1;
	s30 =	simm.s32 $0x0;
	s3 =	sand.u32 $0x1, s3  }
0x8: {  	[smem:$0x7FF] =	sst s4;
	s8 =	smul.u32 $0x1F400, s13;
	s5 =	sadd.s32 $0x64A00, s0  }
0x9: {  	s6 =	sadd.s32 $0x2C00, s0;
	s24 =	sadd.s32 $0x12800, s0;
	s25 =	smul.u32 $0x7D000, s13  }
0xa: {  	s9 =	sshll.u32 s13, $0x1;
	p0 =	sgt.u32 s13, $0x9;
	s7 =	smul.u32 $0x138800, s3  }
0xb: {  	_ =	strace $0x8000004A;
	[dreg:$0x4] =	wrdreg s24;
	s10 =	ssub.s32 $0x2, s3  }
0xc: {  	s3 =	sor.u32 s3, s9;
	s24 =	simm.s32 $0x5;
	s26 =	sshrl.u32 s10, $0x1  }
0xd: {  	s11 =	smul.u32 $0x7D0, s3;
	s31 =	sshrl.u32 s25, $0x2;
	s25 =	simm.s32 $0x4  }
.Ltmp0:
0xe: {  	s8 =	sadd.s32 s8, s7;
	s12 =	ssub.s32 s10, s26;
	(pc) =	sbr.rel .LBB2_1-.Ltmp0, $4  }
0xf: {  	s26 =	simm.s32 $0x6;
	s8 =	sshrl.u32 s8, $0x3;
	s9 =	sadd.s32 s5, s11  }
0x10: {  	s10 =	sadd.s32 s6, s11;
	s0 =	sadd.s32 s8, s0;
	s8 =	smul.u32 $0x7D, s3  }
0x11: {  	s3 =	sadd.s32 s31, s2;
	s11 =	sadd.s32 $0x16800, s0;
	s0 =	sshll.u32 @!p0 s13, $0x6  }
0x12: {  	s12 =	smax.u32 s12, $0x1;
	s14 =	sshrl.u32 @!p0 s3, $0x3;
	s13 =	sor.u32 @!p0 $0x1C07, s0  }
.LBB2_20:
0x13: {  	_ =	swait.ge [sflag:s25], $0x2800  }
0x14: {  	[sflag:s25] =	ssyncset.done $0x0  }
0x15: {  	[sflag:s25] =	ssyncadd.s32 $0xFFFFD800  }
0x16: {  	_ =	swait.ge [sflag:s24], $0x2800  }
0x17: {  	[sflag:s24] =	ssyncset.done $0x0  }
0x18: {  	[sflag:s24] =	ssyncadd.s32 $0xFFFFD800  }
0x19: {  	_ =	swait.ge [sflag:s26], $0x2800  }
0x1a: {  	s30 =	sadd.s32 $0x1, s30;
	[sflag:s26] =	ssyncset.done $0x0  }
0x1b: {  	p1 =	sne.s32 s30, s12;
	[sflag:s26] =	ssyncadd.s32 $0xFFFFD800  }
.Ltmp1:
0x1c: {  	s0 =	simm.s32 @!p0 $0x7;
	[bflag:$0x0] =	sbarrier.arrive $0xFFFF;
	(pc) =	sbr.rel @!p1 .LBB2_21-.Ltmp1, $4  }
0x1d: {  	[hbm:s11], [sflag:s13] =	dma.local @!p0 [spmem:s14], $0x3E80  }
0x1e: {  	_ =	swait.ge @!p0 [sflag:s0], $0x3E80  }
0x1f: {  	[sflag:s0] =	ssyncset.done @!p0 $0x0  }
0x20: {  	[sflag:s0] =	ssyncadd.s32 @!p0 $0xFFFFC180  }
.LBB2_1:
0x21: {  	s0 =	rddreg [dreg:$0x4]  }
0x22: {  	[spmem:s14], [sflag:s13] =	dma.local @!p0 [hbm:s0], $0x3E80  }
0x23: {  	s0 =	simm.s32 @!p0 $0x7  }
0x24: {  	_ =	swait.ge @!p0 [sflag:s0], $0x3E80  }
0x25: {  	[sflag:s0] =	ssyncset.done @!p0 $0x0  }
0x26: {  	[sflag:s0] =	ssyncadd.s32 @!p0 $0xFFFFC180  }
0x27: {  	[tilespmem:s15], [sflag:$0x7] =	stream.linear.gather [hbm4b:s9+s4], $0xC80, $0x38;
	[tilespmem:$0x1E280] =	vst v63  }
0x28: {  	_ =	swait.ge [sflag:s16], $0xC80  }
0x29: {  	[sflag:s16] =	ssyncset.done $0x0  }
0x2a: {  	s17 =	simm.s32 $0x15180;
	[sflag:s16] =	ssyncadd.s32 $0xFFFFF380  }
0x2b: {  	[tilespmem:s17], [sflag:$0x7] =	stream.linear.gather [hbm4b:s10+s4], $0xC80, $0x38;
	[tilespmem:$0x1E280] =	vst v63  }
0x2c: {  	_ =	swait.ge [sflag:s16], $0xC80  }
0x2d: {  	[sflag:s16] =	ssyncset.done $0x0  }
.Ltmp2:
0x2e: {  	[sflag:s16] =	ssyncadd.s32 $0xFFFFF380;
	(pc) =	sbr.rel .LBB2_2-.Ltmp2, $4  }
0x2f: {  	[bflag:$0x0] =	sbarrier.arrive $0xFFFF  }
0x30: {  	[tilespmem:s19], [sflag:$0x1] =	stream.indirect.gather [hbm4b:s1+s18], $0x80, s15, s18, $0xb8;
	[tilespmem:$0x1E280] =	vst v63  }
0x31: {  	s20 =	simm.s32 $0x13900;
	s31 =	simm.s32 $0x0  }
0x32: {  	[tilespmem:s21], [sflag:$0x2] =	stream.indirect.gather [hbm4b:s1+s18], $0x80, s20, s18, $0xb8;
	[tilespmem:$0x1E280] =	vst v63  }
.LBB2_12:
0x33: {  	s0 =	sadd.s32 $0x1, s0  }
0x34: {  	s3 =	smul.u32 $0x19, s0  }
0x35: {  	s0 =	sand.u32 $0x1, s0  }
0x36: {  	p1 =	seq.s32 s0, $0x1;
	s0 =	simm.s32 $0xC80;
	s3 =	sadd.s32 s8, s3  }
0x37: {  	s0 =	simm.s32 @!p1 $0x0;
	s3 =	sshll.u32 s3, $0x4  }
0x38: {  	s7 =	sadd.s32 $0x13880, s0;
	s17 =	sadd.s32 s5, s3  }
0x39: {  	[tilespmem:s7], [sflag:$0x7] =	stream.linear.gather [hbm4b:s17+s4], $0xC80, $0x38;
	[tilespmem:$0x1E280] =	vst v63  }
0x3a: {  	_ =	swait.ge [sflag:s16], $0xC80  }
0x3b: {  	[sflag:s16] =	ssyncset.done $0x0  }
0x3c: {  	s0 =	sadd.s32 $0x15180, s0;
	s3 =	sadd.s32 s6, s3;
	[sflag:s16] =	ssyncadd.s32 $0xFFFFF380  }
0x3d: {  	[tilespmem:s0], [sflag:$0x7] =	stream.linear.gather [hbm4b:s3+s4], $0xC80, $0x38;
	[tilespmem:$0x1E280] =	vst v63  }
0x3e: {  	_ =	swait.ge [sflag:s16], $0xC80  }
0x3f: {  	[sflag:s16] =	ssyncset.done $0x0  }
0x40: {  	[sflag:s16] =	ssyncadd.s32 $0xFFFFF380  }
.LBB2_14:
0x41: {  	s0 =	sadd.s32 $0x2, s31  }
0x42: {  	s3 =	sand.u32 $0xFF, s0  }
0x43: {  	s3 =	smul.u32 $0x29, s3;
	_ =	sdelay $0x1  }
0x44: {  	s3 =	sshrl.u32 s3, $0xA  }
0x45: {  	s7 =	smul.u32 $0x19, s3;
	_ =	sdelay $0x1  }
0x46: {  	s3 =	sand.u32 $0x1, s3;
	s0 =	ssub.s32 s0, s7  }
0x47: {  	p1 =	seq.s32 s3, $0x1;
	s3 =	simm.s32 $0xC80;
	s0 =	sand.u32 $0xFF, s0  }
0x48: {  	_ =	swait.ge [sflag:s25], $0x2800;
	s3 =	simm.s32 @!p1 $0x0;
	s0 =	sshll.u32 s0, $0x7  }
0x49: {  	[sflag:s25] =	ssyncset.done $0x0;
	s0 =	sadd.s32 s0, s3  }
0x4a: {  	[sflag:s25] =	ssyncadd.s32 $0xFFFFD800;
	s0 =	sadd.s32 $0x13880, s0  }
0x4b: {  	[tilespmem:s19], [sflag:$0x1] =	stream.indirect.gather [hbm4b:s1+s18], $0x80, s0, s18, $0xb8;
	[tilespmem:$0x1E280] =	vst v63  }
.LBB2_19:
0x4c: {  	s31 =	sadd.s32 $0x1, s31  }
0x4d: {  	p1 =	sne.s32 s31, $0x7D  }
.Ltmp3:
0x4e: {  	_ = 	snop;
	(pc) =	sbr.rel @!p1 .LBB2_20-.Ltmp3, $1  }
0x4f: {  	_ =	sdelay $0x3  }
.LBB2_2:
0x50: {  	s0 =	smul.u32 $0x29, s31  }
0x51: {  	s3 =	smul.u32 $0xAB, s31  }
0x52: {  	s17 =	sshrl.u32 s0, $0xA  }
0x53: {  	s3 =	sshrl.u32 s3, $0x9;
	s0 =	sand.u32 $0x3F, s17  }
0x54: {  	s3 =	sand.u32 $0x7F, s3;
	s20 =	smul.u32 $0x19, s0  }
0x55: {  	s3 =	smul.u32 $0x3, s3  }
0x56: {  	s7 =	simm.s32 $0xC80;
	p2 =	slt.u32 s31, $0x64;
	s20 =	ssub.s32 s31, s20  }
0x57: {  	s17 =	sand.u32 $0x1, s17;
	s3 =	ssub.s32 s31, s3;
	s20 =	sand.u32 $0xFF, s20  }
0x58: {  	p1 =	seq.s32 s17, $0x1;
	s17 =	sand.u32 $0xFF, s3;
	p6 =	seq.s32 s20, $0x16  }
0x59: {  	s7 =	simm.s32 @!p1 $0x0;
	p1 =	por !p6, !p2;
	p2 =	seq.s32 s17, $0x2  }
.Ltmp4:
0x5a: {  	_ = 	snop;
	(pc) =	sbr.rel @p2 .LBB2_15-.Ltmp4, $4  }
0x5b: {  	_ = 	snop  }
0x5c: {  	s3 =	sshll.u32 s20, $0x7  }
0x5d: {  	s3 =	sadd.s32 s3, s7  }
0x5e: {  	s3 =	sadd.s32 $0x15180, s3;
	p1 =	por !p1, !p1  }
0x5f: {  	p2 =	seq.s32 s17, $0x1  }
.Ltmp5:
0x60: {  	_ = 	snop;
	(pc) =	sbr.rel @!p2 .LBB2_4-.Ltmp5, $1  }
0x61: {  	_ =	sdelay $0x3  }
.Ltmp6:
0x62: {  	(pc) =	sbr.rel @p1 .LBB2_12-.Ltmp6, $4  }
0x63: {  	_ =	swait.ge [sflag:s28], $0x2800  }
0x64: {  	[sflag:s28] =	ssyncset.done $0x0  }
0x65: {  	[sflag:s28] =	ssyncadd.s32 $0xFFFFD800  }
0x66: {  	[spmem:s2] =	stream.indirect.scatter.add.f32 [tilespmem:s21], [sflag:$0x5], $0x80, s3, s18, $0xb8;
	[tilespmem:$0x1E280] =	vst v63  }
0x67: {  	p1 =	sgt.u32 s31, $0x7A  }
.Ltmp7:
0x68: {  	_ = 	snop;
	(pc) =	sbr.rel @p1 .LBB2_19-.Ltmp7, $4  }
.Ltmp8:
0x69: {  	_ = 	snop;
	(pc) =	sbr.rel @!p1 .LBB2_14-.Ltmp8, $4  }
0x6a: {  	_ = 	snop  }
0x6b: {  	_ = 	snop  }
0x6c: {  	_ = 	snop  }
0x6d: {  	_ = 	snop  }
.LBB2_15:
.Ltmp9:
0x6e: {  	(pc) =	sbr.rel @!p1 .LBB2_17-.Ltmp9, $4  }
0x6f: {  	_ =	swait.ge [sflag:s22], $0x2800  }
0x70: {  	[sflag:s22] =	ssyncset.done $0x0  }
0x71: {  	[sflag:s22] =	ssyncadd.s32 $0xFFFFD800  }
0x72: {  	[spmem:s2] =	stream.indirect.scatter.add.f32 [tilespmem:s23], [sflag:$0x6], $0x80, s3, s18, $0xb8;
	[tilespmem:$0x1E280] =	vst v63  }
0x73: {  	s0 =	sadd.s32 $0x1, s0  }
0x74: {  	s3 =	smul.u32 $0x19, s0  }
0x75: {  	s0 =	sand.u32 $0x1, s0  }
0x76: {  	p1 =	seq.s32 s0, $0x1;
	s0 =	simm.s32 $0xC80;
	s3 =	sadd.s32 s8, s3  }
0x77: {  	s0 =	simm.s32 @!p1 $0x0;
	s3 =	sshll.u32 s3, $0x4  }
0x78: {  	s7 =	sadd.s32 $0x13880, s0;
	s17 =	sadd.s32 s5, s3  }
0x79: {  	[tilespmem:s7], [sflag:$0x7] =	stream.linear.gather [hbm4b:s17+s4], $0xC80, $0x38;
	[tilespmem:$0x1E280] =	vst v63  }
0x7a: {  	_ =	swait.ge [sflag:s16], $0xC80  }
0x7b: {  	s0 =	sadd.s32 $0x15180, s0;
	[sflag:s16] =	ssyncset.done $0x0  }
.Ltmp10:
0x7c: {  	s3 =	sadd.s32 s6, s3;
	[sflag:s16] =	ssyncadd.s32 $0xFFFFF380;
	(pc) =	sbr.rel .LBB2_18-.Ltmp10, $4  }
0x7d: {  	[tilespmem:s0], [sflag:$0x7] =	stream.linear.gather [hbm4b:s3+s4], $0xC80, $0x38;
	[tilespmem:$0x1E280] =	vst v63  }
0x7e: {  	_ =	swait.ge [sflag:s16], $0xC80  }
0x7f: {  	[sflag:s16] =	ssyncset.done $0x0  }
0x80: {  	[sflag:s16] =	ssyncadd.s32 $0xFFFFF380  }
.LBB2_4:
.Ltmp11:
0x81: {  	(pc) =	sbr.rel @!p1 .LBB2_7-.Ltmp11, $4  }
0x82: {  	_ =	swait.ge [sflag:s29], $0x2800  }
0x83: {  	[sflag:s29] =	ssyncset.done $0x0  }
0x84: {  	[sflag:s29] =	ssyncadd.s32 $0xFFFFD800  }
0x85: {  	[spmem:s2] =	stream.indirect.scatter.add.f32 [tilespmem:s19], [sflag:$0x4], $0x80, s3, s18, $0xb8;
	[tilespmem:$0x1E280] =	vst v63  }
0x86: {  	s0 =	sadd.s32 $0x1, s0  }
0x87: {  	s3 =	smul.u32 $0x19, s0  }
0x88: {  	s0 =	sand.u32 $0x1, s0  }
0x89: {  	p1 =	seq.s32 s0, $0x1;
	s0 =	simm.s32 $0xC80;
	s3 =	sadd.s32 s8, s3  }
0x8a: {  	s0 =	simm.s32 @!p1 $0x0;
	s3 =	sshll.u32 s3, $0x4  }
0x8b: {  	s7 =	sadd.s32 $0x13880, s0;
	s17 =	sadd.s32 s5, s3  }
0x8c: {  	[tilespmem:s7], [sflag:$0x7] =	stream.linear.gather [hbm4b:s17+s4], $0xC80, $0x38;
	[tilespmem:$0x1E280] =	vst v63  }
0x8d: {  	_ =	swait.ge [sflag:s16], $0xC80  }
0x8e: {  	s0 =	sadd.s32 $0x15180, s0;
	[sflag:s16] =	ssyncset.done $0x0  }
.Ltmp12:
0x8f: {  	s3 =	sadd.s32 s6, s3;
	[sflag:s16] =	ssyncadd.s32 $0xFFFFF380;
	(pc) =	sbr.rel .LBB2_6-.Ltmp12, $4  }
0x90: {  	[tilespmem:s0], [sflag:$0x7] =	stream.linear.gather [hbm4b:s3+s4], $0xC80, $0x38;
	[tilespmem:$0x1E280] =	vst v63  }
0x91: {  	_ =	swait.ge [sflag:s16], $0xC80  }
0x92: {  	[sflag:s16] =	ssyncset.done $0x0  }
0x93: {  	[sflag:s16] =	ssyncadd.s32 $0xFFFFF380  }
.LBB2_17:
0x94: {  	p1 =	sgt.u32 s31, $0x7A  }
.Ltmp13:
0x95: {  	_ = 	snop;
	(pc) =	sbr.rel @p1 .LBB2_19-.Ltmp13, $1  }
0x96: {  	_ =	sdelay $0x3  }
.LBB2_18:
0x97: {  	s0 =	sadd.s32 $0x2, s31  }
0x98: {  	s3 =	sand.u32 $0xFF, s0  }
0x99: {  	s3 =	smul.u32 $0x29, s3;
	_ =	sdelay $0x1  }
0x9a: {  	s3 =	sshrl.u32 s3, $0xA  }
0x9b: {  	s7 =	smul.u32 $0x19, s3  }
0x9c: {  	s3 =	sand.u32 $0x1, s3  }
0x9d: {  	p1 =	seq.s32 s3, $0x1;
	s0 =	ssub.s32 s0, s7  }
.Ltmp14:
0x9e: {  	s3 =	simm.s32 $0xC80;
	s0 =	sand.u32 $0xFF, s0;
	(pc) =	sbr.rel .LBB2_19-.Ltmp14, $4  }
0x9f: {  	_ =	swait.ge [sflag:s24], $0x2800;
	s3 =	simm.s32 @!p1 $0x0;
	s0 =	sshll.u32 s0, $0x7  }
0xa0: {  	[sflag:s24] =	ssyncset.done $0x0;
	s0 =	sadd.s32 s0, s3  }
0xa1: {  	[sflag:s24] =	ssyncadd.s32 $0xFFFFD800;
	s0 =	sadd.s32 $0x13880, s0  }
0xa2: {  	[tilespmem:s21], [sflag:$0x2] =	stream.indirect.gather [hbm4b:s1+s18], $0x80, s0, s18, $0xb8;
	[tilespmem:$0x1E280] =	vst v63  }
.LBB2_7:
0xa3: {  	p1 =	sgt.u32 s31, $0x7A  }
.Ltmp15:
0xa4: {  	_ = 	snop;
	(pc) =	sbr.rel @p1 .LBB2_19-.Ltmp15, $1  }
0xa5: {  	_ =	sdelay $0x3  }
0xa6: {  	p1 =	seq.s32 s31, $0x0  }
.Ltmp16:
0xa7: {  	_ = 	snop;
	(pc) =	sbr.rel @p1 .LBB2_9-.Ltmp16, $1  }
0xa8: {  	_ =	sdelay $0x3  }
.LBB2_6:
0xa9: {  	_ =	swait.ge [sflag:s26], $0x2800  }
0xaa: {  	[sflag:s26] =	ssyncset.done $0x0  }
0xab: {  	s0 =	sadd.s32 $0x2, s31;
	[sflag:s26] =	ssyncadd.s32 $0xFFFFD800  }
.LBB2_10:
0xac: {  	s3 =	sand.u32 $0xFF, s0  }
0xad: {  	s3 =	smul.u32 $0x29, s3;
	_ =	sdelay $0x1  }
0xae: {  	s3 =	sshrl.u32 s3, $0xA  }
0xaf: {  	s7 =	smul.u32 $0x19, s3  }
0xb0: {  	s3 =	sand.u32 $0x1, s3  }
0xb1: {  	p1 =	seq.s32 s3, $0x1;
	s20 =	ssub.s32 s0, s7  }
.Ltmp17:
0xb2: {  	s3 =	simm.s32 $0xC80;
	s0 =	sand.u32 $0xFF, s20;
	(pc) =	sbr.rel .LBB2_19-.Ltmp17, $4  }
0xb3: {  	s3 =	simm.s32 @!p1 $0x0;
	s0 =	sshll.u32 s0, $0x7  }
0xb4: {  	s0 =	sadd.s32 s0, s3  }
0xb5: {  	s0 =	sadd.s32 $0x13880, s0  }
0xb6: {  	[tilespmem:s23], [sflag:$0x3] =	stream.indirect.gather [hbm4b:s1+s18], $0x80, s0, s18, $0xb8;
	[tilespmem:$0x1E280] =	vst v63  }
.LBB2_9:
.Ltmp18:
0xb7: {  	(pc) =	sbr.rel .LBB2_10-.Ltmp18, $2  }
0xb8: {  	_ =	sdelay $0x2  }
0xb9: {  	s0 =	simm.s32 $0x2  }
.LBB2_21:
0xba: {  	_ =	sfence.sel $0x180000  }
0xbb: {  	[bflag:$0x0] =	sbarrier.arrive $0xFFFF  }
0xbc: {  	_ =	strace $0x9000004A  }
0xbd: {  	s0 =	stileid.u32;
	[bflag:$0x2] =	sbarrier.arrive $0xFFFF  }
0xbe: {  	p0 =	sne.s32 s0, $0x0;
	s0 =	rddreg [dreg:$0x3]  }
0xbf: {  	s0 =	sadd.s32 @!p0 $0x100000, s0  }
0xc0: {  	[sflag:s0] =	ssyncadd.tile.s32 @!p0 $0x1;
	_ =	shalt  }
.Lfunc_end2:
_tile_overlayer_lowered:
.L_overlay_start_2:
0xc1: {  	(tag) =	ssettag $0x2  }
0xc2: {  	s0 =	rddreg [dreg:$0x0];
	s2 =	stileid.u32  }
0xc3: {  	s1 =	rddreg [dreg:$0x1];
	p0 =	sne.s32 s2, $0x0  }
0xc4: {  	s3 =	rddreg [dreg:$0x2];
	[bflag:$0x3] =	sbarrier.arrive $0xFFFF;
	s2 =	simm.s32 @!p0 $0x1C07  }
0xc5: {  	[timem:s3], [sflag:s2] =	dma.local @!p0 [hbm:s0], s1  }
0xc6: {  	s0 =	simm.s32 @!p0 $0x7  }
0xc7: {  	_ =	swait.ge @!p0 [sflag:s0], s1  }
0xc8: {  	s1 =	ssub.s32 @!p0 $0x0, s1;
	[sflag:s0] =	ssyncset.done @!p0 $0x0  }
0xc9: {  	[sflag:s0] =	ssyncadd.s32 @!p0 s1  }
0xca: {  	[bflag:$0x3] =	sbarrier.arrive $0xFFFF  }
0xcb: {  	_ =	shalt  }

// kernel: kernel.16.cloned.1.call-start
scs
__scs_entry_jumppad:
0x0: {  	(pc) =	sbr.rel $0x88, $3  }
0x1: {  	(tag) =	ssettag $0x0;
	lr =	simm.s32 $0x1  }
0x2: {  	[smem:$0x3F99] =	sst lr;
	_ =	strace $0xD0000000  }
0x3: {  	_ = 	snop  }
0x4: {  	_ = 	snop  }
0x5: {  	_ = 	snop  }
0x6: {  	_ = 	snop  }
0x7: {  	_ = 	snop  }
__scs_overlays_trampoline_lowered:
0x8: {  	[smem:$0x3FA8] =	sst s0  }
0x9: {  	[smem:$0x3FA9] =	sst s1  }
0xa: {  	[smem:$0x3FAA] =	sst s2  }
0xb: {  	[smem:$0x3FAB] =	sst s3  }
0xc: {  	[smem:$0x3FAC] =	sst s4  }
0xd: {  	[smem:$0x3FAD] =	sst s5  }
0xe: {  	[smem:$0x3FAE] =	sst s6  }
0xf: {  	[smem:$0x3FAF] =	sst s7  }
0x10: {  	[smem:$0x3FB0] =	sst s8  }
0x11: {  	[smem:$0x3FB1] =	sst s9;
	s0 =	simm.s32 @!p0 $0x0  }
0x12: {  	s1 =	sld [smem:$0x3F97];
	s0 =	simm.s32 @p0 $0x1  }
0x13: {  	[smem:$0x3FB2] =	sst s0;
	s0 =	simm.s32 @!p1 $0x0  }
0x14: {  	s2 =	sld [smem:$0x3F96];
	s0 =	simm.s32 @p1 $0x1  }
0x15: {  	[smem:$0x3FB3] =	sst s0;
	s0 =	simm.s32 @!p2 $0x0  }
0x16: {  	s3 =	sld [smem:$0x3FDB];
	s0 =	simm.s32 @p2 $0x1  }
0x17: {  	s4 =	simm.s32 $0x1BF5;
	[smem:$0x3FB5] =	sst s0  }
0x18: {  	s0 =	sld [smem:$0x3F98];
	_ =	swait.ge [sflag:s4], $0x0  }
0x19: {  	s7 =	sld [smem:$0x3F99]  }
0x1a: {  	s8 =	sadd.s32 $0xFFFFE003, lr  }
0x1b: {  	s9 =	sadd.s32 $0xFFFFFEF7, lr;
	s5 =	simm.s32 $0xFFFFFFFF;
	p2 =	slt.u32 s8, $0xFFFFF086  }
0x1c: {  	p1 =	slt.u32 s9, $0xF7A;
	s5 =	simm.s32 @!p2 $0x0  }
0x1d: {  	s5 =	simm.s32 @p1 $0x1;
	p0 =	seq.s32 s7, s2  }
0x1e: {  	s7 =	smul.u32 @!p0 $0xF7A, s2;
	p2 =	seq.s32 @!p0 s5, $0x0  }
0x1f: {  	s9 =	smul.u32 $0xF7A, s1;
	s8 =	simm.s32 @!p0 $0x1BF5;
	p2 =	por !p2, p0  }
0x20: {  	[sflag:s8] =	ssyncset.s32 @!p0 $0xFFFFF086;
	s6 =	sadd.s32 @!p0 s3, s7;
	s7 =	simm.s32 @!p0 $0x108  }
0x21: {  	s3 =	sadd.s32 s3, s9;
	s6 =	sadd.s32 @!p0 $0x88, s6;
	s7 =	simm.s32 @p2 $0x1082  }
0x22: {  	[simem:s7], [sflag:s8] =	dma.local @!p0 [hbm:s6], $0xF7A  }
0x23: {  	s9 =	sor.u32 $0xD0000000, s2;
	s6 =	simm.s32 $0x108;
	_ =	swait.ge @!p0 [sflag:s8], $0x0  }
0x24: {  	s3 =	sadd.s32 $0x88, s3;
	s6 =	simm.s32 @!p1 $0x1082;
	[sflag:s4] =	ssyncset.s32 $0xFFFFF086  }
0x25: {  	[simem:s6], [sflag:s4] =	dma.local [hbm:s3], $0xF7A  }
0x26: {  	[smem:$0x3F99] =	sst s1;
	(tag) =	ssettag s2;
	_ =	strace s9  }
0x27: {  	s1 =	sld [smem:$0x3FA9]  }
0x28: {  	s2 =	sld [smem:$0x3FAA]  }
0x29: {  	s4 =	sld [smem:$0x3FAC]  }
0x2a: {  	p0 =	seq.s32 s5, $0x0;
	s5 =	sld [smem:$0x3FAD]  }
0x2b: {  	s6 =	sld [smem:$0x3FAE]  }
0x2c: {  	s7 =	sld [smem:$0x3FAF]  }
0x2d: {  	s3 =	simm.s32 $0x108;
	s8 =	sld [smem:$0x3FB0]  }
0x2e: {  	s3 =	simm.s32 @!p0 $0x1082;
	s9 =	sld [smem:$0x3FB1]  }
0x2f: {  	lr =	sadd.s32 s0, s3;
	s0 =	sld [smem:$0x3FA8]  }
0x30: {  	s3 =	sld [smem:$0x3FAB]  }
0x31: {  	[smem:$0x3FB4] =	sst s10  }
0x32: {  	s10 =	sld [smem:$0x3FB2];
	_ =	sdelay $0x3  }
0x33: {  	p0 =	seq.s32 s10, $0x1;
	s10 =	sld [smem:$0x3FB4];
	_ =	sdelay $0x3  }
0x34: {  	[smem:$0x3FB4] =	sst s10  }
0x35: {  	s10 =	sld [smem:$0x3FB3];
	_ =	sdelay $0x3  }
0x36: {  	p1 =	seq.s32 s10, $0x1;
	s10 =	sld [smem:$0x3FB4];
	_ =	sdelay $0x3  }
0x37: {  	[smem:$0x3FB4] =	sst s10  }
0x38: {  	s10 =	sld [smem:$0x3FB5]  }
0x39: {  	_ = 	snop;
	(pc) =	sbr.ind lr, $3  }
0x3a: {  	_ = 	snop  }
0x3b: {  	_ = 	snop  }
0x3c: {  	p2 =	seq.s32 s10, $0x1;
	s10 =	sld [smem:$0x3FB4]  }
0x3d: {  	_ =	shalt  }
0x3e: {  	_ =	shalt  }
0x3f: {  	_ =	shalt  }
0x40: {  	_ =	shalt  }
0x41: {  	_ =	shalt  }
0x42: {  	_ =	shalt  }
0x43: {  	_ =	shalt  }
0x44: {  	_ =	shalt  }
0x45: {  	_ =	shalt  }
0x46: {  	_ =	shalt  }
0x47: {  	_ =	shalt  }
0x48: {  	_ =	shalt  }
0x49: {  	_ =	shalt  }
0x4a: {  	_ =	shalt  }
0x4b: {  	_ =	shalt  }
0x4c: {  	_ =	shalt  }
0x4d: {  	_ =	shalt  }
0x4e: {  	_ =	shalt  }
0x4f: {  	_ =	shalt  }
0x50: {  	_ =	shalt  }
0x51: {  	_ =	shalt  }
0x52: {  	_ =	shalt  }
0x53: {  	_ =	shalt  }
0x54: {  	_ =	shalt  }
0x55: {  	_ =	shalt  }
0x56: {  	_ =	shalt  }
0x57: {  	_ =	shalt  }
0x58: {  	_ =	shalt  }
0x59: {  	_ =	shalt  }
0x5a: {  	_ =	shalt  }
0x5b: {  	_ =	shalt  }
0x5c: {  	_ =	shalt  }
0x5d: {  	_ =	shalt  }
0x5e: {  	_ =	shalt  }
0x5f: {  	_ =	shalt  }
0x60: {  	_ =	shalt  }
0x61: {  	_ =	shalt  }
0x62: {  	_ =	shalt  }
0x63: {  	_ =	shalt  }
0x64: {  	_ =	shalt  }
0x65: {  	_ =	shalt  }
0x66: {  	_ =	shalt  }
0x67: {  	_ =	shalt  }
0x68: {  	_ =	shalt  }
0x69: {  	_ =	shalt  }
0x6a: {  	_ =	shalt  }
0x6b: {  	_ =	shalt  }
0x6c: {  	_ =	shalt  }
0x6d: {  	_ =	shalt  }
0x6e: {  	_ =	shalt  }
0x6f: {  	_ =	shalt  }
0x70: {  	_ =	shalt  }
0x71: {  	_ =	shalt  }
0x72: {  	_ =	shalt  }
0x73: {  	_ =	shalt  }
0x74: {  	_ =	shalt  }
0x75: {  	_ =	shalt  }
0x76: {  	_ =	shalt  }
0x77: {  	_ =	shalt  }
0x78: {  	_ =	shalt  }
0x79: {  	_ =	shalt  }
0x7a: {  	_ =	shalt  }
0x7b: {  	_ =	shalt  }
0x7c: {  	_ =	shalt  }
0x7d: {  	_ =	shalt  }
0x7e: {  	_ =	shalt  }
0x7f: {  	_ =	shalt  }
0x80: {  	_ =	shalt  }
0x81: {  	_ =	shalt  }
0x82: {  	_ =	shalt  }
0x83: {  	_ =	shalt  }
0x84: {  	_ =	shalt  }
0x85: {  	_ =	shalt  }
0x86: {  	_ =	shalt  }
0x87: {  	_ =	shalt  }
.Lfunc_end0:
.L_simem_size_0:
called_computation.2_lowered:
.L_overlay_start_0:
0x88: {  	s2 =	sld [smem:$0x3FD9]  }
0x89: {  	s3 =	sld [smem:$0x3FFE];
	_ =	sdelay $0x1  }
0x8a: {  	s1 =	srdreg.scid  }
0x8b: {  	s0 =	sand.u32 $0x1, s1  }
0x8c: {  	s17 =	sshll.u32 s0, $0xA;
	s2 =	sadd.s32 s3, s2  }
0x8d: {  	s2 =	sadd.s32 s2, s17  }
0x8e: {  	[smem:$0x3FC0] =	sst s2  }
0x8f: {  	_ = 	snop  }
0x90: {  	s2 =	sld [smem:$0x3FD0];
	(tm) =	ssettm $0x1  }
0x91: {  	s18 =	sld [smem:$0x3FFB];
	_ =	sdelay $0x3  }
0x92: {  	_ =	strace s18  }
0x93: {  	s3 =	sld [smem:$0x3FFC];
	_ =	sdelay $0x3  }
0x94: {  	_ =	strace s3  }
0x95: {  	s3 =	sld [smem:$0x3FFD];
	_ =	sdelay $0x3  }
0x96: {  	_ =	strace s3  }
0x97: {  	_ =	strace $0x8FFFFFFF  }
0x98: {  	s19 =	sld [smem:$0x3FDB];
	_ =	sdelay $0x1  }
0x99: {  	s4 =	simm.s32 $_scs_section_size  }
0x9a: {  	s5 =	simm.s32 $_size__tile_overlayer_lowered;
	s6 =	simm.s32 $_tile_overlayer_lowered  }
0x9b: {  	s22 =	simm.s32 $0x1BFF;
	s21 =	sshll.u32 s6, $0x1;
	s3 =	sadd.s32 s4, s19  }
0x9c: {  	s7 =	simm.s32 $0x0;
	s20 =	sshll.u32 s5, $0x1;
	s5 =	sadd.s32 s21, s3  }
0x9d: {  	[timem:s7], [sflag:s22] =	dma.local [hbm:s5], s20  }
0x9e: {  	_ =	swait.ge [sflag:s22], s20  }
0x9f: {  	s4 =	ssub.s32 $0x0, s20;
	[sflag:s22] =	ssyncset.done $0x0  }
0xa0: {  	[sflag:s22] =	ssyncadd.s32 s4;
	_ =	sdelay $0x1  }
0xa1: {  	s23 =	simm.s32 $0x1B8B  }
0xa2: {  	_ =	swait.ge [sflag:s23], $0x1  }
0xa3: {  	[sflag:s23] =	ssyncset.done $0x0  }
0xa4: {  	s25 =	simm.s32 $0x1B8E;
	s24 =	sld [smem:$0x3FFE];
	[sflag:s23] =	ssyncadd.s32 $0xFFFFFFFF  }
0xa5: {  	s26 =	simm.s32 $execute0_lowered;
	[smem:$0x3FD2] =	sst s25  }
0xa6: {  	s5 =	sshll.u32 s26, $0x1;
	_ =	strace $0x8000004C;
	[dreg:$0x1] =	wrdreg $0xFFFFFFFF  }
0xa7: {  	s28 =	simm.s32 $_size_execute0_lowered;
	s3 =	sadd.s32 s3, s5;
	[dreg:$0x0] =	wrdreg $0x0  }
0xa8: {  	s5 =	sshll.u32 s28, $0x1;
	[dreg:$0x2] =	wrdreg s3  }
0xa9: {  	[dreg:$0x3] =	wrdreg s5  }
0xaa: {  	[dreg:$0x4] =	wrdreg $0xC0  }
0xab: {  	_ =	task [dreg:s7], $0x5FFFF  }
0xac: {  	[dreg:$0x1] =	wrdreg $0xFFFFFFFF  }
0xad: {  	[dreg:$0x0] =	wrdreg $0x60  }
0xae: {  	[dreg:$0x2] =	wrdreg s2  }
0xaf: {  	[dreg:$0x3] =	wrdreg s24  }
0xb0: {  	[dreg:$0x4] =	wrdreg $0x0  }
0xb1: {  	[dreg:$0x5] =	wrdreg $0x9  }
0xb2: {  	_ =	task.clear_ibuf [dreg:s7], $0x6FFFF;
	_ =	strace $0x9000004C  }
0xb3: {  	s29 =	simm.s32 $0x9;
	_ =	strace $0x8000004E  }
0xb4: {  	_ =	swait.ge [sflag:s29], $0x1  }
0xb5: {  	[sflag:s29] =	ssyncadd.s32 $0xFFFFFFFF  }
0xb6: {  	_ =	strace $0x9000004E  }
0xb7: {  	_ =	sfence  }
0xb8: {  	s30 =	sld [smem:$0x0];
	_ =	sdelay $0x2  }
0xb9: {  	s31 =	sshll.u32 s1, $0xD;
	s1 =	sshrl.u32 s1, $0x2  }
0xba: {  	s3 =	sand.u32 $0x4000, s31;
	s1 =	sadd.s32 s1, s30  }
0xbb: {  	s0 =	sor.u32 s3, s0;
	s1 =	sshll.u32 s1, $0x11  }
0xbc: {  	s0 =	sor.u32 s1, s0  }
0xbd: {  	s0 =	sadd.s32 $0x8F2B, s0  }
0xbe: {  	[sflag:s0] =	ssyncadd.remote.s32 $0x1  }
0xbf: {  	_ =	sfence.sel $0xFFFF  }
0xc0: {  	[dreg:$0x0] =	wrdreg $0xFFFFFFFF;
	(pc) =	sbr.abs _section_cstart, $3  }
0xc1: {  	[dreg:$0x1] =	wrdreg $0xFFFFFFFF  }
0xc2: {  	_ =	task.clear_ibuf [dreg:s7], $0x2FFFF;
	_ =	strace $0x9FFFFFFF  }
0xc3: {  	(tm) =	ssettm $0x7FFFFFFF  }
tec
execute0_lowered:
.L_overlay_start_1:
0x0: {  	(tag) =	ssettag $0x1  }
0x1: {  	s1 =	rddreg [dreg:$0x0]  }
0x2: {  	s0 =	rddreg [dreg:$0x1]  }
0x3: {  	s2 =	rddreg [dreg:$0x2];
	s3 =	srdreg.scid;
	s4 =	simm.s32 $0x0  }
0x4: {  	s13 =	stileid.u32;
	s15 =	simm.s32 $0x13880;
	s16 =	simm.s32 $0x7  }
0x5: {  	s18 =	simm.s32 $0x50;
	s19 =	simm.s32 $0x16A80;
	s21 =	simm.s32 $0x19280  }
0x6: {  	s22 =	simm.s32 $0x3;
	s23 =	simm.s32 $0x1BA80;
	s28 =	simm.s32 $0x2  }
0x7: {  	s29 =	simm.s32 $0x1;
	s30 =	simm.s32 $0x0;
	s3 =	sand.u32 $0x1, s3  }
0x8: {  	[smem:$0x7FF] =	sst s4;
	s8 =	smul.u32 $0x1F400, s13;
	s5 =	sadd.s32 $0x64A00, s0  }
0x9: {  	s6 =	sadd.s32 $0x2C00, s0;
	s24 =	sadd.s32 $0x12800, s0;
	s25 =	smul.u32 $0x7D000, s13  }
0xa: {  	s9 =	sshll.u32 s13, $0x1;
	p0 =	sgt.u32 s13, $0x9;
	s7 =	smul.u32 $0x138800, s3  }
0xb: {  	_ =	strace $0x8000004D;
	[dreg:$0x4] =	wrdreg s24;
	s10 =	ssub.s32 $0x2, s3  }
0xc: {  	s3 =	sor.u32 s3, s9;
	s24 =	simm.s32 $0x5;
	s26 =	sshrl.u32 s10, $0x1  }
0xd: {  	s11 =	smul.u32 $0x7D0, s3;
	s31 =	sshrl.u32 s25, $0x2;
	s25 =	simm.s32 $0x4  }
.Ltmp0:
0xe: {  	s8 =	sadd.s32 s8, s7;
	s12 =	ssub.s32 s10, s26;
	(pc) =	sbr.rel .LBB2_1-.Ltmp0, $4  }
0xf: {  	s26 =	simm.s32 $0x6;
	s8 =	sshrl.u32 s8, $0x3;
	s9 =	sadd.s32 s5, s11  }
0x10: {  	s10 =	sadd.s32 s6, s11;
	s0 =	sadd.s32 s8, s0;
	s8 =	smul.u32 $0x7D, s3  }
0x11: {  	s3 =	sadd.s32 s31, s2;
	s11 =	sadd.s32 $0x16800, s0;
	s0 =	sshll.u32 @!p0 s13, $0x6  }
0x12: {  	s12 =	smax.u32 s12, $0x1;
	s14 =	sshrl.u32 @!p0 s3, $0x3;
	s13 =	sor.u32 @!p0 $0x1C07, s0  }
.LBB2_20:
0x13: {  	_ =	swait.ge [sflag:s25], $0x2800  }
0x14: {  	[sflag:s25] =	ssyncset.done $0x0  }
0x15: {  	[sflag:s25] =	ssyncadd.s32 $0xFFFFD800  }
0x16: {  	_ =	swait.ge [sflag:s24], $0x2800  }
0x17: {  	[sflag:s24] =	ssyncset.done $0x0  }
0x18: {  	[sflag:s24] =	ssyncadd.s32 $0xFFFFD800  }
0x19: {  	_ =	swait.ge [sflag:s26], $0x2800  }
0x1a: {  	s30 =	sadd.s32 $0x1, s30;
	[sflag:s26] =	ssyncset.done $0x0  }
0x1b: {  	p1 =	sne.s32 s30, s12;
	[sflag:s26] =	ssyncadd.s32 $0xFFFFD800  }
.Ltmp1:
0x1c: {  	s0 =	simm.s32 @!p0 $0x7;
	[bflag:$0x0] =	sbarrier.arrive $0xFFFF;
	(pc) =	sbr.rel @!p1 .LBB2_21-.Ltmp1, $4  }
0x1d: {  	[hbm:s11], [sflag:s13] =	dma.local @!p0 [spmem:s14], $0x3E80  }
0x1e: {  	_ =	swait.ge @!p0 [sflag:s0], $0x3E80  }
0x1f: {  	[sflag:s0] =	ssyncset.done @!p0 $0x0  }
0x20: {  	[sflag:s0] =	ssyncadd.s32 @!p0 $0xFFFFC180  }
.LBB2_1:
0x21: {  	s0 =	rddreg [dreg:$0x4]  }
0x22: {  	[spmem:s14], [sflag:s13] =	dma.local @!p0 [hbm:s0], $0x3E80  }
0x23: {  	s0 =	simm.s32 @!p0 $0x7  }
0x24: {  	_ =	swait.ge @!p0 [sflag:s0], $0x3E80  }
0x25: {  	[sflag:s0] =	ssyncset.done @!p0 $0x0  }
0x26: {  	[sflag:s0] =	ssyncadd.s32 @!p0 $0xFFFFC180  }
0x27: {  	[tilespmem:s15], [sflag:$0x7] =	stream.linear.gather [hbm4b:s9+s4], $0xC80, $0x38;
	[tilespmem:$0x1E280] =	vst v63  }
0x28: {  	_ =	swait.ge [sflag:s16], $0xC80  }
0x29: {  	[sflag:s16] =	ssyncset.done $0x0  }
0x2a: {  	s17 =	simm.s32 $0x15180;
	[sflag:s16] =	ssyncadd.s32 $0xFFFFF380  }
0x2b: {  	[tilespmem:s17], [sflag:$0x7] =	stream.linear.gather [hbm4b:s10+s4], $0xC80, $0x38;
	[tilespmem:$0x1E280] =	vst v63  }
0x2c: {  	_ =	swait.ge [sflag:s16], $0xC80  }
0x2d: {  	[sflag:s16] =	ssyncset.done $0x0  }
.Ltmp2:
0x2e: {  	[sflag:s16] =	ssyncadd.s32 $0xFFFFF380;
	(pc) =	sbr.rel .LBB2_2-.Ltmp2, $4  }
0x2f: {  	[bflag:$0x0] =	sbarrier.arrive $0xFFFF  }
0x30: {  	[tilespmem:s19], [sflag:$0x1] =	stream.indirect.gather [hbm4b:s1+s18], $0x80, s15, s18, $0xb8;
	[tilespmem:$0x1E280] =	vst v63  }
0x31: {  	s20 =	simm.s32 $0x13900;
	s31 =	simm.s32 $0x0  }
0x32: {  	[tilespmem:s21], [sflag:$0x2] =	stream.indirect.gather [hbm4b:s1+s18], $0x80, s20, s18, $0xb8;
	[tilespmem:$0x1E280] =	vst v63  }
.LBB2_12:
0x33: {  	s0 =	sadd.s32 $0x1, s0  }
0x34: {  	s3 =	smul.u32 $0x19, s0  }
0x35: {  	s0 =	sand.u32 $0x1, s0  }
0x36: {  	p1 =	seq.s32 s0, $0x1;
	s0 =	simm.s32 $0xC80;
	s3 =	sadd.s32 s8, s3  }
0x37: {  	s0 =	simm.s32 @!p1 $0x0;
	s3 =	sshll.u32 s3, $0x4  }
0x38: {  	s7 =	sadd.s32 $0x13880, s0;
	s17 =	sadd.s32 s5, s3  }
0x39: {  	[tilespmem:s7], [sflag:$0x7] =	stream.linear.gather [hbm4b:s17+s4], $0xC80, $0x38;
	[tilespmem:$0x1E280] =	vst v63  }
0x3a: {  	_ =	swait.ge [sflag:s16], $0xC80  }
0x3b: {  	[sflag:s16] =	ssyncset.done $0x0  }
0x3c: {  	s0 =	sadd.s32 $0x15180, s0;
	s3 =	sadd.s32 s6, s3;
	[sflag:s16] =	ssyncadd.s32 $0xFFFFF380  }
0x3d: {  	[tilespmem:s0], [sflag:$0x7] =	stream.linear.gather [hbm4b:s3+s4], $0xC80, $0x38;
	[tilespmem:$0x1E280] =	vst v63  }
0x3e: {  	_ =	swait.ge [sflag:s16], $0xC80  }
0x3f: {  	[sflag:s16] =	ssyncset.done $0x0  }
0x40: {  	[sflag:s16] =	ssyncadd.s32 $0xFFFFF380  }
.LBB2_14:
0x41: {  	s0 =	sadd.s32 $0x2, s31  }
0x42: {  	s3 =	sand.u32 $0xFF, s0  }
0x43: {  	s3 =	smul.u32 $0x29, s3;
	_ =	sdelay $0x1  }
0x44: {  	s3 =	sshrl.u32 s3, $0xA  }
0x45: {  	s7 =	smul.u32 $0x19, s3;
	_ =	sdelay $0x1  }
0x46: {  	s3 =	sand.u32 $0x1, s3;
	s0 =	ssub.s32 s0, s7  }
0x47: {  	p1 =	seq.s32 s3, $0x1;
	s3 =	simm.s32 $0xC80;
	s0 =	sand.u32 $0xFF, s0  }
0x48: {  	_ =	swait.ge [sflag:s25], $0x2800;
	s3 =	simm.s32 @!p1 $0x0;
	s0 =	sshll.u32 s0, $0x7  }
0x49: {  	[sflag:s25] =	ssyncset.done $0x0;
	s0 =	sadd.s32 s0, s3  }
0x4a: {  	[sflag:s25] =	ssyncadd.s32 $0xFFFFD800;
	s0 =	sadd.s32 $0x13880, s0  }
0x4b: {  	[tilespmem:s19], [sflag:$0x1] =	stream.indirect.gather [hbm4b:s1+s18], $0x80, s0, s18, $0xb8;
	[tilespmem:$0x1E280] =	vst v63  }
.LBB2_19:
0x4c: {  	s31 =	sadd.s32 $0x1, s31  }
0x4d: {  	p1 =	sne.s32 s31, $0x7D  }
.Ltmp3:
0x4e: {  	_ = 	snop;
	(pc) =	sbr.rel @!p1 .LBB2_20-.Ltmp3, $1  }
0x4f: {  	_ =	sdelay $0x3  }
.LBB2_2:
0x50: {  	s0 =	smul.u32 $0x29, s31  }
0x51: {  	s3 =	smul.u32 $0xAB, s31  }
0x52: {  	s17 =	sshrl.u32 s0, $0xA  }
0x53: {  	s3 =	sshrl.u32 s3, $0x9;
	s0 =	sand.u32 $0x3F, s17  }
0x54: {  	s3 =	sand.u32 $0x7F, s3;
	s20 =	smul.u32 $0x19, s0  }
0x55: {  	s3 =	smul.u32 $0x3, s3  }
0x56: {  	s7 =	simm.s32 $0xC80;
	p2 =	slt.u32 s31, $0x64;
	s20 =	ssub.s32 s31, s20  }
0x57: {  	s17 =	sand.u32 $0x1, s17;
	s3 =	ssub.s32 s31, s3;
	s20 =	sand.u32 $0xFF, s20  }
0x58: {  	p1 =	seq.s32 s17, $0x1;
	s17 =	sand.u32 $0xFF, s3;
	p6 =	seq.s32 s20, $0x16  }
0x59: {  	s7 =	simm.s32 @!p1 $0x0;
	p1 =	por !p6, !p2;
	p2 =	seq.s32 s17, $0x2  }
.Ltmp4:
0x5a: {  	_ = 	snop;
	(pc) =	sbr.rel @p2 .LBB2_15-.Ltmp4, $4  }
0x5b: {  	_ = 	snop  }
0x5c: {  	s3 =	sshll.u32 s20, $0x7  }
0x5d: {  	s3 =	sadd.s32 s3, s7  }
0x5e: {  	s3 =	sadd.s32 $0x15180, s3;
	p1 =	por !p1, !p1  }
0x5f: {  	p2 =	seq.s32 s17, $0x1  }
.Ltmp5:
0x60: {  	_ = 	snop;
	(pc) =	sbr.rel @!p2 .LBB2_4-.Ltmp5, $1  }
0x61: {  	_ =	sdelay $0x3  }
.Ltmp6:
0x62: {  	(pc) =	sbr.rel @p1 .LBB2_12-.Ltmp6, $4  }
0x63: {  	_ =	swait.ge [sflag:s28], $0x2800  }
0x64: {  	[sflag:s28] =	ssyncset.done $0x0  }
0x65: {  	[sflag:s28] =	ssyncadd.s32 $0xFFFFD800  }
0x66: {  	[spmem:s2] =	stream.indirect.scatter.add.f32 [tilespmem:s21], [sflag:$0x5], $0x80, s3, s18, $0xb8;
	[tilespmem:$0x1E280] =	vst v63  }
0x67: {  	p1 =	sgt.u32 s31, $0x7A  }
.Ltmp7:
0x68: {  	_ = 	snop;
	(pc) =	sbr.rel @p1 .LBB2_19-.Ltmp7, $4  }
.Ltmp8:
0x69: {  	_ = 	snop;
	(pc) =	sbr.rel @!p1 .LBB2_14-.Ltmp8, $4  }
0x6a: {  	_ = 	snop  }
0x6b: {  	_ = 	snop  }
0x6c: {  	_ = 	snop  }
0x6d: {  	_ = 	snop  }
.LBB2_15:
.Ltmp9:
0x6e: {  	(pc) =	sbr.rel @!p1 .LBB2_17-.Ltmp9, $4  }
0x6f: {  	_ =	swait.ge [sflag:s22], $0x2800  }
0x70: {  	[sflag:s22] =	ssyncset.done $0x0  }
0x71: {  	[sflag:s22] =	ssyncadd.s32 $0xFFFFD800  }
0x72: {  	[spmem:s2] =	stream.indirect.scatter.add.f32 [tilespmem:s23], [sflag:$0x6], $0x80, s3, s18, $0xb8;
	[tilespmem:$0x1E280] =	vst v63  }
0x73: {  	s0 =	sadd.s32 $0x1, s0  }
0x74: {  	s3 =	smul.u32 $0x19, s0  }
0x75: {  	s0 =	sand.u32 $0x1, s0  }
0x76: {  	p1 =	seq.s32 s0, $0x1;
	s0 =	simm.s32 $0xC80;
	s3 =	sadd.s32 s8, s3  }
0x77: {  	s0 =	simm.s32 @!p1 $0x0;
	s3 =	sshll.u32 s3, $0x4  }
0x78: {  	s7 =	sadd.s32 $0x13880, s0;
	s17 =	sadd.s32 s5, s3  }
0x79: {  	[tilespmem:s7], [sflag:$0x7] =	stream.linear.gather [hbm4b:s17+s4], $0xC80, $0x38;
	[tilespmem:$0x1E280] =	vst v63  }
0x7a: {  	_ =	swait.ge [sflag:s16], $0xC80  }
0x7b: {  	s0 =	sadd.s32 $0x15180, s0;
	[sflag:s16] =	ssyncset.done $0x0  }
.Ltmp10:
0x7c: {  	s3 =	sadd.s32 s6, s3;
	[sflag:s16] =	ssyncadd.s32 $0xFFFFF380;
	(pc) =	sbr.rel .LBB2_18-.Ltmp10, $4  }
0x7d: {  	[tilespmem:s0], [sflag:$0x7] =	stream.linear.gather [hbm4b:s3+s4], $0xC80, $0x38;
	[tilespmem:$0x1E280] =	vst v63  }
0x7e: {  	_ =	swait.ge [sflag:s16], $0xC80  }
0x7f: {  	[sflag:s16] =	ssyncset.done $0x0  }
0x80: {  	[sflag:s16] =	ssyncadd.s32 $0xFFFFF380  }
.LBB2_4:
.Ltmp11:
0x81: {  	(pc) =	sbr.rel @!p1 .LBB2_7-.Ltmp11, $4  }
0x82: {  	_ =	swait.ge [sflag:s29], $0x2800  }
0x83: {  	[sflag:s29] =	ssyncset.done $0x0  }
0x84: {  	[sflag:s29] =	ssyncadd.s32 $0xFFFFD800  }
0x85: {  	[spmem:s2] =	stream.indirect.scatter.add.f32 [tilespmem:s19], [sflag:$0x4], $0x80, s3, s18, $0xb8;
	[tilespmem:$0x1E280] =	vst v63  }
0x86: {  	s0 =	sadd.s32 $0x1, s0  }
0x87: {  	s3 =	smul.u32 $0x19, s0  }
0x88: {  	s0 =	sand.u32 $0x1, s0  }
0x89: {  	p1 =	seq.s32 s0, $0x1;
	s0 =	simm.s32 $0xC80;
	s3 =	sadd.s32 s8, s3  }
0x8a: {  	s0 =	simm.s32 @!p1 $0x0;
	s3 =	sshll.u32 s3, $0x4  }
0x8b: {  	s7 =	sadd.s32 $0x13880, s0;
	s17 =	sadd.s32 s5, s3  }
0x8c: {  	[tilespmem:s7], [sflag:$0x7] =	stream.linear.gather [hbm4b:s17+s4], $0xC80, $0x38;
	[tilespmem:$0x1E280] =	vst v63  }
0x8d: {  	_ =	swait.ge [sflag:s16], $0xC80  }
0x8e: {  	s0 =	sadd.s32 $0x15180, s0;
	[sflag:s16] =	ssyncset.done $0x0  }
.Ltmp12:
0x8f: {  	s3 =	sadd.s32 s6, s3;
	[sflag:s16] =	ssyncadd.s32 $0xFFFFF380;
	(pc) =	sbr.rel .LBB2_6-.Ltmp12, $4  }
0x90: {  	[tilespmem:s0], [sflag:$0x7] =	stream.linear.gather [hbm4b:s3+s4], $0xC80, $0x38;
	[tilespmem:$0x1E280] =	vst v63  }
0x91: {  	_ =	swait.ge [sflag:s16], $0xC80  }
0x92: {  	[sflag:s16] =	ssyncset.done $0x0  }
0x93: {  	[sflag:s16] =	ssyncadd.s32 $0xFFFFF380  }
.LBB2_17:
0x94: {  	p1 =	sgt.u32 s31, $0x7A  }
.Ltmp13:
0x95: {  	_ = 	snop;
	(pc) =	sbr.rel @p1 .LBB2_19-.Ltmp13, $1  }
0x96: {  	_ =	sdelay $0x3  }
.LBB2_18:
0x97: {  	s0 =	sadd.s32 $0x2, s31  }
0x98: {  	s3 =	sand.u32 $0xFF, s0  }
0x99: {  	s3 =	smul.u32 $0x29, s3;
	_ =	sdelay $0x1  }
0x9a: {  	s3 =	sshrl.u32 s3, $0xA  }
0x9b: {  	s7 =	smul.u32 $0x19, s3  }
0x9c: {  	s3 =	sand.u32 $0x1, s3  }
0x9d: {  	p1 =	seq.s32 s3, $0x1;
	s0 =	ssub.s32 s0, s7  }
.Ltmp14:
0x9e: {  	s3 =	simm.s32 $0xC80;
	s0 =	sand.u32 $0xFF, s0;
	(pc) =	sbr.rel .LBB2_19-.Ltmp14, $4  }
0x9f: {  	_ =	swait.ge [sflag:s24], $0x2800;
	s3 =	simm.s32 @!p1 $0x0;
	s0 =	sshll.u32 s0, $0x7  }
0xa0: {  	[sflag:s24] =	ssyncset.done $0x0;
	s0 =	sadd.s32 s0, s3  }
0xa1: {  	[sflag:s24] =	ssyncadd.s32 $0xFFFFD800;
	s0 =	sadd.s32 $0x13880, s0  }
0xa2: {  	[tilespmem:s21], [sflag:$0x2] =	stream.indirect.gather [hbm4b:s1+s18], $0x80, s0, s18, $0xb8;
	[tilespmem:$0x1E280] =	vst v63  }
.LBB2_7:
0xa3: {  	p1 =	sgt.u32 s31, $0x7A  }
.Ltmp15:
0xa4: {  	_ = 	snop;
	(pc) =	sbr.rel @p1 .LBB2_19-.Ltmp15, $1  }
0xa5: {  	_ =	sdelay $0x3  }
0xa6: {  	p1 =	seq.s32 s31, $0x0  }
.Ltmp16:
0xa7: {  	_ = 	snop;
	(pc) =	sbr.rel @p1 .LBB2_9-.Ltmp16, $1  }
0xa8: {  	_ =	sdelay $0x3  }
.LBB2_6:
0xa9: {  	_ =	swait.ge [sflag:s26], $0x2800  }
0xaa: {  	[sflag:s26] =	ssyncset.done $0x0  }
0xab: {  	s0 =	sadd.s32 $0x2, s31;
	[sflag:s26] =	ssyncadd.s32 $0xFFFFD800  }
.LBB2_10:
0xac: {  	s3 =	sand.u32 $0xFF, s0  }
0xad: {  	s3 =	smul.u32 $0x29, s3;
	_ =	sdelay $0x1  }
0xae: {  	s3 =	sshrl.u32 s3, $0xA  }
0xaf: {  	s7 =	smul.u32 $0x19, s3  }
0xb0: {  	s3 =	sand.u32 $0x1, s3  }
0xb1: {  	p1 =	seq.s32 s3, $0x1;
	s20 =	ssub.s32 s0, s7  }
.Ltmp17:
0xb2: {  	s3 =	simm.s32 $0xC80;
	s0 =	sand.u32 $0xFF, s20;
	(pc) =	sbr.rel .LBB2_19-.Ltmp17, $4  }
0xb3: {  	s3 =	simm.s32 @!p1 $0x0;
	s0 =	sshll.u32 s0, $0x7  }
0xb4: {  	s0 =	sadd.s32 s0, s3  }
0xb5: {  	s0 =	sadd.s32 $0x13880, s0  }
0xb6: {  	[tilespmem:s23], [sflag:$0x3] =	stream.indirect.gather [hbm4b:s1+s18], $0x80, s0, s18, $0xb8;
	[tilespmem:$0x1E280] =	vst v63  }
.LBB2_9:
.Ltmp18:
0xb7: {  	(pc) =	sbr.rel .LBB2_10-.Ltmp18, $2  }
0xb8: {  	_ =	sdelay $0x2  }
0xb9: {  	s0 =	simm.s32 $0x2  }
.LBB2_21:
0xba: {  	_ =	sfence.sel $0x180000  }
0xbb: {  	[bflag:$0x0] =	sbarrier.arrive $0xFFFF  }
0xbc: {  	_ =	strace $0x9000004D  }
0xbd: {  	s0 =	stileid.u32;
	[bflag:$0x2] =	sbarrier.arrive $0xFFFF  }
0xbe: {  	p0 =	sne.s32 s0, $0x0;
	s0 =	rddreg [dreg:$0x3]  }
0xbf: {  	s0 =	sadd.s32 @!p0 $0x100000, s0  }
0xc0: {  	[sflag:s0] =	ssyncadd.tile.s32 @!p0 $0x1;
	_ =	shalt  }
.Lfunc_end2:
_tile_overlayer_lowered:
.L_overlay_start_2:
0xc1: {  	(tag) =	ssettag $0x2  }
0xc2: {  	s0 =	rddreg [dreg:$0x0];
	s2 =	stileid.u32  }
0xc3: {  	s1 =	rddreg [dreg:$0x1];
	p0 =	sne.s32 s2, $0x0  }
0xc4: {  	s3 =	rddreg [dreg:$0x2];
	[bflag:$0x3] =	sbarrier.arrive $0xFFFF;
	s2 =	simm.s32 @!p0 $0x1C07  }
0xc5: {  	[timem:s3], [sflag:s2] =	dma.local @!p0 [hbm:s0], s1  }
0xc6: {  	s0 =	simm.s32 @!p0 $0x7  }
0xc7: {  	_ =	swait.ge @!p0 [sflag:s0], s1  }
0xc8: {  	s1 =	ssub.s32 @!p0 $0x0, s1;
	[sflag:s0] =	ssyncset.done @!p0 $0x0  }
0xc9: {  	[sflag:s0] =	ssyncadd.s32 @!p0 s1  }
0xca: {  	[bflag:$0x3] =	sbarrier.arrive $0xFFFF  }
0xcb: {  	_ =	shalt  }

// kernel: kernel.19.cloned.1.call-start
scs
__scs_entry_jumppad:
0x0: {  	(pc) =	sbr.rel $0x88, $3  }
0x1: {  	(tag) =	ssettag $0x0;
	lr =	simm.s32 $0x1  }
0x2: {  	[smem:$0x3F99] =	sst lr;
	_ =	strace $0xD0000000  }
0x3: {  	_ = 	snop  }
0x4: {  	_ = 	snop  }
0x5: {  	_ = 	snop  }
0x6: {  	_ = 	snop  }
0x7: {  	_ = 	snop  }
__scs_overlays_trampoline_lowered:
0x8: {  	[smem:$0x3FA8] =	sst s0  }
0x9: {  	[smem:$0x3FA9] =	sst s1  }
0xa: {  	[smem:$0x3FAA] =	sst s2  }
0xb: {  	[smem:$0x3FAB] =	sst s3  }
0xc: {  	[smem:$0x3FAC] =	sst s4  }
0xd: {  	[smem:$0x3FAD] =	sst s5  }
0xe: {  	[smem:$0x3FAE] =	sst s6  }
0xf: {  	[smem:$0x3FAF] =	sst s7  }
0x10: {  	[smem:$0x3FB0] =	sst s8  }
0x11: {  	[smem:$0x3FB1] =	sst s9;
	s0 =	simm.s32 @!p0 $0x0  }
0x12: {  	s1 =	sld [smem:$0x3F97];
	s0 =	simm.s32 @p0 $0x1  }
0x13: {  	[smem:$0x3FB2] =	sst s0;
	s0 =	simm.s32 @!p1 $0x0  }
0x14: {  	s2 =	sld [smem:$0x3F96];
	s0 =	simm.s32 @p1 $0x1  }
0x15: {  	[smem:$0x3FB3] =	sst s0;
	s0 =	simm.s32 @!p2 $0x0  }
0x16: {  	s3 =	sld [smem:$0x3FDB];
	s0 =	simm.s32 @p2 $0x1  }
0x17: {  	s4 =	simm.s32 $0x1BF5;
	[smem:$0x3FB5] =	sst s0  }
0x18: {  	s0 =	sld [smem:$0x3F98];
	_ =	swait.ge [sflag:s4], $0x0  }
0x19: {  	s7 =	sld [smem:$0x3F99]  }
0x1a: {  	s8 =	sadd.s32 $0xFFFFE003, lr  }
0x1b: {  	s9 =	sadd.s32 $0xFFFFFEF7, lr;
	s5 =	simm.s32 $0xFFFFFFFF;
	p2 =	slt.u32 s8, $0xFFFFF086  }
0x1c: {  	p1 =	slt.u32 s9, $0xF7A;
	s5 =	simm.s32 @!p2 $0x0  }
0x1d: {  	s5 =	simm.s32 @p1 $0x1;
	p0 =	seq.s32 s7, s2  }
0x1e: {  	s7 =	smul.u32 @!p0 $0xF7A, s2;
	p2 =	seq.s32 @!p0 s5, $0x0  }
0x1f: {  	s9 =	smul.u32 $0xF7A, s1;
	s8 =	simm.s32 @!p0 $0x1BF5;
	p2 =	por !p2, p0  }
0x20: {  	[sflag:s8] =	ssyncset.s32 @!p0 $0xFFFFF086;
	s6 =	sadd.s32 @!p0 s3, s7;
	s7 =	simm.s32 @!p0 $0x108  }
0x21: {  	s3 =	sadd.s32 s3, s9;
	s6 =	sadd.s32 @!p0 $0x88, s6;
	s7 =	simm.s32 @p2 $0x1082  }
0x22: {  	[simem:s7], [sflag:s8] =	dma.local @!p0 [hbm:s6], $0xF7A  }
0x23: {  	s9 =	sor.u32 $0xD0000000, s2;
	s6 =	simm.s32 $0x108;
	_ =	swait.ge @!p0 [sflag:s8], $0x0  }
0x24: {  	s3 =	sadd.s32 $0x88, s3;
	s6 =	simm.s32 @!p1 $0x1082;
	[sflag:s4] =	ssyncset.s32 $0xFFFFF086  }
0x25: {  	[simem:s6], [sflag:s4] =	dma.local [hbm:s3], $0xF7A  }
0x26: {  	[smem:$0x3F99] =	sst s1;
	(tag) =	ssettag s2;
	_ =	strace s9  }
0x27: {  	s1 =	sld [smem:$0x3FA9]  }
0x28: {  	s2 =	sld [smem:$0x3FAA]  }
0x29: {  	s4 =	sld [smem:$0x3FAC]  }
0x2a: {  	p0 =	seq.s32 s5, $0x0;
	s5 =	sld [smem:$0x3FAD]  }
0x2b: {  	s6 =	sld [smem:$0x3FAE]  }
0x2c: {  	s7 =	sld [smem:$0x3FAF]  }
0x2d: {  	s3 =	simm.s32 $0x108;
	s8 =	sld [smem:$0x3FB0]  }
0x2e: {  	s3 =	simm.s32 @!p0 $0x1082;
	s9 =	sld [smem:$0x3FB1]  }
0x2f: {  	lr =	sadd.s32 s0, s3;
	s0 =	sld [smem:$0x3FA8]  }
0x30: {  	s3 =	sld [smem:$0x3FAB]  }
0x31: {  	[smem:$0x3FB4] =	sst s10  }
0x32: {  	s10 =	sld [smem:$0x3FB2];
	_ =	sdelay $0x3  }
0x33: {  	p0 =	seq.s32 s10, $0x1;
	s10 =	sld [smem:$0x3FB4];
	_ =	sdelay $0x3  }
0x34: {  	[smem:$0x3FB4] =	sst s10  }
0x35: {  	s10 =	sld [smem:$0x3FB3];
	_ =	sdelay $0x3  }
0x36: {  	p1 =	seq.s32 s10, $0x1;
	s10 =	sld [smem:$0x3FB4];
	_ =	sdelay $0x3  }
0x37: {  	[smem:$0x3FB4] =	sst s10  }
0x38: {  	s10 =	sld [smem:$0x3FB5]  }
0x39: {  	_ = 	snop;
	(pc) =	sbr.ind lr, $3  }
0x3a: {  	_ = 	snop  }
0x3b: {  	_ = 	snop  }
0x3c: {  	p2 =	seq.s32 s10, $0x1;
	s10 =	sld [smem:$0x3FB4]  }
0x3d: {  	_ =	shalt  }
0x3e: {  	_ =	shalt  }
0x3f: {  	_ =	shalt  }
0x40: {  	_ =	shalt  }
0x41: {  	_ =	shalt  }
0x42: {  	_ =	shalt  }
0x43: {  	_ =	shalt  }
0x44: {  	_ =	shalt  }
0x45: {  	_ =	shalt  }
0x46: {  	_ =	shalt  }
0x47: {  	_ =	shalt  }
0x48: {  	_ =	shalt  }
0x49: {  	_ =	shalt  }
0x4a: {  	_ =	shalt  }
0x4b: {  	_ =	shalt  }
0x4c: {  	_ =	shalt  }
0x4d: {  	_ =	shalt  }
0x4e: {  	_ =	shalt  }
0x4f: {  	_ =	shalt  }
0x50: {  	_ =	shalt  }
0x51: {  	_ =	shalt  }
0x52: {  	_ =	shalt  }
0x53: {  	_ =	shalt  }
0x54: {  	_ =	shalt  }
0x55: {  	_ =	shalt  }
0x56: {  	_ =	shalt  }
0x57: {  	_ =	shalt  }
0x58: {  	_ =	shalt  }
0x59: {  	_ =	shalt  }
0x5a: {  	_ =	shalt  }
0x5b: {  	_ =	shalt  }
0x5c: {  	_ =	shalt  }
0x5d: {  	_ =	shalt  }
0x5e: {  	_ =	shalt  }
0x5f: {  	_ =	shalt  }
0x60: {  	_ =	shalt  }
0x61: {  	_ =	shalt  }
0x62: {  	_ =	shalt  }
0x63: {  	_ =	shalt  }
0x64: {  	_ =	shalt  }
0x65: {  	_ =	shalt  }
0x66: {  	_ =	shalt  }
0x67: {  	_ =	shalt  }
0x68: {  	_ =	shalt  }
0x69: {  	_ =	shalt  }
0x6a: {  	_ =	shalt  }
0x6b: {  	_ =	shalt  }
0x6c: {  	_ =	shalt  }
0x6d: {  	_ =	shalt  }
0x6e: {  	_ =	shalt  }
0x6f: {  	_ =	shalt  }
0x70: {  	_ =	shalt  }
0x71: {  	_ =	shalt  }
0x72: {  	_ =	shalt  }
0x73: {  	_ =	shalt  }
0x74: {  	_ =	shalt  }
0x75: {  	_ =	shalt  }
0x76: {  	_ =	shalt  }
0x77: {  	_ =	shalt  }
0x78: {  	_ =	shalt  }
0x79: {  	_ =	shalt  }
0x7a: {  	_ =	shalt  }
0x7b: {  	_ =	shalt  }
0x7c: {  	_ =	shalt  }
0x7d: {  	_ =	shalt  }
0x7e: {  	_ =	shalt  }
0x7f: {  	_ =	shalt  }
0x80: {  	_ =	shalt  }
0x81: {  	_ =	shalt  }
0x82: {  	_ =	shalt  }
0x83: {  	_ =	shalt  }
0x84: {  	_ =	shalt  }
0x85: {  	_ =	shalt  }
0x86: {  	_ =	shalt  }
0x87: {  	_ =	shalt  }
.Lfunc_end0:
.L_simem_size_0:
called_computation.3_lowered:
.L_overlay_start_0:
0x88: {  	s2 =	sld [smem:$0x3FD9]  }
0x89: {  	s3 =	sld [smem:$0x3FFE];
	_ =	sdelay $0x1  }
0x8a: {  	s1 =	srdreg.scid  }
0x8b: {  	s0 =	sand.u32 $0x1, s1  }
0x8c: {  	s17 =	sshll.u32 s0, $0xA;
	s2 =	sadd.s32 s3, s2  }
0x8d: {  	s2 =	sadd.s32 s2, s17  }
0x8e: {  	[smem:$0x3FC0] =	sst s2  }
0x8f: {  	_ = 	snop  }
0x90: {  	s2 =	sld [smem:$0x3FD0];
	(tm) =	ssettm $0x1  }
0x91: {  	s18 =	sld [smem:$0x3FFB];
	_ =	sdelay $0x3  }
0x92: {  	_ =	strace s18  }
0x93: {  	s3 =	sld [smem:$0x3FFC];
	_ =	sdelay $0x3  }
0x94: {  	_ =	strace s3  }
0x95: {  	s3 =	sld [smem:$0x3FFD];
	_ =	sdelay $0x3  }
0x96: {  	_ =	strace s3  }
0x97: {  	_ =	strace $0x8FFFFFFF  }
0x98: {  	s19 =	sld [smem:$0x3FDB];
	_ =	sdelay $0x1  }
0x99: {  	s4 =	simm.s32 $_scs_section_size  }
0x9a: {  	s5 =	simm.s32 $_size__tile_overlayer_lowered;
	s6 =	simm.s32 $_tile_overlayer_lowered  }
0x9b: {  	s22 =	simm.s32 $0x1BFF;
	s21 =	sshll.u32 s6, $0x1;
	s3 =	sadd.s32 s4, s19  }
0x9c: {  	s7 =	simm.s32 $0x0;
	s20 =	sshll.u32 s5, $0x1;
	s5 =	sadd.s32 s21, s3  }
0x9d: {  	[timem:s7], [sflag:s22] =	dma.local [hbm:s5], s20  }
0x9e: {  	_ =	swait.ge [sflag:s22], s20  }
0x9f: {  	s4 =	ssub.s32 $0x0, s20;
	[sflag:s22] =	ssyncset.done $0x0  }
0xa0: {  	[sflag:s22] =	ssyncadd.s32 s4;
	_ =	sdelay $0x1  }
0xa1: {  	s23 =	simm.s32 $0x1B8B  }
0xa2: {  	_ =	swait.ge [sflag:s23], $0x1  }
0xa3: {  	[sflag:s23] =	ssyncset.done $0x0  }
0xa4: {  	s25 =	simm.s32 $0x1B8E;
	s24 =	sld [smem:$0x3FFE];
	[sflag:s23] =	ssyncadd.s32 $0xFFFFFFFF  }
0xa5: {  	s26 =	simm.s32 $execute0_lowered;
	[smem:$0x3FD2] =	sst s25  }
0xa6: {  	s5 =	sshll.u32 s26, $0x1;
	_ =	strace $0x8000004F;
	[dreg:$0x1] =	wrdreg $0xFFFFFFFF  }
0xa7: {  	s28 =	simm.s32 $_size_execute0_lowered;
	s3 =	sadd.s32 s3, s5;
	[dreg:$0x0] =	wrdreg $0x0  }
0xa8: {  	s5 =	sshll.u32 s28, $0x1;
	[dreg:$0x2] =	wrdreg s3  }
0xa9: {  	[dreg:$0x3] =	wrdreg s5  }
0xaa: {  	[dreg:$0x4] =	wrdreg $0xC0  }
0xab: {  	_ =	task [dreg:s7], $0x5FFFF  }
0xac: {  	[dreg:$0x1] =	wrdreg $0xFFFFFFFF  }
0xad: {  	[dreg:$0x0] =	wrdreg $0x60  }
0xae: {  	[dreg:$0x2] =	wrdreg s2  }
0xaf: {  	[dreg:$0x3] =	wrdreg s24  }
0xb0: {  	[dreg:$0x4] =	wrdreg $0x0  }
0xb1: {  	[dreg:$0x5] =	wrdreg $0x9  }
0xb2: {  	_ =	task.clear_ibuf [dreg:s7], $0x6FFFF;
	_ =	strace $0x9000004F  }
0xb3: {  	s29 =	simm.s32 $0x9;
	_ =	strace $0x80000051  }
0xb4: {  	_ =	swait.ge [sflag:s29], $0x1  }
0xb5: {  	[sflag:s29] =	ssyncadd.s32 $0xFFFFFFFF  }
0xb6: {  	_ =	strace $0x90000051  }
0xb7: {  	_ =	sfence  }
0xb8: {  	s30 =	sld [smem:$0x0];
	_ =	sdelay $0x2  }
0xb9: {  	s31 =	sshll.u32 s1, $0xD;
	s1 =	sshrl.u32 s1, $0x2  }
0xba: {  	s3 =	sand.u32 $0x4000, s31;
	s1 =	sadd.s32 s1, s30  }
0xbb: {  	s0 =	sor.u32 s3, s0;
	s1 =	sshll.u32 s1, $0x11  }
0xbc: {  	s0 =	sor.u32 s1, s0  }
0xbd: {  	s0 =	sadd.s32 $0x8F2B, s0  }
0xbe: {  	[sflag:s0] =	ssyncadd.remote.s32 $0x1  }
0xbf: {  	_ =	sfence.sel $0xFFFF  }
0xc0: {  	[dreg:$0x0] =	wrdreg $0xFFFFFFFF;
	(pc) =	sbr.abs _section_cstart, $3  }
0xc1: {  	[dreg:$0x1] =	wrdreg $0xFFFFFFFF  }
0xc2: {  	_ =	task.clear_ibuf [dreg:s7], $0x2FFFF;
	_ =	strace $0x9FFFFFFF  }
0xc3: {  	(tm) =	ssettm $0x7FFFFFFF  }
tec
execute0_lowered:
.L_overlay_start_1:
0x0: {  	(tag) =	ssettag $0x1  }
0x1: {  	s1 =	rddreg [dreg:$0x0]  }
0x2: {  	s0 =	rddreg [dreg:$0x1]  }
0x3: {  	s2 =	rddreg [dreg:$0x2];
	s3 =	srdreg.scid;
	s4 =	simm.s32 $0x0  }
0x4: {  	s13 =	stileid.u32;
	s15 =	simm.s32 $0x13880;
	s16 =	simm.s32 $0x7  }
0x5: {  	s18 =	simm.s32 $0x50;
	s19 =	simm.s32 $0x16A80;
	s21 =	simm.s32 $0x19280  }
0x6: {  	s22 =	simm.s32 $0x3;
	s23 =	simm.s32 $0x1BA80;
	s28 =	simm.s32 $0x2  }
0x7: {  	s29 =	simm.s32 $0x1;
	s30 =	simm.s32 $0x0;
	s3 =	sand.u32 $0x1, s3  }
0x8: {  	[smem:$0x7FF] =	sst s4;
	s8 =	smul.u32 $0x1F400, s13;
	s5 =	sadd.s32 $0x64A00, s0  }
0x9: {  	s6 =	sadd.s32 $0x2C00, s0;
	s24 =	sadd.s32 $0x12800, s0;
	s25 =	smul.u32 $0x7D000, s13  }
0xa: {  	s9 =	sshll.u32 s13, $0x1;
	p0 =	sgt.u32 s13, $0x9;
	s7 =	smul.u32 $0x138800, s3  }
0xb: {  	_ =	strace $0x80000050;
	[dreg:$0x4] =	wrdreg s24;
	s10 =	ssub.s32 $0x2, s3  }
0xc: {  	s3 =	sor.u32 s3, s9;
	s24 =	simm.s32 $0x5;
	s26 =	sshrl.u32 s10, $0x1  }
0xd: {  	s11 =	smul.u32 $0x7D0, s3;
	s31 =	sshrl.u32 s25, $0x2;
	s25 =	simm.s32 $0x4  }
.Ltmp0:
0xe: {  	s8 =	sadd.s32 s8, s7;
	s12 =	ssub.s32 s10, s26;
	(pc) =	sbr.rel .LBB2_1-.Ltmp0, $4  }
0xf: {  	s26 =	simm.s32 $0x6;
	s8 =	sshrl.u32 s8, $0x3;
	s9 =	sadd.s32 s5, s11  }
0x10: {  	s10 =	sadd.s32 s6, s11;
	s0 =	sadd.s32 s8, s0;
	s8 =	smul.u32 $0x7D, s3  }
0x11: {  	s3 =	sadd.s32 s31, s2;
	s11 =	sadd.s32 $0x16800, s0;
	s0 =	sshll.u32 @!p0 s13, $0x6  }
0x12: {  	s12 =	smax.u32 s12, $0x1;
	s14 =	sshrl.u32 @!p0 s3, $0x3;
	s13 =	sor.u32 @!p0 $0x1C07, s0  }
.LBB2_20:
0x13: {  	_ =	swait.ge [sflag:s25], $0x2800  }
0x14: {  	[sflag:s25] =	ssyncset.done $0x0  }
0x15: {  	[sflag:s25] =	ssyncadd.s32 $0xFFFFD800  }
0x16: {  	_ =	swait.ge [sflag:s24], $0x2800  }
0x17: {  	[sflag:s24] =	ssyncset.done $0x0  }
0x18: {  	[sflag:s24] =	ssyncadd.s32 $0xFFFFD800  }
0x19: {  	_ =	swait.ge [sflag:s26], $0x2800  }
0x1a: {  	s30 =	sadd.s32 $0x1, s30;
	[sflag:s26] =	ssyncset.done $0x0  }
0x1b: {  	p1 =	sne.s32 s30, s12;
	[sflag:s26] =	ssyncadd.s32 $0xFFFFD800  }
.Ltmp1:
0x1c: {  	s0 =	simm.s32 @!p0 $0x7;
	[bflag:$0x0] =	sbarrier.arrive $0xFFFF;
	(pc) =	sbr.rel @!p1 .LBB2_21-.Ltmp1, $4  }
0x1d: {  	[hbm:s11], [sflag:s13] =	dma.local @!p0 [spmem:s14], $0x3E80  }
0x1e: {  	_ =	swait.ge @!p0 [sflag:s0], $0x3E80  }
0x1f: {  	[sflag:s0] =	ssyncset.done @!p0 $0x0  }
0x20: {  	[sflag:s0] =	ssyncadd.s32 @!p0 $0xFFFFC180  }
.LBB2_1:
0x21: {  	s0 =	rddreg [dreg:$0x4]  }
0x22: {  	[spmem:s14], [sflag:s13] =	dma.local @!p0 [hbm:s0], $0x3E80  }
0x23: {  	s0 =	simm.s32 @!p0 $0x7  }
0x24: {  	_ =	swait.ge @!p0 [sflag:s0], $0x3E80  }
0x25: {  	[sflag:s0] =	ssyncset.done @!p0 $0x0  }
0x26: {  	[sflag:s0] =	ssyncadd.s32 @!p0 $0xFFFFC180  }
0x27: {  	[tilespmem:s15], [sflag:$0x7] =	stream.linear.gather [hbm4b:s9+s4], $0xC80, $0x38;
	[tilespmem:$0x1E280] =	vst v63  }
0x28: {  	_ =	swait.ge [sflag:s16], $0xC80  }
0x29: {  	[sflag:s16] =	ssyncset.done $0x0  }
0x2a: {  	s17 =	simm.s32 $0x15180;
	[sflag:s16] =	ssyncadd.s32 $0xFFFFF380  }
0x2b: {  	[tilespmem:s17], [sflag:$0x7] =	stream.linear.gather [hbm4b:s10+s4], $0xC80, $0x38;
	[tilespmem:$0x1E280] =	vst v63  }
0x2c: {  	_ =	swait.ge [sflag:s16], $0xC80  }
0x2d: {  	[sflag:s16] =	ssyncset.done $0x0  }
.Ltmp2:
0x2e: {  	[sflag:s16] =	ssyncadd.s32 $0xFFFFF380;
	(pc) =	sbr.rel .LBB2_2-.Ltmp2, $4  }
0x2f: {  	[bflag:$0x0] =	sbarrier.arrive $0xFFFF  }
0x30: {  	[tilespmem:s19], [sflag:$0x1] =	stream.indirect.gather [hbm4b:s1+s18], $0x80, s15, s18, $0xb8;
	[tilespmem:$0x1E280] =	vst v63  }
0x31: {  	s20 =	simm.s32 $0x13900;
	s31 =	simm.s32 $0x0  }
0x32: {  	[tilespmem:s21], [sflag:$0x2] =	stream.indirect.gather [hbm4b:s1+s18], $0x80, s20, s18, $0xb8;
	[tilespmem:$0x1E280] =	vst v63  }
.LBB2_12:
0x33: {  	s0 =	sadd.s32 $0x1, s0  }
0x34: {  	s3 =	smul.u32 $0x19, s0  }
0x35: {  	s0 =	sand.u32 $0x1, s0  }
0x36: {  	p1 =	seq.s32 s0, $0x1;
	s0 =	simm.s32 $0xC80;
	s3 =	sadd.s32 s8, s3  }
0x37: {  	s0 =	simm.s32 @!p1 $0x0;
	s3 =	sshll.u32 s3, $0x4  }
0x38: {  	s7 =	sadd.s32 $0x13880, s0;
	s17 =	sadd.s32 s5, s3  }
0x39: {  	[tilespmem:s7], [sflag:$0x7] =	stream.linear.gather [hbm4b:s17+s4], $0xC80, $0x38;
	[tilespmem:$0x1E280] =	vst v63  }
0x3a: {  	_ =	swait.ge [sflag:s16], $0xC80  }
0x3b: {  	[sflag:s16] =	ssyncset.done $0x0  }
0x3c: {  	s0 =	sadd.s32 $0x15180, s0;
	s3 =	sadd.s32 s6, s3;
	[sflag:s16] =	ssyncadd.s32 $0xFFFFF380  }
0x3d: {  	[tilespmem:s0], [sflag:$0x7] =	stream.linear.gather [hbm4b:s3+s4], $0xC80, $0x38;
	[tilespmem:$0x1E280] =	vst v63  }
0x3e: {  	_ =	swait.ge [sflag:s16], $0xC80  }
0x3f: {  	[sflag:s16] =	ssyncset.done $0x0  }
0x40: {  	[sflag:s16] =	ssyncadd.s32 $0xFFFFF380  }
.LBB2_14:
0x41: {  	s0 =	sadd.s32 $0x2, s31  }
0x42: {  	s3 =	sand.u32 $0xFF, s0  }
0x43: {  	s3 =	smul.u32 $0x29, s3;
	_ =	sdelay $0x1  }
0x44: {  	s3 =	sshrl.u32 s3, $0xA  }
0x45: {  	s7 =	smul.u32 $0x19, s3;
	_ =	sdelay $0x1  }
0x46: {  	s3 =	sand.u32 $0x1, s3;
	s0 =	ssub.s32 s0, s7  }
0x47: {  	p1 =	seq.s32 s3, $0x1;
	s3 =	simm.s32 $0xC80;
	s0 =	sand.u32 $0xFF, s0  }
0x48: {  	_ =	swait.ge [sflag:s25], $0x2800;
	s3 =	simm.s32 @!p1 $0x0;
	s0 =	sshll.u32 s0, $0x7  }
0x49: {  	[sflag:s25] =	ssyncset.done $0x0;
	s0 =	sadd.s32 s0, s3  }
0x4a: {  	[sflag:s25] =	ssyncadd.s32 $0xFFFFD800;
	s0 =	sadd.s32 $0x13880, s0  }
0x4b: {  	[tilespmem:s19], [sflag:$0x1] =	stream.indirect.gather [hbm4b:s1+s18], $0x80, s0, s18, $0xb8;
	[tilespmem:$0x1E280] =	vst v63  }
.LBB2_19:
0x4c: {  	s31 =	sadd.s32 $0x1, s31  }
0x4d: {  	p1 =	sne.s32 s31, $0x7D  }
.Ltmp3:
0x4e: {  	_ = 	snop;
	(pc) =	sbr.rel @!p1 .LBB2_20-.Ltmp3, $1  }
0x4f: {  	_ =	sdelay $0x3  }
.LBB2_2:
0x50: {  	s0 =	smul.u32 $0x29, s31  }
0x51: {  	s3 =	smul.u32 $0xAB, s31  }
0x52: {  	s17 =	sshrl.u32 s0, $0xA  }
0x53: {  	s3 =	sshrl.u32 s3, $0x9;
	s0 =	sand.u32 $0x3F, s17  }
0x54: {  	s3 =	sand.u32 $0x7F, s3;
	s20 =	smul.u32 $0x19, s0  }
0x55: {  	s3 =	smul.u32 $0x3, s3  }
0x56: {  	s7 =	simm.s32 $0xC80;
	p2 =	slt.u32 s31, $0x64;
	s20 =	ssub.s32 s31, s20  }
0x57: {  	s17 =	sand.u32 $0x1, s17;
	s3 =	ssub.s32 s31, s3;
	s20 =	sand.u32 $0xFF, s20  }
0x58: {  	p1 =	seq.s32 s17, $0x1;
	s17 =	sand.u32 $0xFF, s3;
	p6 =	seq.s32 s20, $0x16  }
0x59: {  	s7 =	simm.s32 @!p1 $0x0;
	p1 =	por !p6, !p2;
	p2 =	seq.s32 s17, $0x2  }
.Ltmp4:
0x5a: {  	_ = 	snop;
	(pc) =	sbr.rel @p2 .LBB2_15-.Ltmp4, $4  }
0x5b: {  	_ = 	snop  }
0x5c: {  	s3 =	sshll.u32 s20, $0x7  }
0x5d: {  	s3 =	sadd.s32 s3, s7  }
0x5e: {  	s3 =	sadd.s32 $0x15180, s3;
	p1 =	por !p1, !p1  }
0x5f: {  	p2 =	seq.s32 s17, $0x1  }
.Ltmp5:
0x60: {  	_ = 	snop;
	(pc) =	sbr.rel @!p2 .LBB2_4-.Ltmp5, $1  }
0x61: {  	_ =	sdelay $0x3  }
.Ltmp6:
0x62: {  	(pc) =	sbr.rel @p1 .LBB2_12-.Ltmp6, $4  }
0x63: {  	_ =	swait.ge [sflag:s28], $0x2800  }
0x64: {  	[sflag:s28] =	ssyncset.done $0x0  }
0x65: {  	[sflag:s28] =	ssyncadd.s32 $0xFFFFD800  }
0x66: {  	[spmem:s2] =	stream.indirect.scatter.add.f32 [tilespmem:s21], [sflag:$0x5], $0x80, s3, s18, $0xb8;
	[tilespmem:$0x1E280] =	vst v63  }
0x67: {  	p1 =	sgt.u32 s31, $0x7A  }
.Ltmp7:
0x68: {  	_ = 	snop;
	(pc) =	sbr.rel @p1 .LBB2_19-.Ltmp7, $4  }
.Ltmp8:
0x69: {  	_ = 	snop;
	(pc) =	sbr.rel @!p1 .LBB2_14-.Ltmp8, $4  }
0x6a: {  	_ = 	snop  }
0x6b: {  	_ = 	snop  }
0x6c: {  	_ = 	snop  }
0x6d: {  	_ = 	snop  }
.LBB2_15:
.Ltmp9:
0x6e: {  	(pc) =	sbr.rel @!p1 .LBB2_17-.Ltmp9, $4  }
0x6f: {  	_ =	swait.ge [sflag:s22], $0x2800  }
0x70: {  	[sflag:s22] =	ssyncset.done $0x0  }
0x71: {  	[sflag:s22] =	ssyncadd.s32 $0xFFFFD800  }
0x72: {  	[spmem:s2] =	stream.indirect.scatter.add.f32 [tilespmem:s23], [sflag:$0x6], $0x80, s3, s18, $0xb8;
	[tilespmem:$0x1E280] =	vst v63  }
0x73: {  	s0 =	sadd.s32 $0x1, s0  }
0x74: {  	s3 =	smul.u32 $0x19, s0  }
0x75: {  	s0 =	sand.u32 $0x1, s0  }
0x76: {  	p1 =	seq.s32 s0, $0x1;
	s0 =	simm.s32 $0xC80;
	s3 =	sadd.s32 s8, s3  }
0x77: {  	s0 =	simm.s32 @!p1 $0x0;
	s3 =	sshll.u32 s3, $0x4  }
0x78: {  	s7 =	sadd.s32 $0x13880, s0;
	s17 =	sadd.s32 s5, s3  }
0x79: {  	[tilespmem:s7], [sflag:$0x7] =	stream.linear.gather [hbm4b:s17+s4], $0xC80, $0x38;
	[tilespmem:$0x1E280] =	vst v63  }
0x7a: {  	_ =	swait.ge [sflag:s16], $0xC80  }
0x7b: {  	s0 =	sadd.s32 $0x15180, s0;
	[sflag:s16] =	ssyncset.done $0x0  }
.Ltmp10:
0x7c: {  	s3 =	sadd.s32 s6, s3;
	[sflag:s16] =	ssyncadd.s32 $0xFFFFF380;
	(pc) =	sbr.rel .LBB2_18-.Ltmp10, $4  }
0x7d: {  	[tilespmem:s0], [sflag:$0x7] =	stream.linear.gather [hbm4b:s3+s4], $0xC80, $0x38;
	[tilespmem:$0x1E280] =	vst v63  }
0x7e: {  	_ =	swait.ge [sflag:s16], $0xC80  }
0x7f: {  	[sflag:s16] =	ssyncset.done $0x0  }
0x80: {  	[sflag:s16] =	ssyncadd.s32 $0xFFFFF380  }
.LBB2_4:
.Ltmp11:
0x81: {  	(pc) =	sbr.rel @!p1 .LBB2_7-.Ltmp11, $4  }
0x82: {  	_ =	swait.ge [sflag:s29], $0x2800  }
0x83: {  	[sflag:s29] =	ssyncset.done $0x0  }
0x84: {  	[sflag:s29] =	ssyncadd.s32 $0xFFFFD800  }
0x85: {  	[spmem:s2] =	stream.indirect.scatter.add.f32 [tilespmem:s19], [sflag:$0x4], $0x80, s3, s18, $0xb8;
	[tilespmem:$0x1E280] =	vst v63  }
0x86: {  	s0 =	sadd.s32 $0x1, s0  }
0x87: {  	s3 =	smul.u32 $0x19, s0  }
0x88: {  	s0 =	sand.u32 $0x1, s0  }
0x89: {  	p1 =	seq.s32 s0, $0x1;
	s0 =	simm.s32 $0xC80;
	s3 =	sadd.s32 s8, s3  }
0x8a: {  	s0 =	simm.s32 @!p1 $0x0;
	s3 =	sshll.u32 s3, $0x4  }
0x8b: {  	s7 =	sadd.s32 $0x13880, s0;
	s17 =	sadd.s32 s5, s3  }
0x8c: {  	[tilespmem:s7], [sflag:$0x7] =	stream.linear.gather [hbm4b:s17+s4], $0xC80, $0x38;
	[tilespmem:$0x1E280] =	vst v63  }
0x8d: {  	_ =	swait.ge [sflag:s16], $0xC80  }
0x8e: {  	s0 =	sadd.s32 $0x15180, s0;
	[sflag:s16] =	ssyncset.done $0x0  }
.Ltmp12:
0x8f: {  	s3 =	sadd.s32 s6, s3;
	[sflag:s16] =	ssyncadd.s32 $0xFFFFF380;
	(pc) =	sbr.rel .LBB2_6-.Ltmp12, $4  }
0x90: {  	[tilespmem:s0], [sflag:$0x7] =	stream.linear.gather [hbm4b:s3+s4], $0xC80, $0x38;
	[tilespmem:$0x1E280] =	vst v63  }
0x91: {  	_ =	swait.ge [sflag:s16], $0xC80  }
0x92: {  	[sflag:s16] =	ssyncset.done $0x0  }
0x93: {  	[sflag:s16] =	ssyncadd.s32 $0xFFFFF380  }
.LBB2_17:
0x94: {  	p1 =	sgt.u32 s31, $0x7A  }
.Ltmp13:
0x95: {  	_ = 	snop;
	(pc) =	sbr.rel @p1 .LBB2_19-.Ltmp13, $1  }
0x96: {  	_ =	sdelay $0x3  }
.LBB2_18:
0x97: {  	s0 =	sadd.s32 $0x2, s31  }
0x98: {  	s3 =	sand.u32 $0xFF, s0  }
0x99: {  	s3 =	smul.u32 $0x29, s3;
	_ =	sdelay $0x1  }
0x9a: {  	s3 =	sshrl.u32 s3, $0xA  }
0x9b: {  	s7 =	smul.u32 $0x19, s3  }
0x9c: {  	s3 =	sand.u32 $0x1, s3  }
0x9d: {  	p1 =	seq.s32 s3, $0x1;
	s0 =	ssub.s32 s0, s7  }
.Ltmp14:
0x9e: {  	s3 =	simm.s32 $0xC80;
	s0 =	sand.u32 $0xFF, s0;
	(pc) =	sbr.rel .LBB2_19-.Ltmp14, $4  }
0x9f: {  	_ =	swait.ge [sflag:s24], $0x2800;
	s3 =	simm.s32 @!p1 $0x0;
	s0 =	sshll.u32 s0, $0x7  }
0xa0: {  	[sflag:s24] =	ssyncset.done $0x0;
	s0 =	sadd.s32 s0, s3  }
0xa1: {  	[sflag:s24] =	ssyncadd.s32 $0xFFFFD800;
	s0 =	sadd.s32 $0x13880, s0  }
0xa2: {  	[tilespmem:s21], [sflag:$0x2] =	stream.indirect.gather [hbm4b:s1+s18], $0x80, s0, s18, $0xb8;
	[tilespmem:$0x1E280] =	vst v63  }
.LBB2_7:
0xa3: {  	p1 =	sgt.u32 s31, $0x7A  }
.Ltmp15:
0xa4: {  	_ = 	snop;
	(pc) =	sbr.rel @p1 .LBB2_19-.Ltmp15, $1  }
0xa5: {  	_ =	sdelay $0x3  }
0xa6: {  	p1 =	seq.s32 s31, $0x0  }
.Ltmp16:
0xa7: {  	_ = 	snop;
	(pc) =	sbr.rel @p1 .LBB2_9-.Ltmp16, $1  }
0xa8: {  	_ =	sdelay $0x3  }
.LBB2_6:
0xa9: {  	_ =	swait.ge [sflag:s26], $0x2800  }
0xaa: {  	[sflag:s26] =	ssyncset.done $0x0  }
0xab: {  	s0 =	sadd.s32 $0x2, s31;
	[sflag:s26] =	ssyncadd.s32 $0xFFFFD800  }
.LBB2_10:
0xac: {  	s3 =	sand.u32 $0xFF, s0  }
0xad: {  	s3 =	smul.u32 $0x29, s3;
	_ =	sdelay $0x1  }
0xae: {  	s3 =	sshrl.u32 s3, $0xA  }
0xaf: {  	s7 =	smul.u32 $0x19, s3  }
0xb0: {  	s3 =	sand.u32 $0x1, s3  }
0xb1: {  	p1 =	seq.s32 s3, $0x1;
	s20 =	ssub.s32 s0, s7  }
.Ltmp17:
0xb2: {  	s3 =	simm.s32 $0xC80;
	s0 =	sand.u32 $0xFF, s20;
	(pc) =	sbr.rel .LBB2_19-.Ltmp17, $4  }
0xb3: {  	s3 =	simm.s32 @!p1 $0x0;
	s0 =	sshll.u32 s0, $0x7  }
0xb4: {  	s0 =	sadd.s32 s0, s3  }
0xb5: {  	s0 =	sadd.s32 $0x13880, s0  }
0xb6: {  	[tilespmem:s23], [sflag:$0x3] =	stream.indirect.gather [hbm4b:s1+s18], $0x80, s0, s18, $0xb8;
	[tilespmem:$0x1E280] =	vst v63  }
.LBB2_9:
.Ltmp18:
0xb7: {  	(pc) =	sbr.rel .LBB2_10-.Ltmp18, $2  }
0xb8: {  	_ =	sdelay $0x2  }
0xb9: {  	s0 =	simm.s32 $0x2  }
.LBB2_21:
0xba: {  	_ =	sfence.sel $0x180000  }
0xbb: {  	[bflag:$0x0] =	sbarrier.arrive $0xFFFF  }
0xbc: {  	_ =	strace $0x90000050  }
0xbd: {  	s0 =	stileid.u32;
	[bflag:$0x2] =	sbarrier.arrive $0xFFFF  }
0xbe: {  	p0 =	sne.s32 s0, $0x0;
	s0 =	rddreg [dreg:$0x3]  }
0xbf: {  	s0 =	sadd.s32 @!p0 $0x100000, s0  }
0xc0: {  	[sflag:s0] =	ssyncadd.tile.s32 @!p0 $0x1;
	_ =	shalt  }
.Lfunc_end2:
_tile_overlayer_lowered:
.L_overlay_start_2:
0xc1: {  	(tag) =	ssettag $0x2  }
0xc2: {  	s0 =	rddreg [dreg:$0x0];
	s2 =	stileid.u32  }
0xc3: {  	s1 =	rddreg [dreg:$0x1];
	p0 =	sne.s32 s2, $0x0  }
0xc4: {  	s3 =	rddreg [dreg:$0x2];
	[bflag:$0x3] =	sbarrier.arrive $0xFFFF;
	s2 =	simm.s32 @!p0 $0x1C07  }
0xc5: {  	[timem:s3], [sflag:s2] =	dma.local @!p0 [hbm:s0], s1  }
0xc6: {  	s0 =	simm.s32 @!p0 $0x7  }
0xc7: {  	_ =	swait.ge @!p0 [sflag:s0], s1  }
0xc8: {  	s1 =	ssub.s32 @!p0 $0x0, s1;
	[sflag:s0] =	ssyncset.done @!p0 $0x0  }
0xc9: {  	[sflag:s0] =	ssyncadd.s32 @!p0 s1  }
0xca: {  	[bflag:$0x3] =	sbarrier.arrive $0xFFFF  }
0xcb: {  	_ =	shalt  }

</sc_bundles>
